<compile_context>
chip_gen: v7x
topology: tpu7x:2x2x1
jax: 0.10.2.dev20260603
libtpu: 0.0.44.dev20260713+nightly
codegen_flags: <defaults>
</compile_context>

<pallas_src>
import functools

import jax
import jax.numpy as jnp
from jax import lax
from jax.experimental import pallas as pl
from jax.experimental.pallas import tpu as pltpu
from jax.experimental.pallas import tpu_sc as plsc

K = 16
D = K * K
L = 16
OUT_CHUNK = 4096


@functools.cache
def _make_gather(V: int, B: int):
  info = plsc.get_sparse_core_info()
  nc, ns = info.num_cores, info.num_subcores
  nw = nc * ns
  assert D % nw == 0
  d_per_w = D // nw
  n_flush = B // OUT_CHUNK
  groups_per_flush = OUT_CHUNK // L
  mesh = plsc.VectorSubcoreMesh(core_axis_name="c", subcore_axis_name="s")

  @functools.partial(
      pl.kernel,
      out_type=jax.ShapeDtypeStruct((D, B), jnp.float32),
      mesh=mesh,
      compiler_params=pltpu.CompilerParams(needs_layout_passes=False),
      scratch_types=[
          pltpu.VMEM((V,), jnp.float32),
          pltpu.VMEM((B,), jnp.int32),
          pltpu.VMEM((2, OUT_CHUNK), jnp.float32),
          pltpu.SemaphoreType.DMA,
          pltpu.SemaphoreType.DMA,
          pltpu.SemaphoreType.DMA,
          pltpu.SemaphoreType.DMA,
      ],
  )
  def gather(table_t, idx_hbm, out_t, col_v, idx_v, obuf, osem0, osem1,
             csem0, csem1):
    wid = lax.axis_index("s") * nc + lax.axis_index("c")
    d0 = wid * d_per_w
    cnext = pltpu.async_copy(table_t.at[d0], col_v, csem0)
    pltpu.sync_copy(idx_hbm, idx_v)
    osems = (osem0, osem1)
    stores = [None, None]
    for j in range(d_per_w):
      d = d0 + j
      cnext.wait()
      for h in range(n_flush):
        hb = h % 2
        def body(g, h=h, hb=hb):
          iv = idx_v[pl.ds(h * OUT_CHUNK + g * L, L)]
          obuf[hb, pl.ds(g * L, L)] = plsc.load_gather(col_v, [iv])
        plsc.parallel_loop(0, groups_per_flush, 1, unroll=8)(body)
        if stores[hb] is not None:
          stores[hb].wait()
        stores[hb] = pltpu.async_copy(
            obuf.at[hb], out_t.at[d, pl.ds(h * OUT_CHUNK, OUT_CHUNK)],
            osems[hb])
      if j + 1 < d_per_w:
        cnext = pltpu.async_copy(
            table_t.at[d + 1], col_v, csem0 if j % 2 else csem1)
    for st in stores:
      if st is not None:
        st.wait()

  return gather


def kernel(idx, frames):
  V = frames.shape[0]
  B = idx.shape[0]
  table_t = frames.reshape(V, D).T
  out_t = _make_gather(V, B)(table_t, idx.astype(jnp.int32))
  return out_t.T.reshape(B, K, K)

# --- scband reference (transcript-rebuilt; emitter-appended) ---
"""Pipeline reference for scband-glk-82446192214171 (READ-ONLY COPY).

The authoritative reference and input builder live on the scoring server;
editing this copy changes nothing except your own understanding.
"""

import jax, jax.numpy as jnp
import numpy as np

K = 16
NUM_FRAMES = 100000
INIT_SCALE = 0.1
BATCH = 16384

def setup_inputs(seed: int = 0) -> dict:
    key = jax.random.key(seed)
    k1, k2 = jax.random.split(key)
    frames = jnp.eye(K, dtype=jnp.float32)[None, :, :] * jnp.ones((NUM_FRAMES, 1, 1), dtype=jnp.float32)
    frames = frames + INIT_SCALE * jax.random.normal(k1, (NUM_FRAMES, K, K), dtype=jnp.float32)
    idx = jax.random.randint(k2, (BATCH,), 0, NUM_FRAMES, dtype=jnp.int64 if jax.config.jax_enable_x64 else jnp.int32)
    return {"idx": idx, "frames": frames}

def reference(idx, frames):
    # GLK.forward: gauge-frame gather frames[idx] -> (len(idx), K, K)
    return jnp.take(frames, idx, axis=0)

if __name__ == "__main__":
    import jax
    _d = setup_inputs()
    print(jax.jit(kernel)(*tuple(_d.values())))

</pallas_src>

<mosaic_0001>
#map = affine_map<(d0, d1) -> (0, 0)>
#map1 = affine_map<(d0, d1) -> (0)>
module attributes {stable_mosaic.version = 14 : i64} {
  func.func @gather(%arg0: i32, %arg1: i32, %arg2: memref<256x100000xf32, #tpu.memory_space<hbm>>, %arg3: memref<16384xi32, #tpu.memory_space<hbm>>, %arg4: memref<256x16384xf32, #tpu.memory_space<hbm>>, %arg5: memref<100000xf32, #tpu.memory_space<vmem>>, %arg6: memref<16384xi32, #tpu.memory_space<vmem>>, %arg7: memref<2x4096xf32, #tpu.memory_space<vmem>>, %arg8: memref<!tpu.dma_semaphore, #tpu.memory_space<semaphore_mem>>, %arg9: memref<!tpu.dma_semaphore, #tpu.memory_space<semaphore_mem>>, %arg10: memref<!tpu.dma_semaphore, #tpu.memory_space<semaphore_mem>>, %arg11: memref<!tpu.dma_semaphore, #tpu.memory_space<semaphore_mem>>) attributes {dimension_semantics = [#tpu.dimension_semantics<core_parallel>, #tpu.dimension_semantics<subcore_parallel>], iteration_bounds = array<i64: 2, 16>, scalar_prefetch = 0 : i64, scratch_operands = 7 : i64, tpu.core_type = #tpu.core_type<sc_vector_subcore>, window_params = [{transform_indices = #map}, {transform_indices = #map1}, {transform_indices = #map}]} {
    %mul3A = arith.constant 2 : i32
    %mul3A_0 = arith.muli %arg1, %mul3A : i32
    %add3A = arith.addi %mul3A_0, %arg0 : i32
    %mul3A_1 = arith.constant 8 : i32
    %mul3A_2 = arith.muli %add3A, %mul3A_1 : i32
    %dma_start3A = arith.constant 0 : i32
    %dma_start3A_3 = tpu.memref_slice %arg2[%mul3A_2, %dma_start3A] : memref<256x100000xf32, #tpu.memory_space<hbm>> -> memref<1x100000xf32, #tpu.memory_space<hbm>>
    %dma_start3A_4 = tpu.memref_squeeze %dma_start3A_3 : memref<1x100000xf32, #tpu.memory_space<hbm>> -> memref<100000xf32, #tpu.memory_space<hbm>>
    %dma_start3A_5 = arith.constant 0 : i32
    %dma_start3A_6 = tpu.memref_slice %arg2[%mul3A_2, %dma_start3A_5] : memref<256x100000xf32, #tpu.memory_space<hbm>> -> memref<1x100000xf32, #tpu.memory_space<hbm>>
    %dma_start3A_7 = tpu.memref_squeeze %dma_start3A_6 : memref<1x100000xf32, #tpu.memory_space<hbm>> -> memref<100000xf32, #tpu.memory_space<hbm>>
    tpu.enqueue_dma source(%dma_start3A_7 : memref<100000xf32, #tpu.memory_space<hbm>>) target(%arg5 : memref<100000xf32, #tpu.memory_space<vmem>>) target_semaphore(%arg10 : memref<!tpu.dma_semaphore, #tpu.memory_space<semaphore_mem>>)
    "tpu.region"() ({
      %run_scoped3A = tpu.sem_alloc : memref<!tpu.dma_semaphore, #tpu.memory_space<semaphore_mem>>
      tpu.enqueue_dma source(%arg3 : memref<16384xi32, #tpu.memory_space<hbm>>) target(%arg6 : memref<16384xi32, #tpu.memory_space<vmem>>) target_semaphore(%run_scoped3A : memref<!tpu.dma_semaphore, #tpu.memory_space<semaphore_mem>>)
      tpu.wait_dma2 semaphore(%run_scoped3A : memref<!tpu.dma_semaphore, #tpu.memory_space<semaphore_mem>>) src(%arg3 : memref<16384xi32, #tpu.memory_space<hbm>>) dst(%arg6 : memref<16384xi32, #tpu.memory_space<vmem>>)
      tpu.yield
    }) : () -> ()
    %add3A_8 = arith.constant 0 : i32
    %add3A_9 = arith.addi %mul3A_2, %add3A_8 : i32
    %dma_wait3A = arith.constant 0 : i32
    %dma_wait3A_10 = tpu.memref_slice %arg2[%mul3A_2, %dma_wait3A] : memref<256x100000xf32, #tpu.memory_space<hbm>> -> memref<1x100000xf32, #tpu.memory_space<hbm>>
    %dma_wait3A_11 = tpu.memref_squeeze %dma_wait3A_10 : memref<1x100000xf32, #tpu.memory_space<hbm>> -> memref<100000xf32, #tpu.memory_space<hbm>>
    %dma_wait3A_12 = arith.constant 0 : i32
    %dma_wait3A_13 = tpu.memref_slice %arg2[%mul3A_2, %dma_wait3A_12] : memref<256x100000xf32, #tpu.memory_space<hbm>> -> memref<1x100000xf32, #tpu.memory_space<hbm>>
    %dma_wait3A_14 = tpu.memref_squeeze %dma_wait3A_13 : memref<1x100000xf32, #tpu.memory_space<hbm>> -> memref<100000xf32, #tpu.memory_space<hbm>>
    tpu.wait_dma2 semaphore(%arg10 : memref<!tpu.dma_semaphore, #tpu.memory_space<semaphore_mem>>) src(%dma_wait3A_14 : memref<100000xf32, #tpu.memory_space<hbm>>) dst(%arg5 : memref<100000xf32, #tpu.memory_space<vmem>>)
    %parallel_loop3A = arith.constant 0 : i32
    %parallel_loop3A_15 = arith.constant 256 : i32
    %parallel_loop3A_16 = arith.constant 1 : i32
    scf.for %parallel_loop3A_1054 = %parallel_loop3A to %parallel_loop3A_15 step %parallel_loop3A_16  : i32 {
      %parallel_loop3A_1055 = arith.constant 16 : i32
      %parallel_loop3A_1056 = arith.muli %parallel_loop3A_1054, %parallel_loop3A_1055 : i32
      %parallel_loop3A_1057 = arith.constant 0 : i32
      %parallel_loop3A_1058 = arith.addi %parallel_loop3A_1057, %parallel_loop3A_1056 : i32
      %parallel_loop3A_1059 = arith.index_cast %parallel_loop3A_1058 : i32 to index
      %parallel_loop3A_1060 = tpu.vector_load %arg6[%parallel_loop3A_1059] {strides = array<i32>} : memref<16384xi32, #tpu.memory_space<vmem>>, vector<16xi32>,
      %parallel_loop3A_1061 = tpu.vector_load_idx %arg5[%parallel_loop3A_1060] : memref<100000xf32, #tpu.memory_space<vmem>>[vector<16xi32>], vector<16xf32>,
      %parallel_loop3A_1062 = arith.constant 16 : i32
      %parallel_loop3A_1063 = arith.muli %parallel_loop3A_1054, %parallel_loop3A_1062 : i32
      %parallel_loop3A_1064 = arith.constant 0 : i32
      %parallel_loop3A_1065 = arith.index_cast %parallel_loop3A_1064 : i32 to index
      %parallel_loop3A_1066 = arith.index_cast %parallel_loop3A_1063 : i32 to index
      %parallel_loop3A_1067 = tpu.vector_load %arg7[%parallel_loop3A_1065, %parallel_loop3A_1066] {strides = array<i32>} : memref<2x4096xf32, #tpu.memory_space<vmem>>, vector<16xf32>,
      tpu.vector_store %arg7[%parallel_loop3A_1065, %parallel_loop3A_1066], %parallel_loop3A_1061 {strides = array<i32>} : memref<2x4096xf32, #tpu.memory_space<vmem>>, vector<16xf32>,
    } {sc.loop_unroll_factor = 8 : i64, sc.parallel_access}
    %dma_start3A_17 = arith.constant 0 : i32
    %dma_start3A_18 = arith.constant 0 : i32
    %dma_start3A_19 = tpu.memref_slice %arg7[%dma_start3A_17, %dma_start3A_18] : memref<2x4096xf32, #tpu.memory_space<vmem>> -> memref<1x4096xf32, #tpu.memory_space<vmem>>
    %dma_start3A_20 = tpu.memref_squeeze %dma_start3A_19 : memref<1x4096xf32, #tpu.memory_space<vmem>> -> memref<4096xf32, #tpu.memory_space<vmem>>
    %dma_start3A_21 = arith.constant 0 : i32
    %dma_start3A_22 = tpu.memref_slice %arg4[%add3A_9, %dma_start3A_21] : memref<256x16384xf32, #tpu.memory_space<hbm>> -> memref<1x4096xf32, #tpu.memory_space<hbm>>
    %dma_start3A_23 = tpu.memref_squeeze %dma_start3A_22 : memref<1x4096xf32, #tpu.memory_space<hbm>> -> memref<4096xf32, #tpu.memory_space<hbm>>
    %dma_start3A_24 = arith.constant 0 : i32
    %dma_start3A_25 = tpu.memref_slice %arg4[%add3A_9, %dma_start3A_24] : memref<256x16384xf32, #tpu.memory_space<hbm>> -> memref<1x4096xf32, #tpu.memory_space<hbm>>
    %dma_start3A_26 = tpu.memref_squeeze %dma_start3A_25 : memref<1x4096xf32, #tpu.memory_space<hbm>> -> memref<4096xf32, #tpu.memory_space<hbm>>
    %dma_start3A_27 = arith.constant 0 : i32
    %dma_start3A_28 = tpu.memref_slice %arg7[%dma_start3A_17, %dma_start3A_27] : memref<2x4096xf32, #tpu.memory_space<vmem>> -> memref<1x4096xf32, #tpu.memory_space<vmem>>
    %dma_start3A_29 = tpu.memref_squeeze %dma_start3A_28 : memref<1x4096xf32, #tpu.memory_space<vmem>> -> memref<4096xf32, #tpu.memory_space<vmem>>
    tpu.enqueue_dma source(%dma_start3A_29 : memref<4096xf32, #tpu.memory_space<vmem>>) target(%dma_start3A_26 : memref<4096xf32, #tpu.memory_space<hbm>>) target_semaphore(%arg8 : memref<!tpu.dma_semaphore, #tpu.memory_space<semaphore_mem>>)
    %parallel_loop3A_30 = arith.constant 0 : i32
    %parallel_loop3A_31 = arith.constant 256 : i32
    %parallel_loop3A_32 = arith.constant 1 : i32
    scf.for %parallel_loop3A_1054 = %parallel_loop3A_30 to %parallel_loop3A_31 step %parallel_loop3A_32  : i32 {
      %parallel_loop3A_1055 = arith.constant 16 : i32
      %parallel_loop3A_1056 = arith.muli %parallel_loop3A_1054, %parallel_loop3A_1055 : i32
      %parallel_loop3A_1057 = arith.constant 4096 : i32
      %parallel_loop3A_1058 = arith.addi %parallel_loop3A_1057, %parallel_loop3A_1056 : i32
      %parallel_loop3A_1059 = arith.index_cast %parallel_loop3A_1058 : i32 to index
      %parallel_loop3A_1060 = tpu.vector_load %arg6[%parallel_loop3A_1059] {strides = array<i32>} : memref<16384xi32, #tpu.memory_space<vmem>>, vector<16xi32>,
      %parallel_loop3A_1061 = tpu.vector_load_idx %arg5[%parallel_loop3A_1060] : memref<100000xf32, #tpu.memory_space<vmem>>[vector<16xi32>], vector<16xf32>,
      %parallel_loop3A_1062 = arith.constant 16 : i32
      %parallel_loop3A_1063 = arith.muli %parallel_loop3A_1054, %parallel_loop3A_1062 : i32
      %parallel_loop3A_1064 = arith.constant 1 : i32
      %parallel_loop3A_1065 = arith.index_cast %parallel_loop3A_1064 : i32 to index
      %parallel_loop3A_1066 = arith.index_cast %parallel_loop3A_1063 : i32 to index
      %parallel_loop3A_1067 = tpu.vector_load %arg7[%parallel_loop3A_1065, %parallel_loop3A_1066] {strides = array<i32>} : memref<2x4096xf32, #tpu.memory_space<vmem>>, vector<16xf32>,
      tpu.vector_store %arg7[%parallel_loop3A_1065, %parallel_loop3A_1066], %parallel_loop3A_1061 {strides = array<i32>} : memref<2x4096xf32, #tpu.memory_space<vmem>>, vector<16xf32>,
    } {sc.loop_unroll_factor = 8 : i64, sc.parallel_access}
    %dma_start3A_33 = arith.constant 1 : i32
    %dma_start3A_34 = arith.constant 0 : i32
    %dma_start3A_35 = tpu.memref_slice %arg7[%dma_start3A_33, %dma_start3A_34] : memref<2x4096xf32, #tpu.memory_space<vmem>> -> memref<1x4096xf32, #tpu.memory_space<vmem>>
    %dma_start3A_36 = tpu.memref_squeeze %dma_start3A_35 : memref<1x4096xf32, #tpu.memory_space<vmem>> -> memref<4096xf32, #tpu.memory_space<vmem>>
    %dma_start3A_37 = arith.constant 4096 : i32
    %dma_start3A_38 = tpu.memref_slice %arg4[%add3A_9, %dma_start3A_37] : memref<256x16384xf32, #tpu.memory_space<hbm>> -> memref<1x4096xf32, #tpu.memory_space<hbm>>
    %dma_start3A_39 = tpu.memref_squeeze %dma_start3A_38 : memref<1x4096xf32, #tpu.memory_space<hbm>> -> memref<4096xf32, #tpu.memory_space<hbm>>
    %dma_start3A_40 = arith.constant 4096 : i32
    %dma_start3A_41 = tpu.memref_slice %arg4[%add3A_9, %dma_start3A_40] : memref<256x16384xf32, #tpu.memory_space<hbm>> -> memref<1x4096xf32, #tpu.memory_space<hbm>>
    %dma_start3A_42 = tpu.memref_squeeze %dma_start3A_41 : memref<1x4096xf32, #tpu.memory_space<hbm>> -> memref<4096xf32, #tpu.memory_space<hbm>>
    %dma_start3A_43 = arith.constant 0 : i32
    %dma_start3A_44 = tpu.memref_slice %arg7[%dma_start3A_33, %dma_start3A_43] : memref<2x4096xf32, #tpu.memory_space<vmem>> -> memref<1x4096xf32, #tpu.memory_space<vmem>>
    %dma_start3A_45 = tpu.memref_squeeze %dma_start3A_44 : memref<1x4096xf32, #tpu.memory_space<vmem>> -> memref<4096xf32, #tpu.memory_space<vmem>>
    tpu.enqueue_dma source(%dma_start3A_45 : memref<4096xf32, #tpu.memory_space<vmem>>) target(%dma_start3A_42 : memref<4096xf32, #tpu.memory_space<hbm>>) target_semaphore(%arg9 : memref<!tpu.dma_semaphore, #tpu.memory_space<semaphore_mem>>)
    %parallel_loop3A_46 = arith.constant 0 : i32
    %parallel_loop3A_47 = arith.constant 256 : i32
    %parallel_loop3A_48 = arith.constant 1 : i32
    scf.for %parallel_loop3A_1054 = %parallel_loop3A_46 to %parallel_loop3A_47 step %parallel_loop3A_48  : i32 {
      %parallel_loop3A_1055 = arith.constant 16 : i32
      %parallel_loop3A_1056 = arith.muli %parallel_loop3A_1054, %parallel_loop3A_1055 : i32
      %parallel_loop3A_1057 = arith.constant 8192 : i32
      %parallel_loop3A_1058 = arith.addi %parallel_loop3A_1057, %parallel_loop3A_1056 : i32
      %parallel_loop3A_1059 = arith.index_cast %parallel_loop3A_1058 : i32 to index
      %parallel_loop3A_1060 = tpu.vector_load %arg6[%parallel_loop3A_1059] {strides = array<i32>} : memref<16384xi32, #tpu.memory_space<vmem>>, vector<16xi32>,
      %parallel_loop3A_1061 = tpu.vector_load_idx %arg5[%parallel_loop3A_1060] : memref<100000xf32, #tpu.memory_space<vmem>>[vector<16xi32>], vector<16xf32>,
      %parallel_loop3A_1062 = arith.constant 16 : i32
      %parallel_loop3A_1063 = arith.muli %parallel_loop3A_1054, %parallel_loop3A_1062 : i32
      %parallel_loop3A_1064 = arith.constant 0 : i32
      %parallel_loop3A_1065 = arith.index_cast %parallel_loop3A_1064 : i32 to index
      %parallel_loop3A_1066 = arith.index_cast %parallel_loop3A_1063 : i32 to index
      %parallel_loop3A_1067 = tpu.vector_load %arg7[%parallel_loop3A_1065, %parallel_loop3A_1066] {strides = array<i32>} : memref<2x4096xf32, #tpu.memory_space<vmem>>, vector<16xf32>,
      tpu.vector_store %arg7[%parallel_loop3A_1065, %parallel_loop3A_1066], %parallel_loop3A_1061 {strides = array<i32>} : memref<2x4096xf32, #tpu.memory_space<vmem>>, vector<16xf32>,
    } {sc.loop_unroll_factor = 8 : i64, sc.parallel_access}
    %dma_wait3A_49 = arith.constant 0 : i32
    %dma_wait3A_50 = arith.constant 0 : i32
    %dma_wait3A_51 = tpu.memref_slice %arg7[%dma_wait3A_49, %dma_wait3A_50] : memref<2x4096xf32, #tpu.memory_space<vmem>> -> memref<1x4096xf32, #tpu.memory_space<vmem>>
    %dma_wait3A_52 = tpu.memref_squeeze %dma_wait3A_51 : memref<1x4096xf32, #tpu.memory_space<vmem>> -> memref<4096xf32, #tpu.memory_space<vmem>>
    %dma_wait3A_53 = arith.constant 0 : i32
    %dma_wait3A_54 = tpu.memref_slice %arg4[%add3A_9, %dma_wait3A_53] : memref<256x16384xf32, #tpu.memory_space<hbm>> -> memref<1x4096xf32, #tpu.memory_space<hbm>>
    %dma_wait3A_55 = tpu.memref_squeeze %dma_wait3A_54 : memref<1x4096xf32, #tpu.memory_space<hbm>> -> memref<4096xf32, #tpu.memory_space<hbm>>
    %dma_wait3A_56 = arith.constant 0 : i32
    %dma_wait3A_57 = tpu.memref_slice %arg4[%add3A_9, %dma_wait3A_56] : memref<256x16384xf32, #tpu.memory_space<hbm>> -> memref<1x4096xf32, #tpu.memory_space<hbm>>
    %dma_wait3A_58 = tpu.memref_squeeze %dma_wait3A_57 : memref<1x4096xf32, #tpu.memory_space<hbm>> -> memref<4096xf32, #tpu.memory_space<hbm>>
    %dma_wait3A_59 = arith.constant 0 : i32
    %dma_wait3A_60 = tpu.memref_slice %arg7[%dma_wait3A_49, %dma_wait3A_59] : memref<2x4096xf32, #tpu.memory_space<vmem>> -> memref<1x4096xf32, #tpu.memory_space<vmem>>
    %dma_wait3A_61 = tpu.memref_squeeze %dma_wait3A_60 : memref<1x4096xf32, #tpu.memory_space<vmem>> -> memref<4096xf32, #tpu.memory_space<vmem>>
    tpu.wait_dma2 semaphore(%arg8 : memref<!tpu.dma_semaphore, #tpu.memory_space<semaphore_mem>>) src(%dma_wait3A_61 : memref<4096xf32, #tpu.memory_space<vmem>>) dst(%dma_wait3A_58 : memref<4096xf32, #tpu.memory_space<hbm>>)
    %dma_start3A_62 = arith.constant 0 : i32
    %dma_start3A_63 = arith.constant 0 : i32
    %dma_start3A_64 = tpu.memref_slice %arg7[%dma_start3A_62, %dma_start3A_63] : memref<2x4096xf32, #tpu.memory_space<vmem>> -> memref<1x4096xf32, #tpu.memory_space<vmem>>
    %dma_start3A_65 = tpu.memref_squeeze %dma_start3A_64 : memref<1x4096xf32, #tpu.memory_space<vmem>> -> memref<4096xf32, #tpu.memory_space<vmem>>
    %dma_start3A_66 = arith.constant 8192 : i32
    %dma_start3A_67 = tpu.memref_slice %arg4[%add3A_9, %dma_start3A_66] : memref<256x16384xf32, #tpu.memory_space<hbm>> -> memref<1x4096xf32, #tpu.memory_space<hbm>>
    %dma_start3A_68 = tpu.memref_squeeze %dma_start3A_67 : memref<1x4096xf32, #tpu.memory_space<hbm>> -> memref<4096xf32, #tpu.memory_space<hbm>>
    %dma_start3A_69 = arith.constant 8192 : i32
    %dma_start3A_70 = tpu.memref_slice %arg4[%add3A_9, %dma_start3A_69] : memref<256x16384xf32, #tpu.memory_space<hbm>> -> memref<1x4096xf32, #tpu.memory_space<hbm>>
    %dma_start3A_71 = tpu.memref_squeeze %dma_start3A_70 : memref<1x4096xf32, #tpu.memory_space<hbm>> -> memref<4096xf32, #tpu.memory_space<hbm>>
    %dma_start3A_72 = arith.constant 0 : i32
    %dma_start3A_73 = tpu.memref_slice %arg7[%dma_start3A_62, %dma_start3A_72] : memref<2x4096xf32, #tpu.memory_space<vmem>> -> memref<1x4096xf32, #tpu.memory_space<vmem>>
    %dma_start3A_74 = tpu.memref_squeeze %dma_start3A_73 : memref<1x4096xf32, #tpu.memory_space<vmem>> -> memref<4096xf32, #tpu.memory_space<vmem>>
    tpu.enqueue_dma source(%dma_start3A_74 : memref<4096xf32, #tpu.memory_space<vmem>>) target(%dma_start3A_71 : memref<4096xf32, #tpu.memory_space<hbm>>) target_semaphore(%arg8 : memref<!tpu.dma_semaphore, #tpu.memory_space<semaphore_mem>>)
    %parallel_loop3A_75 = arith.constant 0 : i32
    %parallel_loop3A_76 = arith.constant 256 : i32
    %parallel_loop3A_77 = arith.constant 1 : i32
    scf.for %parallel_loop3A_1054 = %parallel_loop3A_75 to %parallel_loop3A_76 step %parallel_loop3A_77  : i32 {
      %parallel_loop3A_1055 = arith.constant 16 : i32
      %parallel_loop3A_1056 = arith.muli %parallel_loop3A_1054, %parallel_loop3A_1055 : i32
      %parallel_loop3A_1057 = arith.constant 12288 : i32
      %parallel_loop3A_1058 = arith.addi %parallel_loop3A_1057, %parallel_loop3A_1056 : i32
      %parallel_loop3A_1059 = arith.index_cast %parallel_loop3A_1058 : i32 to index
      %parallel_loop3A_1060 = tpu.vector_load %arg6[%parallel_loop3A_1059] {strides = array<i32>} : memref<16384xi32, #tpu.memory_space<vmem>>, vector<16xi32>,
      %parallel_loop3A_1061 = tpu.vector_load_idx %arg5[%parallel_loop3A_1060] : memref<100000xf32, #tpu.memory_space<vmem>>[vector<16xi32>], vector<16xf32>,
      %parallel_loop3A_1062 = arith.constant 16 : i32
      %parallel_loop3A_1063 = arith.muli %parallel_loop3A_1054, %parallel_loop3A_1062 : i32
      %parallel_loop3A_1064 = arith.constant 1 : i32
      %parallel_loop3A_1065 = arith.index_cast %parallel_loop3A_1064 : i32 to index
      %parallel_loop3A_1066 = arith.index_cast %parallel_loop3A_1063 : i32 to index
      %parallel_loop3A_1067 = tpu.vector_load %arg7[%parallel_loop3A_1065, %parallel_loop3A_1066] {strides = array<i32>} : memref<2x4096xf32, #tpu.memory_space<vmem>>, vector<16xf32>,
      tpu.vector_store %arg7[%parallel_loop3A_1065, %parallel_loop3A_1066], %parallel_loop3A_1061 {strides = array<i32>} : memref<2x4096xf32, #tpu.memory_space<vmem>>, vector<16xf32>,
    } {sc.loop_unroll_factor = 8 : i64, sc.parallel_access}
    %dma_wait3A_78 = arith.constant 1 : i32
    %dma_wait3A_79 = arith.constant 0 : i32
    %dma_wait3A_80 = tpu.memref_slice %arg7[%dma_wait3A_78, %dma_wait3A_79] : memref<2x4096xf32, #tpu.memory_space<vmem>> -> memref<1x4096xf32, #tpu.memory_space<vmem>>
    %dma_wait3A_81 = tpu.memref_squeeze %dma_wait3A_80 : memref<1x4096xf32, #tpu.memory_space<vmem>> -> memref<4096xf32, #tpu.memory_space<vmem>>
    %dma_wait3A_82 = arith.constant 4096 : i32
    %dma_wait3A_83 = tpu.memref_slice %arg4[%add3A_9, %dma_wait3A_82] : memref<256x16384xf32, #tpu.memory_space<hbm>> -> memref<1x4096xf32, #tpu.memory_space<hbm>>
    %dma_wait3A_84 = tpu.memref_squeeze %dma_wait3A_83 : memref<1x4096xf32, #tpu.memory_space<hbm>> -> memref<4096xf32, #tpu.memory_space<hbm>>
    %dma_wait3A_85 = arith.constant 4096 : i32
    %dma_wait3A_86 = tpu.memref_slice %arg4[%add3A_9, %dma_wait3A_85] : memref<256x16384xf32, #tpu.memory_space<hbm>> -> memref<1x4096xf32, #tpu.memory_space<hbm>>
    %dma_wait3A_87 = tpu.memref_squeeze %dma_wait3A_86 : memref<1x4096xf32, #tpu.memory_space<hbm>> -> memref<4096xf32, #tpu.memory_space<hbm>>
    %dma_wait3A_88 = arith.constant 0 : i32
    %dma_wait3A_89 = tpu.memref_slice %arg7[%dma_wait3A_78, %dma_wait3A_88] : memref<2x4096xf32, #tpu.memory_space<vmem>> -> memref<1x4096xf32, #tpu.memory_space<vmem>>
    %dma_wait3A_90 = tpu.memref_squeeze %dma_wait3A_89 : memref<1x4096xf32, #tpu.memory_space<vmem>> -> memref<4096xf32, #tpu.memory_space<vmem>>
    tpu.wait_dma2 semaphore(%arg9 : memref<!tpu.dma_semaphore, #tpu.memory_space<semaphore_mem>>) src(%dma_wait3A_90 : memref<4096xf32, #tpu.memory_space<vmem>>) dst(%dma_wait3A_87 : memref<4096xf32, #tpu.memory_space<hbm>>)
    %dma_start3A_91 = arith.constant 1 : i32
    %dma_start3A_92 = arith.constant 0 : i32
    %dma_start3A_93 = tpu.memref_slice %arg7[%dma_start3A_91, %dma_start3A_92] : memref<2x4096xf32, #tpu.memory_space<vmem>> -> memref<1x4096xf32, #tpu.memory_space<vmem>>
    %dma_start3A_94 = tpu.memref_squeeze %dma_start3A_93 : memref<1x4096xf32, #tpu.memory_space<vmem>> -> memref<4096xf32, #tpu.memory_space<vmem>>
    %dma_start3A_95 = arith.constant 12288 : i32
    %dma_start3A_96 = tpu.memref_slice %arg4[%add3A_9, %dma_start3A_95] : memref<256x16384xf32, #tpu.memory_space<hbm>> -> memref<1x4096xf32, #tpu.memory_space<hbm>>
    %dma_start3A_97 = tpu.memref_squeeze %dma_start3A_96 : memref<1x4096xf32, #tpu.memory_space<hbm>> -> memref<4096xf32, #tpu.memory_space<hbm>>
    %dma_start3A_98 = arith.constant 12288 : i32
    %dma_start3A_99 = tpu.memref_slice %arg4[%add3A_9, %dma_start3A_98] : memref<256x16384xf32, #tpu.memory_space<hbm>> -> memref<1x4096xf32, #tpu.memory_space<hbm>>
    %dma_start3A_100 = tpu.memref_squeeze %dma_start3A_99 : memref<1x4096xf32, #tpu.memory_space<hbm>> -> memref<4096xf32, #tpu.memory_space<hbm>>
    %dma_start3A_101 = arith.constant 0 : i32
    %dma_start3A_102 = tpu.memref_slice %arg7[%dma_start3A_91, %dma_start3A_101] : memref<2x4096xf32, #tpu.memory_space<vmem>> -> memref<1x4096xf32, #tpu.memory_space<vmem>>
    %dma_start3A_103 = tpu.memref_squeeze %dma_start3A_102 : memref<1x4096xf32, #tpu.memory_space<vmem>> -> memref<4096xf32, #tpu.memory_space<vmem>>
    tpu.enqueue_dma source(%dma_start3A_103 : memref<4096xf32, #tpu.memory_space<vmem>>) target(%dma_start3A_100 : memref<4096xf32, #tpu.memory_space<hbm>>) target_semaphore(%arg9 : memref<!tpu.dma_semaphore, #tpu.memory_space<semaphore_mem>>)
    %add3A_104 = arith.constant 1 : i32
    %add3A_105 = arith.addi %add3A_9, %add3A_104 : i32
    %dma_start3A_106 = arith.constant 0 : i32
    %dma_start3A_107 = tpu.memref_slice %arg2[%add3A_105, %dma_start3A_106] : memref<256x100000xf32, #tpu.memory_space<hbm>> -> memref<1x100000xf32, #tpu.memory_space<hbm>>
    %dma_start3A_108 = tpu.memref_squeeze %dma_start3A_107 : memref<1x100000xf32, #tpu.memory_space<hbm>> -> memref<100000xf32, #tpu.memory_space<hbm>>
    %dma_start3A_109 = arith.constant 0 : i32
    %dma_start3A_110 = tpu.memref_slice %arg2[%add3A_105, %dma_start3A_109] : memref<256x100000xf32, #tpu.memory_space<hbm>> -> memref<1x100000xf32, #tpu.memory_space<hbm>>
    %dma_start3A_111 = tpu.memref_squeeze %dma_start3A_110 : memref<1x100000xf32, #tpu.memory_space<hbm>> -> memref<100000xf32, #tpu.memory_space<hbm>>
    tpu.enqueue_dma source(%dma_start3A_111 : memref<100000xf32, #tpu.memory_space<hbm>>) target(%arg5 : memref<100000xf32, #tpu.memory_space<vmem>>) target_semaphore(%arg11 : memref<!tpu.dma_semaphore, #tpu.memory_space<semaphore_mem>>)
    %add3A_112 = arith.constant 1 : i32
    %add3A_113 = arith.addi %mul3A_2, %add3A_112 : i32
    %dma_wait3A_114 = arith.constant 0 : i32
    %dma_wait3A_115 = tpu.memref_slice %arg2[%add3A_105, %dma_wait3A_114] : memref<256x100000xf32, #tpu.memory_space<hbm>> -> memref<1x100000xf32, #tpu.memory_space<hbm>>
    %dma_wait3A_116 = tpu.memref_squeeze %dma_wait3A_115 : memref<1x100000xf32, #tpu.memory_space<hbm>> -> memref<100000xf32, #tpu.memory_space<hbm>>
    %dma_wait3A_117 = arith.constant 0 : i32
    %dma_wait3A_118 = tpu.memref_slice %arg2[%add3A_105, %dma_wait3A_117] : memref<256x100000xf32, #tpu.memory_space<hbm>> -> memref<1x100000xf32, #tpu.memory_space<hbm>>
    %dma_wait3A_119 = tpu.memref_squeeze %dma_wait3A_118 : memref<1x100000xf32, #tpu.memory_space<hbm>> -> memref<100000xf32, #tpu.memory_space<hbm>>
    tpu.wait_dma2 semaphore(%arg11 : memref<!tpu.dma_semaphore, #tpu.memory_space<semaphore_mem>>) src(%dma_wait3A_119 : memref<100000xf32, #tpu.memory_space<hbm>>) dst(%arg5 : memref<100000xf32, #tpu.memory_space<vmem>>)
    %parallel_loop3A_120 = arith.constant 0 : i32
    %parallel_loop3A_121 = arith.constant 256 : i32
    %parallel_loop3A_122 = arith.constant 1 : i32
    scf.for %parallel_loop3A_1054 = %parallel_loop3A_120 to %parallel_loop3A_121 step %parallel_loop3A_122  : i32 {
      %parallel_loop3A_1055 = arith.constant 16 : i32
      %parallel_loop3A_1056 = arith.muli %parallel_loop3A_1054, %parallel_loop3A_1055 : i32
      %parallel_loop3A_1057 = arith.constant 0 : i32
      %parallel_loop3A_1058 = arith.addi %parallel_loop3A_1057, %parallel_loop3A_1056 : i32
      %parallel_loop3A_1059 = arith.index_cast %parallel_loop3A_1058 : i32 to index
      %parallel_loop3A_1060 = tpu.vector_load %arg6[%parallel_loop3A_1059] {strides = array<i32>} : memref<16384xi32, #tpu.memory_space<vmem>>, vector<16xi32>,
      %parallel_loop3A_1061 = tpu.vector_load_idx %arg5[%parallel_loop3A_1060] : memref<100000xf32, #tpu.memory_space<vmem>>[vector<16xi32>], vector<16xf32>,
      %parallel_loop3A_1062 = arith.constant 16 : i32
      %parallel_loop3A_1063 = arith.muli %parallel_loop3A_1054, %parallel_loop3A_1062 : i32
      %parallel_loop3A_1064 = arith.constant 0 : i32
      %parallel_loop3A_1065 = arith.index_cast %parallel_loop3A_1064 : i32 to index
      %parallel_loop3A_1066 = arith.index_cast %parallel_loop3A_1063 : i32 to index
      %parallel_loop3A_1067 = tpu.vector_load %arg7[%parallel_loop3A_1065, %parallel_loop3A_1066] {strides = array<i32>} : memref<2x4096xf32, #tpu.memory_space<vmem>>, vector<16xf32>,
      tpu.vector_store %arg7[%parallel_loop3A_1065, %parallel_loop3A_1066], %parallel_loop3A_1061 {strides = array<i32>} : memref<2x4096xf32, #tpu.memory_space<vmem>>, vector<16xf32>,
    } {sc.loop_unroll_factor = 8 : i64, sc.parallel_access}
    %dma_wait3A_123 = arith.constant 0 : i32
    %dma_wait3A_124 = arith.constant 0 : i32
    %dma_wait3A_125 = tpu.memref_slice %arg7[%dma_wait3A_123, %dma_wait3A_124] : memref<2x4096xf32, #tpu.memory_space<vmem>> -> memref<1x4096xf32, #tpu.memory_space<vmem>>
    %dma_wait3A_126 = tpu.memref_squeeze %dma_wait3A_125 : memref<1x4096xf32, #tpu.memory_space<vmem>> -> memref<4096xf32, #tpu.memory_space<vmem>>
    %dma_wait3A_127 = arith.constant 8192 : i32
    %dma_wait3A_128 = tpu.memref_slice %arg4[%add3A_9, %dma_wait3A_127] : memref<256x16384xf32, #tpu.memory_space<hbm>> -> memref<1x4096xf32, #tpu.memory_space<hbm>>
    %dma_wait3A_129 = tpu.memref_squeeze %dma_wait3A_128 : memref<1x4096xf32, #tpu.memory_space<hbm>> -> memref<4096xf32, #tpu.memory_space<hbm>>
    %dma_wait3A_130 = arith.constant 8192 : i32
    %dma_wait3A_131 = tpu.memref_slice %arg4[%add3A_9, %dma_wait3A_130] : memref<256x16384xf32, #tpu.memory_space<hbm>> -> memref<1x4096xf32, #tpu.memory_space<hbm>>
    %dma_wait3A_132 = tpu.memref_squeeze %dma_wait3A_131 : memref<1x4096xf32, #tpu.memory_space<hbm>> -> memref<4096xf32, #tpu.memory_space<hbm>>
    %dma_wait3A_133 = arith.constant 0 : i32
    %dma_wait3A_134 = tpu.memref_slice %arg7[%dma_wait3A_123, %dma_wait3A_133] : memref<2x4096xf32, #tpu.memory_space<vmem>> -> memref<1x4096xf32, #tpu.memory_space<vmem>>
    %dma_wait3A_135 = tpu.memref_squeeze %dma_wait3A_134 : memref<1x4096xf32, #tpu.memory_space<vmem>> -> memref<4096xf32, #tpu.memory_space<vmem>>
    tpu.wait_dma2 semaphore(%arg8 : memref<!tpu.dma_semaphore, #tpu.memory_space<semaphore_mem>>) src(%dma_wait3A_135 : memref<4096xf32, #tpu.memory_space<vmem>>) dst(%dma_wait3A_132 : memref<4096xf32, #tpu.memory_space<hbm>>)
    %dma_start3A_136 = arith.constant 0 : i32
    %dma_start3A_137 = arith.constant 0 : i32
    %dma_start3A_138 = tpu.memref_slice %arg7[%dma_start3A_136, %dma_start3A_137] : memref<2x4096xf32, #tpu.memory_space<vmem>> -> memref<1x4096xf32, #tpu.memory_space<vmem>>
    %dma_start3A_139 = tpu.memref_squeeze %dma_start3A_138 : memref<1x4096xf32, #tpu.memory_space<vmem>> -> memref<4096xf32, #tpu.memory_space<vmem>>
    %dma_start3A_140 = arith.constant 0 : i32
    %dma_start3A_141 = tpu.memref_slice %arg4[%add3A_113, %dma_start3A_140] : memref<256x16384xf32, #tpu.memory_space<hbm>> -> memref<1x4096xf32, #tpu.memory_space<hbm>>
    %dma_start3A_142 = tpu.memref_squeeze %dma_start3A_141 : memref<1x4096xf32, #tpu.memory_space<hbm>> -> memref<4096xf32, #tpu.memory_space<hbm>>
    %dma_start3A_143 = arith.constant 0 : i32
    %dma_start3A_144 = tpu.memref_slice %arg4[%add3A_113, %dma_start3A_143] : memref<256x16384xf32, #tpu.memory_space<hbm>> -> memref<1x4096xf32, #tpu.memory_space<hbm>>
    %dma_start3A_145 = tpu.memref_squeeze %dma_start3A_144 : memref<1x4096xf32, #tpu.memory_space<hbm>> -> memref<4096xf32, #tpu.memory_space<hbm>>
    %dma_start3A_146 = arith.constant 0 : i32
    %dma_start3A_147 = tpu.memref_slice %arg7[%dma_start3A_136, %dma_start3A_146] : memref<2x4096xf32, #tpu.memory_space<vmem>> -> memref<1x4096xf32, #tpu.memory_space<vmem>>
    %dma_start3A_148 = tpu.memref_squeeze %dma_start3A_147 : memref<1x4096xf32, #tpu.memory_space<vmem>> -> memref<4096xf32, #tpu.memory_space<vmem>>
    tpu.enqueue_dma source(%dma_start3A_148 : memref<4096xf32, #tpu.memory_space<vmem>>) target(%dma_start3A_145 : memref<4096xf32, #tpu.memory_space<hbm>>) target_semaphore(%arg8 : memref<!tpu.dma_semaphore, #tpu.memory_space<semaphore_mem>>)
    %parallel_loop3A_149 = arith.constant 0 : i32
    %parallel_loop3A_150 = arith.constant 256 : i32
    %parallel_loop3A_151 = arith.constant 1 : i32
    scf.for %parallel_loop3A_1054 = %parallel_loop3A_149 to %parallel_loop3A_150 step %parallel_loop3A_151  : i32 {
      %parallel_loop3A_1055 = arith.constant 16 : i32
      %parallel_loop3A_1056 = arith.muli %parallel_loop3A_1054, %parallel_loop3A_1055 : i32
      %parallel_loop3A_1057 = arith.constant 4096 : i32
      %parallel_loop3A_1058 = arith.addi %parallel_loop3A_1057, %parallel_loop3A_1056 : i32
      %parallel_loop3A_1059 = arith.index_cast %parallel_loop3A_1058 : i32 to index
      %parallel_loop3A_1060 = tpu.vector_load %arg6[%parallel_loop3A_1059] {strides = array<i32>} : memref<16384xi32, #tpu.memory_space<vmem>>, vector<16xi32>,
      %parallel_loop3A_1061 = tpu.vector_load_idx %arg5[%parallel_loop3A_1060] : memref<100000xf32, #tpu.memory_space<vmem>>[vector<16xi32>], vector<16xf32>,
      %parallel_loop3A_1062 = arith.constant 16 : i32
      %parallel_loop3A_1063 = arith.muli %parallel_loop3A_1054, %parallel_loop3A_1062 : i32
      %parallel_loop3A_1064 = arith.constant 1 : i32
      %parallel_loop3A_1065 = arith.index_cast %parallel_loop3A_1064 : i32 to index
      %parallel_loop3A_1066 = arith.index_cast %parallel_loop3A_1063 : i32 to index
      %parallel_loop3A_1067 = tpu.vector_load %arg7[%parallel_loop3A_1065, %parallel_loop3A_1066] {strides = array<i32>} : memref<2x4096xf32, #tpu.memory_space<vmem>>, vector<16xf32>,
      tpu.vector_store %arg7[%parallel_loop3A_1065, %parallel_loop3A_1066], %parallel_loop3A_1061 {strides = array<i32>} : memref<2x4096xf32, #tpu.memory_space<vmem>>, vector<16xf32>,
    } {sc.loop_unroll_factor = 8 : i64, sc.parallel_access}
    %dma_wait3A_152 = arith.constant 1 : i32
    %dma_wait3A_153 = arith.constant 0 : i32
    %dma_wait3A_154 = tpu.memref_slice %arg7[%dma_wait3A_152, %dma_wait3A_153] : memref<2x4096xf32, #tpu.memory_space<vmem>> -> memref<1x4096xf32, #tpu.memory_space<vmem>>
    %dma_wait3A_155 = tpu.memref_squeeze %dma_wait3A_154 : memref<1x4096xf32, #tpu.memory_space<vmem>> -> memref<4096xf32, #tpu.memory_space<vmem>>
    %dma_wait3A_156 = arith.constant 12288 : i32
    %dma_wait3A_157 = tpu.memref_slice %arg4[%add3A_9, %dma_wait3A_156] : memref<256x16384xf32, #tpu.memory_space<hbm>> -> memref<1x4096xf32, #tpu.memory_space<hbm>>
    %dma_wait3A_158 = tpu.memref_squeeze %dma_wait3A_157 : memref<1x4096xf32, #tpu.memory_space<hbm>> -> memref<4096xf32, #tpu.memory_space<hbm>>
    %dma_wait3A_159 = arith.constant 12288 : i32
    %dma_wait3A_160 = tpu.memref_slice %arg4[%add3A_9, %dma_wait3A_159] : memref<256x16384xf32, #tpu.memory_space<hbm>> -> memref<1x4096xf32, #tpu.memory_space<hbm>>
    %dma_wait3A_161 = tpu.memref_squeeze %dma_wait3A_160 : memref<1x4096xf32, #tpu.memory_space<hbm>> -> memref<4096xf32, #tpu.memory_space<hbm>>
    %dma_wait3A_162 = arith.constant 0 : i32
    %dma_wait3A_163 = tpu.memref_slice %arg7[%dma_wait3A_152, %dma_wait3A_162] : memref<2x4096xf32, #tpu.memory_space<vmem>> -> memref<1x4096xf32, #tpu.memory_space<vmem>>
    %dma_wait3A_164 = tpu.memref_squeeze %dma_wait3A_163 : memref<1x4096xf32, #tpu.memory_space<vmem>> -> memref<4096xf32, #tpu.memory_space<vmem>>
    tpu.wait_dma2 semaphore(%arg9 : memref<!tpu.dma_semaphore, #tpu.memory_space<semaphore_mem>>) src(%dma_wait3A_164 : memref<4096xf32, #tpu.memory_space<vmem>>) dst(%dma_wait3A_161 : memref<4096xf32, #tpu.memory_space<hbm>>)
    %dma_start3A_165 = arith.constant 1 : i32
    %dma_start3A_166 = arith.constant 0 : i32
    %dma_start3A_167 = tpu.memref_slice %arg7[%dma_start3A_165, %dma_start3A_166] : memref<2x4096xf32, #tpu.memory_space<vmem>> -> memref<1x4096xf32, #tpu.memory_space<vmem>>
    %dma_start3A_168 = tpu.memref_squeeze %dma_start3A_167 : memref<1x4096xf32, #tpu.memory_space<vmem>> -> memref<4096xf32, #tpu.memory_space<vmem>>
    %dma_start3A_169 = arith.constant 4096 : i32
    %dma_start3A_170 = tpu.memref_slice %arg4[%add3A_113, %dma_start3A_169] : memref<256x16384xf32, #tpu.memory_space<hbm>> -> memref<1x4096xf32, #tpu.memory_space<hbm>>
    %dma_start3A_171 = tpu.memref_squeeze %dma_start3A_170 : memref<1x4096xf32, #tpu.memory_space<hbm>> -> memref<4096xf32, #tpu.memory_space<hbm>>
    %dma_start3A_172 = arith.constant 4096 : i32
    %dma_start3A_173 = tpu.memref_slice %arg4[%add3A_113, %dma_start3A_172] : memref<256x16384xf32, #tpu.memory_space<hbm>> -> memref<1x4096xf32, #tpu.memory_space<hbm>>
    %dma_start3A_174 = tpu.memref_squeeze %dma_start3A_173 : memref<1x4096xf32, #tpu.memory_space<hbm>> -> memref<4096xf32, #tpu.memory_space<hbm>>
    %dma_start3A_175 = arith.constant 0 : i32
    %dma_start3A_176 = tpu.memref_slice %arg7[%dma_start3A_165, %dma_start3A_175] : memref<2x4096xf32, #tpu.memory_space<vmem>> -> memref<1x4096xf32, #tpu.memory_space<vmem>>
    %dma_start3A_177 = tpu.memref_squeeze %dma_start3A_176 : memref<1x4096xf32, #tpu.memory_space<vmem>> -> memref<4096xf32, #tpu.memory_space<vmem>>
    tpu.enqueue_dma source(%dma_start3A_177 : memref<4096xf32, #tpu.memory_space<vmem>>) target(%dma_start3A_174 : memref<4096xf32, #tpu.memory_space<hbm>>) target_semaphore(%arg9 : memref<!tpu.dma_semaphore, #tpu.memory_space<semaphore_mem>>)
    %parallel_loop3A_178 = arith.constant 0 : i32
    %parallel_loop3A_179 = arith.constant 256 : i32
    %parallel_loop3A_180 = arith.constant 1 : i32
    scf.for %parallel_loop3A_1054 = %parallel_loop3A_178 to %parallel_loop3A_179 step %parallel_loop3A_180  : i32 {
      %parallel_loop3A_1055 = arith.constant 16 : i32
      %parallel_loop3A_1056 = arith.muli %parallel_loop3A_1054, %parallel_loop3A_1055 : i32
      %parallel_loop3A_1057 = arith.constant 8192 : i32
      %parallel_loop3A_1058 = arith.addi %parallel_loop3A_1057, %parallel_loop3A_1056 : i32
      %parallel_loop3A_1059 = arith.index_cast %parallel_loop3A_1058 : i32 to index
      %parallel_loop3A_1060 = tpu.vector_load %arg6[%parallel_loop3A_1059] {strides = array<i32>} : memref<16384xi32, #tpu.memory_space<vmem>>, vector<16xi32>,
      %parallel_loop3A_1061 = tpu.vector_load_idx %arg5[%parallel_loop3A_1060] : memref<100000xf32, #tpu.memory_space<vmem>>[vector<16xi32>], vector<16xf32>,
      %parallel_loop3A_1062 = arith.constant 16 : i32
      %parallel_loop3A_1063 = arith.muli %parallel_loop3A_1054, %parallel_loop3A_1062 : i32
      %parallel_loop3A_1064 = arith.constant 0 : i32
      %parallel_loop3A_1065 = arith.index_cast %parallel_loop3A_1064 : i32 to index
      %parallel_loop3A_1066 = arith.index_cast %parallel_loop3A_1063 : i32 to index
      %parallel_loop3A_1067 = tpu.vector_load %arg7[%parallel_loop3A_1065, %parallel_loop3A_1066] {strides = array<i32>} : memref<2x4096xf32, #tpu.memory_space<vmem>>, vector<16xf32>,
      tpu.vector_store %arg7[%parallel_loop3A_1065, %parallel_loop3A_1066], %parallel_loop3A_1061 {strides = array<i32>} : memref<2x4096xf32, #tpu.memory_space<vmem>>, vector<16xf32>,
    } {sc.loop_unroll_factor = 8 : i64, sc.parallel_access}
    %dma_wait3A_181 = arith.constant 0 : i32
    %dma_wait3A_182 = arith.constant 0 : i32
    %dma_wait3A_183 = tpu.memref_slice %arg7[%dma_wait3A_181, %dma_wait3A_182] : memref<2x4096xf32, #tpu.memory_space<vmem>> -> memref<1x4096xf32, #tpu.memory_space<vmem>>
    %dma_wait3A_184 = tpu.memref_squeeze %dma_wait3A_183 : memref<1x4096xf32, #tpu.memory_space<vmem>> -> memref<4096xf32, #tpu.memory_space<vmem>>
    %dma_wait3A_185 = arith.constant 0 : i32
    %dma_wait3A_186 = tpu.memref_slice %arg4[%add3A_113, %dma_wait3A_185] : memref<256x16384xf32, #tpu.memory_space<hbm>> -> memref<1x4096xf32, #tpu.memory_space<hbm>>
    %dma_wait3A_187 = tpu.memref_squeeze %dma_wait3A_186 : memref<1x4096xf32, #tpu.memory_space<hbm>> -> memref<4096xf32, #tpu.memory_space<hbm>>
    %dma_wait3A_188 = arith.constant 0 : i32
    %dma_wait3A_189 = tpu.memref_slice %arg4[%add3A_113, %dma_wait3A_188] : memref<256x16384xf32, #tpu.memory_space<hbm>> -> memref<1x4096xf32, #tpu.memory_space<hbm>>
    %dma_wait3A_190 = tpu.memref_squeeze %dma_wait3A_189 : memref<1x4096xf32, #tpu.memory_space<hbm>> -> memref<4096xf32, #tpu.memory_space<hbm>>
    %dma_wait3A_191 = arith.constant 0 : i32
    %dma_wait3A_192 = tpu.memref_slice %arg7[%dma_wait3A_181, %dma_wait3A_191] : memref<2x4096xf32, #tpu.memory_space<vmem>> -> memref<1x4096xf32, #tpu.memory_space<vmem>>
    %dma_wait3A_193 = tpu.memref_squeeze %dma_wait3A_192 : memref<1x4096xf32, #tpu.memory_space<vmem>> -> memref<4096xf32, #tpu.memory_space<vmem>>
    tpu.wait_dma2 semaphore(%arg8 : memref<!tpu.dma_semaphore, #tpu.memory_space<semaphore_mem>>) src(%dma_wait3A_193 : memref<4096xf32, #tpu.memory_space<vmem>>) dst(%dma_wait3A_190 : memref<4096xf32, #tpu.memory_space<hbm>>)
    %dma_start3A_194 = arith.constant 0 : i32
    %dma_start3A_195 = arith.constant 0 : i32
    %dma_start3A_196 = tpu.memref_slice %arg7[%dma_start3A_194, %dma_start3A_195] : memref<2x4096xf32, #tpu.memory_space<vmem>> -> memref<1x4096xf32, #tpu.memory_space<vmem>>
    %dma_start3A_197 = tpu.memref_squeeze %dma_start3A_196 : memref<1x4096xf32, #tpu.memory_space<vmem>> -> memref<4096xf32, #tpu.memory_space<vmem>>
    %dma_start3A_198 = arith.constant 8192 : i32
    %dma_start3A_199 = tpu.memref_slice %arg4[%add3A_113, %dma_start3A_198] : memref<256x16384xf32, #tpu.memory_space<hbm>> -> memref<1x4096xf32, #tpu.memory_space<hbm>>
    %dma_start3A_200 = tpu.memref_squeeze %dma_start3A_199 : memref<1x4096xf32, #tpu.memory_space<hbm>> -> memref<4096xf32, #tpu.memory_space<hbm>>
    %dma_start3A_201 = arith.constant 8192 : i32
    %dma_start3A_202 = tpu.memref_slice %arg4[%add3A_113, %dma_start3A_201] : memref<256x16384xf32, #tpu.memory_space<hbm>> -> memref<1x4096xf32, #tpu.memory_space<hbm>>
    %dma_start3A_203 = tpu.memref_squeeze %dma_start3A_202 : memref<1x4096xf32, #tpu.memory_space<hbm>> -> memref<4096xf32, #tpu.memory_space<hbm>>
    %dma_start3A_204 = arith.constant 0 : i32
    %dma_start3A_205 = tpu.memref_slice %arg7[%dma_start3A_194, %dma_start3A_204] : memref<2x4096xf32, #tpu.memory_space<vmem>> -> memref<1x4096xf32, #tpu.memory_space<vmem>>
    %dma_start3A_206 = tpu.memref_squeeze %dma_start3A_205 : memref<1x4096xf32, #tpu.memory_space<vmem>> -> memref<4096xf32, #tpu.memory_space<vmem>>
    tpu.enqueue_dma source(%dma_start3A_206 : memref<4096xf32, #tpu.memory_space<vmem>>) target(%dma_start3A_203 : memref<4096xf32, #tpu.memory_space<hbm>>) target_semaphore(%arg8 : memref<!tpu.dma_semaphore, #tpu.memory_space<semaphore_mem>>)
    %parallel_loop3A_207 = arith.constant 0 : i32
    %parallel_loop3A_208 = arith.constant 256 : i32
    %parallel_loop3A_209 = arith.constant 1 : i32
    scf.for %parallel_loop3A_1054 = %parallel_loop3A_207 to %parallel_loop3A_208 step %parallel_loop3A_209  : i32 {
      %parallel_loop3A_1055 = arith.constant 16 : i32
      %parallel_loop3A_1056 = arith.muli %parallel_loop3A_1054, %parallel_loop3A_1055 : i32
      %parallel_loop3A_1057 = arith.constant 12288 : i32
      %parallel_loop3A_1058 = arith.addi %parallel_loop3A_1057, %parallel_loop3A_1056 : i32
      %parallel_loop3A_1059 = arith.index_cast %parallel_loop3A_1058 : i32 to index
      %parallel_loop3A_1060 = tpu.vector_load %arg6[%parallel_loop3A_1059] {strides = array<i32>} : memref<16384xi32, #tpu.memory_space<vmem>>, vector<16xi32>,
      %parallel_loop3A_1061 = tpu.vector_load_idx %arg5[%parallel_loop3A_1060] : memref<100000xf32, #tpu.memory_space<vmem>>[vector<16xi32>], vector<16xf32>,
      %parallel_loop3A_1062 = arith.constant 16 : i32
      %parallel_loop3A_1063 = arith.muli %parallel_loop3A_1054, %parallel_loop3A_1062 : i32
      %parallel_loop3A_1064 = arith.constant 1 : i32
      %parallel_loop3A_1065 = arith.index_cast %parallel_loop3A_1064 : i32 to index
      %parallel_loop3A_1066 = arith.index_cast %parallel_loop3A_1063 : i32 to index
      %parallel_loop3A_1067 = tpu.vector_load %arg7[%parallel_loop3A_1065, %parallel_loop3A_1066] {strides = array<i32>} : memref<2x4096xf32, #tpu.memory_space<vmem>>, vector<16xf32>,
      tpu.vector_store %arg7[%parallel_loop3A_1065, %parallel_loop3A_1066], %parallel_loop3A_1061 {strides = array<i32>} : memref<2x4096xf32, #tpu.memory_space<vmem>>, vector<16xf32>,
    } {sc.loop_unroll_factor = 8 : i64, sc.parallel_access}
    %dma_wait3A_210 = arith.constant 1 : i32
    %dma_wait3A_211 = arith.constant 0 : i32
    %dma_wait3A_212 = tpu.memref_slice %arg7[%dma_wait3A_210, %dma_wait3A_211] : memref<2x4096xf32, #tpu.memory_space<vmem>> -> memref<1x4096xf32, #tpu.memory_space<vmem>>
    %dma_wait3A_213 = tpu.memref_squeeze %dma_wait3A_212 : memref<1x4096xf32, #tpu.memory_space<vmem>> -> memref<4096xf32, #tpu.memory_space<vmem>>
    %dma_wait3A_214 = arith.constant 4096 : i32
    %dma_wait3A_215 = tpu.memref_slice %arg4[%add3A_113, %dma_wait3A_214] : memref<256x16384xf32, #tpu.memory_space<hbm>> -> memref<1x4096xf32, #tpu.memory_space<hbm>>
    %dma_wait3A_216 = tpu.memref_squeeze %dma_wait3A_215 : memref<1x4096xf32, #tpu.memory_space<hbm>> -> memref<4096xf32, #tpu.memory_space<hbm>>
    %dma_wait3A_217 = arith.constant 4096 : i32
    %dma_wait3A_218 = tpu.memref_slice %arg4[%add3A_113, %dma_wait3A_217] : memref<256x16384xf32, #tpu.memory_space<hbm>> -> memref<1x4096xf32, #tpu.memory_space<hbm>>
    %dma_wait3A_219 = tpu.memref_squeeze %dma_wait3A_218 : memref<1x4096xf32, #tpu.memory_space<hbm>> -> memref<4096xf32, #tpu.memory_space<hbm>>
    %dma_wait3A_220 = arith.constant 0 : i32
    %dma_wait3A_221 = tpu.memref_slice %arg7[%dma_wait3A_210, %dma_wait3A_220] : memref<2x4096xf32, #tpu.memory_space<vmem>> -> memref<1x4096xf32, #tpu.memory_space<vmem>>
    %dma_wait3A_222 = tpu.memref_squeeze %dma_wait3A_221 : memref<1x4096xf32, #tpu.memory_space<vmem>> -> memref<4096xf32, #tpu.memory_space<vmem>>
    tpu.wait_dma2 semaphore(%arg9 : memref<!tpu.dma_semaphore, #tpu.memory_space<semaphore_mem>>) src(%dma_wait3A_222 : memref<4096xf32, #tpu.memory_space<vmem>>) dst(%dma_wait3A_219 : memref<4096xf32, #tpu.memory_space<hbm>>)
    %dma_start3A_223 = arith.constant 1 : i32
    %dma_start3A_224 = arith.constant 0 : i32
    %dma_start3A_225 = tpu.memref_slice %arg7[%dma_start3A_223, %dma_start3A_224] : memref<2x4096xf32, #tpu.memory_space<vmem>> -> memref<1x4096xf32, #tpu.memory_space<vmem>>
    %dma_start3A_226 = tpu.memref_squeeze %dma_start3A_225 : memref<1x4096xf32, #tpu.memory_space<vmem>> -> memref<4096xf32, #tpu.memory_space<vmem>>
    %dma_start3A_227 = arith.constant 12288 : i32
    %dma_start3A_228 = tpu.memref_slice %arg4[%add3A_113, %dma_start3A_227] : memref<256x16384xf32, #tpu.memory_space<hbm>> -> memref<1x4096xf32, #tpu.memory_space<hbm>>
    %dma_start3A_229 = tpu.memref_squeeze %dma_start3A_228 : memref<1x4096xf32, #tpu.memory_space<hbm>> -> memref<4096xf32, #tpu.memory_space<hbm>>
    %dma_start3A_230 = arith.constant 12288 : i32
    %dma_start3A_231 = tpu.memref_slice %arg4[%add3A_113, %dma_start3A_230] : memref<256x16384xf32, #tpu.memory_space<hbm>> -> memref<1x4096xf32, #tpu.memory_space<hbm>>
    %dma_start3A_232 = tpu.memref_squeeze %dma_start3A_231 : memref<1x4096xf32, #tpu.memory_space<hbm>> -> memref<4096xf32, #tpu.memory_space<hbm>>
    %dma_start3A_233 = arith.constant 0 : i32
    %dma_start3A_234 = tpu.memref_slice %arg7[%dma_start3A_223, %dma_start3A_233] : memref<2x4096xf32, #tpu.memory_space<vmem>> -> memref<1x4096xf32, #tpu.memory_space<vmem>>
    %dma_start3A_235 = tpu.memref_squeeze %dma_start3A_234 : memref<1x4096xf32, #tpu.memory_space<vmem>> -> memref<4096xf32, #tpu.memory_space<vmem>>
    tpu.enqueue_dma source(%dma_start3A_235 : memref<4096xf32, #tpu.memory_space<vmem>>) target(%dma_start3A_232 : memref<4096xf32, #tpu.memory_space<hbm>>) target_semaphore(%arg9 : memref<!tpu.dma_semaphore, #tpu.memory_space<semaphore_mem>>)
    %add3A_236 = arith.constant 1 : i32
    %add3A_237 = arith.addi %add3A_113, %add3A_236 : i32
    %dma_start3A_238 = arith.constant 0 : i32
    %dma_start3A_239 = tpu.memref_slice %arg2[%add3A_237, %dma_start3A_238] : memref<256x100000xf32, #tpu.memory_space<hbm>> -> memref<1x100000xf32, #tpu.memory_space<hbm>>
    %dma_start3A_240 = tpu.memref_squeeze %dma_start3A_239 : memref<1x100000xf32, #tpu.memory_space<hbm>> -> memref<100000xf32, #tpu.memory_space<hbm>>
    %dma_start3A_241 = arith.constant 0 : i32
    %dma_start3A_242 = tpu.memref_slice %arg2[%add3A_237, %dma_start3A_241] : memref<256x100000xf32, #tpu.memory_space<hbm>> -> memref<1x100000xf32, #tpu.memory_space<hbm>>
    %dma_start3A_243 = tpu.memref_squeeze %dma_start3A_242 : memref<1x100000xf32, #tpu.memory_space<hbm>> -> memref<100000xf32, #tpu.memory_space<hbm>>
    tpu.enqueue_dma source(%dma_start3A_243 : memref<100000xf32, #tpu.memory_space<hbm>>) target(%arg5 : memref<100000xf32, #tpu.memory_space<vmem>>) target_semaphore(%arg10 : memref<!tpu.dma_semaphore, #tpu.memory_space<semaphore_mem>>)
    %add3A_244 = arith.constant 2 : i32
    %add3A_245 = arith.addi %mul3A_2, %add3A_244 : i32
    %dma_wait3A_246 = arith.constant 0 : i32
    %dma_wait3A_247 = tpu.memref_slice %arg2[%add3A_237, %dma_wait3A_246] : memref<256x100000xf32, #tpu.memory_space<hbm>> -> memref<1x100000xf32, #tpu.memory_space<hbm>>
    %dma_wait3A_248 = tpu.memref_squeeze %dma_wait3A_247 : memref<1x100000xf32, #tpu.memory_space<hbm>> -> memref<100000xf32, #tpu.memory_space<hbm>>
    %dma_wait3A_249 = arith.constant 0 : i32
    %dma_wait3A_250 = tpu.memref_slice %arg2[%add3A_237, %dma_wait3A_249] : memref<256x100000xf32, #tpu.memory_space<hbm>> -> memref<1x100000xf32, #tpu.memory_space<hbm>>
    %dma_wait3A_251 = tpu.memref_squeeze %dma_wait3A_250 : memref<1x100000xf32, #tpu.memory_space<hbm>> -> memref<100000xf32, #tpu.memory_space<hbm>>
    tpu.wait_dma2 semaphore(%arg10 : memref<!tpu.dma_semaphore, #tpu.memory_space<semaphore_mem>>) src(%dma_wait3A_251 : memref<100000xf32, #tpu.memory_space<hbm>>) dst(%arg5 : memref<100000xf32, #tpu.memory_space<vmem>>)
    %parallel_loop3A_252 = arith.constant 0 : i32
    %parallel_loop3A_253 = arith.constant 256 : i32
    %parallel_loop3A_254 = arith.constant 1 : i32
    scf.for %parallel_loop3A_1054 = %parallel_loop3A_252 to %parallel_loop3A_253 step %parallel_loop3A_254  : i32 {
      %parallel_loop3A_1055 = arith.constant 16 : i32
      %parallel_loop3A_1056 = arith.muli %parallel_loop3A_1054, %parallel_loop3A_1055 : i32
      %parallel_loop3A_1057 = arith.constant 0 : i32
      %parallel_loop3A_1058 = arith.addi %parallel_loop3A_1057, %parallel_loop3A_1056 : i32
      %parallel_loop3A_1059 = arith.index_cast %parallel_loop3A_1058 : i32 to index
      %parallel_loop3A_1060 = tpu.vector_load %arg6[%parallel_loop3A_1059] {strides = array<i32>} : memref<16384xi32, #tpu.memory_space<vmem>>, vector<16xi32>,
      %parallel_loop3A_1061 = tpu.vector_load_idx %arg5[%parallel_loop3A_1060] : memref<100000xf32, #tpu.memory_space<vmem>>[vector<16xi32>], vector<16xf32>,
      %parallel_loop3A_1062 = arith.constant 16 : i32
      %parallel_loop3A_1063 = arith.muli %parallel_loop3A_1054, %parallel_loop3A_1062 : i32
      %parallel_loop3A_1064 = arith.constant 0 : i32
      %parallel_loop3A_1065 = arith.index_cast %parallel_loop3A_1064 : i32 to index
      %parallel_loop3A_1066 = arith.index_cast %parallel_loop3A_1063 : i32 to index
      %parallel_loop3A_1067 = tpu.vector_load %arg7[%parallel_loop3A_1065, %parallel_loop3A_1066] {strides = array<i32>} : memref<2x4096xf32, #tpu.memory_space<vmem>>, vector<16xf32>,
      tpu.vector_store %arg7[%parallel_loop3A_1065, %parallel_loop3A_1066], %parallel_loop3A_1061 {strides = array<i32>} : memref<2x4096xf32, #tpu.memory_space<vmem>>, vector<16xf32>,
    } {sc.loop_unroll_factor = 8 : i64, sc.parallel_access}
    %dma_wait3A_255 = arith.constant 0 : i32
    %dma_wait3A_256 = arith.constant 0 : i32
    %dma_wait3A_257 = tpu.memref_slice %arg7[%dma_wait3A_255, %dma_wait3A_256] : memref<2x4096xf32, #tpu.memory_space<vmem>> -> memref<1x4096xf32, #tpu.memory_space<vmem>>
    %dma_wait3A_258 = tpu.memref_squeeze %dma_wait3A_257 : memref<1x4096xf32, #tpu.memory_space<vmem>> -> memref<4096xf32, #tpu.memory_space<vmem>>
    %dma_wait3A_259 = arith.constant 8192 : i32
    %dma_wait3A_260 = tpu.memref_slice %arg4[%add3A_113, %dma_wait3A_259] : memref<256x16384xf32, #tpu.memory_space<hbm>> -> memref<1x4096xf32, #tpu.memory_space<hbm>>
    %dma_wait3A_261 = tpu.memref_squeeze %dma_wait3A_260 : memref<1x4096xf32, #tpu.memory_space<hbm>> -> memref<4096xf32, #tpu.memory_space<hbm>>
    %dma_wait3A_262 = arith.constant 8192 : i32
    %dma_wait3A_263 = tpu.memref_slice %arg4[%add3A_113, %dma_wait3A_262] : memref<256x16384xf32, #tpu.memory_space<hbm>> -> memref<1x4096xf32, #tpu.memory_space<hbm>>
    %dma_wait3A_264 = tpu.memref_squeeze %dma_wait3A_263 : memref<1x4096xf32, #tpu.memory_space<hbm>> -> memref<4096xf32, #tpu.memory_space<hbm>>
    %dma_wait3A_265 = arith.constant 0 : i32
    %dma_wait3A_266 = tpu.memref_slice %arg7[%dma_wait3A_255, %dma_wait3A_265] : memref<2x4096xf32, #tpu.memory_space<vmem>> -> memref<1x4096xf32, #tpu.memory_space<vmem>>
    %dma_wait3A_267 = tpu.memref_squeeze %dma_wait3A_266 : memref<1x4096xf32, #tpu.memory_space<vmem>> -> memref<4096xf32, #tpu.memory_space<vmem>>
    tpu.wait_dma2 semaphore(%arg8 : memref<!tpu.dma_semaphore, #tpu.memory_space<semaphore_mem>>) src(%dma_wait3A_267 : memref<4096xf32, #tpu.memory_space<vmem>>) dst(%dma_wait3A_264 : memref<4096xf32, #tpu.memory_space<hbm>>)
    %dma_start3A_268 = arith.constant 0 : i32
    %dma_start3A_269 = arith.constant 0 : i32
    %dma_start3A_270 = tpu.memref_slice %arg7[%dma_start3A_268, %dma_start3A_269] : memref<2x4096xf32, #tpu.memory_space<vmem>> -> memref<1x4096xf32, #tpu.memory_space<vmem>>
    %dma_start3A_271 = tpu.memref_squeeze %dma_start3A_270 : memref<1x4096xf32, #tpu.memory_space<vmem>> -> memref<4096xf32, #tpu.memory_space<vmem>>
    %dma_start3A_272 = arith.constant 0 : i32
    %dma_start3A_273 = tpu.memref_slice %arg4[%add3A_245, %dma_start3A_272] : memref<256x16384xf32, #tpu.memory_space<hbm>> -> memref<1x4096xf32, #tpu.memory_space<hbm>>
    %dma_start3A_274 = tpu.memref_squeeze %dma_start3A_273 : memref<1x4096xf32, #tpu.memory_space<hbm>> -> memref<4096xf32, #tpu.memory_space<hbm>>
    %dma_start3A_275 = arith.constant 0 : i32
    %dma_start3A_276 = tpu.memref_slice %arg4[%add3A_245, %dma_start3A_275] : memref<256x16384xf32, #tpu.memory_space<hbm>> -> memref<1x4096xf32, #tpu.memory_space<hbm>>
    %dma_start3A_277 = tpu.memref_squeeze %dma_start3A_276 : memref<1x4096xf32, #tpu.memory_space<hbm>> -> memref<4096xf32, #tpu.memory_space<hbm>>
    %dma_start3A_278 = arith.constant 0 : i32
    %dma_start3A_279 = tpu.memref_slice %arg7[%dma_start3A_268, %dma_start3A_278] : memref<2x4096xf32, #tpu.memory_space<vmem>> -> memref<1x4096xf32, #tpu.memory_space<vmem>>
    %dma_start3A_280 = tpu.memref_squeeze %dma_start3A_279 : memref<1x4096xf32, #tpu.memory_space<vmem>> -> memref<4096xf32, #tpu.memory_space<vmem>>
    tpu.enqueue_dma source(%dma_start3A_280 : memref<4096xf32, #tpu.memory_space<vmem>>) target(%dma_start3A_277 : memref<4096xf32, #tpu.memory_space<hbm>>) target_semaphore(%arg8 : memref<!tpu.dma_semaphore, #tpu.memory_space<semaphore_mem>>)
    %parallel_loop3A_281 = arith.constant 0 : i32
    %parallel_loop3A_282 = arith.constant 256 : i32
    %parallel_loop3A_283 = arith.constant 1 : i32
    scf.for %parallel_loop3A_1054 = %parallel_loop3A_281 to %parallel_loop3A_282 step %parallel_loop3A_283  : i32 {
      %parallel_loop3A_1055 = arith.constant 16 : i32
      %parallel_loop3A_1056 = arith.muli %parallel_loop3A_1054, %parallel_loop3A_1055 : i32
      %parallel_loop3A_1057 = arith.constant 4096 : i32
      %parallel_loop3A_1058 = arith.addi %parallel_loop3A_1057, %parallel_loop3A_1056 : i32
      %parallel_loop3A_1059 = arith.index_cast %parallel_loop3A_1058 : i32 to index
      %parallel_loop3A_1060 = tpu.vector_load %arg6[%parallel_loop3A_1059] {strides = array<i32>} : memref<16384xi32, #tpu.memory_space<vmem>>, vector<16xi32>,
      %parallel_loop3A_1061 = tpu.vector_load_idx %arg5[%parallel_loop3A_1060] : memref<100000xf32, #tpu.memory_space<vmem>>[vector<16xi32>], vector<16xf32>,
      %parallel_loop3A_1062 = arith.constant 16 : i32
      %parallel_loop3A_1063 = arith.muli %parallel_loop3A_1054, %parallel_loop3A_1062 : i32
      %parallel_loop3A_1064 = arith.constant 1 : i32
      %parallel_loop3A_1065 = arith.index_cast %parallel_loop3A_1064 : i32 to index
      %parallel_loop3A_1066 = arith.index_cast %parallel_loop3A_1063 : i32 to index
      %parallel_loop3A_1067 = tpu.vector_load %arg7[%parallel_loop3A_1065, %parallel_loop3A_1066] {strides = array<i32>} : memref<2x4096xf32, #tpu.memory_space<vmem>>, vector<16xf32>,
      tpu.vector_store %arg7[%parallel_loop3A_1065, %parallel_loop3A_1066], %parallel_loop3A_1061 {strides = array<i32>} : memref<2x4096xf32, #tpu.memory_space<vmem>>, vector<16xf32>,
    } {sc.loop_unroll_factor = 8 : i64, sc.parallel_access}
    %dma_wait3A_284 = arith.constant 1 : i32
    %dma_wait3A_285 = arith.constant 0 : i32
    %dma_wait3A_286 = tpu.memref_slice %arg7[%dma_wait3A_284, %dma_wait3A_285] : memref<2x4096xf32, #tpu.memory_space<vmem>> -> memref<1x4096xf32, #tpu.memory_space<vmem>>
    %dma_wait3A_287 = tpu.memref_squeeze %dma_wait3A_286 : memref<1x4096xf32, #tpu.memory_space<vmem>> -> memref<4096xf32, #tpu.memory_space<vmem>>
    %dma_wait3A_288 = arith.constant 12288 : i32
    %dma_wait3A_289 = tpu.memref_slice %arg4[%add3A_113, %dma_wait3A_288] : memref<256x16384xf32, #tpu.memory_space<hbm>> -> memref<1x4096xf32, #tpu.memory_space<hbm>>
    %dma_wait3A_290 = tpu.memref_squeeze %dma_wait3A_289 : memref<1x4096xf32, #tpu.memory_space<hbm>> -> memref<4096xf32, #tpu.memory_space<hbm>>
    %dma_wait3A_291 = arith.constant 12288 : i32
    %dma_wait3A_292 = tpu.memref_slice %arg4[%add3A_113, %dma_wait3A_291] : memref<256x16384xf32, #tpu.memory_space<hbm>> -> memref<1x4096xf32, #tpu.memory_space<hbm>>
    %dma_wait3A_293 = tpu.memref_squeeze %dma_wait3A_292 : memref<1x4096xf32, #tpu.memory_space<hbm>> -> memref<4096xf32, #tpu.memory_space<hbm>>
    %dma_wait3A_294 = arith.constant 0 : i32
    %dma_wait3A_295 = tpu.memref_slice %arg7[%dma_wait3A_284, %dma_wait3A_294] : memref<2x4096xf32, #tpu.memory_space<vmem>> -> memref<1x4096xf32, #tpu.memory_space<vmem>>
    %dma_wait3A_296 = tpu.memref_squeeze %dma_wait3A_295 : memref<1x4096xf32, #tpu.memory_space<vmem>> -> memref<4096xf32, #tpu.memory_space<vmem>>
    tpu.wait_dma2 semaphore(%arg9 : memref<!tpu.dma_semaphore, #tpu.memory_space<semaphore_mem>>) src(%dma_wait3A_296 : memref<4096xf32, #tpu.memory_space<vmem>>) dst(%dma_wait3A_293 : memref<4096xf32, #tpu.memory_space<hbm>>)
    %dma_start3A_297 = arith.constant 1 : i32
    %dma_start3A_298 = arith.constant 0 : i32
    %dma_start3A_299 = tpu.memref_slice %arg7[%dma_start3A_297, %dma_start3A_298] : memref<2x4096xf32, #tpu.memory_space<vmem>> -> memref<1x4096xf32, #tpu.memory_space<vmem>>
    %dma_start3A_300 = tpu.memref_squeeze %dma_start3A_299 : memref<1x4096xf32, #tpu.memory_space<vmem>> -> memref<4096xf32, #tpu.memory_space<vmem>>
    %dma_start3A_301 = arith.constant 4096 : i32
    %dma_start3A_302 = tpu.memref_slice %arg4[%add3A_245, %dma_start3A_301] : memref<256x16384xf32, #tpu.memory_space<hbm>> -> memref<1x4096xf32, #tpu.memory_space<hbm>>
    %dma_start3A_303 = tpu.memref_squeeze %dma_start3A_302 : memref<1x4096xf32, #tpu.memory_space<hbm>> -> memref<4096xf32, #tpu.memory_space<hbm>>
    %dma_start3A_304 = arith.constant 4096 : i32
    %dma_start3A_305 = tpu.memref_slice %arg4[%add3A_245, %dma_start3A_304] : memref<256x16384xf32, #tpu.memory_space<hbm>> -> memref<1x4096xf32, #tpu.memory_space<hbm>>
    %dma_start3A_306 = tpu.memref_squeeze %dma_start3A_305 : memref<1x4096xf32, #tpu.memory_space<hbm>> -> memref<4096xf32, #tpu.memory_space<hbm>>
    %dma_start3A_307 = arith.constant 0 : i32
    %dma_start3A_308 = tpu.memref_slice %arg7[%dma_start3A_297, %dma_start3A_307] : memref<2x4096xf32, #tpu.memory_space<vmem>> -> memref<1x4096xf32, #tpu.memory_space<vmem>>
    %dma_start3A_309 = tpu.memref_squeeze %dma_start3A_308 : memref<1x4096xf32, #tpu.memory_space<vmem>> -> memref<4096xf32, #tpu.memory_space<vmem>>
    tpu.enqueue_dma source(%dma_start3A_309 : memref<4096xf32, #tpu.memory_space<vmem>>) target(%dma_start3A_306 : memref<4096xf32, #tpu.memory_space<hbm>>) target_semaphore(%arg9 : memref<!tpu.dma_semaphore, #tpu.memory_space<semaphore_mem>>)
    %parallel_loop3A_310 = arith.constant 0 : i32
    %parallel_loop3A_311 = arith.constant 256 : i32
    %parallel_loop3A_312 = arith.constant 1 : i32
    scf.for %parallel_loop3A_1054 = %parallel_loop3A_310 to %parallel_loop3A_311 step %parallel_loop3A_312  : i32 {
      %parallel_loop3A_1055 = arith.constant 16 : i32
      %parallel_loop3A_1056 = arith.muli %parallel_loop3A_1054, %parallel_loop3A_1055 : i32
      %parallel_loop3A_1057 = arith.constant 8192 : i32
      %parallel_loop3A_1058 = arith.addi %parallel_loop3A_1057, %parallel_loop3A_1056 : i32
      %parallel_loop3A_1059 = arith.index_cast %parallel_loop3A_1058 : i32 to index
      %parallel_loop3A_1060 = tpu.vector_load %arg6[%parallel_loop3A_1059] {strides = array<i32>} : memref<16384xi32, #tpu.memory_space<vmem>>, vector<16xi32>,
      %parallel_loop3A_1061 = tpu.vector_load_idx %arg5[%parallel_loop3A_1060] : memref<100000xf32, #tpu.memory_space<vmem>>[vector<16xi32>], vector<16xf32>,
      %parallel_loop3A_1062 = arith.constant 16 : i32
      %parallel_loop3A_1063 = arith.muli %parallel_loop3A_1054, %parallel_loop3A_1062 : i32
      %parallel_loop3A_1064 = arith.constant 0 : i32
      %parallel_loop3A_1065 = arith.index_cast %parallel_loop3A_1064 : i32 to index
      %parallel_loop3A_1066 = arith.index_cast %parallel_loop3A_1063 : i32 to index
      %parallel_loop3A_1067 = tpu.vector_load %arg7[%parallel_loop3A_1065, %parallel_loop3A_1066] {strides = array<i32>} : memref<2x4096xf32, #tpu.memory_space<vmem>>, vector<16xf32>,
      tpu.vector_store %arg7[%parallel_loop3A_1065, %parallel_loop3A_1066], %parallel_loop3A_1061 {strides = array<i32>} : memref<2x4096xf32, #tpu.memory_space<vmem>>, vector<16xf32>,
    } {sc.loop_unroll_factor = 8 : i64, sc.parallel_access}
    %dma_wait3A_313 = arith.constant 0 : i32
    %dma_wait3A_314 = arith.constant 0 : i32
    %dma_wait3A_315 = tpu.memref_slice %arg7[%dma_wait3A_313, %dma_wait3A_314] : memref<2x4096xf32, #tpu.memory_space<vmem>> -> memref<1x4096xf32, #tpu.memory_space<vmem>>
    %dma_wait3A_316 = tpu.memref_squeeze %dma_wait3A_315 : memref<1x4096xf32, #tpu.memory_space<vmem>> -> memref<4096xf32, #tpu.memory_space<vmem>>
    %dma_wait3A_317 = arith.constant 0 : i32
    %dma_wait3A_318 = tpu.memref_slice %arg4[%add3A_245, %dma_wait3A_317] : memref<256x16384xf32, #tpu.memory_space<hbm>> -> memref<1x4096xf32, #tpu.memory_space<hbm>>
    %dma_wait3A_319 = tpu.memref_squeeze %dma_wait3A_318 : memref<1x4096xf32, #tpu.memory_space<hbm>> -> memref<4096xf32, #tpu.memory_space<hbm>>
    %dma_wait3A_320 = arith.constant 0 : i32
    %dma_wait3A_321 = tpu.memref_slice %arg4[%add3A_245, %dma_wait3A_320] : memref<256x16384xf32, #tpu.memory_space<hbm>> -> memref<1x4096xf32, #tpu.memory_space<hbm>>
    %dma_wait3A_322 = tpu.memref_squeeze %dma_wait3A_321 : memref<1x4096xf32, #tpu.memory_space<hbm>> -> memref<4096xf32, #tpu.memory_space<hbm>>
    %dma_wait3A_323 = arith.constant 0 : i32
    %dma_wait3A_324 = tpu.memref_slice %arg7[%dma_wait3A_313, %dma_wait3A_323] : memref<2x4096xf32, #tpu.memory_space<vmem>> -> memref<1x4096xf32, #tpu.memory_space<vmem>>
    %dma_wait3A_325 = tpu.memref_squeeze %dma_wait3A_324 : memref<1x4096xf32, #tpu.memory_space<vmem>> -> memref<4096xf32, #tpu.memory_space<vmem>>
    tpu.wait_dma2 semaphore(%arg8 : memref<!tpu.dma_semaphore, #tpu.memory_space<semaphore_mem>>) src(%dma_wait3A_325 : memref<4096xf32, #tpu.memory_space<vmem>>) dst(%dma_wait3A_322 : memref<4096xf32, #tpu.memory_space<hbm>>)
    %dma_start3A_326 = arith.constant 0 : i32
    %dma_start3A_327 = arith.constant 0 : i32
    %dma_start3A_328 = tpu.memref_slice %arg7[%dma_start3A_326, %dma_start3A_327] : memref<2x4096xf32, #tpu.memory_space<vmem>> -> memref<1x4096xf32, #tpu.memory_space<vmem>>
    %dma_start3A_329 = tpu.memref_squeeze %dma_start3A_328 : memref<1x4096xf32, #tpu.memory_space<vmem>> -> memref<4096xf32, #tpu.memory_space<vmem>>
    %dma_start3A_330 = arith.constant 8192 : i32
    %dma_start3A_331 = tpu.memref_slice %arg4[%add3A_245, %dma_start3A_330] : memref<256x16384xf32, #tpu.memory_space<hbm>> -> memref<1x4096xf32, #tpu.memory_space<hbm>>
    %dma_start3A_332 = tpu.memref_squeeze %dma_start3A_331 : memref<1x4096xf32, #tpu.memory_space<hbm>> -> memref<4096xf32, #tpu.memory_space<hbm>>
    %dma_start3A_333 = arith.constant 8192 : i32
    %dma_start3A_334 = tpu.memref_slice %arg4[%add3A_245, %dma_start3A_333] : memref<256x16384xf32, #tpu.memory_space<hbm>> -> memref<1x4096xf32, #tpu.memory_space<hbm>>
    %dma_start3A_335 = tpu.memref_squeeze %dma_start3A_334 : memref<1x4096xf32, #tpu.memory_space<hbm>> -> memref<4096xf32, #tpu.memory_space<hbm>>
    %dma_start3A_336 = arith.constant 0 : i32
    %dma_start3A_337 = tpu.memref_slice %arg7[%dma_start3A_326, %dma_start3A_336] : memref<2x4096xf32, #tpu.memory_space<vmem>> -> memref<1x4096xf32, #tpu.memory_space<vmem>>
    %dma_start3A_338 = tpu.memref_squeeze %dma_start3A_337 : memref<1x4096xf32, #tpu.memory_space<vmem>> -> memref<4096xf32, #tpu.memory_space<vmem>>
    tpu.enqueue_dma source(%dma_start3A_338 : memref<4096xf32, #tpu.memory_space<vmem>>) target(%dma_start3A_335 : memref<4096xf32, #tpu.memory_space<hbm>>) target_semaphore(%arg8 : memref<!tpu.dma_semaphore, #tpu.memory_space<semaphore_mem>>)
    %parallel_loop3A_339 = arith.constant 0 : i32
    %parallel_loop3A_340 = arith.constant 256 : i32
    %parallel_loop3A_341 = arith.constant 1 : i32
    scf.for %parallel_loop3A_1054 = %parallel_loop3A_339 to %parallel_loop3A_340 step %parallel_loop3A_341  : i32 {
      %parallel_loop3A_1055 = arith.constant 16 : i32
      %parallel_loop3A_1056 = arith.muli %parallel_loop3A_1054, %parallel_loop3A_1055 : i32
      %parallel_loop3A_1057 = arith.constant 12288 : i32
      %parallel_loop3A_1058 = arith.addi %parallel_loop3A_1057, %parallel_loop3A_1056 : i32
      %parallel_loop3A_1059 = arith.index_cast %parallel_loop3A_1058 : i32 to index
      %parallel_loop3A_1060 = tpu.vector_load %arg6[%parallel_loop3A_1059] {strides = array<i32>} : memref<16384xi32, #tpu.memory_space<vmem>>, vector<16xi32>,
      %parallel_loop3A_1061 = tpu.vector_load_idx %arg5[%parallel_loop3A_1060] : memref<100000xf32, #tpu.memory_space<vmem>>[vector<16xi32>], vector<16xf32>,
      %parallel_loop3A_1062 = arith.constant 16 : i32
      %parallel_loop3A_1063 = arith.muli %parallel_loop3A_1054, %parallel_loop3A_1062 : i32
      %parallel_loop3A_1064 = arith.constant 1 : i32
      %parallel_loop3A_1065 = arith.index_cast %parallel_loop3A_1064 : i32 to index
      %parallel_loop3A_1066 = arith.index_cast %parallel_loop3A_1063 : i32 to index
      %parallel_loop3A_1067 = tpu.vector_load %arg7[%parallel_loop3A_1065, %parallel_loop3A_1066] {strides = array<i32>} : memref<2x4096xf32, #tpu.memory_space<vmem>>, vector<16xf32>,
      tpu.vector_store %arg7[%parallel_loop3A_1065, %parallel_loop3A_1066], %parallel_loop3A_1061 {strides = array<i32>} : memref<2x4096xf32, #tpu.memory_space<vmem>>, vector<16xf32>,
    } {sc.loop_unroll_factor = 8 : i64, sc.parallel_access}
    %dma_wait3A_342 = arith.constant 1 : i32
    %dma_wait3A_343 = arith.constant 0 : i32
    %dma_wait3A_344 = tpu.memref_slice %arg7[%dma_wait3A_342, %dma_wait3A_343] : memref<2x4096xf32, #tpu.memory_space<vmem>> -> memref<1x4096xf32, #tpu.memory_space<vmem>>
    %dma_wait3A_345 = tpu.memref_squeeze %dma_wait3A_344 : memref<1x4096xf32, #tpu.memory_space<vmem>> -> memref<4096xf32, #tpu.memory_space<vmem>>
    %dma_wait3A_346 = arith.constant 4096 : i32
    %dma_wait3A_347 = tpu.memref_slice %arg4[%add3A_245, %dma_wait3A_346] : memref<256x16384xf32, #tpu.memory_space<hbm>> -> memref<1x4096xf32, #tpu.memory_space<hbm>>
    %dma_wait3A_348 = tpu.memref_squeeze %dma_wait3A_347 : memref<1x4096xf32, #tpu.memory_space<hbm>> -> memref<4096xf32, #tpu.memory_space<hbm>>
    %dma_wait3A_349 = arith.constant 4096 : i32
    %dma_wait3A_350 = tpu.memref_slice %arg4[%add3A_245, %dma_wait3A_349] : memref<256x16384xf32, #tpu.memory_space<hbm>> -> memref<1x4096xf32, #tpu.memory_space<hbm>>
    %dma_wait3A_351 = tpu.memref_squeeze %dma_wait3A_350 : memref<1x4096xf32, #tpu.memory_space<hbm>> -> memref<4096xf32, #tpu.memory_space<hbm>>
    %dma_wait3A_352 = arith.constant 0 : i32
    %dma_wait3A_353 = tpu.memref_slice %arg7[%dma_wait3A_342, %dma_wait3A_352] : memref<2x4096xf32, #tpu.memory_space<vmem>> -> memref<1x4096xf32, #tpu.memory_space<vmem>>
    %dma_wait3A_354 = tpu.memref_squeeze %dma_wait3A_353 : memref<1x4096xf32, #tpu.memory_space<vmem>> -> memref<4096xf32, #tpu.memory_space<vmem>>
    tpu.wait_dma2 semaphore(%arg9 : memref<!tpu.dma_semaphore, #tpu.memory_space<semaphore_mem>>) src(%dma_wait3A_354 : memref<4096xf32, #tpu.memory_space<vmem>>) dst(%dma_wait3A_351 : memref<4096xf32, #tpu.memory_space<hbm>>)
    %dma_start3A_355 = arith.constant 1 : i32
    %dma_start3A_356 = arith.constant 0 : i32
    %dma_start3A_357 = tpu.memref_slice %arg7[%dma_start3A_355, %dma_start3A_356] : memref<2x4096xf32, #tpu.memory_space<vmem>> -> memref<1x4096xf32, #tpu.memory_space<vmem>>
    %dma_start3A_358 = tpu.memref_squeeze %dma_start3A_357 : memref<1x4096xf32, #tpu.memory_space<vmem>> -> memref<4096xf32, #tpu.memory_space<vmem>>
    %dma_start3A_359 = arith.constant 12288 : i32
    %dma_start3A_360 = tpu.memref_slice %arg4[%add3A_245, %dma_start3A_359] : memref<256x16384xf32, #tpu.memory_space<hbm>> -> memref<1x4096xf32, #tpu.memory_space<hbm>>
    %dma_start3A_361 = tpu.memref_squeeze %dma_start3A_360 : memref<1x4096xf32, #tpu.memory_space<hbm>> -> memref<4096xf32, #tpu.memory_space<hbm>>
    %dma_start3A_362 = arith.constant 12288 : i32
    %dma_start3A_363 = tpu.memref_slice %arg4[%add3A_245, %dma_start3A_362] : memref<256x16384xf32, #tpu.memory_space<hbm>> -> memref<1x4096xf32, #tpu.memory_space<hbm>>
    %dma_start3A_364 = tpu.memref_squeeze %dma_start3A_363 : memref<1x4096xf32, #tpu.memory_space<hbm>> -> memref<4096xf32, #tpu.memory_space<hbm>>
    %dma_start3A_365 = arith.constant 0 : i32
    %dma_start3A_366 = tpu.memref_slice %arg7[%dma_start3A_355, %dma_start3A_365] : memref<2x4096xf32, #tpu.memory_space<vmem>> -> memref<1x4096xf32, #tpu.memory_space<vmem>>
    %dma_start3A_367 = tpu.memref_squeeze %dma_start3A_366 : memref<1x4096xf32, #tpu.memory_space<vmem>> -> memref<4096xf32, #tpu.memory_space<vmem>>
    tpu.enqueue_dma source(%dma_start3A_367 : memref<4096xf32, #tpu.memory_space<vmem>>) target(%dma_start3A_364 : memref<4096xf32, #tpu.memory_space<hbm>>) target_semaphore(%arg9 : memref<!tpu.dma_semaphore, #tpu.memory_space<semaphore_mem>>)
    %add3A_368 = arith.constant 1 : i32
    %add3A_369 = arith.addi %add3A_245, %add3A_368 : i32
    %dma_start3A_370 = arith.constant 0 : i32
    %dma_start3A_371 = tpu.memref_slice %arg2[%add3A_369, %dma_start3A_370] : memref<256x100000xf32, #tpu.memory_space<hbm>> -> memref<1x100000xf32, #tpu.memory_space<hbm>>
    %dma_start3A_372 = tpu.memref_squeeze %dma_start3A_371 : memref<1x100000xf32, #tpu.memory_space<hbm>> -> memref<100000xf32, #tpu.memory_space<hbm>>
    %dma_start3A_373 = arith.constant 0 : i32
    %dma_start3A_374 = tpu.memref_slice %arg2[%add3A_369, %dma_start3A_373] : memref<256x100000xf32, #tpu.memory_space<hbm>> -> memref<1x100000xf32, #tpu.memory_space<hbm>>
    %dma_start3A_375 = tpu.memref_squeeze %dma_start3A_374 : memref<1x100000xf32, #tpu.memory_space<hbm>> -> memref<100000xf32, #tpu.memory_space<hbm>>
    tpu.enqueue_dma source(%dma_start3A_375 : memref<100000xf32, #tpu.memory_space<hbm>>) target(%arg5 : memref<100000xf32, #tpu.memory_space<vmem>>) target_semaphore(%arg11 : memref<!tpu.dma_semaphore, #tpu.memory_space<semaphore_mem>>)
    %add3A_376 = arith.constant 3 : i32
    %add3A_377 = arith.addi %mul3A_2, %add3A_376 : i32
    %dma_wait3A_378 = arith.constant 0 : i32
    %dma_wait3A_379 = tpu.memref_slice %arg2[%add3A_369, %dma_wait3A_378] : memref<256x100000xf32, #tpu.memory_space<hbm>> -> memref<1x100000xf32, #tpu.memory_space<hbm>>
    %dma_wait3A_380 = tpu.memref_squeeze %dma_wait3A_379 : memref<1x100000xf32, #tpu.memory_space<hbm>> -> memref<100000xf32, #tpu.memory_space<hbm>>
    %dma_wait3A_381 = arith.constant 0 : i32
    %dma_wait3A_382 = tpu.memref_slice %arg2[%add3A_369, %dma_wait3A_381] : memref<256x100000xf32, #tpu.memory_space<hbm>> -> memref<1x100000xf32, #tpu.memory_space<hbm>>
    %dma_wait3A_383 = tpu.memref_squeeze %dma_wait3A_382 : memref<1x100000xf32, #tpu.memory_space<hbm>> -> memref<100000xf32, #tpu.memory_space<hbm>>
    tpu.wait_dma2 semaphore(%arg11 : memref<!tpu.dma_semaphore, #tpu.memory_space<semaphore_mem>>) src(%dma_wait3A_383 : memref<100000xf32, #tpu.memory_space<hbm>>) dst(%arg5 : memref<100000xf32, #tpu.memory_space<vmem>>)
    %parallel_loop3A_384 = arith.constant 0 : i32
    %parallel_loop3A_385 = arith.constant 256 : i32
    %parallel_loop3A_386 = arith.constant 1 : i32
    scf.for %parallel_loop3A_1054 = %parallel_loop3A_384 to %parallel_loop3A_385 step %parallel_loop3A_386  : i32 {
      %parallel_loop3A_1055 = arith.constant 16 : i32
      %parallel_loop3A_1056 = arith.muli %parallel_loop3A_1054, %parallel_loop3A_1055 : i32
      %parallel_loop3A_1057 = arith.constant 0 : i32
      %parallel_loop3A_1058 = arith.addi %parallel_loop3A_1057, %parallel_loop3A_1056 : i32
      %parallel_loop3A_1059 = arith.index_cast %parallel_loop3A_1058 : i32 to index
      %parallel_loop3A_1060 = tpu.vector_load %arg6[%parallel_loop3A_1059] {strides = array<i32>} : memref<16384xi32, #tpu.memory_space<vmem>>, vector<16xi32>,
      %parallel_loop3A_1061 = tpu.vector_load_idx %arg5[%parallel_loop3A_1060] : memref<100000xf32, #tpu.memory_space<vmem>>[vector<16xi32>], vector<16xf32>,
      %parallel_loop3A_1062 = arith.constant 16 : i32
      %parallel_loop3A_1063 = arith.muli %parallel_loop3A_1054, %parallel_loop3A_1062 : i32
      %parallel_loop3A_1064 = arith.constant 0 : i32
      %parallel_loop3A_1065 = arith.index_cast %parallel_loop3A_1064 : i32 to index
      %parallel_loop3A_1066 = arith.index_cast %parallel_loop3A_1063 : i32 to index
      %parallel_loop3A_1067 = tpu.vector_load %arg7[%parallel_loop3A_1065, %parallel_loop3A_1066] {strides = array<i32>} : memref<2x4096xf32, #tpu.memory_space<vmem>>, vector<16xf32>,
      tpu.vector_store %arg7[%parallel_loop3A_1065, %parallel_loop3A_1066], %parallel_loop3A_1061 {strides = array<i32>} : memref<2x4096xf32, #tpu.memory_space<vmem>>, vector<16xf32>,
    } {sc.loop_unroll_factor = 8 : i64, sc.parallel_access}
    %dma_wait3A_387 = arith.constant 0 : i32
    %dma_wait3A_388 = arith.constant 0 : i32
    %dma_wait3A_389 = tpu.memref_slice %arg7[%dma_wait3A_387, %dma_wait3A_388] : memref<2x4096xf32, #tpu.memory_space<vmem>> -> memref<1x4096xf32, #tpu.memory_space<vmem>>
    %dma_wait3A_390 = tpu.memref_squeeze %dma_wait3A_389 : memref<1x4096xf32, #tpu.memory_space<vmem>> -> memref<4096xf32, #tpu.memory_space<vmem>>
    %dma_wait3A_391 = arith.constant 8192 : i32
    %dma_wait3A_392 = tpu.memref_slice %arg4[%add3A_245, %dma_wait3A_391] : memref<256x16384xf32, #tpu.memory_space<hbm>> -> memref<1x4096xf32, #tpu.memory_space<hbm>>
    %dma_wait3A_393 = tpu.memref_squeeze %dma_wait3A_392 : memref<1x4096xf32, #tpu.memory_space<hbm>> -> memref<4096xf32, #tpu.memory_space<hbm>>
    %dma_wait3A_394 = arith.constant 8192 : i32
    %dma_wait3A_395 = tpu.memref_slice %arg4[%add3A_245, %dma_wait3A_394] : memref<256x16384xf32, #tpu.memory_space<hbm>> -> memref<1x4096xf32, #tpu.memory_space<hbm>>
    %dma_wait3A_396 = tpu.memref_squeeze %dma_wait3A_395 : memref<1x4096xf32, #tpu.memory_space<hbm>> -> memref<4096xf32, #tpu.memory_space<hbm>>
    %dma_wait3A_397 = arith.constant 0 : i32
    %dma_wait3A_398 = tpu.memref_slice %arg7[%dma_wait3A_387, %dma_wait3A_397] : memref<2x4096xf32, #tpu.memory_space<vmem>> -> memref<1x4096xf32, #tpu.memory_space<vmem>>
    %dma_wait3A_399 = tpu.memref_squeeze %dma_wait3A_398 : memref<1x4096xf32, #tpu.memory_space<vmem>> -> memref<4096xf32, #tpu.memory_space<vmem>>
    tpu.wait_dma2 semaphore(%arg8 : memref<!tpu.dma_semaphore, #tpu.memory_space<semaphore_mem>>) src(%dma_wait3A_399 : memref<4096xf32, #tpu.memory_space<vmem>>) dst(%dma_wait3A_396 : memref<4096xf32, #tpu.memory_space<hbm>>)
    %dma_start3A_400 = arith.constant 0 : i32
    %dma_start3A_401 = arith.constant 0 : i32
    %dma_start3A_402 = tpu.memref_slice %arg7[%dma_start3A_400, %dma_start3A_401] : memref<2x4096xf32, #tpu.memory_space<vmem>> -> memref<1x4096xf32, #tpu.memory_space<vmem>>
    %dma_start3A_403 = tpu.memref_squeeze %dma_start3A_402 : memref<1x4096xf32, #tpu.memory_space<vmem>> -> memref<4096xf32, #tpu.memory_space<vmem>>
    %dma_start3A_404 = arith.constant 0 : i32
    %dma_start3A_405 = tpu.memref_slice %arg4[%add3A_377, %dma_start3A_404] : memref<256x16384xf32, #tpu.memory_space<hbm>> -> memref<1x4096xf32, #tpu.memory_space<hbm>>
    %dma_start3A_406 = tpu.memref_squeeze %dma_start3A_405 : memref<1x4096xf32, #tpu.memory_space<hbm>> -> memref<4096xf32, #tpu.memory_space<hbm>>
    %dma_start3A_407 = arith.constant 0 : i32
    %dma_start3A_408 = tpu.memref_slice %arg4[%add3A_377, %dma_start3A_407] : memref<256x16384xf32, #tpu.memory_space<hbm>> -> memref<1x4096xf32, #tpu.memory_space<hbm>>
    %dma_start3A_409 = tpu.memref_squeeze %dma_start3A_408 : memref<1x4096xf32, #tpu.memory_space<hbm>> -> memref<4096xf32, #tpu.memory_space<hbm>>
    %dma_start3A_410 = arith.constant 0 : i32
    %dma_start3A_411 = tpu.memref_slice %arg7[%dma_start3A_400, %dma_start3A_410] : memref<2x4096xf32, #tpu.memory_space<vmem>> -> memref<1x4096xf32, #tpu.memory_space<vmem>>
    %dma_start3A_412 = tpu.memref_squeeze %dma_start3A_411 : memref<1x4096xf32, #tpu.memory_space<vmem>> -> memref<4096xf32, #tpu.memory_space<vmem>>
    tpu.enqueue_dma source(%dma_start3A_412 : memref<4096xf32, #tpu.memory_space<vmem>>) target(%dma_start3A_409 : memref<4096xf32, #tpu.memory_space<hbm>>) target_semaphore(%arg8 : memref<!tpu.dma_semaphore, #tpu.memory_space<semaphore_mem>>)
    %parallel_loop3A_413 = arith.constant 0 : i32
    %parallel_loop3A_414 = arith.constant 256 : i32
    %parallel_loop3A_415 = arith.constant 1 : i32
    scf.for %parallel_loop3A_1054 = %parallel_loop3A_413 to %parallel_loop3A_414 step %parallel_loop3A_415  : i32 {
      %parallel_loop3A_1055 = arith.constant 16 : i32
      %parallel_loop3A_1056 = arith.muli %parallel_loop3A_1054, %parallel_loop3A_1055 : i32
      %parallel_loop3A_1057 = arith.constant 4096 : i32
      %parallel_loop3A_1058 = arith.addi %parallel_loop3A_1057, %parallel_loop3A_1056 : i32
      %parallel_loop3A_1059 = arith.index_cast %parallel_loop3A_1058 : i32 to index
      %parallel_loop3A_1060 = tpu.vector_load %arg6[%parallel_loop3A_1059] {strides = array<i32>} : memref<16384xi32, #tpu.memory_space<vmem>>, vector<16xi32>,
      %parallel_loop3A_1061 = tpu.vector_load_idx %arg5[%parallel_loop3A_1060] : memref<100000xf32, #tpu.memory_space<vmem>>[vector<16xi32>], vector<16xf32>,
      %parallel_loop3A_1062 = arith.constant 16 : i32
      %parallel_loop3A_1063 = arith.muli %parallel_loop3A_1054, %parallel_loop3A_1062 : i32
      %parallel_loop3A_1064 = arith.constant 1 : i32
      %parallel_loop3A_1065 = arith.index_cast %parallel_loop3A_1064 : i32 to index
      %parallel_loop3A_1066 = arith.index_cast %parallel_loop3A_1063 : i32 to index
      %parallel_loop3A_1067 = tpu.vector_load %arg7[%parallel_loop3A_1065, %parallel_loop3A_1066] {strides = array<i32>} : memref<2x4096xf32, #tpu.memory_space<vmem>>, vector<16xf32>,
      tpu.vector_store %arg7[%parallel_loop3A_1065, %parallel_loop3A_1066], %parallel_loop3A_1061 {strides = array<i32>} : memref<2x4096xf32, #tpu.memory_space<vmem>>, vector<16xf32>,
    } {sc.loop_unroll_factor = 8 : i64, sc.parallel_access}
    %dma_wait3A_416 = arith.constant 1 : i32
    %dma_wait3A_417 = arith.constant 0 : i32
    %dma_wait3A_418 = tpu.memref_slice %arg7[%dma_wait3A_416, %dma_wait3A_417] : memref<2x4096xf32, #tpu.memory_space<vmem>> -> memref<1x4096xf32, #tpu.memory_space<vmem>>
    %dma_wait3A_419 = tpu.memref_squeeze %dma_wait3A_418 : memref<1x4096xf32, #tpu.memory_space<vmem>> -> memref<4096xf32, #tpu.memory_space<vmem>>
    %dma_wait3A_420 = arith.constant 12288 : i32
    %dma_wait3A_421 = tpu.memref_slice %arg4[%add3A_245, %dma_wait3A_420] : memref<256x16384xf32, #tpu.memory_space<hbm>> -> memref<1x4096xf32, #tpu.memory_space<hbm>>
    %dma_wait3A_422 = tpu.memref_squeeze %dma_wait3A_421 : memref<1x4096xf32, #tpu.memory_space<hbm>> -> memref<4096xf32, #tpu.memory_space<hbm>>
    %dma_wait3A_423 = arith.constant 12288 : i32
    %dma_wait3A_424 = tpu.memref_slice %arg4[%add3A_245, %dma_wait3A_423] : memref<256x16384xf32, #tpu.memory_space<hbm>> -> memref<1x4096xf32, #tpu.memory_space<hbm>>
    %dma_wait3A_425 = tpu.memref_squeeze %dma_wait3A_424 : memref<1x4096xf32, #tpu.memory_space<hbm>> -> memref<4096xf32, #tpu.memory_space<hbm>>
    %dma_wait3A_426 = arith.constant 0 : i32
    %dma_wait3A_427 = tpu.memref_slice %arg7[%dma_wait3A_416, %dma_wait3A_426] : memref<2x4096xf32, #tpu.memory_space<vmem>> -> memref<1x4096xf32, #tpu.memory_space<vmem>>
    %dma_wait3A_428 = tpu.memref_squeeze %dma_wait3A_427 : memref<1x4096xf32, #tpu.memory_space<vmem>> -> memref<4096xf32, #tpu.memory_space<vmem>>
    tpu.wait_dma2 semaphore(%arg9 : memref<!tpu.dma_semaphore, #tpu.memory_space<semaphore_mem>>) src(%dma_wait3A_428 : memref<4096xf32, #tpu.memory_space<vmem>>) dst(%dma_wait3A_425 : memref<4096xf32, #tpu.memory_space<hbm>>)
    %dma_start3A_429 = arith.constant 1 : i32
    %dma_start3A_430 = arith.constant 0 : i32
    %dma_start3A_431 = tpu.memref_slice %arg7[%dma_start3A_429, %dma_start3A_430] : memref<2x4096xf32, #tpu.memory_space<vmem>> -> memref<1x4096xf32, #tpu.memory_space<vmem>>
    %dma_start3A_432 = tpu.memref_squeeze %dma_start3A_431 : memref<1x4096xf32, #tpu.memory_space<vmem>> -> memref<4096xf32, #tpu.memory_space<vmem>>
    %dma_start3A_433 = arith.constant 4096 : i32
    %dma_start3A_434 = tpu.memref_slice %arg4[%add3A_377, %dma_start3A_433] : memref<256x16384xf32, #tpu.memory_space<hbm>> -> memref<1x4096xf32, #tpu.memory_space<hbm>>
    %dma_start3A_435 = tpu.memref_squeeze %dma_start3A_434 : memref<1x4096xf32, #tpu.memory_space<hbm>> -> memref<4096xf32, #tpu.memory_space<hbm>>
    %dma_start3A_436 = arith.constant 4096 : i32
    %dma_start3A_437 = tpu.memref_slice %arg4[%add3A_377, %dma_start3A_436] : memref<256x16384xf32, #tpu.memory_space<hbm>> -> memref<1x4096xf32, #tpu.memory_space<hbm>>
    %dma_start3A_438 = tpu.memref_squeeze %dma_start3A_437 : memref<1x4096xf32, #tpu.memory_space<hbm>> -> memref<4096xf32, #tpu.memory_space<hbm>>
    %dma_start3A_439 = arith.constant 0 : i32
    %dma_start3A_440 = tpu.memref_slice %arg7[%dma_start3A_429, %dma_start3A_439] : memref<2x4096xf32, #tpu.memory_space<vmem>> -> memref<1x4096xf32, #tpu.memory_space<vmem>>
    %dma_start3A_441 = tpu.memref_squeeze %dma_start3A_440 : memref<1x4096xf32, #tpu.memory_space<vmem>> -> memref<4096xf32, #tpu.memory_space<vmem>>
    tpu.enqueue_dma source(%dma_start3A_441 : memref<4096xf32, #tpu.memory_space<vmem>>) target(%dma_start3A_438 : memref<4096xf32, #tpu.memory_space<hbm>>) target_semaphore(%arg9 : memref<!tpu.dma_semaphore, #tpu.memory_space<semaphore_mem>>)
    %parallel_loop3A_442 = arith.constant 0 : i32
    %parallel_loop3A_443 = arith.constant 256 : i32
    %parallel_loop3A_444 = arith.constant 1 : i32
    scf.for %parallel_loop3A_1054 = %parallel_loop3A_442 to %parallel_loop3A_443 step %parallel_loop3A_444  : i32 {
      %parallel_loop3A_1055 = arith.constant 16 : i32
      %parallel_loop3A_1056 = arith.muli %parallel_loop3A_1054, %parallel_loop3A_1055 : i32
      %parallel_loop3A_1057 = arith.constant 8192 : i32
      %parallel_loop3A_1058 = arith.addi %parallel_loop3A_1057, %parallel_loop3A_1056 : i32
      %parallel_loop3A_1059 = arith.index_cast %parallel_loop3A_1058 : i32 to index
      %parallel_loop3A_1060 = tpu.vector_load %arg6[%parallel_loop3A_1059] {strides = array<i32>} : memref<16384xi32, #tpu.memory_space<vmem>>, vector<16xi32>,
      %parallel_loop3A_1061 = tpu.vector_load_idx %arg5[%parallel_loop3A_1060] : memref<100000xf32, #tpu.memory_space<vmem>>[vector<16xi32>], vector<16xf32>,
      %parallel_loop3A_1062 = arith.constant 16 : i32
      %parallel_loop3A_1063 = arith.muli %parallel_loop3A_1054, %parallel_loop3A_1062 : i32
      %parallel_loop3A_1064 = arith.constant 0 : i32
      %parallel_loop3A_1065 = arith.index_cast %parallel_loop3A_1064 : i32 to index
      %parallel_loop3A_1066 = arith.index_cast %parallel_loop3A_1063 : i32 to index
      %parallel_loop3A_1067 = tpu.vector_load %arg7[%parallel_loop3A_1065, %parallel_loop3A_1066] {strides = array<i32>} : memref<2x4096xf32, #tpu.memory_space<vmem>>, vector<16xf32>,
      tpu.vector_store %arg7[%parallel_loop3A_1065, %parallel_loop3A_1066], %parallel_loop3A_1061 {strides = array<i32>} : memref<2x4096xf32, #tpu.memory_space<vmem>>, vector<16xf32>,
    } {sc.loop_unroll_factor = 8 : i64, sc.parallel_access}
    %dma_wait3A_445 = arith.constant 0 : i32
    %dma_wait3A_446 = arith.constant 0 : i32
    %dma_wait3A_447 = tpu.memref_slice %arg7[%dma_wait3A_445, %dma_wait3A_446] : memref<2x4096xf32, #tpu.memory_space<vmem>> -> memref<1x4096xf32, #tpu.memory_space<vmem>>
    %dma_wait3A_448 = tpu.memref_squeeze %dma_wait3A_447 : memref<1x4096xf32, #tpu.memory_space<vmem>> -> memref<4096xf32, #tpu.memory_space<vmem>>
    %dma_wait3A_449 = arith.constant 0 : i32
    %dma_wait3A_450 = tpu.memref_slice %arg4[%add3A_377, %dma_wait3A_449] : memref<256x16384xf32, #tpu.memory_space<hbm>> -> memref<1x4096xf32, #tpu.memory_space<hbm>>
    %dma_wait3A_451 = tpu.memref_squeeze %dma_wait3A_450 : memref<1x4096xf32, #tpu.memory_space<hbm>> -> memref<4096xf32, #tpu.memory_space<hbm>>
    %dma_wait3A_452 = arith.constant 0 : i32
    %dma_wait3A_453 = tpu.memref_slice %arg4[%add3A_377, %dma_wait3A_452] : memref<256x16384xf32, #tpu.memory_space<hbm>> -> memref<1x4096xf32, #tpu.memory_space<hbm>>
    %dma_wait3A_454 = tpu.memref_squeeze %dma_wait3A_453 : memref<1x4096xf32, #tpu.memory_space<hbm>> -> memref<4096xf32, #tpu.memory_space<hbm>>
    %dma_wait3A_455 = arith.constant 0 : i32
    %dma_wait3A_456 = tpu.memref_slice %arg7[%dma_wait3A_445, %dma_wait3A_455] : memref<2x4096xf32, #tpu.memory_space<vmem>> -> memref<1x4096xf32, #tpu.memory_space<vmem>>
    %dma_wait3A_457 = tpu.memref_squeeze %dma_wait3A_456 : memref<1x4096xf32, #tpu.memory_space<vmem>> -> memref<4096xf32, #tpu.memory_space<vmem>>
    tpu.wait_dma2 semaphore(%arg8 : memref<!tpu.dma_semaphore, #tpu.memory_space<semaphore_mem>>) src(%dma_wait3A_457 : memref<4096xf32, #tpu.memory_space<vmem>>) dst(%dma_wait3A_454 : memref<4096xf32, #tpu.memory_space<hbm>>)
    %dma_start3A_458 = arith.constant 0 : i32
    %dma_start3A_459 = arith.constant 0 : i32
    %dma_start3A_460 = tpu.memref_slice %arg7[%dma_start3A_458, %dma_start3A_459] : memref<2x4096xf32, #tpu.memory_space<vmem>> -> memref<1x4096xf32, #tpu.memory_space<vmem>>
    %dma_start3A_461 = tpu.memref_squeeze %dma_start3A_460 : memref<1x4096xf32, #tpu.memory_space<vmem>> -> memref<4096xf32, #tpu.memory_space<vmem>>
    %dma_start3A_462 = arith.constant 8192 : i32
    %dma_start3A_463 = tpu.memref_slice %arg4[%add3A_377, %dma_start3A_462] : memref<256x16384xf32, #tpu.memory_space<hbm>> -> memref<1x4096xf32, #tpu.memory_space<hbm>>
    %dma_start3A_464 = tpu.memref_squeeze %dma_start3A_463 : memref<1x4096xf32, #tpu.memory_space<hbm>> -> memref<4096xf32, #tpu.memory_space<hbm>>
    %dma_start3A_465 = arith.constant 8192 : i32
    %dma_start3A_466 = tpu.memref_slice %arg4[%add3A_377, %dma_start3A_465] : memref<256x16384xf32, #tpu.memory_space<hbm>> -> memref<1x4096xf32, #tpu.memory_space<hbm>>
    %dma_start3A_467 = tpu.memref_squeeze %dma_start3A_466 : memref<1x4096xf32, #tpu.memory_space<hbm>> -> memref<4096xf32, #tpu.memory_space<hbm>>
    %dma_start3A_468 = arith.constant 0 : i32
    %dma_start3A_469 = tpu.memref_slice %arg7[%dma_start3A_458, %dma_start3A_468] : memref<2x4096xf32, #tpu.memory_space<vmem>> -> memref<1x4096xf32, #tpu.memory_space<vmem>>
    %dma_start3A_470 = tpu.memref_squeeze %dma_start3A_469 : memref<1x4096xf32, #tpu.memory_space<vmem>> -> memref<4096xf32, #tpu.memory_space<vmem>>
    tpu.enqueue_dma source(%dma_start3A_470 : memref<4096xf32, #tpu.memory_space<vmem>>) target(%dma_start3A_467 : memref<4096xf32, #tpu.memory_space<hbm>>) target_semaphore(%arg8 : memref<!tpu.dma_semaphore, #tpu.memory_space<semaphore_mem>>)
    %parallel_loop3A_471 = arith.constant 0 : i32
    %parallel_loop3A_472 = arith.constant 256 : i32
    %parallel_loop3A_473 = arith.constant 1 : i32
    scf.for %parallel_loop3A_1054 = %parallel_loop3A_471 to %parallel_loop3A_472 step %parallel_loop3A_473  : i32 {
      %parallel_loop3A_1055 = arith.constant 16 : i32
      %parallel_loop3A_1056 = arith.muli %parallel_loop3A_1054, %parallel_loop3A_1055 : i32
      %parallel_loop3A_1057 = arith.constant 12288 : i32
      %parallel_loop3A_1058 = arith.addi %parallel_loop3A_1057, %parallel_loop3A_1056 : i32
      %parallel_loop3A_1059 = arith.index_cast %parallel_loop3A_1058 : i32 to index
      %parallel_loop3A_1060 = tpu.vector_load %arg6[%parallel_loop3A_1059] {strides = array<i32>} : memref<16384xi32, #tpu.memory_space<vmem>>, vector<16xi32>,
      %parallel_loop3A_1061 = tpu.vector_load_idx %arg5[%parallel_loop3A_1060] : memref<100000xf32, #tpu.memory_space<vmem>>[vector<16xi32>], vector<16xf32>,
      %parallel_loop3A_1062 = arith.constant 16 : i32
      %parallel_loop3A_1063 = arith.muli %parallel_loop3A_1054, %parallel_loop3A_1062 : i32
      %parallel_loop3A_1064 = arith.constant 1 : i32
      %parallel_loop3A_1065 = arith.index_cast %parallel_loop3A_1064 : i32 to index
      %parallel_loop3A_1066 = arith.index_cast %parallel_loop3A_1063 : i32 to index
      %parallel_loop3A_1067 = tpu.vector_load %arg7[%parallel_loop3A_1065, %parallel_loop3A_1066] {strides = array<i32>} : memref<2x4096xf32, #tpu.memory_space<vmem>>, vector<16xf32>,
      tpu.vector_store %arg7[%parallel_loop3A_1065, %parallel_loop3A_1066], %parallel_loop3A_1061 {strides = array<i32>} : memref<2x4096xf32, #tpu.memory_space<vmem>>, vector<16xf32>,
    } {sc.loop_unroll_factor = 8 : i64, sc.parallel_access}
    %dma_wait3A_474 = arith.constant 1 : i32
    %dma_wait3A_475 = arith.constant 0 : i32
    %dma_wait3A_476 = tpu.memref_slice %arg7[%dma_wait3A_474, %dma_wait3A_475] : memref<2x4096xf32, #tpu.memory_space<vmem>> -> memref<1x4096xf32, #tpu.memory_space<vmem>>
    %dma_wait3A_477 = tpu.memref_squeeze %dma_wait3A_476 : memref<1x4096xf32, #tpu.memory_space<vmem>> -> memref<4096xf32, #tpu.memory_space<vmem>>
    %dma_wait3A_478 = arith.constant 4096 : i32
    %dma_wait3A_479 = tpu.memref_slice %arg4[%add3A_377, %dma_wait3A_478] : memref<256x16384xf32, #tpu.memory_space<hbm>> -> memref<1x4096xf32, #tpu.memory_space<hbm>>
    %dma_wait3A_480 = tpu.memref_squeeze %dma_wait3A_479 : memref<1x4096xf32, #tpu.memory_space<hbm>> -> memref<4096xf32, #tpu.memory_space<hbm>>
    %dma_wait3A_481 = arith.constant 4096 : i32
    %dma_wait3A_482 = tpu.memref_slice %arg4[%add3A_377, %dma_wait3A_481] : memref<256x16384xf32, #tpu.memory_space<hbm>> -> memref<1x4096xf32, #tpu.memory_space<hbm>>
    %dma_wait3A_483 = tpu.memref_squeeze %dma_wait3A_482 : memref<1x4096xf32, #tpu.memory_space<hbm>> -> memref<4096xf32, #tpu.memory_space<hbm>>
    %dma_wait3A_484 = arith.constant 0 : i32
    %dma_wait3A_485 = tpu.memref_slice %arg7[%dma_wait3A_474, %dma_wait3A_484] : memref<2x4096xf32, #tpu.memory_space<vmem>> -> memref<1x4096xf32, #tpu.memory_space<vmem>>
    %dma_wait3A_486 = tpu.memref_squeeze %dma_wait3A_485 : memref<1x4096xf32, #tpu.memory_space<vmem>> -> memref<4096xf32, #tpu.memory_space<vmem>>
    tpu.wait_dma2 semaphore(%arg9 : memref<!tpu.dma_semaphore, #tpu.memory_space<semaphore_mem>>) src(%dma_wait3A_486 : memref<4096xf32, #tpu.memory_space<vmem>>) dst(%dma_wait3A_483 : memref<4096xf32, #tpu.memory_space<hbm>>)
    %dma_start3A_487 = arith.constant 1 : i32
    %dma_start3A_488 = arith.constant 0 : i32
    %dma_start3A_489 = tpu.memref_slice %arg7[%dma_start3A_487, %dma_start3A_488] : memref<2x4096xf32, #tpu.memory_space<vmem>> -> memref<1x4096xf32, #tpu.memory_space<vmem>>
    %dma_start3A_490 = tpu.memref_squeeze %dma_start3A_489 : memref<1x4096xf32, #tpu.memory_space<vmem>> -> memref<4096xf32, #tpu.memory_space<vmem>>
    %dma_start3A_491 = arith.constant 12288 : i32
    %dma_start3A_492 = tpu.memref_slice %arg4[%add3A_377, %dma_start3A_491] : memref<256x16384xf32, #tpu.memory_space<hbm>> -> memref<1x4096xf32, #tpu.memory_space<hbm>>
    %dma_start3A_493 = tpu.memref_squeeze %dma_start3A_492 : memref<1x4096xf32, #tpu.memory_space<hbm>> -> memref<4096xf32, #tpu.memory_space<hbm>>
    %dma_start3A_494 = arith.constant 12288 : i32
    %dma_start3A_495 = tpu.memref_slice %arg4[%add3A_377, %dma_start3A_494] : memref<256x16384xf32, #tpu.memory_space<hbm>> -> memref<1x4096xf32, #tpu.memory_space<hbm>>
    %dma_start3A_496 = tpu.memref_squeeze %dma_start3A_495 : memref<1x4096xf32, #tpu.memory_space<hbm>> -> memref<4096xf32, #tpu.memory_space<hbm>>
    %dma_start3A_497 = arith.constant 0 : i32
    %dma_start3A_498 = tpu.memref_slice %arg7[%dma_start3A_487, %dma_start3A_497] : memref<2x4096xf32, #tpu.memory_space<vmem>> -> memref<1x4096xf32, #tpu.memory_space<vmem>>
    %dma_start3A_499 = tpu.memref_squeeze %dma_start3A_498 : memref<1x4096xf32, #tpu.memory_space<vmem>> -> memref<4096xf32, #tpu.memory_space<vmem>>
    tpu.enqueue_dma source(%dma_start3A_499 : memref<4096xf32, #tpu.memory_space<vmem>>) target(%dma_start3A_496 : memref<4096xf32, #tpu.memory_space<hbm>>) target_semaphore(%arg9 : memref<!tpu.dma_semaphore, #tpu.memory_space<semaphore_mem>>)
    %add3A_500 = arith.constant 1 : i32
    %add3A_501 = arith.addi %add3A_377, %add3A_500 : i32
    %dma_start3A_502 = arith.constant 0 : i32
    %dma_start3A_503 = tpu.memref_slice %arg2[%add3A_501, %dma_start3A_502] : memref<256x100000xf32, #tpu.memory_space<hbm>> -> memref<1x100000xf32, #tpu.memory_space<hbm>>
    %dma_start3A_504 = tpu.memref_squeeze %dma_start3A_503 : memref<1x100000xf32, #tpu.memory_space<hbm>> -> memref<100000xf32, #tpu.memory_space<hbm>>
    %dma_start3A_505 = arith.constant 0 : i32
    %dma_start3A_506 = tpu.memref_slice %arg2[%add3A_501, %dma_start3A_505] : memref<256x100000xf32, #tpu.memory_space<hbm>> -> memref<1x100000xf32, #tpu.memory_space<hbm>>
    %dma_start3A_507 = tpu.memref_squeeze %dma_start3A_506 : memref<1x100000xf32, #tpu.memory_space<hbm>> -> memref<100000xf32, #tpu.memory_space<hbm>>
    tpu.enqueue_dma source(%dma_start3A_507 : memref<100000xf32, #tpu.memory_space<hbm>>) target(%arg5 : memref<100000xf32, #tpu.memory_space<vmem>>) target_semaphore(%arg10 : memref<!tpu.dma_semaphore, #tpu.memory_space<semaphore_mem>>)
    %add3A_508 = arith.constant 4 : i32
    %add3A_509 = arith.addi %mul3A_2, %add3A_508 : i32
    %dma_wait3A_510 = arith.constant 0 : i32
    %dma_wait3A_511 = tpu.memref_slice %arg2[%add3A_501, %dma_wait3A_510] : memref<256x100000xf32, #tpu.memory_space<hbm>> -> memref<1x100000xf32, #tpu.memory_space<hbm>>
    %dma_wait3A_512 = tpu.memref_squeeze %dma_wait3A_511 : memref<1x100000xf32, #tpu.memory_space<hbm>> -> memref<100000xf32, #tpu.memory_space<hbm>>
    %dma_wait3A_513 = arith.constant 0 : i32
    %dma_wait3A_514 = tpu.memref_slice %arg2[%add3A_501, %dma_wait3A_513] : memref<256x100000xf32, #tpu.memory_space<hbm>> -> memref<1x100000xf32, #tpu.memory_space<hbm>>
    %dma_wait3A_515 = tpu.memref_squeeze %dma_wait3A_514 : memref<1x100000xf32, #tpu.memory_space<hbm>> -> memref<100000xf32, #tpu.memory_space<hbm>>
    tpu.wait_dma2 semaphore(%arg10 : memref<!tpu.dma_semaphore, #tpu.memory_space<semaphore_mem>>) src(%dma_wait3A_515 : memref<100000xf32, #tpu.memory_space<hbm>>) dst(%arg5 : memref<100000xf32, #tpu.memory_space<vmem>>)
    %parallel_loop3A_516 = arith.constant 0 : i32
    %parallel_loop3A_517 = arith.constant 256 : i32
    %parallel_loop3A_518 = arith.constant 1 : i32
    scf.for %parallel_loop3A_1054 = %parallel_loop3A_516 to %parallel_loop3A_517 step %parallel_loop3A_518  : i32 {
      %parallel_loop3A_1055 = arith.constant 16 : i32
      %parallel_loop3A_1056 = arith.muli %parallel_loop3A_1054, %parallel_loop3A_1055 : i32
      %parallel_loop3A_1057 = arith.constant 0 : i32
      %parallel_loop3A_1058 = arith.addi %parallel_loop3A_1057, %parallel_loop3A_1056 : i32
      %parallel_loop3A_1059 = arith.index_cast %parallel_loop3A_1058 : i32 to index
      %parallel_loop3A_1060 = tpu.vector_load %arg6[%parallel_loop3A_1059] {strides = array<i32>} : memref<16384xi32, #tpu.memory_space<vmem>>, vector<16xi32>,
      %parallel_loop3A_1061 = tpu.vector_load_idx %arg5[%parallel_loop3A_1060] : memref<100000xf32, #tpu.memory_space<vmem>>[vector<16xi32>], vector<16xf32>,
      %parallel_loop3A_1062 = arith.constant 16 : i32
      %parallel_loop3A_1063 = arith.muli %parallel_loop3A_1054, %parallel_loop3A_1062 : i32
      %parallel_loop3A_1064 = arith.constant 0 : i32
      %parallel_loop3A_1065 = arith.index_cast %parallel_loop3A_1064 : i32 to index
      %parallel_loop3A_1066 = arith.index_cast %parallel_loop3A_1063 : i32 to index
      %parallel_loop3A_1067 = tpu.vector_load %arg7[%parallel_loop3A_1065, %parallel_loop3A_1066] {strides = array<i32>} : memref<2x4096xf32, #tpu.memory_space<vmem>>, vector<16xf32>,
      tpu.vector_store %arg7[%parallel_loop3A_1065, %parallel_loop3A_1066], %parallel_loop3A_1061 {strides = array<i32>} : memref<2x4096xf32, #tpu.memory_space<vmem>>, vector<16xf32>,
    } {sc.loop_unroll_factor = 8 : i64, sc.parallel_access}
    %dma_wait3A_519 = arith.constant 0 : i32
    %dma_wait3A_520 = arith.constant 0 : i32
    %dma_wait3A_521 = tpu.memref_slice %arg7[%dma_wait3A_519, %dma_wait3A_520] : memref<2x4096xf32, #tpu.memory_space<vmem>> -> memref<1x4096xf32, #tpu.memory_space<vmem>>
    %dma_wait3A_522 = tpu.memref_squeeze %dma_wait3A_521 : memref<1x4096xf32, #tpu.memory_space<vmem>> -> memref<4096xf32, #tpu.memory_space<vmem>>
    %dma_wait3A_523 = arith.constant 8192 : i32
    %dma_wait3A_524 = tpu.memref_slice %arg4[%add3A_377, %dma_wait3A_523] : memref<256x16384xf32, #tpu.memory_space<hbm>> -> memref<1x4096xf32, #tpu.memory_space<hbm>>
    %dma_wait3A_525 = tpu.memref_squeeze %dma_wait3A_524 : memref<1x4096xf32, #tpu.memory_space<hbm>> -> memref<4096xf32, #tpu.memory_space<hbm>>
    %dma_wait3A_526 = arith.constant 8192 : i32
    %dma_wait3A_527 = tpu.memref_slice %arg4[%add3A_377, %dma_wait3A_526] : memref<256x16384xf32, #tpu.memory_space<hbm>> -> memref<1x4096xf32, #tpu.memory_space<hbm>>
    %dma_wait3A_528 = tpu.memref_squeeze %dma_wait3A_527 : memref<1x4096xf32, #tpu.memory_space<hbm>> -> memref<4096xf32, #tpu.memory_space<hbm>>
    %dma_wait3A_529 = arith.constant 0 : i32
    %dma_wait3A_530 = tpu.memref_slice %arg7[%dma_wait3A_519, %dma_wait3A_529] : memref<2x4096xf32, #tpu.memory_space<vmem>> -> memref<1x4096xf32, #tpu.memory_space<vmem>>
    %dma_wait3A_531 = tpu.memref_squeeze %dma_wait3A_530 : memref<1x4096xf32, #tpu.memory_space<vmem>> -> memref<4096xf32, #tpu.memory_space<vmem>>
    tpu.wait_dma2 semaphore(%arg8 : memref<!tpu.dma_semaphore, #tpu.memory_space<semaphore_mem>>) src(%dma_wait3A_531 : memref<4096xf32, #tpu.memory_space<vmem>>) dst(%dma_wait3A_528 : memref<4096xf32, #tpu.memory_space<hbm>>)
    %dma_start3A_532 = arith.constant 0 : i32
    %dma_start3A_533 = arith.constant 0 : i32
    %dma_start3A_534 = tpu.memref_slice %arg7[%dma_start3A_532, %dma_start3A_533] : memref<2x4096xf32, #tpu.memory_space<vmem>> -> memref<1x4096xf32, #tpu.memory_space<vmem>>
    %dma_start3A_535 = tpu.memref_squeeze %dma_start3A_534 : memref<1x4096xf32, #tpu.memory_space<vmem>> -> memref<4096xf32, #tpu.memory_space<vmem>>
    %dma_start3A_536 = arith.constant 0 : i32
    %dma_start3A_537 = tpu.memref_slice %arg4[%add3A_509, %dma_start3A_536] : memref<256x16384xf32, #tpu.memory_space<hbm>> -> memref<1x4096xf32, #tpu.memory_space<hbm>>
    %dma_start3A_538 = tpu.memref_squeeze %dma_start3A_537 : memref<1x4096xf32, #tpu.memory_space<hbm>> -> memref<4096xf32, #tpu.memory_space<hbm>>
    %dma_start3A_539 = arith.constant 0 : i32
    %dma_start3A_540 = tpu.memref_slice %arg4[%add3A_509, %dma_start3A_539] : memref<256x16384xf32, #tpu.memory_space<hbm>> -> memref<1x4096xf32, #tpu.memory_space<hbm>>
    %dma_start3A_541 = tpu.memref_squeeze %dma_start3A_540 : memref<1x4096xf32, #tpu.memory_space<hbm>> -> memref<4096xf32, #tpu.memory_space<hbm>>
    %dma_start3A_542 = arith.constant 0 : i32
    %dma_start3A_543 = tpu.memref_slice %arg7[%dma_start3A_532, %dma_start3A_542] : memref<2x4096xf32, #tpu.memory_space<vmem>> -> memref<1x4096xf32, #tpu.memory_space<vmem>>
    %dma_start3A_544 = tpu.memref_squeeze %dma_start3A_543 : memref<1x4096xf32, #tpu.memory_space<vmem>> -> memref<4096xf32, #tpu.memory_space<vmem>>
    tpu.enqueue_dma source(%dma_start3A_544 : memref<4096xf32, #tpu.memory_space<vmem>>) target(%dma_start3A_541 : memref<4096xf32, #tpu.memory_space<hbm>>) target_semaphore(%arg8 : memref<!tpu.dma_semaphore, #tpu.memory_space<semaphore_mem>>)
    %parallel_loop3A_545 = arith.constant 0 : i32
    %parallel_loop3A_546 = arith.constant 256 : i32
    %parallel_loop3A_547 = arith.constant 1 : i32
    scf.for %parallel_loop3A_1054 = %parallel_loop3A_545 to %parallel_loop3A_546 step %parallel_loop3A_547  : i32 {
      %parallel_loop3A_1055 = arith.constant 16 : i32
      %parallel_loop3A_1056 = arith.muli %parallel_loop3A_1054, %parallel_loop3A_1055 : i32
      %parallel_loop3A_1057 = arith.constant 4096 : i32
      %parallel_loop3A_1058 = arith.addi %parallel_loop3A_1057, %parallel_loop3A_1056 : i32
      %parallel_loop3A_1059 = arith.index_cast %parallel_loop3A_1058 : i32 to index
      %parallel_loop3A_1060 = tpu.vector_load %arg6[%parallel_loop3A_1059] {strides = array<i32>} : memref<16384xi32, #tpu.memory_space<vmem>>, vector<16xi32>,
      %parallel_loop3A_1061 = tpu.vector_load_idx %arg5[%parallel_loop3A_1060] : memref<100000xf32, #tpu.memory_space<vmem>>[vector<16xi32>], vector<16xf32>,
      %parallel_loop3A_1062 = arith.constant 16 : i32
      %parallel_loop3A_1063 = arith.muli %parallel_loop3A_1054, %parallel_loop3A_1062 : i32
      %parallel_loop3A_1064 = arith.constant 1 : i32
      %parallel_loop3A_1065 = arith.index_cast %parallel_loop3A_1064 : i32 to index
      %parallel_loop3A_1066 = arith.index_cast %parallel_loop3A_1063 : i32 to index
      %parallel_loop3A_1067 = tpu.vector_load %arg7[%parallel_loop3A_1065, %parallel_loop3A_1066] {strides = array<i32>} : memref<2x4096xf32, #tpu.memory_space<vmem>>, vector<16xf32>,
      tpu.vector_store %arg7[%parallel_loop3A_1065, %parallel_loop3A_1066], %parallel_loop3A_1061 {strides = array<i32>} : memref<2x4096xf32, #tpu.memory_space<vmem>>, vector<16xf32>,
    } {sc.loop_unroll_factor = 8 : i64, sc.parallel_access}
    %dma_wait3A_548 = arith.constant 1 : i32
    %dma_wait3A_549 = arith.constant 0 : i32
    %dma_wait3A_550 = tpu.memref_slice %arg7[%dma_wait3A_548, %dma_wait3A_549] : memref<2x4096xf32, #tpu.memory_space<vmem>> -> memref<1x4096xf32, #tpu.memory_space<vmem>>
    %dma_wait3A_551 = tpu.memref_squeeze %dma_wait3A_550 : memref<1x4096xf32, #tpu.memory_space<vmem>> -> memref<4096xf32, #tpu.memory_space<vmem>>
    %dma_wait3A_552 = arith.constant 12288 : i32
    %dma_wait3A_553 = tpu.memref_slice %arg4[%add3A_377, %dma_wait3A_552] : memref<256x16384xf32, #tpu.memory_space<hbm>> -> memref<1x4096xf32, #tpu.memory_space<hbm>>
    %dma_wait3A_554 = tpu.memref_squeeze %dma_wait3A_553 : memref<1x4096xf32, #tpu.memory_space<hbm>> -> memref<4096xf32, #tpu.memory_space<hbm>>
    %dma_wait3A_555 = arith.constant 12288 : i32
    %dma_wait3A_556 = tpu.memref_slice %arg4[%add3A_377, %dma_wait3A_555] : memref<256x16384xf32, #tpu.memory_space<hbm>> -> memref<1x4096xf32, #tpu.memory_space<hbm>>
    %dma_wait3A_557 = tpu.memref_squeeze %dma_wait3A_556 : memref<1x4096xf32, #tpu.memory_space<hbm>> -> memref<4096xf32, #tpu.memory_space<hbm>>
    %dma_wait3A_558 = arith.constant 0 : i32
    %dma_wait3A_559 = tpu.memref_slice %arg7[%dma_wait3A_548, %dma_wait3A_558] : memref<2x4096xf32, #tpu.memory_space<vmem>> -> memref<1x4096xf32, #tpu.memory_space<vmem>>
    %dma_wait3A_560 = tpu.memref_squeeze %dma_wait3A_559 : memref<1x4096xf32, #tpu.memory_space<vmem>> -> memref<4096xf32, #tpu.memory_space<vmem>>
    tpu.wait_dma2 semaphore(%arg9 : memref<!tpu.dma_semaphore, #tpu.memory_space<semaphore_mem>>) src(%dma_wait3A_560 : memref<4096xf32, #tpu.memory_space<vmem>>) dst(%dma_wait3A_557 : memref<4096xf32, #tpu.memory_space<hbm>>)
    %dma_start3A_561 = arith.constant 1 : i32
    %dma_start3A_562 = arith.constant 0 : i32
    %dma_start3A_563 = tpu.memref_slice %arg7[%dma_start3A_561, %dma_start3A_562] : memref<2x4096xf32, #tpu.memory_space<vmem>> -> memref<1x4096xf32, #tpu.memory_space<vmem>>
    %dma_start3A_564 = tpu.memref_squeeze %dma_start3A_563 : memref<1x4096xf32, #tpu.memory_space<vmem>> -> memref<4096xf32, #tpu.memory_space<vmem>>
    %dma_start3A_565 = arith.constant 4096 : i32
    %dma_start3A_566 = tpu.memref_slice %arg4[%add3A_509, %dma_start3A_565] : memref<256x16384xf32, #tpu.memory_space<hbm>> -> memref<1x4096xf32, #tpu.memory_space<hbm>>
    %dma_start3A_567 = tpu.memref_squeeze %dma_start3A_566 : memref<1x4096xf32, #tpu.memory_space<hbm>> -> memref<4096xf32, #tpu.memory_space<hbm>>
    %dma_start3A_568 = arith.constant 4096 : i32
    %dma_start3A_569 = tpu.memref_slice %arg4[%add3A_509, %dma_start3A_568] : memref<256x16384xf32, #tpu.memory_space<hbm>> -> memref<1x4096xf32, #tpu.memory_space<hbm>>
    %dma_start3A_570 = tpu.memref_squeeze %dma_start3A_569 : memref<1x4096xf32, #tpu.memory_space<hbm>> -> memref<4096xf32, #tpu.memory_space<hbm>>
    %dma_start3A_571 = arith.constant 0 : i32
    %dma_start3A_572 = tpu.memref_slice %arg7[%dma_start3A_561, %dma_start3A_571] : memref<2x4096xf32, #tpu.memory_space<vmem>> -> memref<1x4096xf32, #tpu.memory_space<vmem>>
    %dma_start3A_573 = tpu.memref_squeeze %dma_start3A_572 : memref<1x4096xf32, #tpu.memory_space<vmem>> -> memref<4096xf32, #tpu.memory_space<vmem>>
    tpu.enqueue_dma source(%dma_start3A_573 : memref<4096xf32, #tpu.memory_space<vmem>>) target(%dma_start3A_570 : memref<4096xf32, #tpu.memory_space<hbm>>) target_semaphore(%arg9 : memref<!tpu.dma_semaphore, #tpu.memory_space<semaphore_mem>>)
    %parallel_loop3A_574 = arith.constant 0 : i32
    %parallel_loop3A_575 = arith.constant 256 : i32
    %parallel_loop3A_576 = arith.constant 1 : i32
    scf.for %parallel_loop3A_1054 = %parallel_loop3A_574 to %parallel_loop3A_575 step %parallel_loop3A_576  : i32 {
      %parallel_loop3A_1055 = arith.constant 16 : i32
      %parallel_loop3A_1056 = arith.muli %parallel_loop3A_1054, %parallel_loop3A_1055 : i32
      %parallel_loop3A_1057 = arith.constant 8192 : i32
      %parallel_loop3A_1058 = arith.addi %parallel_loop3A_1057, %parallel_loop3A_1056 : i32
      %parallel_loop3A_1059 = arith.index_cast %parallel_loop3A_1058 : i32 to index
      %parallel_loop3A_1060 = tpu.vector_load %arg6[%parallel_loop3A_1059] {strides = array<i32>} : memref<16384xi32, #tpu.memory_space<vmem>>, vector<16xi32>,
      %parallel_loop3A_1061 = tpu.vector_load_idx %arg5[%parallel_loop3A_1060] : memref<100000xf32, #tpu.memory_space<vmem>>[vector<16xi32>], vector<16xf32>,
      %parallel_loop3A_1062 = arith.constant 16 : i32
      %parallel_loop3A_1063 = arith.muli %parallel_loop3A_1054, %parallel_loop3A_1062 : i32
      %parallel_loop3A_1064 = arith.constant 0 : i32
      %parallel_loop3A_1065 = arith.index_cast %parallel_loop3A_1064 : i32 to index
      %parallel_loop3A_1066 = arith.index_cast %parallel_loop3A_1063 : i32 to index
      %parallel_loop3A_1067 = tpu.vector_load %arg7[%parallel_loop3A_1065, %parallel_loop3A_1066] {strides = array<i32>} : memref<2x4096xf32, #tpu.memory_space<vmem>>, vector<16xf32>,
      tpu.vector_store %arg7[%parallel_loop3A_1065, %parallel_loop3A_1066], %parallel_loop3A_1061 {strides = array<i32>} : memref<2x4096xf32, #tpu.memory_space<vmem>>, vector<16xf32>,
    } {sc.loop_unroll_factor = 8 : i64, sc.parallel_access}
    %dma_wait3A_577 = arith.constant 0 : i32
    %dma_wait3A_578 = arith.constant 0 : i32
    %dma_wait3A_579 = tpu.memref_slice %arg7[%dma_wait3A_577, %dma_wait3A_578] : memref<2x4096xf32, #tpu.memory_space<vmem>> -> memref<1x4096xf32, #tpu.memory_space<vmem>>
    %dma_wait3A_580 = tpu.memref_squeeze %dma_wait3A_579 : memref<1x4096xf32, #tpu.memory_space<vmem>> -> memref<4096xf32, #tpu.memory_space<vmem>>
    %dma_wait3A_581 = arith.constant 0 : i32
    %dma_wait3A_582 = tpu.memref_slice %arg4[%add3A_509, %dma_wait3A_581] : memref<256x16384xf32, #tpu.memory_space<hbm>> -> memref<1x4096xf32, #tpu.memory_space<hbm>>
    %dma_wait3A_583 = tpu.memref_squeeze %dma_wait3A_582 : memref<1x4096xf32, #tpu.memory_space<hbm>> -> memref<4096xf32, #tpu.memory_space<hbm>>
    %dma_wait3A_584 = arith.constant 0 : i32
    %dma_wait3A_585 = tpu.memref_slice %arg4[%add3A_509, %dma_wait3A_584] : memref<256x16384xf32, #tpu.memory_space<hbm>> -> memref<1x4096xf32, #tpu.memory_space<hbm>>
    %dma_wait3A_586 = tpu.memref_squeeze %dma_wait3A_585 : memref<1x4096xf32, #tpu.memory_space<hbm>> -> memref<4096xf32, #tpu.memory_space<hbm>>
    %dma_wait3A_587 = arith.constant 0 : i32
    %dma_wait3A_588 = tpu.memref_slice %arg7[%dma_wait3A_577, %dma_wait3A_587] : memref<2x4096xf32, #tpu.memory_space<vmem>> -> memref<1x4096xf32, #tpu.memory_space<vmem>>
    %dma_wait3A_589 = tpu.memref_squeeze %dma_wait3A_588 : memref<1x4096xf32, #tpu.memory_space<vmem>> -> memref<4096xf32, #tpu.memory_space<vmem>>
    tpu.wait_dma2 semaphore(%arg8 : memref<!tpu.dma_semaphore, #tpu.memory_space<semaphore_mem>>) src(%dma_wait3A_589 : memref<4096xf32, #tpu.memory_space<vmem>>) dst(%dma_wait3A_586 : memref<4096xf32, #tpu.memory_space<hbm>>)
    %dma_start3A_590 = arith.constant 0 : i32
    %dma_start3A_591 = arith.constant 0 : i32
    %dma_start3A_592 = tpu.memref_slice %arg7[%dma_start3A_590, %dma_start3A_591] : memref<2x4096xf32, #tpu.memory_space<vmem>> -> memref<1x4096xf32, #tpu.memory_space<vmem>>
    %dma_start3A_593 = tpu.memref_squeeze %dma_start3A_592 : memref<1x4096xf32, #tpu.memory_space<vmem>> -> memref<4096xf32, #tpu.memory_space<vmem>>
    %dma_start3A_594 = arith.constant 8192 : i32
    %dma_start3A_595 = tpu.memref_slice %arg4[%add3A_509, %dma_start3A_594] : memref<256x16384xf32, #tpu.memory_space<hbm>> -> memref<1x4096xf32, #tpu.memory_space<hbm>>
    %dma_start3A_596 = tpu.memref_squeeze %dma_start3A_595 : memref<1x4096xf32, #tpu.memory_space<hbm>> -> memref<4096xf32, #tpu.memory_space<hbm>>
    %dma_start3A_597 = arith.constant 8192 : i32
    %dma_start3A_598 = tpu.memref_slice %arg4[%add3A_509, %dma_start3A_597] : memref<256x16384xf32, #tpu.memory_space<hbm>> -> memref<1x4096xf32, #tpu.memory_space<hbm>>
    %dma_start3A_599 = tpu.memref_squeeze %dma_start3A_598 : memref<1x4096xf32, #tpu.memory_space<hbm>> -> memref<4096xf32, #tpu.memory_space<hbm>>
    %dma_start3A_600 = arith.constant 0 : i32
    %dma_start3A_601 = tpu.memref_slice %arg7[%dma_start3A_590, %dma_start3A_600] : memref<2x4096xf32, #tpu.memory_space<vmem>> -> memref<1x4096xf32, #tpu.memory_space<vmem>>
    %dma_start3A_602 = tpu.memref_squeeze %dma_start3A_601 : memref<1x4096xf32, #tpu.memory_space<vmem>> -> memref<4096xf32, #tpu.memory_space<vmem>>
    tpu.enqueue_dma source(%dma_start3A_602 : memref<4096xf32, #tpu.memory_space<vmem>>) target(%dma_start3A_599 : memref<4096xf32, #tpu.memory_space<hbm>>) target_semaphore(%arg8 : memref<!tpu.dma_semaphore, #tpu.memory_space<semaphore_mem>>)
    %parallel_loop3A_603 = arith.constant 0 : i32
    %parallel_loop3A_604 = arith.constant 256 : i32
    %parallel_loop3A_605 = arith.constant 1 : i32
    scf.for %parallel_loop3A_1054 = %parallel_loop3A_603 to %parallel_loop3A_604 step %parallel_loop3A_605  : i32 {
      %parallel_loop3A_1055 = arith.constant 16 : i32
      %parallel_loop3A_1056 = arith.muli %parallel_loop3A_1054, %parallel_loop3A_1055 : i32
      %parallel_loop3A_1057 = arith.constant 12288 : i32
      %parallel_loop3A_1058 = arith.addi %parallel_loop3A_1057, %parallel_loop3A_1056 : i32
      %parallel_loop3A_1059 = arith.index_cast %parallel_loop3A_1058 : i32 to index
      %parallel_loop3A_1060 = tpu.vector_load %arg6[%parallel_loop3A_1059] {strides = array<i32>} : memref<16384xi32, #tpu.memory_space<vmem>>, vector<16xi32>,
      %parallel_loop3A_1061 = tpu.vector_load_idx %arg5[%parallel_loop3A_1060] : memref<100000xf32, #tpu.memory_space<vmem>>[vector<16xi32>], vector<16xf32>,
      %parallel_loop3A_1062 = arith.constant 16 : i32
      %parallel_loop3A_1063 = arith.muli %parallel_loop3A_1054, %parallel_loop3A_1062 : i32
      %parallel_loop3A_1064 = arith.constant 1 : i32
      %parallel_loop3A_1065 = arith.index_cast %parallel_loop3A_1064 : i32 to index
      %parallel_loop3A_1066 = arith.index_cast %parallel_loop3A_1063 : i32 to index
      %parallel_loop3A_1067 = tpu.vector_load %arg7[%parallel_loop3A_1065, %parallel_loop3A_1066] {strides = array<i32>} : memref<2x4096xf32, #tpu.memory_space<vmem>>, vector<16xf32>,
      tpu.vector_store %arg7[%parallel_loop3A_1065, %parallel_loop3A_1066], %parallel_loop3A_1061 {strides = array<i32>} : memref<2x4096xf32, #tpu.memory_space<vmem>>, vector<16xf32>,
    } {sc.loop_unroll_factor = 8 : i64, sc.parallel_access}
    %dma_wait3A_606 = arith.constant 1 : i32
    %dma_wait3A_607 = arith.constant 0 : i32
    %dma_wait3A_608 = tpu.memref_slice %arg7[%dma_wait3A_606, %dma_wait3A_607] : memref<2x4096xf32, #tpu.memory_space<vmem>> -> memref<1x4096xf32, #tpu.memory_space<vmem>>
    %dma_wait3A_609 = tpu.memref_squeeze %dma_wait3A_608 : memref<1x4096xf32, #tpu.memory_space<vmem>> -> memref<4096xf32, #tpu.memory_space<vmem>>
    %dma_wait3A_610 = arith.constant 4096 : i32
    %dma_wait3A_611 = tpu.memref_slice %arg4[%add3A_509, %dma_wait3A_610] : memref<256x16384xf32, #tpu.memory_space<hbm>> -> memref<1x4096xf32, #tpu.memory_space<hbm>>
    %dma_wait3A_612 = tpu.memref_squeeze %dma_wait3A_611 : memref<1x4096xf32, #tpu.memory_space<hbm>> -> memref<4096xf32, #tpu.memory_space<hbm>>
    %dma_wait3A_613 = arith.constant 4096 : i32
    %dma_wait3A_614 = tpu.memref_slice %arg4[%add3A_509, %dma_wait3A_613] : memref<256x16384xf32, #tpu.memory_space<hbm>> -> memref<1x4096xf32, #tpu.memory_space<hbm>>
    %dma_wait3A_615 = tpu.memref_squeeze %dma_wait3A_614 : memref<1x4096xf32, #tpu.memory_space<hbm>> -> memref<4096xf32, #tpu.memory_space<hbm>>
    %dma_wait3A_616 = arith.constant 0 : i32
    %dma_wait3A_617 = tpu.memref_slice %arg7[%dma_wait3A_606, %dma_wait3A_616] : memref<2x4096xf32, #tpu.memory_space<vmem>> -> memref<1x4096xf32, #tpu.memory_space<vmem>>
    %dma_wait3A_618 = tpu.memref_squeeze %dma_wait3A_617 : memref<1x4096xf32, #tpu.memory_space<vmem>> -> memref<4096xf32, #tpu.memory_space<vmem>>
    tpu.wait_dma2 semaphore(%arg9 : memref<!tpu.dma_semaphore, #tpu.memory_space<semaphore_mem>>) src(%dma_wait3A_618 : memref<4096xf32, #tpu.memory_space<vmem>>) dst(%dma_wait3A_615 : memref<4096xf32, #tpu.memory_space<hbm>>)
    %dma_start3A_619 = arith.constant 1 : i32
    %dma_start3A_620 = arith.constant 0 : i32
    %dma_start3A_621 = tpu.memref_slice %arg7[%dma_start3A_619, %dma_start3A_620] : memref<2x4096xf32, #tpu.memory_space<vmem>> -> memref<1x4096xf32, #tpu.memory_space<vmem>>
    %dma_start3A_622 = tpu.memref_squeeze %dma_start3A_621 : memref<1x4096xf32, #tpu.memory_space<vmem>> -> memref<4096xf32, #tpu.memory_space<vmem>>
    %dma_start3A_623 = arith.constant 12288 : i32
    %dma_start3A_624 = tpu.memref_slice %arg4[%add3A_509, %dma_start3A_623] : memref<256x16384xf32, #tpu.memory_space<hbm>> -> memref<1x4096xf32, #tpu.memory_space<hbm>>
    %dma_start3A_625 = tpu.memref_squeeze %dma_start3A_624 : memref<1x4096xf32, #tpu.memory_space<hbm>> -> memref<4096xf32, #tpu.memory_space<hbm>>
    %dma_start3A_626 = arith.constant 12288 : i32
    %dma_start3A_627 = tpu.memref_slice %arg4[%add3A_509, %dma_start3A_626] : memref<256x16384xf32, #tpu.memory_space<hbm>> -> memref<1x4096xf32, #tpu.memory_space<hbm>>
    %dma_start3A_628 = tpu.memref_squeeze %dma_start3A_627 : memref<1x4096xf32, #tpu.memory_space<hbm>> -> memref<4096xf32, #tpu.memory_space<hbm>>
    %dma_start3A_629 = arith.constant 0 : i32
    %dma_start3A_630 = tpu.memref_slice %arg7[%dma_start3A_619, %dma_start3A_629] : memref<2x4096xf32, #tpu.memory_space<vmem>> -> memref<1x4096xf32, #tpu.memory_space<vmem>>
    %dma_start3A_631 = tpu.memref_squeeze %dma_start3A_630 : memref<1x4096xf32, #tpu.memory_space<vmem>> -> memref<4096xf32, #tpu.memory_space<vmem>>
    tpu.enqueue_dma source(%dma_start3A_631 : memref<4096xf32, #tpu.memory_space<vmem>>) target(%dma_start3A_628 : memref<4096xf32, #tpu.memory_space<hbm>>) target_semaphore(%arg9 : memref<!tpu.dma_semaphore, #tpu.memory_space<semaphore_mem>>)
    %add3A_632 = arith.constant 1 : i32
    %add3A_633 = arith.addi %add3A_509, %add3A_632 : i32
    %dma_start3A_634 = arith.constant 0 : i32
    %dma_start3A_635 = tpu.memref_slice %arg2[%add3A_633, %dma_start3A_634] : memref<256x100000xf32, #tpu.memory_space<hbm>> -> memref<1x100000xf32, #tpu.memory_space<hbm>>
    %dma_start3A_636 = tpu.memref_squeeze %dma_start3A_635 : memref<1x100000xf32, #tpu.memory_space<hbm>> -> memref<100000xf32, #tpu.memory_space<hbm>>
    %dma_start3A_637 = arith.constant 0 : i32
    %dma_start3A_638 = tpu.memref_slice %arg2[%add3A_633, %dma_start3A_637] : memref<256x100000xf32, #tpu.memory_space<hbm>> -> memref<1x100000xf32, #tpu.memory_space<hbm>>
    %dma_start3A_639 = tpu.memref_squeeze %dma_start3A_638 : memref<1x100000xf32, #tpu.memory_space<hbm>> -> memref<100000xf32, #tpu.memory_space<hbm>>
    tpu.enqueue_dma source(%dma_start3A_639 : memref<100000xf32, #tpu.memory_space<hbm>>) target(%arg5 : memref<100000xf32, #tpu.memory_space<vmem>>) target_semaphore(%arg11 : memref<!tpu.dma_semaphore, #tpu.memory_space<semaphore_mem>>)
    %add3A_640 = arith.constant 5 : i32
    %add3A_641 = arith.addi %mul3A_2, %add3A_640 : i32
    %dma_wait3A_642 = arith.constant 0 : i32
    %dma_wait3A_643 = tpu.memref_slice %arg2[%add3A_633, %dma_wait3A_642] : memref<256x100000xf32, #tpu.memory_space<hbm>> -> memref<1x100000xf32, #tpu.memory_space<hbm>>
    %dma_wait3A_644 = tpu.memref_squeeze %dma_wait3A_643 : memref<1x100000xf32, #tpu.memory_space<hbm>> -> memref<100000xf32, #tpu.memory_space<hbm>>
    %dma_wait3A_645 = arith.constant 0 : i32
    %dma_wait3A_646 = tpu.memref_slice %arg2[%add3A_633, %dma_wait3A_645] : memref<256x100000xf32, #tpu.memory_space<hbm>> -> memref<1x100000xf32, #tpu.memory_space<hbm>>
    %dma_wait3A_647 = tpu.memref_squeeze %dma_wait3A_646 : memref<1x100000xf32, #tpu.memory_space<hbm>> -> memref<100000xf32, #tpu.memory_space<hbm>>
    tpu.wait_dma2 semaphore(%arg11 : memref<!tpu.dma_semaphore, #tpu.memory_space<semaphore_mem>>) src(%dma_wait3A_647 : memref<100000xf32, #tpu.memory_space<hbm>>) dst(%arg5 : memref<100000xf32, #tpu.memory_space<vmem>>)
    %parallel_loop3A_648 = arith.constant 0 : i32
    %parallel_loop3A_649 = arith.constant 256 : i32
    %parallel_loop3A_650 = arith.constant 1 : i32
    scf.for %parallel_loop3A_1054 = %parallel_loop3A_648 to %parallel_loop3A_649 step %parallel_loop3A_650  : i32 {
      %parallel_loop3A_1055 = arith.constant 16 : i32
      %parallel_loop3A_1056 = arith.muli %parallel_loop3A_1054, %parallel_loop3A_1055 : i32
      %parallel_loop3A_1057 = arith.constant 0 : i32
      %parallel_loop3A_1058 = arith.addi %parallel_loop3A_1057, %parallel_loop3A_1056 : i32
      %parallel_loop3A_1059 = arith.index_cast %parallel_loop3A_1058 : i32 to index
      %parallel_loop3A_1060 = tpu.vector_load %arg6[%parallel_loop3A_1059] {strides = array<i32>} : memref<16384xi32, #tpu.memory_space<vmem>>, vector<16xi32>,
      %parallel_loop3A_1061 = tpu.vector_load_idx %arg5[%parallel_loop3A_1060] : memref<100000xf32, #tpu.memory_space<vmem>>[vector<16xi32>], vector<16xf32>,
      %parallel_loop3A_1062 = arith.constant 16 : i32
      %parallel_loop3A_1063 = arith.muli %parallel_loop3A_1054, %parallel_loop3A_1062 : i32
      %parallel_loop3A_1064 = arith.constant 0 : i32
      %parallel_loop3A_1065 = arith.index_cast %parallel_loop3A_1064 : i32 to index
      %parallel_loop3A_1066 = arith.index_cast %parallel_loop3A_1063 : i32 to index
      %parallel_loop3A_1067 = tpu.vector_load %arg7[%parallel_loop3A_1065, %parallel_loop3A_1066] {strides = array<i32>} : memref<2x4096xf32, #tpu.memory_space<vmem>>, vector<16xf32>,
      tpu.vector_store %arg7[%parallel_loop3A_1065, %parallel_loop3A_1066], %parallel_loop3A_1061 {strides = array<i32>} : memref<2x4096xf32, #tpu.memory_space<vmem>>, vector<16xf32>,
    } {sc.loop_unroll_factor = 8 : i64, sc.parallel_access}
    %dma_wait3A_651 = arith.constant 0 : i32
    %dma_wait3A_652 = arith.constant 0 : i32
    %dma_wait3A_653 = tpu.memref_slice %arg7[%dma_wait3A_651, %dma_wait3A_652] : memref<2x4096xf32, #tpu.memory_space<vmem>> -> memref<1x4096xf32, #tpu.memory_space<vmem>>
    %dma_wait3A_654 = tpu.memref_squeeze %dma_wait3A_653 : memref<1x4096xf32, #tpu.memory_space<vmem>> -> memref<4096xf32, #tpu.memory_space<vmem>>
    %dma_wait3A_655 = arith.constant 8192 : i32
    %dma_wait3A_656 = tpu.memref_slice %arg4[%add3A_509, %dma_wait3A_655] : memref<256x16384xf32, #tpu.memory_space<hbm>> -> memref<1x4096xf32, #tpu.memory_space<hbm>>
    %dma_wait3A_657 = tpu.memref_squeeze %dma_wait3A_656 : memref<1x4096xf32, #tpu.memory_space<hbm>> -> memref<4096xf32, #tpu.memory_space<hbm>>
    %dma_wait3A_658 = arith.constant 8192 : i32
    %dma_wait3A_659 = tpu.memref_slice %arg4[%add3A_509, %dma_wait3A_658] : memref<256x16384xf32, #tpu.memory_space<hbm>> -> memref<1x4096xf32, #tpu.memory_space<hbm>>
    %dma_wait3A_660 = tpu.memref_squeeze %dma_wait3A_659 : memref<1x4096xf32, #tpu.memory_space<hbm>> -> memref<4096xf32, #tpu.memory_space<hbm>>
    %dma_wait3A_661 = arith.constant 0 : i32
    %dma_wait3A_662 = tpu.memref_slice %arg7[%dma_wait3A_651, %dma_wait3A_661] : memref<2x4096xf32, #tpu.memory_space<vmem>> -> memref<1x4096xf32, #tpu.memory_space<vmem>>
    %dma_wait3A_663 = tpu.memref_squeeze %dma_wait3A_662 : memref<1x4096xf32, #tpu.memory_space<vmem>> -> memref<4096xf32, #tpu.memory_space<vmem>>
    tpu.wait_dma2 semaphore(%arg8 : memref<!tpu.dma_semaphore, #tpu.memory_space<semaphore_mem>>) src(%dma_wait3A_663 : memref<4096xf32, #tpu.memory_space<vmem>>) dst(%dma_wait3A_660 : memref<4096xf32, #tpu.memory_space<hbm>>)
    %dma_start3A_664 = arith.constant 0 : i32
    %dma_start3A_665 = arith.constant 0 : i32
    %dma_start3A_666 = tpu.memref_slice %arg7[%dma_start3A_664, %dma_start3A_665] : memref<2x4096xf32, #tpu.memory_space<vmem>> -> memref<1x4096xf32, #tpu.memory_space<vmem>>
    %dma_start3A_667 = tpu.memref_squeeze %dma_start3A_666 : memref<1x4096xf32, #tpu.memory_space<vmem>> -> memref<4096xf32, #tpu.memory_space<vmem>>
    %dma_start3A_668 = arith.constant 0 : i32
    %dma_start3A_669 = tpu.memref_slice %arg4[%add3A_641, %dma_start3A_668] : memref<256x16384xf32, #tpu.memory_space<hbm>> -> memref<1x4096xf32, #tpu.memory_space<hbm>>
    %dma_start3A_670 = tpu.memref_squeeze %dma_start3A_669 : memref<1x4096xf32, #tpu.memory_space<hbm>> -> memref<4096xf32, #tpu.memory_space<hbm>>
    %dma_start3A_671 = arith.constant 0 : i32
    %dma_start3A_672 = tpu.memref_slice %arg4[%add3A_641, %dma_start3A_671] : memref<256x16384xf32, #tpu.memory_space<hbm>> -> memref<1x4096xf32, #tpu.memory_space<hbm>>
    %dma_start3A_673 = tpu.memref_squeeze %dma_start3A_672 : memref<1x4096xf32, #tpu.memory_space<hbm>> -> memref<4096xf32, #tpu.memory_space<hbm>>
    %dma_start3A_674 = arith.constant 0 : i32
    %dma_start3A_675 = tpu.memref_slice %arg7[%dma_start3A_664, %dma_start3A_674] : memref<2x4096xf32, #tpu.memory_space<vmem>> -> memref<1x4096xf32, #tpu.memory_space<vmem>>
    %dma_start3A_676 = tpu.memref_squeeze %dma_start3A_675 : memref<1x4096xf32, #tpu.memory_space<vmem>> -> memref<4096xf32, #tpu.memory_space<vmem>>
    tpu.enqueue_dma source(%dma_start3A_676 : memref<4096xf32, #tpu.memory_space<vmem>>) target(%dma_start3A_673 : memref<4096xf32, #tpu.memory_space<hbm>>) target_semaphore(%arg8 : memref<!tpu.dma_semaphore, #tpu.memory_space<semaphore_mem>>)
    %parallel_loop3A_677 = arith.constant 0 : i32
    %parallel_loop3A_678 = arith.constant 256 : i32
    %parallel_loop3A_679 = arith.constant 1 : i32
    scf.for %parallel_loop3A_1054 = %parallel_loop3A_677 to %parallel_loop3A_678 step %parallel_loop3A_679  : i32 {
      %parallel_loop3A_1055 = arith.constant 16 : i32
      %parallel_loop3A_1056 = arith.muli %parallel_loop3A_1054, %parallel_loop3A_1055 : i32
      %parallel_loop3A_1057 = arith.constant 4096 : i32
      %parallel_loop3A_1058 = arith.addi %parallel_loop3A_1057, %parallel_loop3A_1056 : i32
      %parallel_loop3A_1059 = arith.index_cast %parallel_loop3A_1058 : i32 to index
      %parallel_loop3A_1060 = tpu.vector_load %arg6[%parallel_loop3A_1059] {strides = array<i32>} : memref<16384xi32, #tpu.memory_space<vmem>>, vector<16xi32>,
      %parallel_loop3A_1061 = tpu.vector_load_idx %arg5[%parallel_loop3A_1060] : memref<100000xf32, #tpu.memory_space<vmem>>[vector<16xi32>], vector<16xf32>,
      %parallel_loop3A_1062 = arith.constant 16 : i32
      %parallel_loop3A_1063 = arith.muli %parallel_loop3A_1054, %parallel_loop3A_1062 : i32
      %parallel_loop3A_1064 = arith.constant 1 : i32
      %parallel_loop3A_1065 = arith.index_cast %parallel_loop3A_1064 : i32 to index
      %parallel_loop3A_1066 = arith.index_cast %parallel_loop3A_1063 : i32 to index
      %parallel_loop3A_1067 = tpu.vector_load %arg7[%parallel_loop3A_1065, %parallel_loop3A_1066] {strides = array<i32>} : memref<2x4096xf32, #tpu.memory_space<vmem>>, vector<16xf32>,
      tpu.vector_store %arg7[%parallel_loop3A_1065, %parallel_loop3A_1066], %parallel_loop3A_1061 {strides = array<i32>} : memref<2x4096xf32, #tpu.memory_space<vmem>>, vector<16xf32>,
    } {sc.loop_unroll_factor = 8 : i64, sc.parallel_access}
    %dma_wait3A_680 = arith.constant 1 : i32
    %dma_wait3A_681 = arith.constant 0 : i32
    %dma_wait3A_682 = tpu.memref_slice %arg7[%dma_wait3A_680, %dma_wait3A_681] : memref<2x4096xf32, #tpu.memory_space<vmem>> -> memref<1x4096xf32, #tpu.memory_space<vmem>>
    %dma_wait3A_683 = tpu.memref_squeeze %dma_wait3A_682 : memref<1x4096xf32, #tpu.memory_space<vmem>> -> memref<4096xf32, #tpu.memory_space<vmem>>
    %dma_wait3A_684 = arith.constant 12288 : i32
    %dma_wait3A_685 = tpu.memref_slice %arg4[%add3A_509, %dma_wait3A_684] : memref<256x16384xf32, #tpu.memory_space<hbm>> -> memref<1x4096xf32, #tpu.memory_space<hbm>>
    %dma_wait3A_686 = tpu.memref_squeeze %dma_wait3A_685 : memref<1x4096xf32, #tpu.memory_space<hbm>> -> memref<4096xf32, #tpu.memory_space<hbm>>
    %dma_wait3A_687 = arith.constant 12288 : i32
    %dma_wait3A_688 = tpu.memref_slice %arg4[%add3A_509, %dma_wait3A_687] : memref<256x16384xf32, #tpu.memory_space<hbm>> -> memref<1x4096xf32, #tpu.memory_space<hbm>>
    %dma_wait3A_689 = tpu.memref_squeeze %dma_wait3A_688 : memref<1x4096xf32, #tpu.memory_space<hbm>> -> memref<4096xf32, #tpu.memory_space<hbm>>
    %dma_wait3A_690 = arith.constant 0 : i32
    %dma_wait3A_691 = tpu.memref_slice %arg7[%dma_wait3A_680, %dma_wait3A_690] : memref<2x4096xf32, #tpu.memory_space<vmem>> -> memref<1x4096xf32, #tpu.memory_space<vmem>>
    %dma_wait3A_692 = tpu.memref_squeeze %dma_wait3A_691 : memref<1x4096xf32, #tpu.memory_space<vmem>> -> memref<4096xf32, #tpu.memory_space<vmem>>
    tpu.wait_dma2 semaphore(%arg9 : memref<!tpu.dma_semaphore, #tpu.memory_space<semaphore_mem>>) src(%dma_wait3A_692 : memref<4096xf32, #tpu.memory_space<vmem>>) dst(%dma_wait3A_689 : memref<4096xf32, #tpu.memory_space<hbm>>)
    %dma_start3A_693 = arith.constant 1 : i32
    %dma_start3A_694 = arith.constant 0 : i32
    %dma_start3A_695 = tpu.memref_slice %arg7[%dma_start3A_693, %dma_start3A_694] : memref<2x4096xf32, #tpu.memory_space<vmem>> -> memref<1x4096xf32, #tpu.memory_space<vmem>>
    %dma_start3A_696 = tpu.memref_squeeze %dma_start3A_695 : memref<1x4096xf32, #tpu.memory_space<vmem>> -> memref<4096xf32, #tpu.memory_space<vmem>>
    %dma_start3A_697 = arith.constant 4096 : i32
    %dma_start3A_698 = tpu.memref_slice %arg4[%add3A_641, %dma_start3A_697] : memref<256x16384xf32, #tpu.memory_space<hbm>> -> memref<1x4096xf32, #tpu.memory_space<hbm>>
    %dma_start3A_699 = tpu.memref_squeeze %dma_start3A_698 : memref<1x4096xf32, #tpu.memory_space<hbm>> -> memref<4096xf32, #tpu.memory_space<hbm>>
    %dma_start3A_700 = arith.constant 4096 : i32
    %dma_start3A_701 = tpu.memref_slice %arg4[%add3A_641, %dma_start3A_700] : memref<256x16384xf32, #tpu.memory_space<hbm>> -> memref<1x4096xf32, #tpu.memory_space<hbm>>
    %dma_start3A_702 = tpu.memref_squeeze %dma_start3A_701 : memref<1x4096xf32, #tpu.memory_space<hbm>> -> memref<4096xf32, #tpu.memory_space<hbm>>
    %dma_start3A_703 = arith.constant 0 : i32
    %dma_start3A_704 = tpu.memref_slice %arg7[%dma_start3A_693, %dma_start3A_703] : memref<2x4096xf32, #tpu.memory_space<vmem>> -> memref<1x4096xf32, #tpu.memory_space<vmem>>
    %dma_start3A_705 = tpu.memref_squeeze %dma_start3A_704 : memref<1x4096xf32, #tpu.memory_space<vmem>> -> memref<4096xf32, #tpu.memory_space<vmem>>
    tpu.enqueue_dma source(%dma_start3A_705 : memref<4096xf32, #tpu.memory_space<vmem>>) target(%dma_start3A_702 : memref<4096xf32, #tpu.memory_space<hbm>>) target_semaphore(%arg9 : memref<!tpu.dma_semaphore, #tpu.memory_space<semaphore_mem>>)
    %parallel_loop3A_706 = arith.constant 0 : i32
    %parallel_loop3A_707 = arith.constant 256 : i32
    %parallel_loop3A_708 = arith.constant 1 : i32
    scf.for %parallel_loop3A_1054 = %parallel_loop3A_706 to %parallel_loop3A_707 step %parallel_loop3A_708  : i32 {
      %parallel_loop3A_1055 = arith.constant 16 : i32
      %parallel_loop3A_1056 = arith.muli %parallel_loop3A_1054, %parallel_loop3A_1055 : i32
      %parallel_loop3A_1057 = arith.constant 8192 : i32
      %parallel_loop3A_1058 = arith.addi %parallel_loop3A_1057, %parallel_loop3A_1056 : i32
      %parallel_loop3A_1059 = arith.index_cast %parallel_loop3A_1058 : i32 to index
      %parallel_loop3A_1060 = tpu.vector_load %arg6[%parallel_loop3A_1059] {strides = array<i32>} : memref<16384xi32, #tpu.memory_space<vmem>>, vector<16xi32>,
      %parallel_loop3A_1061 = tpu.vector_load_idx %arg5[%parallel_loop3A_1060] : memref<100000xf32, #tpu.memory_space<vmem>>[vector<16xi32>], vector<16xf32>,
      %parallel_loop3A_1062 = arith.constant 16 : i32
      %parallel_loop3A_1063 = arith.muli %parallel_loop3A_1054, %parallel_loop3A_1062 : i32
      %parallel_loop3A_1064 = arith.constant 0 : i32
      %parallel_loop3A_1065 = arith.index_cast %parallel_loop3A_1064 : i32 to index
      %parallel_loop3A_1066 = arith.index_cast %parallel_loop3A_1063 : i32 to index
      %parallel_loop3A_1067 = tpu.vector_load %arg7[%parallel_loop3A_1065, %parallel_loop3A_1066] {strides = array<i32>} : memref<2x4096xf32, #tpu.memory_space<vmem>>, vector<16xf32>,
      tpu.vector_store %arg7[%parallel_loop3A_1065, %parallel_loop3A_1066], %parallel_loop3A_1061 {strides = array<i32>} : memref<2x4096xf32, #tpu.memory_space<vmem>>, vector<16xf32>,
    } {sc.loop_unroll_factor = 8 : i64, sc.parallel_access}
    %dma_wait3A_709 = arith.constant 0 : i32
    %dma_wait3A_710 = arith.constant 0 : i32
    %dma_wait3A_711 = tpu.memref_slice %arg7[%dma_wait3A_709, %dma_wait3A_710] : memref<2x4096xf32, #tpu.memory_space<vmem>> -> memref<1x4096xf32, #tpu.memory_space<vmem>>
    %dma_wait3A_712 = tpu.memref_squeeze %dma_wait3A_711 : memref<1x4096xf32, #tpu.memory_space<vmem>> -> memref<4096xf32, #tpu.memory_space<vmem>>
    %dma_wait3A_713 = arith.constant 0 : i32
    %dma_wait3A_714 = tpu.memref_slice %arg4[%add3A_641, %dma_wait3A_713] : memref<256x16384xf32, #tpu.memory_space<hbm>> -> memref<1x4096xf32, #tpu.memory_space<hbm>>
    %dma_wait3A_715 = tpu.memref_squeeze %dma_wait3A_714 : memref<1x4096xf32, #tpu.memory_space<hbm>> -> memref<4096xf32, #tpu.memory_space<hbm>>
    %dma_wait3A_716 = arith.constant 0 : i32
    %dma_wait3A_717 = tpu.memref_slice %arg4[%add3A_641, %dma_wait3A_716] : memref<256x16384xf32, #tpu.memory_space<hbm>> -> memref<1x4096xf32, #tpu.memory_space<hbm>>
    %dma_wait3A_718 = tpu.memref_squeeze %dma_wait3A_717 : memref<1x4096xf32, #tpu.memory_space<hbm>> -> memref<4096xf32, #tpu.memory_space<hbm>>
    %dma_wait3A_719 = arith.constant 0 : i32
    %dma_wait3A_720 = tpu.memref_slice %arg7[%dma_wait3A_709, %dma_wait3A_719] : memref<2x4096xf32, #tpu.memory_space<vmem>> -> memref<1x4096xf32, #tpu.memory_space<vmem>>
    %dma_wait3A_721 = tpu.memref_squeeze %dma_wait3A_720 : memref<1x4096xf32, #tpu.memory_space<vmem>> -> memref<4096xf32, #tpu.memory_space<vmem>>
    tpu.wait_dma2 semaphore(%arg8 : memref<!tpu.dma_semaphore, #tpu.memory_space<semaphore_mem>>) src(%dma_wait3A_721 : memref<4096xf32, #tpu.memory_space<vmem>>) dst(%dma_wait3A_718 : memref<4096xf32, #tpu.memory_space<hbm>>)
    %dma_start3A_722 = arith.constant 0 : i32
    %dma_start3A_723 = arith.constant 0 : i32
    %dma_start3A_724 = tpu.memref_slice %arg7[%dma_start3A_722, %dma_start3A_723] : memref<2x4096xf32, #tpu.memory_space<vmem>> -> memref<1x4096xf32, #tpu.memory_space<vmem>>
    %dma_start3A_725 = tpu.memref_squeeze %dma_start3A_724 : memref<1x4096xf32, #tpu.memory_space<vmem>> -> memref<4096xf32, #tpu.memory_space<vmem>>
    %dma_start3A_726 = arith.constant 8192 : i32
    %dma_start3A_727 = tpu.memref_slice %arg4[%add3A_641, %dma_start3A_726] : memref<256x16384xf32, #tpu.memory_space<hbm>> -> memref<1x4096xf32, #tpu.memory_space<hbm>>
    %dma_start3A_728 = tpu.memref_squeeze %dma_start3A_727 : memref<1x4096xf32, #tpu.memory_space<hbm>> -> memref<4096xf32, #tpu.memory_space<hbm>>
    %dma_start3A_729 = arith.constant 8192 : i32
    %dma_start3A_730 = tpu.memref_slice %arg4[%add3A_641, %dma_start3A_729] : memref<256x16384xf32, #tpu.memory_space<hbm>> -> memref<1x4096xf32, #tpu.memory_space<hbm>>
    %dma_start3A_731 = tpu.memref_squeeze %dma_start3A_730 : memref<1x4096xf32, #tpu.memory_space<hbm>> -> memref<4096xf32, #tpu.memory_space<hbm>>
    %dma_start3A_732 = arith.constant 0 : i32
    %dma_start3A_733 = tpu.memref_slice %arg7[%dma_start3A_722, %dma_start3A_732] : memref<2x4096xf32, #tpu.memory_space<vmem>> -> memref<1x4096xf32, #tpu.memory_space<vmem>>
    %dma_start3A_734 = tpu.memref_squeeze %dma_start3A_733 : memref<1x4096xf32, #tpu.memory_space<vmem>> -> memref<4096xf32, #tpu.memory_space<vmem>>
    tpu.enqueue_dma source(%dma_start3A_734 : memref<4096xf32, #tpu.memory_space<vmem>>) target(%dma_start3A_731 : memref<4096xf32, #tpu.memory_space<hbm>>) target_semaphore(%arg8 : memref<!tpu.dma_semaphore, #tpu.memory_space<semaphore_mem>>)
    %parallel_loop3A_735 = arith.constant 0 : i32
    %parallel_loop3A_736 = arith.constant 256 : i32
    %parallel_loop3A_737 = arith.constant 1 : i32
    scf.for %parallel_loop3A_1054 = %parallel_loop3A_735 to %parallel_loop3A_736 step %parallel_loop3A_737  : i32 {
      %parallel_loop3A_1055 = arith.constant 16 : i32
      %parallel_loop3A_1056 = arith.muli %parallel_loop3A_1054, %parallel_loop3A_1055 : i32
      %parallel_loop3A_1057 = arith.constant 12288 : i32
      %parallel_loop3A_1058 = arith.addi %parallel_loop3A_1057, %parallel_loop3A_1056 : i32
      %parallel_loop3A_1059 = arith.index_cast %parallel_loop3A_1058 : i32 to index
      %parallel_loop3A_1060 = tpu.vector_load %arg6[%parallel_loop3A_1059] {strides = array<i32>} : memref<16384xi32, #tpu.memory_space<vmem>>, vector<16xi32>,
      %parallel_loop3A_1061 = tpu.vector_load_idx %arg5[%parallel_loop3A_1060] : memref<100000xf32, #tpu.memory_space<vmem>>[vector<16xi32>], vector<16xf32>,
      %parallel_loop3A_1062 = arith.constant 16 : i32
      %parallel_loop3A_1063 = arith.muli %parallel_loop3A_1054, %parallel_loop3A_1062 : i32
      %parallel_loop3A_1064 = arith.constant 1 : i32
      %parallel_loop3A_1065 = arith.index_cast %parallel_loop3A_1064 : i32 to index
      %parallel_loop3A_1066 = arith.index_cast %parallel_loop3A_1063 : i32 to index
      %parallel_loop3A_1067 = tpu.vector_load %arg7[%parallel_loop3A_1065, %parallel_loop3A_1066] {strides = array<i32>} : memref<2x4096xf32, #tpu.memory_space<vmem>>, vector<16xf32>,
      tpu.vector_store %arg7[%parallel_loop3A_1065, %parallel_loop3A_1066], %parallel_loop3A_1061 {strides = array<i32>} : memref<2x4096xf32, #tpu.memory_space<vmem>>, vector<16xf32>,
    } {sc.loop_unroll_factor = 8 : i64, sc.parallel_access}
    %dma_wait3A_738 = arith.constant 1 : i32
    %dma_wait3A_739 = arith.constant 0 : i32
    %dma_wait3A_740 = tpu.memref_slice %arg7[%dma_wait3A_738, %dma_wait3A_739] : memref<2x4096xf32, #tpu.memory_space<vmem>> -> memref<1x4096xf32, #tpu.memory_space<vmem>>
    %dma_wait3A_741 = tpu.memref_squeeze %dma_wait3A_740 : memref<1x4096xf32, #tpu.memory_space<vmem>> -> memref<4096xf32, #tpu.memory_space<vmem>>
    %dma_wait3A_742 = arith.constant 4096 : i32
    %dma_wait3A_743 = tpu.memref_slice %arg4[%add3A_641, %dma_wait3A_742] : memref<256x16384xf32, #tpu.memory_space<hbm>> -> memref<1x4096xf32, #tpu.memory_space<hbm>>
    %dma_wait3A_744 = tpu.memref_squeeze %dma_wait3A_743 : memref<1x4096xf32, #tpu.memory_space<hbm>> -> memref<4096xf32, #tpu.memory_space<hbm>>
    %dma_wait3A_745 = arith.constant 4096 : i32
    %dma_wait3A_746 = tpu.memref_slice %arg4[%add3A_641, %dma_wait3A_745] : memref<256x16384xf32, #tpu.memory_space<hbm>> -> memref<1x4096xf32, #tpu.memory_space<hbm>>
    %dma_wait3A_747 = tpu.memref_squeeze %dma_wait3A_746 : memref<1x4096xf32, #tpu.memory_space<hbm>> -> memref<4096xf32, #tpu.memory_space<hbm>>
    %dma_wait3A_748 = arith.constant 0 : i32
    %dma_wait3A_749 = tpu.memref_slice %arg7[%dma_wait3A_738, %dma_wait3A_748] : memref<2x4096xf32, #tpu.memory_space<vmem>> -> memref<1x4096xf32, #tpu.memory_space<vmem>>
    %dma_wait3A_750 = tpu.memref_squeeze %dma_wait3A_749 : memref<1x4096xf32, #tpu.memory_space<vmem>> -> memref<4096xf32, #tpu.memory_space<vmem>>
    tpu.wait_dma2 semaphore(%arg9 : memref<!tpu.dma_semaphore, #tpu.memory_space<semaphore_mem>>) src(%dma_wait3A_750 : memref<4096xf32, #tpu.memory_space<vmem>>) dst(%dma_wait3A_747 : memref<4096xf32, #tpu.memory_space<hbm>>)
    %dma_start3A_751 = arith.constant 1 : i32
    %dma_start3A_752 = arith.constant 0 : i32
    %dma_start3A_753 = tpu.memref_slice %arg7[%dma_start3A_751, %dma_start3A_752] : memref<2x4096xf32, #tpu.memory_space<vmem>> -> memref<1x4096xf32, #tpu.memory_space<vmem>>
    %dma_start3A_754 = tpu.memref_squeeze %dma_start3A_753 : memref<1x4096xf32, #tpu.memory_space<vmem>> -> memref<4096xf32, #tpu.memory_space<vmem>>
    %dma_start3A_755 = arith.constant 12288 : i32
    %dma_start3A_756 = tpu.memref_slice %arg4[%add3A_641, %dma_start3A_755] : memref<256x16384xf32, #tpu.memory_space<hbm>> -> memref<1x4096xf32, #tpu.memory_space<hbm>>
    %dma_start3A_757 = tpu.memref_squeeze %dma_start3A_756 : memref<1x4096xf32, #tpu.memory_space<hbm>> -> memref<4096xf32, #tpu.memory_space<hbm>>
    %dma_start3A_758 = arith.constant 12288 : i32
    %dma_start3A_759 = tpu.memref_slice %arg4[%add3A_641, %dma_start3A_758] : memref<256x16384xf32, #tpu.memory_space<hbm>> -> memref<1x4096xf32, #tpu.memory_space<hbm>>
    %dma_start3A_760 = tpu.memref_squeeze %dma_start3A_759 : memref<1x4096xf32, #tpu.memory_space<hbm>> -> memref<4096xf32, #tpu.memory_space<hbm>>
    %dma_start3A_761 = arith.constant 0 : i32
    %dma_start3A_762 = tpu.memref_slice %arg7[%dma_start3A_751, %dma_start3A_761] : memref<2x4096xf32, #tpu.memory_space<vmem>> -> memref<1x4096xf32, #tpu.memory_space<vmem>>
    %dma_start3A_763 = tpu.memref_squeeze %dma_start3A_762 : memref<1x4096xf32, #tpu.memory_space<vmem>> -> memref<4096xf32, #tpu.memory_space<vmem>>
    tpu.enqueue_dma source(%dma_start3A_763 : memref<4096xf32, #tpu.memory_space<vmem>>) target(%dma_start3A_760 : memref<4096xf32, #tpu.memory_space<hbm>>) target_semaphore(%arg9 : memref<!tpu.dma_semaphore, #tpu.memory_space<semaphore_mem>>)
    %add3A_764 = arith.constant 1 : i32
    %add3A_765 = arith.addi %add3A_641, %add3A_764 : i32
    %dma_start3A_766 = arith.constant 0 : i32
    %dma_start3A_767 = tpu.memref_slice %arg2[%add3A_765, %dma_start3A_766] : memref<256x100000xf32, #tpu.memory_space<hbm>> -> memref<1x100000xf32, #tpu.memory_space<hbm>>
    %dma_start3A_768 = tpu.memref_squeeze %dma_start3A_767 : memref<1x100000xf32, #tpu.memory_space<hbm>> -> memref<100000xf32, #tpu.memory_space<hbm>>
    %dma_start3A_769 = arith.constant 0 : i32
    %dma_start3A_770 = tpu.memref_slice %arg2[%add3A_765, %dma_start3A_769] : memref<256x100000xf32, #tpu.memory_space<hbm>> -> memref<1x100000xf32, #tpu.memory_space<hbm>>
    %dma_start3A_771 = tpu.memref_squeeze %dma_start3A_770 : memref<1x100000xf32, #tpu.memory_space<hbm>> -> memref<100000xf32, #tpu.memory_space<hbm>>
    tpu.enqueue_dma source(%dma_start3A_771 : memref<100000xf32, #tpu.memory_space<hbm>>) target(%arg5 : memref<100000xf32, #tpu.memory_space<vmem>>) target_semaphore(%arg10 : memref<!tpu.dma_semaphore, #tpu.memory_space<semaphore_mem>>)
    %add3A_772 = arith.constant 6 : i32
    %add3A_773 = arith.addi %mul3A_2, %add3A_772 : i32
    %dma_wait3A_774 = arith.constant 0 : i32
    %dma_wait3A_775 = tpu.memref_slice %arg2[%add3A_765, %dma_wait3A_774] : memref<256x100000xf32, #tpu.memory_space<hbm>> -> memref<1x100000xf32, #tpu.memory_space<hbm>>
    %dma_wait3A_776 = tpu.memref_squeeze %dma_wait3A_775 : memref<1x100000xf32, #tpu.memory_space<hbm>> -> memref<100000xf32, #tpu.memory_space<hbm>>
    %dma_wait3A_777 = arith.constant 0 : i32
    %dma_wait3A_778 = tpu.memref_slice %arg2[%add3A_765, %dma_wait3A_777] : memref<256x100000xf32, #tpu.memory_space<hbm>> -> memref<1x100000xf32, #tpu.memory_space<hbm>>
    %dma_wait3A_779 = tpu.memref_squeeze %dma_wait3A_778 : memref<1x100000xf32, #tpu.memory_space<hbm>> -> memref<100000xf32, #tpu.memory_space<hbm>>
    tpu.wait_dma2 semaphore(%arg10 : memref<!tpu.dma_semaphore, #tpu.memory_space<semaphore_mem>>) src(%dma_wait3A_779 : memref<100000xf32, #tpu.memory_space<hbm>>) dst(%arg5 : memref<100000xf32, #tpu.memory_space<vmem>>)
    %parallel_loop3A_780 = arith.constant 0 : i32
    %parallel_loop3A_781 = arith.constant 256 : i32
    %parallel_loop3A_782 = arith.constant 1 : i32
    scf.for %parallel_loop3A_1054 = %parallel_loop3A_780 to %parallel_loop3A_781 step %parallel_loop3A_782  : i32 {
      %parallel_loop3A_1055 = arith.constant 16 : i32
      %parallel_loop3A_1056 = arith.muli %parallel_loop3A_1054, %parallel_loop3A_1055 : i32
      %parallel_loop3A_1057 = arith.constant 0 : i32
      %parallel_loop3A_1058 = arith.addi %parallel_loop3A_1057, %parallel_loop3A_1056 : i32
      %parallel_loop3A_1059 = arith.index_cast %parallel_loop3A_1058 : i32 to index
      %parallel_loop3A_1060 = tpu.vector_load %arg6[%parallel_loop3A_1059] {strides = array<i32>} : memref<16384xi32, #tpu.memory_space<vmem>>, vector<16xi32>,
      %parallel_loop3A_1061 = tpu.vector_load_idx %arg5[%parallel_loop3A_1060] : memref<100000xf32, #tpu.memory_space<vmem>>[vector<16xi32>], vector<16xf32>,
      %parallel_loop3A_1062 = arith.constant 16 : i32
      %parallel_loop3A_1063 = arith.muli %parallel_loop3A_1054, %parallel_loop3A_1062 : i32
      %parallel_loop3A_1064 = arith.constant 0 : i32
      %parallel_loop3A_1065 = arith.index_cast %parallel_loop3A_1064 : i32 to index
      %parallel_loop3A_1066 = arith.index_cast %parallel_loop3A_1063 : i32 to index
      %parallel_loop3A_1067 = tpu.vector_load %arg7[%parallel_loop3A_1065, %parallel_loop3A_1066] {strides = array<i32>} : memref<2x4096xf32, #tpu.memory_space<vmem>>, vector<16xf32>,
      tpu.vector_store %arg7[%parallel_loop3A_1065, %parallel_loop3A_1066], %parallel_loop3A_1061 {strides = array<i32>} : memref<2x4096xf32, #tpu.memory_space<vmem>>, vector<16xf32>,
    } {sc.loop_unroll_factor = 8 : i64, sc.parallel_access}
    %dma_wait3A_783 = arith.constant 0 : i32
    %dma_wait3A_784 = arith.constant 0 : i32
    %dma_wait3A_785 = tpu.memref_slice %arg7[%dma_wait3A_783, %dma_wait3A_784] : memref<2x4096xf32, #tpu.memory_space<vmem>> -> memref<1x4096xf32, #tpu.memory_space<vmem>>
    %dma_wait3A_786 = tpu.memref_squeeze %dma_wait3A_785 : memref<1x4096xf32, #tpu.memory_space<vmem>> -> memref<4096xf32, #tpu.memory_space<vmem>>
    %dma_wait3A_787 = arith.constant 8192 : i32
    %dma_wait3A_788 = tpu.memref_slice %arg4[%add3A_641, %dma_wait3A_787] : memref<256x16384xf32, #tpu.memory_space<hbm>> -> memref<1x4096xf32, #tpu.memory_space<hbm>>
    %dma_wait3A_789 = tpu.memref_squeeze %dma_wait3A_788 : memref<1x4096xf32, #tpu.memory_space<hbm>> -> memref<4096xf32, #tpu.memory_space<hbm>>
    %dma_wait3A_790 = arith.constant 8192 : i32
    %dma_wait3A_791 = tpu.memref_slice %arg4[%add3A_641, %dma_wait3A_790] : memref<256x16384xf32, #tpu.memory_space<hbm>> -> memref<1x4096xf32, #tpu.memory_space<hbm>>
    %dma_wait3A_792 = tpu.memref_squeeze %dma_wait3A_791 : memref<1x4096xf32, #tpu.memory_space<hbm>> -> memref<4096xf32, #tpu.memory_space<hbm>>
    %dma_wait3A_793 = arith.constant 0 : i32
    %dma_wait3A_794 = tpu.memref_slice %arg7[%dma_wait3A_783, %dma_wait3A_793] : memref<2x4096xf32, #tpu.memory_space<vmem>> -> memref<1x4096xf32, #tpu.memory_space<vmem>>
    %dma_wait3A_795 = tpu.memref_squeeze %dma_wait3A_794 : memref<1x4096xf32, #tpu.memory_space<vmem>> -> memref<4096xf32, #tpu.memory_space<vmem>>
    tpu.wait_dma2 semaphore(%arg8 : memref<!tpu.dma_semaphore, #tpu.memory_space<semaphore_mem>>) src(%dma_wait3A_795 : memref<4096xf32, #tpu.memory_space<vmem>>) dst(%dma_wait3A_792 : memref<4096xf32, #tpu.memory_space<hbm>>)
    %dma_start3A_796 = arith.constant 0 : i32
    %dma_start3A_797 = arith.constant 0 : i32
    %dma_start3A_798 = tpu.memref_slice %arg7[%dma_start3A_796, %dma_start3A_797] : memref<2x4096xf32, #tpu.memory_space<vmem>> -> memref<1x4096xf32, #tpu.memory_space<vmem>>
    %dma_start3A_799 = tpu.memref_squeeze %dma_start3A_798 : memref<1x4096xf32, #tpu.memory_space<vmem>> -> memref<4096xf32, #tpu.memory_space<vmem>>
    %dma_start3A_800 = arith.constant 0 : i32
    %dma_start3A_801 = tpu.memref_slice %arg4[%add3A_773, %dma_start3A_800] : memref<256x16384xf32, #tpu.memory_space<hbm>> -> memref<1x4096xf32, #tpu.memory_space<hbm>>
    %dma_start3A_802 = tpu.memref_squeeze %dma_start3A_801 : memref<1x4096xf32, #tpu.memory_space<hbm>> -> memref<4096xf32, #tpu.memory_space<hbm>>
    %dma_start3A_803 = arith.constant 0 : i32
    %dma_start3A_804 = tpu.memref_slice %arg4[%add3A_773, %dma_start3A_803] : memref<256x16384xf32, #tpu.memory_space<hbm>> -> memref<1x4096xf32, #tpu.memory_space<hbm>>
    %dma_start3A_805 = tpu.memref_squeeze %dma_start3A_804 : memref<1x4096xf32, #tpu.memory_space<hbm>> -> memref<4096xf32, #tpu.memory_space<hbm>>
    %dma_start3A_806 = arith.constant 0 : i32
    %dma_start3A_807 = tpu.memref_slice %arg7[%dma_start3A_796, %dma_start3A_806] : memref<2x4096xf32, #tpu.memory_space<vmem>> -> memref<1x4096xf32, #tpu.memory_space<vmem>>
    %dma_start3A_808 = tpu.memref_squeeze %dma_start3A_807 : memref<1x4096xf32, #tpu.memory_space<vmem>> -> memref<4096xf32, #tpu.memory_space<vmem>>
    tpu.enqueue_dma source(%dma_start3A_808 : memref<4096xf32, #tpu.memory_space<vmem>>) target(%dma_start3A_805 : memref<4096xf32, #tpu.memory_space<hbm>>) target_semaphore(%arg8 : memref<!tpu.dma_semaphore, #tpu.memory_space<semaphore_mem>>)
    %parallel_loop3A_809 = arith.constant 0 : i32
    %parallel_loop3A_810 = arith.constant 256 : i32
    %parallel_loop3A_811 = arith.constant 1 : i32
    scf.for %parallel_loop3A_1054 = %parallel_loop3A_809 to %parallel_loop3A_810 step %parallel_loop3A_811  : i32 {
      %parallel_loop3A_1055 = arith.constant 16 : i32
      %parallel_loop3A_1056 = arith.muli %parallel_loop3A_1054, %parallel_loop3A_1055 : i32
      %parallel_loop3A_1057 = arith.constant 4096 : i32
      %parallel_loop3A_1058 = arith.addi %parallel_loop3A_1057, %parallel_loop3A_1056 : i32
      %parallel_loop3A_1059 = arith.index_cast %parallel_loop3A_1058 : i32 to index
      %parallel_loop3A_1060 = tpu.vector_load %arg6[%parallel_loop3A_1059] {strides = array<i32>} : memref<16384xi32, #tpu.memory_space<vmem>>, vector<16xi32>,
      %parallel_loop3A_1061 = tpu.vector_load_idx %arg5[%parallel_loop3A_1060] : memref<100000xf32, #tpu.memory_space<vmem>>[vector<16xi32>], vector<16xf32>,
      %parallel_loop3A_1062 = arith.constant 16 : i32
      %parallel_loop3A_1063 = arith.muli %parallel_loop3A_1054, %parallel_loop3A_1062 : i32
      %parallel_loop3A_1064 = arith.constant 1 : i32
      %parallel_loop3A_1065 = arith.index_cast %parallel_loop3A_1064 : i32 to index
      %parallel_loop3A_1066 = arith.index_cast %parallel_loop3A_1063 : i32 to index
      %parallel_loop3A_1067 = tpu.vector_load %arg7[%parallel_loop3A_1065, %parallel_loop3A_1066] {strides = array<i32>} : memref<2x4096xf32, #tpu.memory_space<vmem>>, vector<16xf32>,
      tpu.vector_store %arg7[%parallel_loop3A_1065, %parallel_loop3A_1066], %parallel_loop3A_1061 {strides = array<i32>} : memref<2x4096xf32, #tpu.memory_space<vmem>>, vector<16xf32>,
    } {sc.loop_unroll_factor = 8 : i64, sc.parallel_access}
    %dma_wait3A_812 = arith.constant 1 : i32
    %dma_wait3A_813 = arith.constant 0 : i32
    %dma_wait3A_814 = tpu.memref_slice %arg7[%dma_wait3A_812, %dma_wait3A_813] : memref<2x4096xf32, #tpu.memory_space<vmem>> -> memref<1x4096xf32, #tpu.memory_space<vmem>>
    %dma_wait3A_815 = tpu.memref_squeeze %dma_wait3A_814 : memref<1x4096xf32, #tpu.memory_space<vmem>> -> memref<4096xf32, #tpu.memory_space<vmem>>
    %dma_wait3A_816 = arith.constant 12288 : i32
    %dma_wait3A_817 = tpu.memref_slice %arg4[%add3A_641, %dma_wait3A_816] : memref<256x16384xf32, #tpu.memory_space<hbm>> -> memref<1x4096xf32, #tpu.memory_space<hbm>>
    %dma_wait3A_818 = tpu.memref_squeeze %dma_wait3A_817 : memref<1x4096xf32, #tpu.memory_space<hbm>> -> memref<4096xf32, #tpu.memory_space<hbm>>
    %dma_wait3A_819 = arith.constant 12288 : i32
    %dma_wait3A_820 = tpu.memref_slice %arg4[%add3A_641, %dma_wait3A_819] : memref<256x16384xf32, #tpu.memory_space<hbm>> -> memref<1x4096xf32, #tpu.memory_space<hbm>>
    %dma_wait3A_821 = tpu.memref_squeeze %dma_wait3A_820 : memref<1x4096xf32, #tpu.memory_space<hbm>> -> memref<4096xf32, #tpu.memory_space<hbm>>
    %dma_wait3A_822 = arith.constant 0 : i32
    %dma_wait3A_823 = tpu.memref_slice %arg7[%dma_wait3A_812, %dma_wait3A_822] : memref<2x4096xf32, #tpu.memory_space<vmem>> -> memref<1x4096xf32, #tpu.memory_space<vmem>>
    %dma_wait3A_824 = tpu.memref_squeeze %dma_wait3A_823 : memref<1x4096xf32, #tpu.memory_space<vmem>> -> memref<4096xf32, #tpu.memory_space<vmem>>
    tpu.wait_dma2 semaphore(%arg9 : memref<!tpu.dma_semaphore, #tpu.memory_space<semaphore_mem>>) src(%dma_wait3A_824 : memref<4096xf32, #tpu.memory_space<vmem>>) dst(%dma_wait3A_821 : memref<4096xf32, #tpu.memory_space<hbm>>)
    %dma_start3A_825 = arith.constant 1 : i32
    %dma_start3A_826 = arith.constant 0 : i32
    %dma_start3A_827 = tpu.memref_slice %arg7[%dma_start3A_825, %dma_start3A_826] : memref<2x4096xf32, #tpu.memory_space<vmem>> -> memref<1x4096xf32, #tpu.memory_space<vmem>>
    %dma_start3A_828 = tpu.memref_squeeze %dma_start3A_827 : memref<1x4096xf32, #tpu.memory_space<vmem>> -> memref<4096xf32, #tpu.memory_space<vmem>>
    %dma_start3A_829 = arith.constant 4096 : i32
    %dma_start3A_830 = tpu.memref_slice %arg4[%add3A_773, %dma_start3A_829] : memref<256x16384xf32, #tpu.memory_space<hbm>> -> memref<1x4096xf32, #tpu.memory_space<hbm>>
    %dma_start3A_831 = tpu.memref_squeeze %dma_start3A_830 : memref<1x4096xf32, #tpu.memory_space<hbm>> -> memref<4096xf32, #tpu.memory_space<hbm>>
    %dma_start3A_832 = arith.constant 4096 : i32
    %dma_start3A_833 = tpu.memref_slice %arg4[%add3A_773, %dma_start3A_832] : memref<256x16384xf32, #tpu.memory_space<hbm>> -> memref<1x4096xf32, #tpu.memory_space<hbm>>
    %dma_start3A_834 = tpu.memref_squeeze %dma_start3A_833 : memref<1x4096xf32, #tpu.memory_space<hbm>> -> memref<4096xf32, #tpu.memory_space<hbm>>
    %dma_start3A_835 = arith.constant 0 : i32
    %dma_start3A_836 = tpu.memref_slice %arg7[%dma_start3A_825, %dma_start3A_835] : memref<2x4096xf32, #tpu.memory_space<vmem>> -> memref<1x4096xf32, #tpu.memory_space<vmem>>
    %dma_start3A_837 = tpu.memref_squeeze %dma_start3A_836 : memref<1x4096xf32, #tpu.memory_space<vmem>> -> memref<4096xf32, #tpu.memory_space<vmem>>
    tpu.enqueue_dma source(%dma_start3A_837 : memref<4096xf32, #tpu.memory_space<vmem>>) target(%dma_start3A_834 : memref<4096xf32, #tpu.memory_space<hbm>>) target_semaphore(%arg9 : memref<!tpu.dma_semaphore, #tpu.memory_space<semaphore_mem>>)
    %parallel_loop3A_838 = arith.constant 0 : i32
    %parallel_loop3A_839 = arith.constant 256 : i32
    %parallel_loop3A_840 = arith.constant 1 : i32
    scf.for %parallel_loop3A_1054 = %parallel_loop3A_838 to %parallel_loop3A_839 step %parallel_loop3A_840  : i32 {
      %parallel_loop3A_1055 = arith.constant 16 : i32
      %parallel_loop3A_1056 = arith.muli %parallel_loop3A_1054, %parallel_loop3A_1055 : i32
      %parallel_loop3A_1057 = arith.constant 8192 : i32
      %parallel_loop3A_1058 = arith.addi %parallel_loop3A_1057, %parallel_loop3A_1056 : i32
      %parallel_loop3A_1059 = arith.index_cast %parallel_loop3A_1058 : i32 to index
      %parallel_loop3A_1060 = tpu.vector_load %arg6[%parallel_loop3A_1059] {strides = array<i32>} : memref<16384xi32, #tpu.memory_space<vmem>>, vector<16xi32>,
      %parallel_loop3A_1061 = tpu.vector_load_idx %arg5[%parallel_loop3A_1060] : memref<100000xf32, #tpu.memory_space<vmem>>[vector<16xi32>], vector<16xf32>,
      %parallel_loop3A_1062 = arith.constant 16 : i32
      %parallel_loop3A_1063 = arith.muli %parallel_loop3A_1054, %parallel_loop3A_1062 : i32
      %parallel_loop3A_1064 = arith.constant 0 : i32
      %parallel_loop3A_1065 = arith.index_cast %parallel_loop3A_1064 : i32 to index
      %parallel_loop3A_1066 = arith.index_cast %parallel_loop3A_1063 : i32 to index
      %parallel_loop3A_1067 = tpu.vector_load %arg7[%parallel_loop3A_1065, %parallel_loop3A_1066] {strides = array<i32>} : memref<2x4096xf32, #tpu.memory_space<vmem>>, vector<16xf32>,
      tpu.vector_store %arg7[%parallel_loop3A_1065, %parallel_loop3A_1066], %parallel_loop3A_1061 {strides = array<i32>} : memref<2x4096xf32, #tpu.memory_space<vmem>>, vector<16xf32>,
    } {sc.loop_unroll_factor = 8 : i64, sc.parallel_access}
    %dma_wait3A_841 = arith.constant 0 : i32
    %dma_wait3A_842 = arith.constant 0 : i32
    %dma_wait3A_843 = tpu.memref_slice %arg7[%dma_wait3A_841, %dma_wait3A_842] : memref<2x4096xf32, #tpu.memory_space<vmem>> -> memref<1x4096xf32, #tpu.memory_space<vmem>>
    %dma_wait3A_844 = tpu.memref_squeeze %dma_wait3A_843 : memref<1x4096xf32, #tpu.memory_space<vmem>> -> memref<4096xf32, #tpu.memory_space<vmem>>
    %dma_wait3A_845 = arith.constant 0 : i32
    %dma_wait3A_846 = tpu.memref_slice %arg4[%add3A_773, %dma_wait3A_845] : memref<256x16384xf32, #tpu.memory_space<hbm>> -> memref<1x4096xf32, #tpu.memory_space<hbm>>
    %dma_wait3A_847 = tpu.memref_squeeze %dma_wait3A_846 : memref<1x4096xf32, #tpu.memory_space<hbm>> -> memref<4096xf32, #tpu.memory_space<hbm>>
    %dma_wait3A_848 = arith.constant 0 : i32
    %dma_wait3A_849 = tpu.memref_slice %arg4[%add3A_773, %dma_wait3A_848] : memref<256x16384xf32, #tpu.memory_space<hbm>> -> memref<1x4096xf32, #tpu.memory_space<hbm>>
    %dma_wait3A_850 = tpu.memref_squeeze %dma_wait3A_849 : memref<1x4096xf32, #tpu.memory_space<hbm>> -> memref<4096xf32, #tpu.memory_space<hbm>>
    %dma_wait3A_851 = arith.constant 0 : i32
    %dma_wait3A_852 = tpu.memref_slice %arg7[%dma_wait3A_841, %dma_wait3A_851] : memref<2x4096xf32, #tpu.memory_space<vmem>> -> memref<1x4096xf32, #tpu.memory_space<vmem>>
    %dma_wait3A_853 = tpu.memref_squeeze %dma_wait3A_852 : memref<1x4096xf32, #tpu.memory_space<vmem>> -> memref<4096xf32, #tpu.memory_space<vmem>>
    tpu.wait_dma2 semaphore(%arg8 : memref<!tpu.dma_semaphore, #tpu.memory_space<semaphore_mem>>) src(%dma_wait3A_853 : memref<4096xf32, #tpu.memory_space<vmem>>) dst(%dma_wait3A_850 : memref<4096xf32, #tpu.memory_space<hbm>>)
    %dma_start3A_854 = arith.constant 0 : i32
    %dma_start3A_855 = arith.constant 0 : i32
    %dma_start3A_856 = tpu.memref_slice %arg7[%dma_start3A_854, %dma_start3A_855] : memref<2x4096xf32, #tpu.memory_space<vmem>> -> memref<1x4096xf32, #tpu.memory_space<vmem>>
    %dma_start3A_857 = tpu.memref_squeeze %dma_start3A_856 : memref<1x4096xf32, #tpu.memory_space<vmem>> -> memref<4096xf32, #tpu.memory_space<vmem>>
    %dma_start3A_858 = arith.constant 8192 : i32
    %dma_start3A_859 = tpu.memref_slice %arg4[%add3A_773, %dma_start3A_858] : memref<256x16384xf32, #tpu.memory_space<hbm>> -> memref<1x4096xf32, #tpu.memory_space<hbm>>
    %dma_start3A_860 = tpu.memref_squeeze %dma_start3A_859 : memref<1x4096xf32, #tpu.memory_space<hbm>> -> memref<4096xf32, #tpu.memory_space<hbm>>
    %dma_start3A_861 = arith.constant 8192 : i32
    %dma_start3A_862 = tpu.memref_slice %arg4[%add3A_773, %dma_start3A_861] : memref<256x16384xf32, #tpu.memory_space<hbm>> -> memref<1x4096xf32, #tpu.memory_space<hbm>>
    %dma_start3A_863 = tpu.memref_squeeze %dma_start3A_862 : memref<1x4096xf32, #tpu.memory_space<hbm>> -> memref<4096xf32, #tpu.memory_space<hbm>>
    %dma_start3A_864 = arith.constant 0 : i32
    %dma_start3A_865 = tpu.memref_slice %arg7[%dma_start3A_854, %dma_start3A_864] : memref<2x4096xf32, #tpu.memory_space<vmem>> -> memref<1x4096xf32, #tpu.memory_space<vmem>>
    %dma_start3A_866 = tpu.memref_squeeze %dma_start3A_865 : memref<1x4096xf32, #tpu.memory_space<vmem>> -> memref<4096xf32, #tpu.memory_space<vmem>>
    tpu.enqueue_dma source(%dma_start3A_866 : memref<4096xf32, #tpu.memory_space<vmem>>) target(%dma_start3A_863 : memref<4096xf32, #tpu.memory_space<hbm>>) target_semaphore(%arg8 : memref<!tpu.dma_semaphore, #tpu.memory_space<semaphore_mem>>)
    %parallel_loop3A_867 = arith.constant 0 : i32
    %parallel_loop3A_868 = arith.constant 256 : i32
    %parallel_loop3A_869 = arith.constant 1 : i32
    scf.for %parallel_loop3A_1054 = %parallel_loop3A_867 to %parallel_loop3A_868 step %parallel_loop3A_869  : i32 {
      %parallel_loop3A_1055 = arith.constant 16 : i32
      %parallel_loop3A_1056 = arith.muli %parallel_loop3A_1054, %parallel_loop3A_1055 : i32
      %parallel_loop3A_1057 = arith.constant 12288 : i32
      %parallel_loop3A_1058 = arith.addi %parallel_loop3A_1057, %parallel_loop3A_1056 : i32
      %parallel_loop3A_1059 = arith.index_cast %parallel_loop3A_1058 : i32 to index
      %parallel_loop3A_1060 = tpu.vector_load %arg6[%parallel_loop3A_1059] {strides = array<i32>} : memref<16384xi32, #tpu.memory_space<vmem>>, vector<16xi32>,
      %parallel_loop3A_1061 = tpu.vector_load_idx %arg5[%parallel_loop3A_1060] : memref<100000xf32, #tpu.memory_space<vmem>>[vector<16xi32>], vector<16xf32>,
      %parallel_loop3A_1062 = arith.constant 16 : i32
      %parallel_loop3A_1063 = arith.muli %parallel_loop3A_1054, %parallel_loop3A_1062 : i32
      %parallel_loop3A_1064 = arith.constant 1 : i32
      %parallel_loop3A_1065 = arith.index_cast %parallel_loop3A_1064 : i32 to index
      %parallel_loop3A_1066 = arith.index_cast %parallel_loop3A_1063 : i32 to index
      %parallel_loop3A_1067 = tpu.vector_load %arg7[%parallel_loop3A_1065, %parallel_loop3A_1066] {strides = array<i32>} : memref<2x4096xf32, #tpu.memory_space<vmem>>, vector<16xf32>,
      tpu.vector_store %arg7[%parallel_loop3A_1065, %parallel_loop3A_1066], %parallel_loop3A_1061 {strides = array<i32>} : memref<2x4096xf32, #tpu.memory_space<vmem>>, vector<16xf32>,
    } {sc.loop_unroll_factor = 8 : i64, sc.parallel_access}
    %dma_wait3A_870 = arith.constant 1 : i32
    %dma_wait3A_871 = arith.constant 0 : i32
    %dma_wait3A_872 = tpu.memref_slice %arg7[%dma_wait3A_870, %dma_wait3A_871] : memref<2x4096xf32, #tpu.memory_space<vmem>> -> memref<1x4096xf32, #tpu.memory_space<vmem>>
    %dma_wait3A_873 = tpu.memref_squeeze %dma_wait3A_872 : memref<1x4096xf32, #tpu.memory_space<vmem>> -> memref<4096xf32, #tpu.memory_space<vmem>>
    %dma_wait3A_874 = arith.constant 4096 : i32
    %dma_wait3A_875 = tpu.memref_slice %arg4[%add3A_773, %dma_wait3A_874] : memref<256x16384xf32, #tpu.memory_space<hbm>> -> memref<1x4096xf32, #tpu.memory_space<hbm>>
    %dma_wait3A_876 = tpu.memref_squeeze %dma_wait3A_875 : memref<1x4096xf32, #tpu.memory_space<hbm>> -> memref<4096xf32, #tpu.memory_space<hbm>>
    %dma_wait3A_877 = arith.constant 4096 : i32
    %dma_wait3A_878 = tpu.memref_slice %arg4[%add3A_773, %dma_wait3A_877] : memref<256x16384xf32, #tpu.memory_space<hbm>> -> memref<1x4096xf32, #tpu.memory_space<hbm>>
    %dma_wait3A_879 = tpu.memref_squeeze %dma_wait3A_878 : memref<1x4096xf32, #tpu.memory_space<hbm>> -> memref<4096xf32, #tpu.memory_space<hbm>>
    %dma_wait3A_880 = arith.constant 0 : i32
    %dma_wait3A_881 = tpu.memref_slice %arg7[%dma_wait3A_870, %dma_wait3A_880] : memref<2x4096xf32, #tpu.memory_space<vmem>> -> memref<1x4096xf32, #tpu.memory_space<vmem>>
    %dma_wait3A_882 = tpu.memref_squeeze %dma_wait3A_881 : memref<1x4096xf32, #tpu.memory_space<vmem>> -> memref<4096xf32, #tpu.memory_space<vmem>>
    tpu.wait_dma2 semaphore(%arg9 : memref<!tpu.dma_semaphore, #tpu.memory_space<semaphore_mem>>) src(%dma_wait3A_882 : memref<4096xf32, #tpu.memory_space<vmem>>) dst(%dma_wait3A_879 : memref<4096xf32, #tpu.memory_space<hbm>>)
    %dma_start3A_883 = arith.constant 1 : i32
    %dma_start3A_884 = arith.constant 0 : i32
    %dma_start3A_885 = tpu.memref_slice %arg7[%dma_start3A_883, %dma_start3A_884] : memref<2x4096xf32, #tpu.memory_space<vmem>> -> memref<1x4096xf32, #tpu.memory_space<vmem>>
    %dma_start3A_886 = tpu.memref_squeeze %dma_start3A_885 : memref<1x4096xf32, #tpu.memory_space<vmem>> -> memref<4096xf32, #tpu.memory_space<vmem>>
    %dma_start3A_887 = arith.constant 12288 : i32
    %dma_start3A_888 = tpu.memref_slice %arg4[%add3A_773, %dma_start3A_887] : memref<256x16384xf32, #tpu.memory_space<hbm>> -> memref<1x4096xf32, #tpu.memory_space<hbm>>
    %dma_start3A_889 = tpu.memref_squeeze %dma_start3A_888 : memref<1x4096xf32, #tpu.memory_space<hbm>> -> memref<4096xf32, #tpu.memory_space<hbm>>
    %dma_start3A_890 = arith.constant 12288 : i32
    %dma_start3A_891 = tpu.memref_slice %arg4[%add3A_773, %dma_start3A_890] : memref<256x16384xf32, #tpu.memory_space<hbm>> -> memref<1x4096xf32, #tpu.memory_space<hbm>>
    %dma_start3A_892 = tpu.memref_squeeze %dma_start3A_891 : memref<1x4096xf32, #tpu.memory_space<hbm>> -> memref<4096xf32, #tpu.memory_space<hbm>>
    %dma_start3A_893 = arith.constant 0 : i32
    %dma_start3A_894 = tpu.memref_slice %arg7[%dma_start3A_883, %dma_start3A_893] : memref<2x4096xf32, #tpu.memory_space<vmem>> -> memref<1x4096xf32, #tpu.memory_space<vmem>>
    %dma_start3A_895 = tpu.memref_squeeze %dma_start3A_894 : memref<1x4096xf32, #tpu.memory_space<vmem>> -> memref<4096xf32, #tpu.memory_space<vmem>>
    tpu.enqueue_dma source(%dma_start3A_895 : memref<4096xf32, #tpu.memory_space<vmem>>) target(%dma_start3A_892 : memref<4096xf32, #tpu.memory_space<hbm>>) target_semaphore(%arg9 : memref<!tpu.dma_semaphore, #tpu.memory_space<semaphore_mem>>)
    %add3A_896 = arith.constant 1 : i32
    %add3A_897 = arith.addi %add3A_773, %add3A_896 : i32
    %dma_start3A_898 = arith.constant 0 : i32
    %dma_start3A_899 = tpu.memref_slice %arg2[%add3A_897, %dma_start3A_898] : memref<256x100000xf32, #tpu.memory_space<hbm>> -> memref<1x100000xf32, #tpu.memory_space<hbm>>
    %dma_start3A_900 = tpu.memref_squeeze %dma_start3A_899 : memref<1x100000xf32, #tpu.memory_space<hbm>> -> memref<100000xf32, #tpu.memory_space<hbm>>
    %dma_start3A_901 = arith.constant 0 : i32
    %dma_start3A_902 = tpu.memref_slice %arg2[%add3A_897, %dma_start3A_901] : memref<256x100000xf32, #tpu.memory_space<hbm>> -> memref<1x100000xf32, #tpu.memory_space<hbm>>
    %dma_start3A_903 = tpu.memref_squeeze %dma_start3A_902 : memref<1x100000xf32, #tpu.memory_space<hbm>> -> memref<100000xf32, #tpu.memory_space<hbm>>
    tpu.enqueue_dma source(%dma_start3A_903 : memref<100000xf32, #tpu.memory_space<hbm>>) target(%arg5 : memref<100000xf32, #tpu.memory_space<vmem>>) target_semaphore(%arg11 : memref<!tpu.dma_semaphore, #tpu.memory_space<semaphore_mem>>)
    %add3A_904 = arith.constant 7 : i32
    %add3A_905 = arith.addi %mul3A_2, %add3A_904 : i32
    %dma_wait3A_906 = arith.constant 0 : i32
    %dma_wait3A_907 = tpu.memref_slice %arg2[%add3A_897, %dma_wait3A_906] : memref<256x100000xf32, #tpu.memory_space<hbm>> -> memref<1x100000xf32, #tpu.memory_space<hbm>>
    %dma_wait3A_908 = tpu.memref_squeeze %dma_wait3A_907 : memref<1x100000xf32, #tpu.memory_space<hbm>> -> memref<100000xf32, #tpu.memory_space<hbm>>
    %dma_wait3A_909 = arith.constant 0 : i32
    %dma_wait3A_910 = tpu.memref_slice %arg2[%add3A_897, %dma_wait3A_909] : memref<256x100000xf32, #tpu.memory_space<hbm>> -> memref<1x100000xf32, #tpu.memory_space<hbm>>
    %dma_wait3A_911 = tpu.memref_squeeze %dma_wait3A_910 : memref<1x100000xf32, #tpu.memory_space<hbm>> -> memref<100000xf32, #tpu.memory_space<hbm>>
    tpu.wait_dma2 semaphore(%arg11 : memref<!tpu.dma_semaphore, #tpu.memory_space<semaphore_mem>>) src(%dma_wait3A_911 : memref<100000xf32, #tpu.memory_space<hbm>>) dst(%arg5 : memref<100000xf32, #tpu.memory_space<vmem>>)
    %parallel_loop3A_912 = arith.constant 0 : i32
    %parallel_loop3A_913 = arith.constant 256 : i32
    %parallel_loop3A_914 = arith.constant 1 : i32
    scf.for %parallel_loop3A_1054 = %parallel_loop3A_912 to %parallel_loop3A_913 step %parallel_loop3A_914  : i32 {
      %parallel_loop3A_1055 = arith.constant 16 : i32
      %parallel_loop3A_1056 = arith.muli %parallel_loop3A_1054, %parallel_loop3A_1055 : i32
      %parallel_loop3A_1057 = arith.constant 0 : i32
      %parallel_loop3A_1058 = arith.addi %parallel_loop3A_1057, %parallel_loop3A_1056 : i32
      %parallel_loop3A_1059 = arith.index_cast %parallel_loop3A_1058 : i32 to index
      %parallel_loop3A_1060 = tpu.vector_load %arg6[%parallel_loop3A_1059] {strides = array<i32>} : memref<16384xi32, #tpu.memory_space<vmem>>, vector<16xi32>,
      %parallel_loop3A_1061 = tpu.vector_load_idx %arg5[%parallel_loop3A_1060] : memref<100000xf32, #tpu.memory_space<vmem>>[vector<16xi32>], vector<16xf32>,
      %parallel_loop3A_1062 = arith.constant 16 : i32
      %parallel_loop3A_1063 = arith.muli %parallel_loop3A_1054, %parallel_loop3A_1062 : i32
      %parallel_loop3A_1064 = arith.constant 0 : i32
      %parallel_loop3A_1065 = arith.index_cast %parallel_loop3A_1064 : i32 to index
      %parallel_loop3A_1066 = arith.index_cast %parallel_loop3A_1063 : i32 to index
      %parallel_loop3A_1067 = tpu.vector_load %arg7[%parallel_loop3A_1065, %parallel_loop3A_1066] {strides = array<i32>} : memref<2x4096xf32, #tpu.memory_space<vmem>>, vector<16xf32>,
      tpu.vector_store %arg7[%parallel_loop3A_1065, %parallel_loop3A_1066], %parallel_loop3A_1061 {strides = array<i32>} : memref<2x4096xf32, #tpu.memory_space<vmem>>, vector<16xf32>,
    } {sc.loop_unroll_factor = 8 : i64, sc.parallel_access}
    %dma_wait3A_915 = arith.constant 0 : i32
    %dma_wait3A_916 = arith.constant 0 : i32
    %dma_wait3A_917 = tpu.memref_slice %arg7[%dma_wait3A_915, %dma_wait3A_916] : memref<2x4096xf32, #tpu.memory_space<vmem>> -> memref<1x4096xf32, #tpu.memory_space<vmem>>
    %dma_wait3A_918 = tpu.memref_squeeze %dma_wait3A_917 : memref<1x4096xf32, #tpu.memory_space<vmem>> -> memref<4096xf32, #tpu.memory_space<vmem>>
    %dma_wait3A_919 = arith.constant 8192 : i32
    %dma_wait3A_920 = tpu.memref_slice %arg4[%add3A_773, %dma_wait3A_919] : memref<256x16384xf32, #tpu.memory_space<hbm>> -> memref<1x4096xf32, #tpu.memory_space<hbm>>
    %dma_wait3A_921 = tpu.memref_squeeze %dma_wait3A_920 : memref<1x4096xf32, #tpu.memory_space<hbm>> -> memref<4096xf32, #tpu.memory_space<hbm>>
    %dma_wait3A_922 = arith.constant 8192 : i32
    %dma_wait3A_923 = tpu.memref_slice %arg4[%add3A_773, %dma_wait3A_922] : memref<256x16384xf32, #tpu.memory_space<hbm>> -> memref<1x4096xf32, #tpu.memory_space<hbm>>
    %dma_wait3A_924 = tpu.memref_squeeze %dma_wait3A_923 : memref<1x4096xf32, #tpu.memory_space<hbm>> -> memref<4096xf32, #tpu.memory_space<hbm>>
    %dma_wait3A_925 = arith.constant 0 : i32
    %dma_wait3A_926 = tpu.memref_slice %arg7[%dma_wait3A_915, %dma_wait3A_925] : memref<2x4096xf32, #tpu.memory_space<vmem>> -> memref<1x4096xf32, #tpu.memory_space<vmem>>
    %dma_wait3A_927 = tpu.memref_squeeze %dma_wait3A_926 : memref<1x4096xf32, #tpu.memory_space<vmem>> -> memref<4096xf32, #tpu.memory_space<vmem>>
    tpu.wait_dma2 semaphore(%arg8 : memref<!tpu.dma_semaphore, #tpu.memory_space<semaphore_mem>>) src(%dma_wait3A_927 : memref<4096xf32, #tpu.memory_space<vmem>>) dst(%dma_wait3A_924 : memref<4096xf32, #tpu.memory_space<hbm>>)
    %dma_start3A_928 = arith.constant 0 : i32
    %dma_start3A_929 = arith.constant 0 : i32
    %dma_start3A_930 = tpu.memref_slice %arg7[%dma_start3A_928, %dma_start3A_929] : memref<2x4096xf32, #tpu.memory_space<vmem>> -> memref<1x4096xf32, #tpu.memory_space<vmem>>
    %dma_start3A_931 = tpu.memref_squeeze %dma_start3A_930 : memref<1x4096xf32, #tpu.memory_space<vmem>> -> memref<4096xf32, #tpu.memory_space<vmem>>
    %dma_start3A_932 = arith.constant 0 : i32
    %dma_start3A_933 = tpu.memref_slice %arg4[%add3A_905, %dma_start3A_932] : memref<256x16384xf32, #tpu.memory_space<hbm>> -> memref<1x4096xf32, #tpu.memory_space<hbm>>
    %dma_start3A_934 = tpu.memref_squeeze %dma_start3A_933 : memref<1x4096xf32, #tpu.memory_space<hbm>> -> memref<4096xf32, #tpu.memory_space<hbm>>
    %dma_start3A_935 = arith.constant 0 : i32
    %dma_start3A_936 = tpu.memref_slice %arg4[%add3A_905, %dma_start3A_935] : memref<256x16384xf32, #tpu.memory_space<hbm>> -> memref<1x4096xf32, #tpu.memory_space<hbm>>
    %dma_start3A_937 = tpu.memref_squeeze %dma_start3A_936 : memref<1x4096xf32, #tpu.memory_space<hbm>> -> memref<4096xf32, #tpu.memory_space<hbm>>
    %dma_start3A_938 = arith.constant 0 : i32
    %dma_start3A_939 = tpu.memref_slice %arg7[%dma_start3A_928, %dma_start3A_938] : memref<2x4096xf32, #tpu.memory_space<vmem>> -> memref<1x4096xf32, #tpu.memory_space<vmem>>
    %dma_start3A_940 = tpu.memref_squeeze %dma_start3A_939 : memref<1x4096xf32, #tpu.memory_space<vmem>> -> memref<4096xf32, #tpu.memory_space<vmem>>
    tpu.enqueue_dma source(%dma_start3A_940 : memref<4096xf32, #tpu.memory_space<vmem>>) target(%dma_start3A_937 : memref<4096xf32, #tpu.memory_space<hbm>>) target_semaphore(%arg8 : memref<!tpu.dma_semaphore, #tpu.memory_space<semaphore_mem>>)
    %parallel_loop3A_941 = arith.constant 0 : i32
    %parallel_loop3A_942 = arith.constant 256 : i32
    %parallel_loop3A_943 = arith.constant 1 : i32
    scf.for %parallel_loop3A_1054 = %parallel_loop3A_941 to %parallel_loop3A_942 step %parallel_loop3A_943  : i32 {
      %parallel_loop3A_1055 = arith.constant 16 : i32
      %parallel_loop3A_1056 = arith.muli %parallel_loop3A_1054, %parallel_loop3A_1055 : i32
      %parallel_loop3A_1057 = arith.constant 4096 : i32
      %parallel_loop3A_1058 = arith.addi %parallel_loop3A_1057, %parallel_loop3A_1056 : i32
      %parallel_loop3A_1059 = arith.index_cast %parallel_loop3A_1058 : i32 to index
      %parallel_loop3A_1060 = tpu.vector_load %arg6[%parallel_loop3A_1059] {strides = array<i32>} : memref<16384xi32, #tpu.memory_space<vmem>>, vector<16xi32>,
      %parallel_loop3A_1061 = tpu.vector_load_idx %arg5[%parallel_loop3A_1060] : memref<100000xf32, #tpu.memory_space<vmem>>[vector<16xi32>], vector<16xf32>,
      %parallel_loop3A_1062 = arith.constant 16 : i32
      %parallel_loop3A_1063 = arith.muli %parallel_loop3A_1054, %parallel_loop3A_1062 : i32
      %parallel_loop3A_1064 = arith.constant 1 : i32
      %parallel_loop3A_1065 = arith.index_cast %parallel_loop3A_1064 : i32 to index
      %parallel_loop3A_1066 = arith.index_cast %parallel_loop3A_1063 : i32 to index
      %parallel_loop3A_1067 = tpu.vector_load %arg7[%parallel_loop3A_1065, %parallel_loop3A_1066] {strides = array<i32>} : memref<2x4096xf32, #tpu.memory_space<vmem>>, vector<16xf32>,
      tpu.vector_store %arg7[%parallel_loop3A_1065, %parallel_loop3A_1066], %parallel_loop3A_1061 {strides = array<i32>} : memref<2x4096xf32, #tpu.memory_space<vmem>>, vector<16xf32>,
    } {sc.loop_unroll_factor = 8 : i64, sc.parallel_access}
    %dma_wait3A_944 = arith.constant 1 : i32
    %dma_wait3A_945 = arith.constant 0 : i32
    %dma_wait3A_946 = tpu.memref_slice %arg7[%dma_wait3A_944, %dma_wait3A_945] : memref<2x4096xf32, #tpu.memory_space<vmem>> -> memref<1x4096xf32, #tpu.memory_space<vmem>>
    %dma_wait3A_947 = tpu.memref_squeeze %dma_wait3A_946 : memref<1x4096xf32, #tpu.memory_space<vmem>> -> memref<4096xf32, #tpu.memory_space<vmem>>
    %dma_wait3A_948 = arith.constant 12288 : i32
    %dma_wait3A_949 = tpu.memref_slice %arg4[%add3A_773, %dma_wait3A_948] : memref<256x16384xf32, #tpu.memory_space<hbm>> -> memref<1x4096xf32, #tpu.memory_space<hbm>>
    %dma_wait3A_950 = tpu.memref_squeeze %dma_wait3A_949 : memref<1x4096xf32, #tpu.memory_space<hbm>> -> memref<4096xf32, #tpu.memory_space<hbm>>
    %dma_wait3A_951 = arith.constant 12288 : i32
    %dma_wait3A_952 = tpu.memref_slice %arg4[%add3A_773, %dma_wait3A_951] : memref<256x16384xf32, #tpu.memory_space<hbm>> -> memref<1x4096xf32, #tpu.memory_space<hbm>>
    %dma_wait3A_953 = tpu.memref_squeeze %dma_wait3A_952 : memref<1x4096xf32, #tpu.memory_space<hbm>> -> memref<4096xf32, #tpu.memory_space<hbm>>
    %dma_wait3A_954 = arith.constant 0 : i32
    %dma_wait3A_955 = tpu.memref_slice %arg7[%dma_wait3A_944, %dma_wait3A_954] : memref<2x4096xf32, #tpu.memory_space<vmem>> -> memref<1x4096xf32, #tpu.memory_space<vmem>>
    %dma_wait3A_956 = tpu.memref_squeeze %dma_wait3A_955 : memref<1x4096xf32, #tpu.memory_space<vmem>> -> memref<4096xf32, #tpu.memory_space<vmem>>
    tpu.wait_dma2 semaphore(%arg9 : memref<!tpu.dma_semaphore, #tpu.memory_space<semaphore_mem>>) src(%dma_wait3A_956 : memref<4096xf32, #tpu.memory_space<vmem>>) dst(%dma_wait3A_953 : memref<4096xf32, #tpu.memory_space<hbm>>)
    %dma_start3A_957 = arith.constant 1 : i32
    %dma_start3A_958 = arith.constant 0 : i32
    %dma_start3A_959 = tpu.memref_slice %arg7[%dma_start3A_957, %dma_start3A_958] : memref<2x4096xf32, #tpu.memory_space<vmem>> -> memref<1x4096xf32, #tpu.memory_space<vmem>>
    %dma_start3A_960 = tpu.memref_squeeze %dma_start3A_959 : memref<1x4096xf32, #tpu.memory_space<vmem>> -> memref<4096xf32, #tpu.memory_space<vmem>>
    %dma_start3A_961 = arith.constant 4096 : i32
    %dma_start3A_962 = tpu.memref_slice %arg4[%add3A_905, %dma_start3A_961] : memref<256x16384xf32, #tpu.memory_space<hbm>> -> memref<1x4096xf32, #tpu.memory_space<hbm>>
    %dma_start3A_963 = tpu.memref_squeeze %dma_start3A_962 : memref<1x4096xf32, #tpu.memory_space<hbm>> -> memref<4096xf32, #tpu.memory_space<hbm>>
    %dma_start3A_964 = arith.constant 4096 : i32
    %dma_start3A_965 = tpu.memref_slice %arg4[%add3A_905, %dma_start3A_964] : memref<256x16384xf32, #tpu.memory_space<hbm>> -> memref<1x4096xf32, #tpu.memory_space<hbm>>
    %dma_start3A_966 = tpu.memref_squeeze %dma_start3A_965 : memref<1x4096xf32, #tpu.memory_space<hbm>> -> memref<4096xf32, #tpu.memory_space<hbm>>
    %dma_start3A_967 = arith.constant 0 : i32
    %dma_start3A_968 = tpu.memref_slice %arg7[%dma_start3A_957, %dma_start3A_967] : memref<2x4096xf32, #tpu.memory_space<vmem>> -> memref<1x4096xf32, #tpu.memory_space<vmem>>
    %dma_start3A_969 = tpu.memref_squeeze %dma_start3A_968 : memref<1x4096xf32, #tpu.memory_space<vmem>> -> memref<4096xf32, #tpu.memory_space<vmem>>
    tpu.enqueue_dma source(%dma_start3A_969 : memref<4096xf32, #tpu.memory_space<vmem>>) target(%dma_start3A_966 : memref<4096xf32, #tpu.memory_space<hbm>>) target_semaphore(%arg9 : memref<!tpu.dma_semaphore, #tpu.memory_space<semaphore_mem>>)
    %parallel_loop3A_970 = arith.constant 0 : i32
    %parallel_loop3A_971 = arith.constant 256 : i32
    %parallel_loop3A_972 = arith.constant 1 : i32
    scf.for %parallel_loop3A_1054 = %parallel_loop3A_970 to %parallel_loop3A_971 step %parallel_loop3A_972  : i32 {
      %parallel_loop3A_1055 = arith.constant 16 : i32
      %parallel_loop3A_1056 = arith.muli %parallel_loop3A_1054, %parallel_loop3A_1055 : i32
      %parallel_loop3A_1057 = arith.constant 8192 : i32
      %parallel_loop3A_1058 = arith.addi %parallel_loop3A_1057, %parallel_loop3A_1056 : i32
      %parallel_loop3A_1059 = arith.index_cast %parallel_loop3A_1058 : i32 to index
      %parallel_loop3A_1060 = tpu.vector_load %arg6[%parallel_loop3A_1059] {strides = array<i32>} : memref<16384xi32, #tpu.memory_space<vmem>>, vector<16xi32>,
      %parallel_loop3A_1061 = tpu.vector_load_idx %arg5[%parallel_loop3A_1060] : memref<100000xf32, #tpu.memory_space<vmem>>[vector<16xi32>], vector<16xf32>,
      %parallel_loop3A_1062 = arith.constant 16 : i32
      %parallel_loop3A_1063 = arith.muli %parallel_loop3A_1054, %parallel_loop3A_1062 : i32
      %parallel_loop3A_1064 = arith.constant 0 : i32
      %parallel_loop3A_1065 = arith.index_cast %parallel_loop3A_1064 : i32 to index
      %parallel_loop3A_1066 = arith.index_cast %parallel_loop3A_1063 : i32 to index
      %parallel_loop3A_1067 = tpu.vector_load %arg7[%parallel_loop3A_1065, %parallel_loop3A_1066] {strides = array<i32>} : memref<2x4096xf32, #tpu.memory_space<vmem>>, vector<16xf32>,
      tpu.vector_store %arg7[%parallel_loop3A_1065, %parallel_loop3A_1066], %parallel_loop3A_1061 {strides = array<i32>} : memref<2x4096xf32, #tpu.memory_space<vmem>>, vector<16xf32>,
    } {sc.loop_unroll_factor = 8 : i64, sc.parallel_access}
    %dma_wait3A_973 = arith.constant 0 : i32
    %dma_wait3A_974 = arith.constant 0 : i32
    %dma_wait3A_975 = tpu.memref_slice %arg7[%dma_wait3A_973, %dma_wait3A_974] : memref<2x4096xf32, #tpu.memory_space<vmem>> -> memref<1x4096xf32, #tpu.memory_space<vmem>>
    %dma_wait3A_976 = tpu.memref_squeeze %dma_wait3A_975 : memref<1x4096xf32, #tpu.memory_space<vmem>> -> memref<4096xf32, #tpu.memory_space<vmem>>
    %dma_wait3A_977 = arith.constant 0 : i32
    %dma_wait3A_978 = tpu.memref_slice %arg4[%add3A_905, %dma_wait3A_977] : memref<256x16384xf32, #tpu.memory_space<hbm>> -> memref<1x4096xf32, #tpu.memory_space<hbm>>
    %dma_wait3A_979 = tpu.memref_squeeze %dma_wait3A_978 : memref<1x4096xf32, #tpu.memory_space<hbm>> -> memref<4096xf32, #tpu.memory_space<hbm>>
    %dma_wait3A_980 = arith.constant 0 : i32
    %dma_wait3A_981 = tpu.memref_slice %arg4[%add3A_905, %dma_wait3A_980] : memref<256x16384xf32, #tpu.memory_space<hbm>> -> memref<1x4096xf32, #tpu.memory_space<hbm>>
    %dma_wait3A_982 = tpu.memref_squeeze %dma_wait3A_981 : memref<1x4096xf32, #tpu.memory_space<hbm>> -> memref<4096xf32, #tpu.memory_space<hbm>>
    %dma_wait3A_983 = arith.constant 0 : i32
    %dma_wait3A_984 = tpu.memref_slice %arg7[%dma_wait3A_973, %dma_wait3A_983] : memref<2x4096xf32, #tpu.memory_space<vmem>> -> memref<1x4096xf32, #tpu.memory_space<vmem>>
    %dma_wait3A_985 = tpu.memref_squeeze %dma_wait3A_984 : memref<1x4096xf32, #tpu.memory_space<vmem>> -> memref<4096xf32, #tpu.memory_space<vmem>>
    tpu.wait_dma2 semaphore(%arg8 : memref<!tpu.dma_semaphore, #tpu.memory_space<semaphore_mem>>) src(%dma_wait3A_985 : memref<4096xf32, #tpu.memory_space<vmem>>) dst(%dma_wait3A_982 : memref<4096xf32, #tpu.memory_space<hbm>>)
    %dma_start3A_986 = arith.constant 0 : i32
    %dma_start3A_987 = arith.constant 0 : i32
    %dma_start3A_988 = tpu.memref_slice %arg7[%dma_start3A_986, %dma_start3A_987] : memref<2x4096xf32, #tpu.memory_space<vmem>> -> memref<1x4096xf32, #tpu.memory_space<vmem>>
    %dma_start3A_989 = tpu.memref_squeeze %dma_start3A_988 : memref<1x4096xf32, #tpu.memory_space<vmem>> -> memref<4096xf32, #tpu.memory_space<vmem>>
    %dma_start3A_990 = arith.constant 8192 : i32
    %dma_start3A_991 = tpu.memref_slice %arg4[%add3A_905, %dma_start3A_990] : memref<256x16384xf32, #tpu.memory_space<hbm>> -> memref<1x4096xf32, #tpu.memory_space<hbm>>
    %dma_start3A_992 = tpu.memref_squeeze %dma_start3A_991 : memref<1x4096xf32, #tpu.memory_space<hbm>> -> memref<4096xf32, #tpu.memory_space<hbm>>
    %dma_start3A_993 = arith.constant 8192 : i32
    %dma_start3A_994 = tpu.memref_slice %arg4[%add3A_905, %dma_start3A_993] : memref<256x16384xf32, #tpu.memory_space<hbm>> -> memref<1x4096xf32, #tpu.memory_space<hbm>>
    %dma_start3A_995 = tpu.memref_squeeze %dma_start3A_994 : memref<1x4096xf32, #tpu.memory_space<hbm>> -> memref<4096xf32, #tpu.memory_space<hbm>>
    %dma_start3A_996 = arith.constant 0 : i32
    %dma_start3A_997 = tpu.memref_slice %arg7[%dma_start3A_986, %dma_start3A_996] : memref<2x4096xf32, #tpu.memory_space<vmem>> -> memref<1x4096xf32, #tpu.memory_space<vmem>>
    %dma_start3A_998 = tpu.memref_squeeze %dma_start3A_997 : memref<1x4096xf32, #tpu.memory_space<vmem>> -> memref<4096xf32, #tpu.memory_space<vmem>>
    tpu.enqueue_dma source(%dma_start3A_998 : memref<4096xf32, #tpu.memory_space<vmem>>) target(%dma_start3A_995 : memref<4096xf32, #tpu.memory_space<hbm>>) target_semaphore(%arg8 : memref<!tpu.dma_semaphore, #tpu.memory_space<semaphore_mem>>)
    %parallel_loop3A_999 = arith.constant 0 : i32
    %parallel_loop3A_1000 = arith.constant 256 : i32
    %parallel_loop3A_1001 = arith.constant 1 : i32
    scf.for %parallel_loop3A_1054 = %parallel_loop3A_999 to %parallel_loop3A_1000 step %parallel_loop3A_1001  : i32 {
      %parallel_loop3A_1055 = arith.constant 16 : i32
      %parallel_loop3A_1056 = arith.muli %parallel_loop3A_1054, %parallel_loop3A_1055 : i32
      %parallel_loop3A_1057 = arith.constant 12288 : i32
      %parallel_loop3A_1058 = arith.addi %parallel_loop3A_1057, %parallel_loop3A_1056 : i32
      %parallel_loop3A_1059 = arith.index_cast %parallel_loop3A_1058 : i32 to index
      %parallel_loop3A_1060 = tpu.vector_load %arg6[%parallel_loop3A_1059] {strides = array<i32>} : memref<16384xi32, #tpu.memory_space<vmem>>, vector<16xi32>,
      %parallel_loop3A_1061 = tpu.vector_load_idx %arg5[%parallel_loop3A_1060] : memref<100000xf32, #tpu.memory_space<vmem>>[vector<16xi32>], vector<16xf32>,
      %parallel_loop3A_1062 = arith.constant 16 : i32
      %parallel_loop3A_1063 = arith.muli %parallel_loop3A_1054, %parallel_loop3A_1062 : i32
      %parallel_loop3A_1064 = arith.constant 1 : i32
      %parallel_loop3A_1065 = arith.index_cast %parallel_loop3A_1064 : i32 to index
      %parallel_loop3A_1066 = arith.index_cast %parallel_loop3A_1063 : i32 to index
      %parallel_loop3A_1067 = tpu.vector_load %arg7[%parallel_loop3A_1065, %parallel_loop3A_1066] {strides = array<i32>} : memref<2x4096xf32, #tpu.memory_space<vmem>>, vector<16xf32>,
      tpu.vector_store %arg7[%parallel_loop3A_1065, %parallel_loop3A_1066], %parallel_loop3A_1061 {strides = array<i32>} : memref<2x4096xf32, #tpu.memory_space<vmem>>, vector<16xf32>,
    } {sc.loop_unroll_factor = 8 : i64, sc.parallel_access}
    %dma_wait3A_1002 = arith.constant 1 : i32
    %dma_wait3A_1003 = arith.constant 0 : i32
    %dma_wait3A_1004 = tpu.memref_slice %arg7[%dma_wait3A_1002, %dma_wait3A_1003] : memref<2x4096xf32, #tpu.memory_space<vmem>> -> memref<1x4096xf32, #tpu.memory_space<vmem>>
    %dma_wait3A_1005 = tpu.memref_squeeze %dma_wait3A_1004 : memref<1x4096xf32, #tpu.memory_space<vmem>> -> memref<4096xf32, #tpu.memory_space<vmem>>
    %dma_wait3A_1006 = arith.constant 4096 : i32
    %dma_wait3A_1007 = tpu.memref_slice %arg4[%add3A_905, %dma_wait3A_1006] : memref<256x16384xf32, #tpu.memory_space<hbm>> -> memref<1x4096xf32, #tpu.memory_space<hbm>>
    %dma_wait3A_1008 = tpu.memref_squeeze %dma_wait3A_1007 : memref<1x4096xf32, #tpu.memory_space<hbm>> -> memref<4096xf32, #tpu.memory_space<hbm>>
    %dma_wait3A_1009 = arith.constant 4096 : i32
    %dma_wait3A_1010 = tpu.memref_slice %arg4[%add3A_905, %dma_wait3A_1009] : memref<256x16384xf32, #tpu.memory_space<hbm>> -> memref<1x4096xf32, #tpu.memory_space<hbm>>
    %dma_wait3A_1011 = tpu.memref_squeeze %dma_wait3A_1010 : memref<1x4096xf32, #tpu.memory_space<hbm>> -> memref<4096xf32, #tpu.memory_space<hbm>>
    %dma_wait3A_1012 = arith.constant 0 : i32
    %dma_wait3A_1013 = tpu.memref_slice %arg7[%dma_wait3A_1002, %dma_wait3A_1012] : memref<2x4096xf32, #tpu.memory_space<vmem>> -> memref<1x4096xf32, #tpu.memory_space<vmem>>
    %dma_wait3A_1014 = tpu.memref_squeeze %dma_wait3A_1013 : memref<1x4096xf32, #tpu.memory_space<vmem>> -> memref<4096xf32, #tpu.memory_space<vmem>>
    tpu.wait_dma2 semaphore(%arg9 : memref<!tpu.dma_semaphore, #tpu.memory_space<semaphore_mem>>) src(%dma_wait3A_1014 : memref<4096xf32, #tpu.memory_space<vmem>>) dst(%dma_wait3A_1011 : memref<4096xf32, #tpu.memory_space<hbm>>)
    %dma_start3A_1015 = arith.constant 1 : i32
    %dma_start3A_1016 = arith.constant 0 : i32
    %dma_start3A_1017 = tpu.memref_slice %arg7[%dma_start3A_1015, %dma_start3A_1016] : memref<2x4096xf32, #tpu.memory_space<vmem>> -> memref<1x4096xf32, #tpu.memory_space<vmem>>
    %dma_start3A_1018 = tpu.memref_squeeze %dma_start3A_1017 : memref<1x4096xf32, #tpu.memory_space<vmem>> -> memref<4096xf32, #tpu.memory_space<vmem>>
    %dma_start3A_1019 = arith.constant 12288 : i32
    %dma_start3A_1020 = tpu.memref_slice %arg4[%add3A_905, %dma_start3A_1019] : memref<256x16384xf32, #tpu.memory_space<hbm>> -> memref<1x4096xf32, #tpu.memory_space<hbm>>
    %dma_start3A_1021 = tpu.memref_squeeze %dma_start3A_1020 : memref<1x4096xf32, #tpu.memory_space<hbm>> -> memref<4096xf32, #tpu.memory_space<hbm>>
    %dma_start3A_1022 = arith.constant 12288 : i32
    %dma_start3A_1023 = tpu.memref_slice %arg4[%add3A_905, %dma_start3A_1022] : memref<256x16384xf32, #tpu.memory_space<hbm>> -> memref<1x4096xf32, #tpu.memory_space<hbm>>
    %dma_start3A_1024 = tpu.memref_squeeze %dma_start3A_1023 : memref<1x4096xf32, #tpu.memory_space<hbm>> -> memref<4096xf32, #tpu.memory_space<hbm>>
    %dma_start3A_1025 = arith.constant 0 : i32
    %dma_start3A_1026 = tpu.memref_slice %arg7[%dma_start3A_1015, %dma_start3A_1025] : memref<2x4096xf32, #tpu.memory_space<vmem>> -> memref<1x4096xf32, #tpu.memory_space<vmem>>
    %dma_start3A_1027 = tpu.memref_squeeze %dma_start3A_1026 : memref<1x4096xf32, #tpu.memory_space<vmem>> -> memref<4096xf32, #tpu.memory_space<vmem>>
    tpu.enqueue_dma source(%dma_start3A_1027 : memref<4096xf32, #tpu.memory_space<vmem>>) target(%dma_start3A_1024 : memref<4096xf32, #tpu.memory_space<hbm>>) target_semaphore(%arg9 : memref<!tpu.dma_semaphore, #tpu.memory_space<semaphore_mem>>)
    %dma_wait3A_1028 = arith.constant 0 : i32
    %dma_wait3A_1029 = arith.constant 0 : i32
    %dma_wait3A_1030 = tpu.memref_slice %arg7[%dma_wait3A_1028, %dma_wait3A_1029] : memref<2x4096xf32, #tpu.memory_space<vmem>> -> memref<1x4096xf32, #tpu.memory_space<vmem>>
    %dma_wait3A_1031 = tpu.memref_squeeze %dma_wait3A_1030 : memref<1x4096xf32, #tpu.memory_space<vmem>> -> memref<4096xf32, #tpu.memory_space<vmem>>
    %dma_wait3A_1032 = arith.constant 8192 : i32
    %dma_wait3A_1033 = tpu.memref_slice %arg4[%add3A_905, %dma_wait3A_1032] : memref<256x16384xf32, #tpu.memory_space<hbm>> -> memref<1x4096xf32, #tpu.memory_space<hbm>>
    %dma_wait3A_1034 = tpu.memref_squeeze %dma_wait3A_1033 : memref<1x4096xf32, #tpu.memory_space<hbm>> -> memref<4096xf32, #tpu.memory_space<hbm>>
    %dma_wait3A_1035 = arith.constant 8192 : i32
    %dma_wait3A_1036 = tpu.memref_slice %arg4[%add3A_905, %dma_wait3A_1035] : memref<256x16384xf32, #tpu.memory_space<hbm>> -> memref<1x4096xf32, #tpu.memory_space<hbm>>
    %dma_wait3A_1037 = tpu.memref_squeeze %dma_wait3A_1036 : memref<1x4096xf32, #tpu.memory_space<hbm>> -> memref<4096xf32, #tpu.memory_space<hbm>>
    %dma_wait3A_1038 = arith.constant 0 : i32
    %dma_wait3A_1039 = tpu.memref_slice %arg7[%dma_wait3A_1028, %dma_wait3A_1038] : memref<2x4096xf32, #tpu.memory_space<vmem>> -> memref<1x4096xf32, #tpu.memory_space<vmem>>
    %dma_wait3A_1040 = tpu.memref_squeeze %dma_wait3A_1039 : memref<1x4096xf32, #tpu.memory_space<vmem>> -> memref<4096xf32, #tpu.memory_space<vmem>>
    tpu.wait_dma2 semaphore(%arg8 : memref<!tpu.dma_semaphore, #tpu.memory_space<semaphore_mem>>) src(%dma_wait3A_1040 : memref<4096xf32, #tpu.memory_space<vmem>>) dst(%dma_wait3A_1037 : memref<4096xf32, #tpu.memory_space<hbm>>)
    %dma_wait3A_1041 = arith.constant 1 : i32
    %dma_wait3A_1042 = arith.constant 0 : i32
    %dma_wait3A_1043 = tpu.memref_slice %arg7[%dma_wait3A_1041, %dma_wait3A_1042] : memref<2x4096xf32, #tpu.memory_space<vmem>> -> memref<1x4096xf32, #tpu.memory_space<vmem>>
    %dma_wait3A_1044 = tpu.memref_squeeze %dma_wait3A_1043 : memref<1x4096xf32, #tpu.memory_space<vmem>> -> memref<4096xf32, #tpu.memory_space<vmem>>
    %dma_wait3A_1045 = arith.constant 12288 : i32
    %dma_wait3A_1046 = tpu.memref_slice %arg4[%add3A_905, %dma_wait3A_1045] : memref<256x16384xf32, #tpu.memory_space<hbm>> -> memref<1x4096xf32, #tpu.memory_space<hbm>>
    %dma_wait3A_1047 = tpu.memref_squeeze %dma_wait3A_1046 : memref<1x4096xf32, #tpu.memory_space<hbm>> -> memref<4096xf32, #tpu.memory_space<hbm>>
    %dma_wait3A_1048 = arith.constant 12288 : i32
    %dma_wait3A_1049 = tpu.memref_slice %arg4[%add3A_905, %dma_wait3A_1048] : memref<256x16384xf32, #tpu.memory_space<hbm>> -> memref<1x4096xf32, #tpu.memory_space<hbm>>
    %dma_wait3A_1050 = tpu.memref_squeeze %dma_wait3A_1049 : memref<1x4096xf32, #tpu.memory_space<hbm>> -> memref<4096xf32, #tpu.memory_space<hbm>>
    %dma_wait3A_1051 = arith.constant 0 : i32
    %dma_wait3A_1052 = tpu.memref_slice %arg7[%dma_wait3A_1041, %dma_wait3A_1051] : memref<2x4096xf32, #tpu.memory_space<vmem>> -> memref<1x4096xf32, #tpu.memory_space<vmem>>
    %dma_wait3A_1053 = tpu.memref_squeeze %dma_wait3A_1052 : memref<1x4096xf32, #tpu.memory_space<vmem>> -> memref<4096xf32, #tpu.memory_space<vmem>>
    tpu.wait_dma2 semaphore(%arg9 : memref<!tpu.dma_semaphore, #tpu.memory_space<semaphore_mem>>) src(%dma_wait3A_1053 : memref<4096xf32, #tpu.memory_space<vmem>>) dst(%dma_wait3A_1050 : memref<4096xf32, #tpu.memory_space<hbm>>)
    return
  }
}

</mosaic_0001>

<sc_bundles>
// kernel: kernel.3.cloned.1.call-start
scs
__scs_entry_jumppad:
0x0: {  	(pc) =	sbr.rel $0x88, $3  }
0x1: {  	(tag) =	ssettag $0x0;
	lr =	simm.s32 $0x1  }
0x2: {  	[smem:$0x3F9F] =	sst lr;
	_ =	strace $0xD0000000  }
0x3: {  	_ = 	snop  }
0x4: {  	_ = 	snop  }
0x5: {  	_ = 	snop  }
0x6: {  	_ = 	snop  }
0x7: {  	_ = 	snop  }
__scs_overlays_trampoline_lowered:
0x8: {  	[smem:$0x3FAE] =	sst s0  }
0x9: {  	[smem:$0x3FAF] =	sst s1  }
0xa: {  	[smem:$0x3FB0] =	sst s2  }
0xb: {  	[smem:$0x3FB1] =	sst s3  }
0xc: {  	[smem:$0x3FB2] =	sst s4  }
0xd: {  	[smem:$0x3FB3] =	sst s5  }
0xe: {  	[smem:$0x3FB4] =	sst s6  }
0xf: {  	[smem:$0x3FB5] =	sst s7  }
0x10: {  	[smem:$0x3FB6] =	sst s8  }
0x11: {  	[smem:$0x3FB7] =	sst s9;
	s0 =	simm.s32 @!p0 $0x0  }
0x12: {  	s1 =	sld [smem:$0x3F9D];
	s0 =	simm.s32 @p0 $0x1  }
0x13: {  	[smem:$0x3FB8] =	sst s0;
	s0 =	simm.s32 @!p1 $0x0  }
0x14: {  	s2 =	sld [smem:$0x3F9C];
	s0 =	simm.s32 @p1 $0x1  }
0x15: {  	[smem:$0x3FB9] =	sst s0;
	s0 =	simm.s32 @!p2 $0x0  }
0x16: {  	s3 =	sld [smem:$0x3FDB];
	s0 =	simm.s32 @p2 $0x1  }
0x17: {  	s4 =	simm.s32 $0x1BF5;
	[smem:$0x3FBB] =	sst s0  }
0x18: {  	s0 =	sld [smem:$0x3F9E];
	_ =	swait.ge [sflag:s4], $0x0  }
0x19: {  	s7 =	sld [smem:$0x3F9F]  }
0x1a: {  	s8 =	sadd.s32 $0xFFFFE003, lr  }
0x1b: {  	s9 =	sadd.s32 $0xFFFFFEF7, lr;
	s5 =	simm.s32 $0xFFFFFFFF;
	p2 =	slt.u32 s8, $0xFFFFF086  }
0x1c: {  	p1 =	slt.u32 s9, $0xF7A;
	s5 =	simm.s32 @!p2 $0x0  }
0x1d: {  	s5 =	simm.s32 @p1 $0x1;
	p0 =	seq.s32 s7, s2  }
0x1e: {  	s7 =	smul.u32 @!p0 $0xF7A, s2;
	p2 =	seq.s32 @!p0 s5, $0x0  }
0x1f: {  	s9 =	smul.u32 $0xF7A, s1;
	s8 =	simm.s32 @!p0 $0x1BF5;
	p2 =	por !p2, p0  }
0x20: {  	[sflag:s8] =	ssyncset.s32 @!p0 $0xFFFFF086;
	s6 =	sadd.s32 @!p0 s3, s7;
	s7 =	simm.s32 @!p0 $0x108  }
0x21: {  	s3 =	sadd.s32 s3, s9;
	s6 =	sadd.s32 @!p0 $0x88, s6;
	s7 =	simm.s32 @p2 $0x1082  }
0x22: {  	[simem:s7], [sflag:s8] =	dma.local @!p0 [hbm:s6], $0xF7A  }
0x23: {  	s9 =	sor.u32 $0xD0000000, s2;
	s6 =	simm.s32 $0x108;
	_ =	swait.ge @!p0 [sflag:s8], $0x0  }
0x24: {  	s3 =	sadd.s32 $0x88, s3;
	s6 =	simm.s32 @!p1 $0x1082;
	[sflag:s4] =	ssyncset.s32 $0xFFFFF086  }
0x25: {  	[simem:s6], [sflag:s4] =	dma.local [hbm:s3], $0xF7A  }
0x26: {  	[smem:$0x3F9F] =	sst s1;
	(tag) =	ssettag s2;
	_ =	strace s9  }
0x27: {  	s1 =	sld [smem:$0x3FAF]  }
0x28: {  	s2 =	sld [smem:$0x3FB0]  }
0x29: {  	s4 =	sld [smem:$0x3FB2]  }
0x2a: {  	p0 =	seq.s32 s5, $0x0;
	s5 =	sld [smem:$0x3FB3]  }
0x2b: {  	s6 =	sld [smem:$0x3FB4]  }
0x2c: {  	s7 =	sld [smem:$0x3FB5]  }
0x2d: {  	s3 =	simm.s32 $0x108;
	s8 =	sld [smem:$0x3FB6]  }
0x2e: {  	s3 =	simm.s32 @!p0 $0x1082;
	s9 =	sld [smem:$0x3FB7]  }
0x2f: {  	lr =	sadd.s32 s0, s3;
	s0 =	sld [smem:$0x3FAE]  }
0x30: {  	s3 =	sld [smem:$0x3FB1]  }
0x31: {  	[smem:$0x3FBA] =	sst s10  }
0x32: {  	s10 =	sld [smem:$0x3FB8];
	_ =	sdelay $0x3  }
0x33: {  	p0 =	seq.s32 s10, $0x1;
	s10 =	sld [smem:$0x3FBA];
	_ =	sdelay $0x3  }
0x34: {  	[smem:$0x3FBA] =	sst s10  }
0x35: {  	s10 =	sld [smem:$0x3FB9];
	_ =	sdelay $0x3  }
0x36: {  	p1 =	seq.s32 s10, $0x1;
	s10 =	sld [smem:$0x3FBA];
	_ =	sdelay $0x3  }
0x37: {  	[smem:$0x3FBA] =	sst s10  }
0x38: {  	s10 =	sld [smem:$0x3FBB]  }
0x39: {  	_ = 	snop;
	(pc) =	sbr.ind lr, $3  }
0x3a: {  	_ = 	snop  }
0x3b: {  	_ = 	snop  }
0x3c: {  	p2 =	seq.s32 s10, $0x1;
	s10 =	sld [smem:$0x3FBA]  }
0x3d: {  	_ =	shalt  }
0x3e: {  	_ =	shalt  }
0x3f: {  	_ =	shalt  }
0x40: {  	_ =	shalt  }
0x41: {  	_ =	shalt  }
0x42: {  	_ =	shalt  }
0x43: {  	_ =	shalt  }
0x44: {  	_ =	shalt  }
0x45: {  	_ =	shalt  }
0x46: {  	_ =	shalt  }
0x47: {  	_ =	shalt  }
0x48: {  	_ =	shalt  }
0x49: {  	_ =	shalt  }
0x4a: {  	_ =	shalt  }
0x4b: {  	_ =	shalt  }
0x4c: {  	_ =	shalt  }
0x4d: {  	_ =	shalt  }
0x4e: {  	_ =	shalt  }
0x4f: {  	_ =	shalt  }
0x50: {  	_ =	shalt  }
0x51: {  	_ =	shalt  }
0x52: {  	_ =	shalt  }
0x53: {  	_ =	shalt  }
0x54: {  	_ =	shalt  }
0x55: {  	_ =	shalt  }
0x56: {  	_ =	shalt  }
0x57: {  	_ =	shalt  }
0x58: {  	_ =	shalt  }
0x59: {  	_ =	shalt  }
0x5a: {  	_ =	shalt  }
0x5b: {  	_ =	shalt  }
0x5c: {  	_ =	shalt  }
0x5d: {  	_ =	shalt  }
0x5e: {  	_ =	shalt  }
0x5f: {  	_ =	shalt  }
0x60: {  	_ =	shalt  }
0x61: {  	_ =	shalt  }
0x62: {  	_ =	shalt  }
0x63: {  	_ =	shalt  }
0x64: {  	_ =	shalt  }
0x65: {  	_ =	shalt  }
0x66: {  	_ =	shalt  }
0x67: {  	_ =	shalt  }
0x68: {  	_ =	shalt  }
0x69: {  	_ =	shalt  }
0x6a: {  	_ =	shalt  }
0x6b: {  	_ =	shalt  }
0x6c: {  	_ =	shalt  }
0x6d: {  	_ =	shalt  }
0x6e: {  	_ =	shalt  }
0x6f: {  	_ =	shalt  }
0x70: {  	_ =	shalt  }
0x71: {  	_ =	shalt  }
0x72: {  	_ =	shalt  }
0x73: {  	_ =	shalt  }
0x74: {  	_ =	shalt  }
0x75: {  	_ =	shalt  }
0x76: {  	_ =	shalt  }
0x77: {  	_ =	shalt  }
0x78: {  	_ =	shalt  }
0x79: {  	_ =	shalt  }
0x7a: {  	_ =	shalt  }
0x7b: {  	_ =	shalt  }
0x7c: {  	_ =	shalt  }
0x7d: {  	_ =	shalt  }
0x7e: {  	_ =	shalt  }
0x7f: {  	_ =	shalt  }
0x80: {  	_ =	shalt  }
0x81: {  	_ =	shalt  }
0x82: {  	_ =	shalt  }
0x83: {  	_ =	shalt  }
0x84: {  	_ =	shalt  }
0x85: {  	_ =	shalt  }
0x86: {  	_ =	shalt  }
0x87: {  	_ =	shalt  }
.Lfunc_end0:
.L_simem_size_0:
called_computation_lowered:
.L_overlay_start_0:
0x88: {  	s2 =	sld [smem:$0x3FD9]  }
0x89: {  	s3 =	sld [smem:$0x3FFE];
	_ =	sdelay $0x1  }
0x8a: {  	s1 =	srdreg.scid  }
0x8b: {  	s0 =	sand.u32 $0x1, s1  }
0x8c: {  	s18 =	sshll.u32 s0, $0xA;
	s2 =	sadd.s32 s3, s2  }
0x8d: {  	s2 =	sadd.s32 s2, s18  }
0x8e: {  	[smem:$0x3FC6] =	sst s2  }
0x8f: {  	_ = 	snop  }
0x90: {  	s2 =	sld [smem:$0x3FC9]  }
0x91: {  	s19 =	sld [smem:$0x3FC8]  }
0x92: {  	s4 =	sld [smem:$0x3FD0];
	(tm) =	ssettm $0x1  }
0x93: {  	s5 =	sld [smem:$0x3FFB];
	_ =	sdelay $0x3  }
0x94: {  	_ =	strace s5  }
0x95: {  	s5 =	sld [smem:$0x3FFC];
	_ =	sdelay $0x3  }
0x96: {  	_ =	strace s5  }
0x97: {  	s5 =	sld [smem:$0x3FFD];
	_ =	sdelay $0x3  }
0x98: {  	_ =	strace s5  }
0x99: {  	_ =	strace $0x8FFFFFFF  }
0x9a: {  	s20 =	sld [smem:$0x3FDB];
	_ =	sdelay $0x1  }
0x9b: {  	s6 =	simm.s32 $_scs_section_size  }
0x9c: {  	s7 =	simm.s32 $_size__tile_overlayer_lowered;
	s8 =	simm.s32 $_tile_overlayer_lowered  }
0x9d: {  	s23 =	simm.s32 $0x1BFF;
	s22 =	sshll.u32 s8, $0x1;
	s5 =	sadd.s32 s6, s20  }
0x9e: {  	s9 =	simm.s32 $0x0;
	s21 =	sshll.u32 s7, $0x1;
	s7 =	sadd.s32 s22, s5  }
0x9f: {  	[timem:s9], [sflag:s23] =	dma.local [hbm:s7], s21  }
0xa0: {  	_ =	swait.ge [sflag:s23], s21  }
0xa1: {  	s6 =	ssub.s32 $0x0, s21;
	[sflag:s23] =	ssyncset.done $0x0  }
0xa2: {  	[sflag:s23] =	ssyncadd.s32 s6;
	_ =	sdelay $0x1  }
0xa3: {  	s24 =	simm.s32 $0x1B8B  }
0xa4: {  	_ =	swait.ge [sflag:s24], $0x1  }
0xa5: {  	[sflag:s24] =	ssyncset.done $0x0  }
0xa6: {  	s25 =	simm.s32 $0x1B8E;
	[sflag:s24] =	ssyncadd.s32 $0xFFFFFFFF  }
0xa7: {  	s26 =	simm.s32 $execute0_lowered;
	[smem:$0x3FD2] =	sst s25  }
0xa8: {  	s6 =	sshll.u32 s26, $0x1;
	_ =	strace $0x80000046;
	[dreg:$0x1] =	wrdreg $0xFFFFFFFF  }
0xa9: {  	s28 =	simm.s32 $_size_execute0_lowered;
	s5 =	sadd.s32 s5, s6;
	[dreg:$0x0] =	wrdreg $0x0  }
0xaa: {  	s6 =	sshll.u32 s28, $0x1;
	[dreg:$0x2] =	wrdreg s5  }
0xab: {  	[dreg:$0x3] =	wrdreg s6  }
0xac: {  	[dreg:$0x4] =	wrdreg $0xC0  }
0xad: {  	_ =	task [dreg:s9], $0x5FFFF  }
0xae: {  	[dreg:$0x1] =	wrdreg $0xFFFFFFFF  }
0xaf: {  	[dreg:$0x0] =	wrdreg $0x60  }
0xb0: {  	[dreg:$0x2] =	wrdreg s19  }
0xb1: {  	[dreg:$0x3] =	wrdreg s2  }
0xb2: {  	[dreg:$0x4] =	wrdreg s4  }
0xb3: {  	[dreg:$0x5] =	wrdreg $0x9  }
0xb4: {  	_ =	task.clear_ibuf [dreg:s9], $0x6FFFF;
	_ =	strace $0x90000046  }
0xb5: {  	s29 =	simm.s32 $0x9;
	_ =	strace $0x80000048  }
0xb6: {  	_ =	swait.ge [sflag:s29], $0x1  }
0xb7: {  	[sflag:s29] =	ssyncadd.s32 $0xFFFFFFFF  }
0xb8: {  	_ =	strace $0x90000048  }
0xb9: {  	_ =	sfence  }
0xba: {  	s30 =	sld [smem:$0x0];
	_ =	sdelay $0x2  }
0xbb: {  	s31 =	sshll.u32 s1, $0xD;
	s1 =	sshrl.u32 s1, $0x2  }
0xbc: {  	s3 =	sand.u32 $0x4000, s31;
	s1 =	sadd.s32 s1, s30  }
0xbd: {  	s0 =	sor.u32 s3, s0;
	s1 =	sshll.u32 s1, $0x11  }
0xbe: {  	s0 =	sor.u32 s1, s0  }
0xbf: {  	s0 =	sadd.s32 $0x8F2B, s0  }
0xc0: {  	[sflag:s0] =	ssyncadd.remote.s32 $0x1  }
0xc1: {  	_ =	sfence.sel $0xFFFF  }
0xc2: {  	[dreg:$0x0] =	wrdreg $0xFFFFFFFF;
	(pc) =	sbr.abs _section_cstart, $3  }
0xc3: {  	[dreg:$0x1] =	wrdreg $0xFFFFFFFF  }
0xc4: {  	_ =	task.clear_ibuf [dreg:s9], $0x2FFFF;
	_ =	strace $0x9FFFFFFF  }
0xc5: {  	(tm) =	ssettm $0x7FFFFFFF  }
tec
execute0_lowered:
.L_overlay_start_1:
0x0: {  	(tag) =	ssettag $0x1  }
0x1: {  	s0 =	srdreg.scid  }
0x2: {  	s2 =	stileid.u32;
	s0 =	sand.u32 $0x1, s0  }
0x3: {  	s1 =	rddreg [dreg:$0x0];
	s2 =	sshll.u32 s2, $0x4;
	s3 =	sshll.u32 s0, $0x3  }
0x4: {  	s4 =	rddreg [dreg:$0x2];
	s0 =	ssub.s32 $0x2, s0;
	s2 =	sor.u32 s3, s2  }
0x5: {  	s3 =	simm.s32 $0x0;
	s6 =	sshrl.u32 s0, $0x1;
	s5 =	sshrl.u32 s2, $0x3  }
0x6: {  	[smem:$0x7FF] =	sst s3;
	s0 =	ssub.s32 s0, s6;
	s5 =	smul.u32 $0x18700, s5  }
0x7: {  	s2 =	sshll.u32 s2, $0xB;
	_ =	strace $0x80000047;
	s0 =	smax.u32 s0, $0x1  }
0x8: {  	[dreg:$0x10] =	wrdreg s0;
	s14 =	sadd.s32 s1, s5;
	s5 =	sadd.s32 s4, s2  }
0x9: {  	s15 =	sadd.s32 $0x1000, s5;
	s23 =	sadd.s32 $0x2000, s5;
	s8 =	sadd.s32 $0x3000, s5  }
0xa: {  	s24 =	sadd.s32 $0x10, s14;
	s16 =	sadd.s32 $0x10, s5;
	s25 =	sadd.s32 $0x1010, s5  }
0xb: {  	s26 =	sadd.s32 $0x2010, s5;
	s13 =	sadd.s32 $0x3010, s5;
	s2 =	sadd.s32 $0x20, s14  }
0xc: {  	s4 =	sadd.s32 $0x20, s5;
	s7 =	sadd.s32 $0x1020, s5;
	[dreg:$0x4] =	wrdreg s14  }
0xd: {  	s17 =	sadd.s32 $0x2020, s5;
	s18 =	sadd.s32 $0x3020, s5;
	[dreg:$0x6] =	wrdreg s23  }
0xe: {  	s9 =	sadd.s32 $0x30, s14;
	s20 =	sadd.s32 $0x30, s5;
	[dreg:$0x7] =	wrdreg s24  }
0xf: {  	s21 =	sadd.s32 $0x1030, s5;
	s22 =	sadd.s32 $0x2030, s5;
	[dreg:$0x9] =	wrdreg s25  }
0x10: {  	s10 =	sadd.s32 $0x40, s14;
	s28 =	sadd.s32 $0x1040, s5;
	[dreg:$0xa] =	wrdreg s26  }
0x11: {  	s29 =	sadd.s32 $0x2040, s5;
	s30 =	sadd.s32 $0x3040, s5;
	[dreg:$0xb] =	wrdreg s2  }
0x12: {  	s11 =	sadd.s32 $0x50, s14;
	s1 =	sadd.s32 $0x50, s5;
	[dreg:$0xc] =	wrdreg s4  }
0x13: {  	s0 =	sadd.s32 $0x1050, s5;
	s12 =	sadd.s32 $0x60, s14;
	[dreg:$0xd] =	wrdreg s7  }
0x14: {  	s19 =	sadd.s32 $0x60, s5;
	s31 =	sadd.s32 $0x3060, s5;
	[dreg:$0xe] =	wrdreg s9  }
0x15: {  	s14 =	sadd.s32 $0x70, s14;
	s6 =	sadd.s32 $0x2070, s5;
	[dreg:$0xf] =	wrdreg s10  }
0x16: {  	s23 =	sadd.s32 $0x3030, s5;
	s26 =	sadd.s32 $0x40, s5;
	[dreg:$0x11] =	wrdreg s11  }
0x17: {  	s2 =	sadd.s32 $0x2050, s5;
	s9 =	sadd.s32 $0x3050, s5;
	[dreg:$0x12] =	wrdreg s12  }
0x18: {  	s24 =	sadd.s32 $0x1060, s5;
	s25 =	sadd.s32 $0x2060, s5;
	[dreg:$0x13] =	wrdreg s14  }
0x19: {  	s14 =	sadd.s32 $0x70, s5;
	s4 =	sadd.s32 $0x1070, s5;
	[dreg:$0x5] =	wrdreg s15  }
0x1a: {  	s7 =	sadd.s32 $0x3070, s5;
	s12 =	simm.s32 $0x0;
	[dreg:$0x8] =	wrdreg s16  }
.LBB2_1:
0x1b: {  	[dreg:$0x14] =	wrdreg s12  }
0x1c: {  	s10 =	rddreg [dreg:$0x4];
	s11 =	simm.s32 $0x80;
	s16 =	simm.s32 $0x400  }
0x1d: {  	[tilespmem:s3], [sflag:$0x3] =	stream.strided.gather [hbm4b:s10+s11], $0x18700, s16, s11, $0x38;
	[tilespmem:$0x1E700] =	vst v63  }
0x1e: {  	s12 =	rddreg [dreg:$0x1];
	s16 =	simm.s32 $0x18700;
	s11 =	simm.s32 $0x5  }
0x1f: {  	[tilespmem:s16], [sflag:$0x5] =	stream.linear.gather [hbm4b:s12+s3], $0x4000, $0x38;
	[tilespmem:$0x1E700] =	vst v63  }
0x20: {  	_ =	swait.ge [sflag:s11], $0x4000  }
0x21: {  	[sflag:s11] =	ssyncset.done $0x0  }
0x22: {  	s12 =	simm.s32 $0x3;
	[sflag:s11] =	ssyncadd.s32 $0xFFFFC000  }
0x23: {  	_ =	swait.ge [sflag:s12], $0x18700  }
0x24: {  	[sflag:s12] =	ssyncset.done $0x0  }
0x25: {  	s16 =	simm.s32 $0x18740;
	[sflag:s12] =	ssyncadd.s32 $0xFFFE7900  }
0x26: {  	v0 =	vld [tilespmem:s16+$0x30]  }
0x27: {  	v1 =	vld [tilespmem:s16+$0xFFFFFFD0]  }
0x28: {  	v2 =	vld [tilespmem:s16+$0xFFFFFFE0]  }
0x29: {  	v3 =	vld [tilespmem:s16+$0xFFFFFFF0]  }
0x2a: {  	v4 =	vld [tilespmem:s16+$0x0]  }
0x2b: {  	v6 =	vld [tilespmem:s16+$0x10]  }
0x2c: {  	v7 =	vld [tilespmem:s16+$0x20]  }
0x2d: {  	v8 =	vld [tilespmem:s16+$0xFFFFFFC0]  }
0x2e: {  	v9 =	vld.idx.msk [tilespmem:v0+s3+$0x0], $0xffff  }
0x2f: {  	v10 =	vld.idx.msk [tilespmem:v1+s3+$0x0], $0xffff  }
0x30: {  	v5 =	vld.idx.msk [tilespmem:v2+s3+$0x0], $0xffff  }
0x31: {  	v3 =	vld.idx.msk [tilespmem:v3+s3+$0x0], $0xffff  }
0x32: {  	v0 =	vld.idx.msk [tilespmem:v4+s3+$0x0], $0xffff  }
0x33: {  	s10 =	simm.s32 $0x1C740;
	v1 =	vld.idx.msk [tilespmem:v6+s3+$0x0], $0xffff  }
0x34: {  	v2 =	vld.idx.msk [tilespmem:v7+s3+$0x0], $0xffff;
	[tilespmem:s10+$0x30] =	vst v9  }
0x35: {  	s11 =	simm.s32 $0x0;
	s12 =	simm.s32 $0x187C0;
	v4 =	vld.idx.msk [tilespmem:v8+s3+$0x0], $0xffff;
	[tilespmem:s10+$0xFFFFFFD0] =	vst v10  }
.LBB2_2:
0x36: {  	v6 =	vld [tilespmem:s12+$0x30];
	s11 =	sadd.s32 $0x8, s11;
	[tilespmem:s10+$0xFFFFFFE0] =	vst v5  }
0x37: {  	v5 =	vld [tilespmem:s12+$0xFFFFFFD0];
	p0 =	slt.u32 s11, $0xF8;
	[tilespmem:s10+$0xFFFFFFF0] =	vst v3  }
0x38: {  	v3 =	vld [tilespmem:s12+$0xFFFFFFE0];
	[tilespmem:s10+$0x0] =	vst v0  }
0x39: {  	v0 =	vld [tilespmem:s12+$0xFFFFFFF0];
	[tilespmem:s10+$0x10] =	vst v1  }
0x3a: {  	v1 =	vld [tilespmem:s12+$0x0];
	[tilespmem:s10+$0x20] =	vst v2  }
0x3b: {  	v2 =	vld [tilespmem:s12+$0x10];
	[tilespmem:s10+$0xFFFFFFC0] =	vst v4  }
0x3c: {  	v4 =	vld [tilespmem:s12+$0x20]  }
0x3d: {  	v7 =	vld [tilespmem:s12+$0xFFFFFFC0]  }
0x3e: {  	v6 =	vld.idx.msk [tilespmem:v6+s3+$0x0], $0xffff  }
0x3f: {  	v8 =	vld.idx.msk [tilespmem:v5+s3+$0x0], $0xffff  }
0x40: {  	v5 =	vld.idx.msk [tilespmem:v3+s3+$0x0], $0xffff  }
.Ltmp0:
0x41: {  	v3 =	vld.idx.msk [tilespmem:v0+s3+$0x0], $0xffff;
	(pc) =	sbr.rel @p0 .LBB2_2-.Ltmp0, $4  }
0x42: {  	v0 =	vld.idx.msk [tilespmem:v1+s3+$0x0], $0xffff  }
0x43: {  	s10 =	sadd.s32 $0x100, s10;
	v1 =	vld.idx.msk [tilespmem:v2+s3+$0x0], $0xffff  }
0x44: {  	v2 =	vld.idx.msk [tilespmem:v4+s3+$0x0], $0xffff;
	[tilespmem:s10+$0x30] =	vst v6  }
0x45: {  	s12 =	sadd.s32 $0x80, s12;
	v4 =	vld.idx.msk [tilespmem:v7+s3+$0x0], $0xffff;
	[tilespmem:s10+$0xFFFFFFD0] =	vst v8  }
0x46: {  	[tilespmem:s10+$0xFFFFFFE0] =	vst v5  }
0x47: {  	[tilespmem:s10+$0xFFFFFFF0] =	vst v3  }
0x48: {  	[tilespmem:s10+$0x0] =	vst v0  }
0x49: {  	[tilespmem:s10+$0x10] =	vst v1  }
0x4a: {  	[tilespmem:s10+$0x20] =	vst v2  }
0x4b: {  	s11 =	simm.s32 $0x1C700;
	[tilespmem:s10+$0xFFFFFFC0] =	vst v4;
	s10 =	simm.s32 $0x0  }
.LBB2_4:
0x4c: {  	p0 =	sne.s32 s10, $0xF80  }
.Ltmp1:
0x4d: {  	_ = 	snop;
	(pc) =	sbr.rel @p0 .LBB2_4-.Ltmp1, $4  }
0x4e: {  	_ = 	snop  }
0x4f: {  	s12 =	sadd.s32 s10, s5  }
0x50: {  	[hbm4b:s12+s3] =	stream.linear.scatter [tilespmem:s11], [sflag:$0x1], $0x80, $0x38;
	[tilespmem:$0x1E700] =	vst v63  }
0x51: {  	s10 =	sadd.s32 $0x80, s10;
	s11 =	sadd.s32 $0x100, s11  }
0x52: {  	s10 =	simm.s32 $0x19770  }
0x53: {  	v0 =	vld [tilespmem:s10+$0x0]  }
0x54: {  	v1 =	vld [tilespmem:s10+$0xFFFFFFA0]  }
0x55: {  	v2 =	vld [tilespmem:s10+$0xFFFFFFB0]  }
0x56: {  	v3 =	vld [tilespmem:s10+$0xFFFFFFC0]  }
0x57: {  	v4 =	vld [tilespmem:s10+$0xFFFFFFD0]  }
0x58: {  	v6 =	vld [tilespmem:s10+$0xFFFFFFE0]  }
0x59: {  	v7 =	vld [tilespmem:s10+$0xFFFFFFF0]  }
0x5a: {  	v8 =	vld [tilespmem:s10+$0xFFFFFF90]  }
0x5b: {  	v9 =	vld.idx.msk [tilespmem:v0+s3+$0x0], $0xffff  }
0x5c: {  	v10 =	vld.idx.msk [tilespmem:v1+s3+$0x0], $0xffff  }
0x5d: {  	v5 =	vld.idx.msk [tilespmem:v2+s3+$0x0], $0xffff  }
0x5e: {  	v3 =	vld.idx.msk [tilespmem:v3+s3+$0x0], $0xffff  }
0x5f: {  	v0 =	vld.idx.msk [tilespmem:v4+s3+$0x0], $0xffff  }
0x60: {  	s10 =	simm.s32 $0x1C7F0;
	v1 =	vld.idx.msk [tilespmem:v6+s3+$0x0], $0xffff  }
0x61: {  	v2 =	vld.idx.msk [tilespmem:v7+s3+$0x0], $0xffff;
	[tilespmem:s10+$0x0] =	vst v9  }
0x62: {  	s11 =	simm.s32 $0x0;
	s12 =	simm.s32 $0x197F0;
	v4 =	vld.idx.msk [tilespmem:v8+s3+$0x0], $0xffff;
	[tilespmem:s10+$0xFFFFFFA0] =	vst v10  }
.LBB2_6:
0x63: {  	v6 =	vld [tilespmem:s12+$0x0];
	s11 =	sadd.s32 $0x8, s11;
	[tilespmem:s10+$0xFFFFFFB0] =	vst v5  }
0x64: {  	v5 =	vld [tilespmem:s12+$0xFFFFFFA0];
	p0 =	slt.u32 s11, $0xF8;
	[tilespmem:s10+$0xFFFFFFC0] =	vst v3  }
0x65: {  	v3 =	vld [tilespmem:s12+$0xFFFFFFB0];
	[tilespmem:s10+$0xFFFFFFD0] =	vst v0  }
0x66: {  	v0 =	vld [tilespmem:s12+$0xFFFFFFC0];
	[tilespmem:s10+$0xFFFFFFE0] =	vst v1  }
0x67: {  	v1 =	vld [tilespmem:s12+$0xFFFFFFD0];
	[tilespmem:s10+$0xFFFFFFF0] =	vst v2  }
0x68: {  	v2 =	vld [tilespmem:s12+$0xFFFFFFE0];
	[tilespmem:s10+$0xFFFFFF90] =	vst v4  }
0x69: {  	v4 =	vld [tilespmem:s12+$0xFFFFFFF0]  }
0x6a: {  	v7 =	vld [tilespmem:s12+$0xFFFFFF90]  }
0x6b: {  	v6 =	vld.idx.msk [tilespmem:v6+s3+$0x0], $0xffff  }
0x6c: {  	v8 =	vld.idx.msk [tilespmem:v5+s3+$0x0], $0xffff  }
0x6d: {  	v5 =	vld.idx.msk [tilespmem:v3+s3+$0x0], $0xffff  }
.Ltmp2:
0x6e: {  	v3 =	vld.idx.msk [tilespmem:v0+s3+$0x0], $0xffff;
	(pc) =	sbr.rel @p0 .LBB2_6-.Ltmp2, $4  }
0x6f: {  	v0 =	vld.idx.msk [tilespmem:v1+s3+$0x0], $0xffff  }
0x70: {  	s10 =	sadd.s32 $0x100, s10;
	v1 =	vld.idx.msk [tilespmem:v2+s3+$0x0], $0xffff  }
0x71: {  	v2 =	vld.idx.msk [tilespmem:v4+s3+$0x0], $0xffff;
	[tilespmem:s10+$0x0] =	vst v6  }
0x72: {  	s12 =	sadd.s32 $0x80, s12;
	v4 =	vld.idx.msk [tilespmem:v7+s3+$0x0], $0xffff;
	[tilespmem:s10+$0xFFFFFFA0] =	vst v8  }
0x73: {  	[tilespmem:s10+$0xFFFFFFB0] =	vst v5  }
0x74: {  	[tilespmem:s10+$0xFFFFFFC0] =	vst v3  }
0x75: {  	[tilespmem:s10+$0xFFFFFFD0] =	vst v0  }
0x76: {  	[tilespmem:s10+$0xFFFFFFE0] =	vst v1  }
0x77: {  	[tilespmem:s10+$0xFFFFFFF0] =	vst v2  }
0x78: {  	s11 =	simm.s32 $0x1C780;
	[tilespmem:s10+$0xFFFFFF90] =	vst v4;
	s10 =	simm.s32 $0x0  }
.LBB2_8:
0x79: {  	p0 =	sne.s32 s10, $0xF80  }
.Ltmp3:
0x7a: {  	_ = 	snop;
	(pc) =	sbr.rel @p0 .LBB2_8-.Ltmp3, $4  }
0x7b: {  	_ = 	snop  }
0x7c: {  	s12 =	sadd.s32 s10, s15  }
0x7d: {  	[hbm4b:s12+s3] =	stream.linear.scatter [tilespmem:s11], [sflag:$0x2], $0x80, $0x38;
	[tilespmem:$0x1E700] =	vst v63  }
0x7e: {  	s10 =	sadd.s32 $0x80, s10;
	s11 =	sadd.s32 $0x100, s11  }
0x7f: {  	s10 =	simm.s32 $0x1A770  }
0x80: {  	v0 =	vld [tilespmem:s10+$0x0]  }
0x81: {  	v1 =	vld [tilespmem:s10+$0xFFFFFFA0]  }
0x82: {  	v2 =	vld [tilespmem:s10+$0xFFFFFFB0]  }
0x83: {  	v3 =	vld [tilespmem:s10+$0xFFFFFFC0]  }
0x84: {  	v4 =	vld [tilespmem:s10+$0xFFFFFFD0]  }
0x85: {  	v6 =	vld [tilespmem:s10+$0xFFFFFFE0]  }
0x86: {  	v7 =	vld [tilespmem:s10+$0xFFFFFFF0]  }
0x87: {  	v8 =	vld [tilespmem:s10+$0xFFFFFF90]  }
0x88: {  	v9 =	vld.idx.msk [tilespmem:v0+s3+$0x0], $0xffff  }
0x89: {  	v10 =	vld.idx.msk [tilespmem:v1+s3+$0x0], $0xffff  }
0x8a: {  	v5 =	vld.idx.msk [tilespmem:v2+s3+$0x0], $0xffff  }
0x8b: {  	v3 =	vld.idx.msk [tilespmem:v3+s3+$0x0], $0xffff  }
0x8c: {  	v0 =	vld.idx.msk [tilespmem:v4+s3+$0x0], $0xffff  }
0x8d: {  	s10 =	simm.s32 $0x1C740;
	v1 =	vld.idx.msk [tilespmem:v6+s3+$0x0], $0xffff  }
0x8e: {  	v2 =	vld.idx.msk [tilespmem:v7+s3+$0x0], $0xffff;
	[tilespmem:s10+$0x30] =	vst v9  }
0x8f: {  	s11 =	simm.s32 $0x0;
	s12 =	simm.s32 $0x1A7F0;
	v4 =	vld.idx.msk [tilespmem:v8+s3+$0x0], $0xffff;
	[tilespmem:s10+$0xFFFFFFD0] =	vst v10  }
.LBB2_10:
0x90: {  	v6 =	vld [tilespmem:s12+$0x0];
	s11 =	sadd.s32 $0x8, s11;
	[tilespmem:s10+$0xFFFFFFE0] =	vst v5  }
0x91: {  	v5 =	vld [tilespmem:s12+$0xFFFFFFA0];
	p0 =	slt.u32 s11, $0xF8;
	[tilespmem:s10+$0xFFFFFFF0] =	vst v3  }
0x92: {  	v3 =	vld [tilespmem:s12+$0xFFFFFFB0];
	[tilespmem:s10+$0x0] =	vst v0  }
0x93: {  	v0 =	vld [tilespmem:s12+$0xFFFFFFC0];
	[tilespmem:s10+$0x10] =	vst v1  }
0x94: {  	v1 =	vld [tilespmem:s12+$0xFFFFFFD0];
	[tilespmem:s10+$0x20] =	vst v2  }
0x95: {  	v2 =	vld [tilespmem:s12+$0xFFFFFFE0];
	[tilespmem:s10+$0xFFFFFFC0] =	vst v4  }
0x96: {  	v4 =	vld [tilespmem:s12+$0xFFFFFFF0]  }
0x97: {  	v7 =	vld [tilespmem:s12+$0xFFFFFF90]  }
0x98: {  	v6 =	vld.idx.msk [tilespmem:v6+s3+$0x0], $0xffff  }
0x99: {  	v8 =	vld.idx.msk [tilespmem:v5+s3+$0x0], $0xffff  }
0x9a: {  	v5 =	vld.idx.msk [tilespmem:v3+s3+$0x0], $0xffff  }
.Ltmp4:
0x9b: {  	v3 =	vld.idx.msk [tilespmem:v0+s3+$0x0], $0xffff;
	(pc) =	sbr.rel @p0 .LBB2_10-.Ltmp4, $4  }
0x9c: {  	v0 =	vld.idx.msk [tilespmem:v1+s3+$0x0], $0xffff  }
0x9d: {  	s10 =	sadd.s32 $0x100, s10;
	v1 =	vld.idx.msk [tilespmem:v2+s3+$0x0], $0xffff  }
0x9e: {  	v2 =	vld.idx.msk [tilespmem:v4+s3+$0x0], $0xffff;
	[tilespmem:s10+$0x30] =	vst v6  }
0x9f: {  	s12 =	sadd.s32 $0x80, s12;
	v4 =	vld.idx.msk [tilespmem:v7+s3+$0x0], $0xffff;
	[tilespmem:s10+$0xFFFFFFD0] =	vst v8  }
0xa0: {  	[tilespmem:s10+$0xFFFFFFE0] =	vst v5  }
0xa1: {  	[tilespmem:s10+$0xFFFFFFF0] =	vst v3  }
0xa2: {  	[tilespmem:s10+$0x0] =	vst v0  }
0xa3: {  	[tilespmem:s10+$0x10] =	vst v1  }
0xa4: {  	[tilespmem:s10+$0x20] =	vst v2  }
0xa5: {  	s16 =	simm.s32 $0x1;
	[tilespmem:s10+$0xFFFFFFC0] =	vst v4  }
0xa6: {  	_ =	swait.ge [sflag:s16], $0x1000  }
0xa7: {  	s11 =	simm.s32 $0x1C700;
	[sflag:s16] =	ssyncset.done $0x0  }
0xa8: {  	s10 =	simm.s32 $0x0;
	[sflag:s16] =	ssyncadd.s32 $0xFFFFF000;
	s16 =	rddreg [dreg:$0x6]  }
.LBB2_12:
0xa9: {  	p0 =	sne.s32 s10, $0xF80  }
.Ltmp5:
0xaa: {  	_ = 	snop;
	(pc) =	sbr.rel @p0 .LBB2_12-.Ltmp5, $4  }
0xab: {  	_ = 	snop  }
0xac: {  	s12 =	sadd.s32 s10, s16  }
0xad: {  	[hbm4b:s12+s3] =	stream.linear.scatter [tilespmem:s11], [sflag:$0x1], $0x80, $0x38;
	[tilespmem:$0x1E700] =	vst v63  }
0xae: {  	s10 =	sadd.s32 $0x80, s10;
	s11 =	sadd.s32 $0x100, s11  }
0xaf: {  	s10 =	simm.s32 $0x1B770  }
0xb0: {  	v0 =	vld [tilespmem:s10+$0x0]  }
0xb1: {  	v1 =	vld [tilespmem:s10+$0xFFFFFFA0]  }
0xb2: {  	v2 =	vld [tilespmem:s10+$0xFFFFFFB0]  }
0xb3: {  	v3 =	vld [tilespmem:s10+$0xFFFFFFC0]  }
0xb4: {  	v4 =	vld [tilespmem:s10+$0xFFFFFFD0]  }
0xb5: {  	v6 =	vld [tilespmem:s10+$0xFFFFFFE0]  }
0xb6: {  	v7 =	vld [tilespmem:s10+$0xFFFFFFF0]  }
0xb7: {  	v8 =	vld [tilespmem:s10+$0xFFFFFF90]  }
0xb8: {  	v9 =	vld.idx.msk [tilespmem:v0+s3+$0x0], $0xffff  }
0xb9: {  	v10 =	vld.idx.msk [tilespmem:v1+s3+$0x0], $0xffff  }
0xba: {  	v5 =	vld.idx.msk [tilespmem:v2+s3+$0x0], $0xffff  }
0xbb: {  	v3 =	vld.idx.msk [tilespmem:v3+s3+$0x0], $0xffff  }
0xbc: {  	v0 =	vld.idx.msk [tilespmem:v4+s3+$0x0], $0xffff  }
0xbd: {  	s10 =	simm.s32 $0x1C7F0;
	v1 =	vld.idx.msk [tilespmem:v6+s3+$0x0], $0xffff  }
0xbe: {  	v2 =	vld.idx.msk [tilespmem:v7+s3+$0x0], $0xffff;
	[tilespmem:s10+$0x0] =	vst v9  }
0xbf: {  	s11 =	simm.s32 $0x0;
	s12 =	simm.s32 $0x1B7F0;
	v4 =	vld.idx.msk [tilespmem:v8+s3+$0x0], $0xffff;
	[tilespmem:s10+$0xFFFFFFA0] =	vst v10  }
.LBB2_14:
0xc0: {  	v6 =	vld [tilespmem:s12+$0x0];
	s11 =	sadd.s32 $0x8, s11;
	[tilespmem:s10+$0xFFFFFFB0] =	vst v5  }
0xc1: {  	v5 =	vld [tilespmem:s12+$0xFFFFFFA0];
	p0 =	slt.u32 s11, $0xF8;
	[tilespmem:s10+$0xFFFFFFC0] =	vst v3  }
0xc2: {  	v3 =	vld [tilespmem:s12+$0xFFFFFFB0];
	[tilespmem:s10+$0xFFFFFFD0] =	vst v0  }
0xc3: {  	v0 =	vld [tilespmem:s12+$0xFFFFFFC0];
	[tilespmem:s10+$0xFFFFFFE0] =	vst v1  }
0xc4: {  	v1 =	vld [tilespmem:s12+$0xFFFFFFD0];
	[tilespmem:s10+$0xFFFFFFF0] =	vst v2  }
0xc5: {  	v2 =	vld [tilespmem:s12+$0xFFFFFFE0];
	[tilespmem:s10+$0xFFFFFF90] =	vst v4  }
0xc6: {  	v4 =	vld [tilespmem:s12+$0xFFFFFFF0]  }
0xc7: {  	v7 =	vld [tilespmem:s12+$0xFFFFFF90]  }
0xc8: {  	v6 =	vld.idx.msk [tilespmem:v6+s3+$0x0], $0xffff  }
0xc9: {  	v8 =	vld.idx.msk [tilespmem:v5+s3+$0x0], $0xffff  }
0xca: {  	v5 =	vld.idx.msk [tilespmem:v3+s3+$0x0], $0xffff  }
.Ltmp6:
0xcb: {  	v3 =	vld.idx.msk [tilespmem:v0+s3+$0x0], $0xffff;
	(pc) =	sbr.rel @p0 .LBB2_14-.Ltmp6, $4  }
0xcc: {  	v0 =	vld.idx.msk [tilespmem:v1+s3+$0x0], $0xffff  }
0xcd: {  	s10 =	sadd.s32 $0x100, s10;
	v1 =	vld.idx.msk [tilespmem:v2+s3+$0x0], $0xffff  }
0xce: {  	v2 =	vld.idx.msk [tilespmem:v4+s3+$0x0], $0xffff;
	[tilespmem:s10+$0x0] =	vst v6  }
0xcf: {  	s12 =	sadd.s32 $0x80, s12;
	v4 =	vld.idx.msk [tilespmem:v7+s3+$0x0], $0xffff;
	[tilespmem:s10+$0xFFFFFFA0] =	vst v8  }
0xd0: {  	[tilespmem:s10+$0xFFFFFFB0] =	vst v5  }
0xd1: {  	[tilespmem:s10+$0xFFFFFFC0] =	vst v3  }
0xd2: {  	[tilespmem:s10+$0xFFFFFFD0] =	vst v0  }
0xd3: {  	[tilespmem:s10+$0xFFFFFFE0] =	vst v1  }
0xd4: {  	[tilespmem:s10+$0xFFFFFFF0] =	vst v2  }
0xd5: {  	s16 =	simm.s32 $0x2;
	[tilespmem:s10+$0xFFFFFF90] =	vst v4  }
0xd6: {  	s11 =	simm.s32 $0x80;
	_ =	swait.ge [sflag:s16], $0x1000  }
0xd7: {  	s15 =	sadd.s32 $0x0, s8;
	s12 =	simm.s32 $0x1C880;
	[sflag:s16] =	ssyncset.done $0x0  }
0xd8: {  	s10 =	simm.s32 $0x1C780;
	[sflag:s16] =	ssyncadd.s32 $0xFFFFF000;
	s16 =	rddreg [dreg:$0x8]  }
.LBB2_16:
0xd9: {  	[hbm4b:s15+s3] =	stream.linear.scatter [tilespmem:s10], [sflag:$0x2], $0x80, $0x38;
	[tilespmem:$0x1E700] =	vst v63  }
0xda: {  	s15 =	smov.u32 s11;
	s10 =	smov.u32 s12;
	p0 =	sne.s32 s11, $0xF80  }
.Ltmp7:
0xdb: {  	s11 =	sadd.s32 $0x80, s11;
	(pc) =	sbr.rel @p0 .LBB2_16-.Ltmp7, $2  }
0xdc: {  	_ =	sdelay $0x2  }
0xdd: {  	s12 =	sadd.s32 $0x100, s12;
	s15 =	sadd.s32 s15, s8  }
0xde: {  	[hbm4b:s15+s3] =	stream.linear.scatter [tilespmem:s10], [sflag:$0x2], $0x80, $0x38;
	[tilespmem:$0x1E700] =	vst v63  }
0xdf: {  	s15 =	rddreg [dreg:$0x7];
	s11 =	simm.s32 $0x80;
	s12 =	simm.s32 $0x400  }
0xe0: {  	[tilespmem:s3], [sflag:$0x4] =	stream.strided.gather [hbm4b:s15+s11], $0x18700, s12, s11, $0x38;
	[tilespmem:$0x1E700] =	vst v63  }
0xe1: {  	s12 =	simm.s32 $0x4  }
0xe2: {  	_ =	swait.ge [sflag:s12], $0x18700  }
0xe3: {  	[sflag:s12] =	ssyncset.done $0x0  }
0xe4: {  	s15 =	simm.s32 $0x18740;
	[sflag:s12] =	ssyncadd.s32 $0xFFFE7900  }
0xe5: {  	v0 =	vld [tilespmem:s15+$0x30]  }
0xe6: {  	v1 =	vld [tilespmem:s15+$0xFFFFFFD0]  }
0xe7: {  	v2 =	vld [tilespmem:s15+$0xFFFFFFE0]  }
0xe8: {  	v3 =	vld [tilespmem:s15+$0xFFFFFFF0]  }
0xe9: {  	v4 =	vld [tilespmem:s15+$0x0]  }
0xea: {  	v6 =	vld [tilespmem:s15+$0x10]  }
0xeb: {  	v7 =	vld [tilespmem:s15+$0x20]  }
0xec: {  	v8 =	vld [tilespmem:s15+$0xFFFFFFC0]  }
0xed: {  	v9 =	vld.idx.msk [tilespmem:v0+s3+$0x0], $0xffff  }
0xee: {  	v10 =	vld.idx.msk [tilespmem:v1+s3+$0x0], $0xffff  }
0xef: {  	v5 =	vld.idx.msk [tilespmem:v2+s3+$0x0], $0xffff  }
0xf0: {  	v3 =	vld.idx.msk [tilespmem:v3+s3+$0x0], $0xffff  }
0xf1: {  	v0 =	vld.idx.msk [tilespmem:v4+s3+$0x0], $0xffff  }
0xf2: {  	s10 =	simm.s32 $0x1C740;
	v1 =	vld.idx.msk [tilespmem:v6+s3+$0x0], $0xffff  }
0xf3: {  	v2 =	vld.idx.msk [tilespmem:v7+s3+$0x0], $0xffff;
	[tilespmem:s10+$0x30] =	vst v9  }
0xf4: {  	s11 =	simm.s32 $0x0;
	s12 =	simm.s32 $0x187C0;
	v4 =	vld.idx.msk [tilespmem:v8+s3+$0x0], $0xffff;
	[tilespmem:s10+$0xFFFFFFD0] =	vst v10  }
.LBB2_18:
0xf5: {  	v6 =	vld [tilespmem:s12+$0x30];
	s11 =	sadd.s32 $0x8, s11;
	[tilespmem:s10+$0xFFFFFFE0] =	vst v5  }
0xf6: {  	v5 =	vld [tilespmem:s12+$0xFFFFFFD0];
	p0 =	slt.u32 s11, $0xF8;
	[tilespmem:s10+$0xFFFFFFF0] =	vst v3  }
0xf7: {  	v3 =	vld [tilespmem:s12+$0xFFFFFFE0];
	[tilespmem:s10+$0x0] =	vst v0  }
0xf8: {  	v0 =	vld [tilespmem:s12+$0xFFFFFFF0];
	[tilespmem:s10+$0x10] =	vst v1  }
0xf9: {  	v1 =	vld [tilespmem:s12+$0x0];
	[tilespmem:s10+$0x20] =	vst v2  }
0xfa: {  	v2 =	vld [tilespmem:s12+$0x10];
	[tilespmem:s10+$0xFFFFFFC0] =	vst v4  }
0xfb: {  	v4 =	vld [tilespmem:s12+$0x20]  }
0xfc: {  	v7 =	vld [tilespmem:s12+$0xFFFFFFC0]  }
0xfd: {  	v6 =	vld.idx.msk [tilespmem:v6+s3+$0x0], $0xffff  }
0xfe: {  	v8 =	vld.idx.msk [tilespmem:v5+s3+$0x0], $0xffff  }
0xff: {  	v5 =	vld.idx.msk [tilespmem:v3+s3+$0x0], $0xffff  }
.Ltmp8:
0x100: {  	v3 =	vld.idx.msk [tilespmem:v0+s3+$0x0], $0xffff;
	(pc) =	sbr.rel @p0 .LBB2_18-.Ltmp8, $4  }
0x101: {  	v0 =	vld.idx.msk [tilespmem:v1+s3+$0x0], $0xffff  }
0x102: {  	s10 =	sadd.s32 $0x100, s10;
	v1 =	vld.idx.msk [tilespmem:v2+s3+$0x0], $0xffff  }
0x103: {  	v2 =	vld.idx.msk [tilespmem:v4+s3+$0x0], $0xffff;
	[tilespmem:s10+$0x30] =	vst v6  }
0x104: {  	s12 =	sadd.s32 $0x80, s12;
	v4 =	vld.idx.msk [tilespmem:v7+s3+$0x0], $0xffff;
	[tilespmem:s10+$0xFFFFFFD0] =	vst v8  }
0x105: {  	[tilespmem:s10+$0xFFFFFFE0] =	vst v5  }
0x106: {  	[tilespmem:s10+$0xFFFFFFF0] =	vst v3  }
0x107: {  	[tilespmem:s10+$0x0] =	vst v0  }
0x108: {  	[tilespmem:s10+$0x10] =	vst v1  }
0x109: {  	[tilespmem:s10+$0x20] =	vst v2  }
0x10a: {  	s15 =	simm.s32 $0x1;
	[tilespmem:s10+$0xFFFFFFC0] =	vst v4  }
0x10b: {  	_ =	swait.ge [sflag:s15], $0x1000  }
0x10c: {  	s11 =	simm.s32 $0x1C700;
	[sflag:s15] =	ssyncset.done $0x0  }
0x10d: {  	s10 =	simm.s32 $0x0;
	[sflag:s15] =	ssyncadd.s32 $0xFFFFF000;
	s15 =	rddreg [dreg:$0x9]  }
.LBB2_20:
0x10e: {  	p0 =	sne.s32 s10, $0xF80  }
.Ltmp9:
0x10f: {  	_ = 	snop;
	(pc) =	sbr.rel @p0 .LBB2_20-.Ltmp9, $4  }
0x110: {  	_ = 	snop  }
0x111: {  	s12 =	sadd.s32 s10, s16  }
0x112: {  	[hbm4b:s12+s3] =	stream.linear.scatter [tilespmem:s11], [sflag:$0x1], $0x80, $0x38;
	[tilespmem:$0x1E700] =	vst v63  }
0x113: {  	s10 =	sadd.s32 $0x80, s10;
	s11 =	sadd.s32 $0x100, s11  }
0x114: {  	s10 =	simm.s32 $0x19770  }
0x115: {  	v0 =	vld [tilespmem:s10+$0x0]  }
0x116: {  	v1 =	vld [tilespmem:s10+$0xFFFFFFA0]  }
0x117: {  	v2 =	vld [tilespmem:s10+$0xFFFFFFB0]  }
0x118: {  	v3 =	vld [tilespmem:s10+$0xFFFFFFC0]  }
0x119: {  	v4 =	vld [tilespmem:s10+$0xFFFFFFD0]  }
0x11a: {  	v6 =	vld [tilespmem:s10+$0xFFFFFFE0]  }
0x11b: {  	v7 =	vld [tilespmem:s10+$0xFFFFFFF0]  }
0x11c: {  	v8 =	vld [tilespmem:s10+$0xFFFFFF90]  }
0x11d: {  	v9 =	vld.idx.msk [tilespmem:v0+s3+$0x0], $0xffff  }
0x11e: {  	v10 =	vld.idx.msk [tilespmem:v1+s3+$0x0], $0xffff  }
0x11f: {  	v5 =	vld.idx.msk [tilespmem:v2+s3+$0x0], $0xffff  }
0x120: {  	v3 =	vld.idx.msk [tilespmem:v3+s3+$0x0], $0xffff  }
0x121: {  	v0 =	vld.idx.msk [tilespmem:v4+s3+$0x0], $0xffff  }
0x122: {  	s10 =	simm.s32 $0x1C7F0;
	v1 =	vld.idx.msk [tilespmem:v6+s3+$0x0], $0xffff  }
0x123: {  	v2 =	vld.idx.msk [tilespmem:v7+s3+$0x0], $0xffff;
	[tilespmem:s10+$0x0] =	vst v9  }
0x124: {  	s11 =	simm.s32 $0x0;
	s12 =	simm.s32 $0x197F0;
	v4 =	vld.idx.msk [tilespmem:v8+s3+$0x0], $0xffff;
	[tilespmem:s10+$0xFFFFFFA0] =	vst v10  }
.LBB2_22:
0x125: {  	v6 =	vld [tilespmem:s12+$0x0];
	s11 =	sadd.s32 $0x8, s11;
	[tilespmem:s10+$0xFFFFFFB0] =	vst v5  }
0x126: {  	v5 =	vld [tilespmem:s12+$0xFFFFFFA0];
	p0 =	slt.u32 s11, $0xF8;
	[tilespmem:s10+$0xFFFFFFC0] =	vst v3  }
0x127: {  	v3 =	vld [tilespmem:s12+$0xFFFFFFB0];
	[tilespmem:s10+$0xFFFFFFD0] =	vst v0  }
0x128: {  	v0 =	vld [tilespmem:s12+$0xFFFFFFC0];
	[tilespmem:s10+$0xFFFFFFE0] =	vst v1  }
0x129: {  	v1 =	vld [tilespmem:s12+$0xFFFFFFD0];
	[tilespmem:s10+$0xFFFFFFF0] =	vst v2  }
0x12a: {  	v2 =	vld [tilespmem:s12+$0xFFFFFFE0];
	[tilespmem:s10+$0xFFFFFF90] =	vst v4  }
0x12b: {  	v4 =	vld [tilespmem:s12+$0xFFFFFFF0]  }
0x12c: {  	v7 =	vld [tilespmem:s12+$0xFFFFFF90]  }
0x12d: {  	v6 =	vld.idx.msk [tilespmem:v6+s3+$0x0], $0xffff  }
0x12e: {  	v8 =	vld.idx.msk [tilespmem:v5+s3+$0x0], $0xffff  }
0x12f: {  	v5 =	vld.idx.msk [tilespmem:v3+s3+$0x0], $0xffff  }
.Ltmp10:
0x130: {  	v3 =	vld.idx.msk [tilespmem:v0+s3+$0x0], $0xffff;
	(pc) =	sbr.rel @p0 .LBB2_22-.Ltmp10, $4  }
0x131: {  	v0 =	vld.idx.msk [tilespmem:v1+s3+$0x0], $0xffff  }
0x132: {  	s10 =	sadd.s32 $0x100, s10;
	v1 =	vld.idx.msk [tilespmem:v2+s3+$0x0], $0xffff  }
0x133: {  	v2 =	vld.idx.msk [tilespmem:v4+s3+$0x0], $0xffff;
	[tilespmem:s10+$0x0] =	vst v6  }
0x134: {  	s12 =	sadd.s32 $0x80, s12;
	v4 =	vld.idx.msk [tilespmem:v7+s3+$0x0], $0xffff;
	[tilespmem:s10+$0xFFFFFFA0] =	vst v8  }
0x135: {  	[tilespmem:s10+$0xFFFFFFB0] =	vst v5  }
0x136: {  	[tilespmem:s10+$0xFFFFFFC0] =	vst v3  }
0x137: {  	[tilespmem:s10+$0xFFFFFFD0] =	vst v0  }
0x138: {  	[tilespmem:s10+$0xFFFFFFE0] =	vst v1  }
0x139: {  	[tilespmem:s10+$0xFFFFFFF0] =	vst v2  }
0x13a: {  	s16 =	simm.s32 $0x2;
	[tilespmem:s10+$0xFFFFFF90] =	vst v4  }
0x13b: {  	_ =	swait.ge [sflag:s16], $0x1000  }
0x13c: {  	[sflag:s16] =	ssyncset.done $0x0  }
0x13d: {  	s11 =	simm.s32 $0x1C780;
	s10 =	simm.s32 $0x0;
	[sflag:s16] =	ssyncadd.s32 $0xFFFFF000  }
.LBB2_24:
0x13e: {  	p0 =	sne.s32 s10, $0xF80  }
.Ltmp11:
0x13f: {  	_ = 	snop;
	(pc) =	sbr.rel @p0 .LBB2_24-.Ltmp11, $4  }
0x140: {  	_ = 	snop  }
0x141: {  	s12 =	sadd.s32 s10, s15  }
0x142: {  	[hbm4b:s12+s3] =	stream.linear.scatter [tilespmem:s11], [sflag:$0x2], $0x80, $0x38;
	[tilespmem:$0x1E700] =	vst v63  }
0x143: {  	s10 =	sadd.s32 $0x80, s10;
	s11 =	sadd.s32 $0x100, s11  }
0x144: {  	s10 =	simm.s32 $0x1A770  }
0x145: {  	v0 =	vld [tilespmem:s10+$0x0]  }
0x146: {  	v1 =	vld [tilespmem:s10+$0xFFFFFFA0]  }
0x147: {  	v2 =	vld [tilespmem:s10+$0xFFFFFFB0]  }
0x148: {  	v3 =	vld [tilespmem:s10+$0xFFFFFFC0]  }
0x149: {  	v4 =	vld [tilespmem:s10+$0xFFFFFFD0]  }
0x14a: {  	v6 =	vld [tilespmem:s10+$0xFFFFFFE0]  }
0x14b: {  	v7 =	vld [tilespmem:s10+$0xFFFFFFF0]  }
0x14c: {  	v8 =	vld [tilespmem:s10+$0xFFFFFF90]  }
0x14d: {  	v9 =	vld.idx.msk [tilespmem:v0+s3+$0x0], $0xffff  }
0x14e: {  	v10 =	vld.idx.msk [tilespmem:v1+s3+$0x0], $0xffff  }
0x14f: {  	v5 =	vld.idx.msk [tilespmem:v2+s3+$0x0], $0xffff  }
0x150: {  	v3 =	vld.idx.msk [tilespmem:v3+s3+$0x0], $0xffff  }
0x151: {  	v0 =	vld.idx.msk [tilespmem:v4+s3+$0x0], $0xffff  }
0x152: {  	s10 =	simm.s32 $0x1C740;
	v1 =	vld.idx.msk [tilespmem:v6+s3+$0x0], $0xffff  }
0x153: {  	v2 =	vld.idx.msk [tilespmem:v7+s3+$0x0], $0xffff;
	[tilespmem:s10+$0x30] =	vst v9  }
0x154: {  	s11 =	simm.s32 $0x0;
	s12 =	simm.s32 $0x1A7F0;
	v4 =	vld.idx.msk [tilespmem:v8+s3+$0x0], $0xffff;
	[tilespmem:s10+$0xFFFFFFD0] =	vst v10  }
.LBB2_26:
0x155: {  	v6 =	vld [tilespmem:s12+$0x0];
	s11 =	sadd.s32 $0x8, s11;
	[tilespmem:s10+$0xFFFFFFE0] =	vst v5  }
0x156: {  	v5 =	vld [tilespmem:s12+$0xFFFFFFA0];
	p0 =	slt.u32 s11, $0xF8;
	[tilespmem:s10+$0xFFFFFFF0] =	vst v3  }
0x157: {  	v3 =	vld [tilespmem:s12+$0xFFFFFFB0];
	[tilespmem:s10+$0x0] =	vst v0  }
0x158: {  	v0 =	vld [tilespmem:s12+$0xFFFFFFC0];
	[tilespmem:s10+$0x10] =	vst v1  }
0x159: {  	v1 =	vld [tilespmem:s12+$0xFFFFFFD0];
	[tilespmem:s10+$0x20] =	vst v2  }
0x15a: {  	v2 =	vld [tilespmem:s12+$0xFFFFFFE0];
	[tilespmem:s10+$0xFFFFFFC0] =	vst v4  }
0x15b: {  	v4 =	vld [tilespmem:s12+$0xFFFFFFF0]  }
0x15c: {  	v7 =	vld [tilespmem:s12+$0xFFFFFF90]  }
0x15d: {  	v6 =	vld.idx.msk [tilespmem:v6+s3+$0x0], $0xffff  }
0x15e: {  	v8 =	vld.idx.msk [tilespmem:v5+s3+$0x0], $0xffff  }
0x15f: {  	v5 =	vld.idx.msk [tilespmem:v3+s3+$0x0], $0xffff  }
.Ltmp12:
0x160: {  	v3 =	vld.idx.msk [tilespmem:v0+s3+$0x0], $0xffff;
	(pc) =	sbr.rel @p0 .LBB2_26-.Ltmp12, $4  }
0x161: {  	v0 =	vld.idx.msk [tilespmem:v1+s3+$0x0], $0xffff  }
0x162: {  	s10 =	sadd.s32 $0x100, s10;
	v1 =	vld.idx.msk [tilespmem:v2+s3+$0x0], $0xffff  }
0x163: {  	v2 =	vld.idx.msk [tilespmem:v4+s3+$0x0], $0xffff;
	[tilespmem:s10+$0x30] =	vst v6  }
0x164: {  	s12 =	sadd.s32 $0x80, s12;
	v4 =	vld.idx.msk [tilespmem:v7+s3+$0x0], $0xffff;
	[tilespmem:s10+$0xFFFFFFD0] =	vst v8  }
0x165: {  	[tilespmem:s10+$0xFFFFFFE0] =	vst v5  }
0x166: {  	[tilespmem:s10+$0xFFFFFFF0] =	vst v3  }
0x167: {  	[tilespmem:s10+$0x0] =	vst v0  }
0x168: {  	[tilespmem:s10+$0x10] =	vst v1  }
0x169: {  	[tilespmem:s10+$0x20] =	vst v2  }
0x16a: {  	s16 =	simm.s32 $0x1;
	[tilespmem:s10+$0xFFFFFFC0] =	vst v4  }
0x16b: {  	_ =	swait.ge [sflag:s16], $0x1000  }
0x16c: {  	s11 =	simm.s32 $0x1C700;
	[sflag:s16] =	ssyncset.done $0x0  }
0x16d: {  	s10 =	simm.s32 $0x0;
	s15 =	rddreg [dreg:$0xa];
	[sflag:s16] =	ssyncadd.s32 $0xFFFFF000  }
.LBB2_28:
0x16e: {  	p0 =	sne.s32 s10, $0xF80  }
.Ltmp13:
0x16f: {  	_ = 	snop;
	(pc) =	sbr.rel @p0 .LBB2_28-.Ltmp13, $4  }
0x170: {  	_ = 	snop  }
0x171: {  	s12 =	sadd.s32 s10, s15  }
0x172: {  	[hbm4b:s12+s3] =	stream.linear.scatter [tilespmem:s11], [sflag:$0x1], $0x80, $0x38;
	[tilespmem:$0x1E700] =	vst v63  }
0x173: {  	s10 =	sadd.s32 $0x80, s10;
	s11 =	sadd.s32 $0x100, s11  }
0x174: {  	s10 =	simm.s32 $0x1B770  }
0x175: {  	v0 =	vld [tilespmem:s10+$0x0]  }
0x176: {  	v1 =	vld [tilespmem:s10+$0xFFFFFFA0]  }
0x177: {  	v2 =	vld [tilespmem:s10+$0xFFFFFFB0]  }
0x178: {  	v3 =	vld [tilespmem:s10+$0xFFFFFFC0]  }
0x179: {  	v4 =	vld [tilespmem:s10+$0xFFFFFFD0]  }
0x17a: {  	v6 =	vld [tilespmem:s10+$0xFFFFFFE0]  }
0x17b: {  	v7 =	vld [tilespmem:s10+$0xFFFFFFF0]  }
0x17c: {  	v8 =	vld [tilespmem:s10+$0xFFFFFF90]  }
0x17d: {  	v9 =	vld.idx.msk [tilespmem:v0+s3+$0x0], $0xffff  }
0x17e: {  	v10 =	vld.idx.msk [tilespmem:v1+s3+$0x0], $0xffff  }
0x17f: {  	v5 =	vld.idx.msk [tilespmem:v2+s3+$0x0], $0xffff  }
0x180: {  	v3 =	vld.idx.msk [tilespmem:v3+s3+$0x0], $0xffff  }
0x181: {  	v0 =	vld.idx.msk [tilespmem:v4+s3+$0x0], $0xffff  }
0x182: {  	s10 =	simm.s32 $0x1C7F0;
	v1 =	vld.idx.msk [tilespmem:v6+s3+$0x0], $0xffff  }
0x183: {  	v2 =	vld.idx.msk [tilespmem:v7+s3+$0x0], $0xffff;
	[tilespmem:s10+$0x0] =	vst v9  }
0x184: {  	s11 =	simm.s32 $0x0;
	s12 =	simm.s32 $0x1B7F0;
	v4 =	vld.idx.msk [tilespmem:v8+s3+$0x0], $0xffff;
	[tilespmem:s10+$0xFFFFFFA0] =	vst v10  }
.LBB2_30:
0x185: {  	v6 =	vld [tilespmem:s12+$0x0];
	s11 =	sadd.s32 $0x8, s11;
	[tilespmem:s10+$0xFFFFFFB0] =	vst v5  }
0x186: {  	v5 =	vld [tilespmem:s12+$0xFFFFFFA0];
	p0 =	slt.u32 s11, $0xF8;
	[tilespmem:s10+$0xFFFFFFC0] =	vst v3  }
0x187: {  	v3 =	vld [tilespmem:s12+$0xFFFFFFB0];
	[tilespmem:s10+$0xFFFFFFD0] =	vst v0  }
0x188: {  	v0 =	vld [tilespmem:s12+$0xFFFFFFC0];
	[tilespmem:s10+$0xFFFFFFE0] =	vst v1  }
0x189: {  	v1 =	vld [tilespmem:s12+$0xFFFFFFD0];
	[tilespmem:s10+$0xFFFFFFF0] =	vst v2  }
0x18a: {  	v2 =	vld [tilespmem:s12+$0xFFFFFFE0];
	[tilespmem:s10+$0xFFFFFF90] =	vst v4  }
0x18b: {  	v4 =	vld [tilespmem:s12+$0xFFFFFFF0]  }
0x18c: {  	v7 =	vld [tilespmem:s12+$0xFFFFFF90]  }
0x18d: {  	v6 =	vld.idx.msk [tilespmem:v6+s3+$0x0], $0xffff  }
0x18e: {  	v8 =	vld.idx.msk [tilespmem:v5+s3+$0x0], $0xffff  }
0x18f: {  	v5 =	vld.idx.msk [tilespmem:v3+s3+$0x0], $0xffff  }
.Ltmp14:
0x190: {  	v3 =	vld.idx.msk [tilespmem:v0+s3+$0x0], $0xffff;
	(pc) =	sbr.rel @p0 .LBB2_30-.Ltmp14, $4  }
0x191: {  	v0 =	vld.idx.msk [tilespmem:v1+s3+$0x0], $0xffff  }
0x192: {  	s10 =	sadd.s32 $0x100, s10;
	v1 =	vld.idx.msk [tilespmem:v2+s3+$0x0], $0xffff  }
0x193: {  	v2 =	vld.idx.msk [tilespmem:v4+s3+$0x0], $0xffff;
	[tilespmem:s10+$0x0] =	vst v6  }
0x194: {  	s12 =	sadd.s32 $0x80, s12;
	v4 =	vld.idx.msk [tilespmem:v7+s3+$0x0], $0xffff;
	[tilespmem:s10+$0xFFFFFFA0] =	vst v8  }
0x195: {  	[tilespmem:s10+$0xFFFFFFB0] =	vst v5  }
0x196: {  	[tilespmem:s10+$0xFFFFFFC0] =	vst v3  }
0x197: {  	[tilespmem:s10+$0xFFFFFFD0] =	vst v0  }
0x198: {  	[tilespmem:s10+$0xFFFFFFE0] =	vst v1  }
0x199: {  	[tilespmem:s10+$0xFFFFFFF0] =	vst v2  }
0x19a: {  	s16 =	simm.s32 $0x2;
	[tilespmem:s10+$0xFFFFFF90] =	vst v4  }
0x19b: {  	_ =	swait.ge [sflag:s16], $0x1000  }
0x19c: {  	s11 =	simm.s32 $0x80;
	s15 =	sadd.s32 $0x0, s13;
	[sflag:s16] =	ssyncset.done $0x0  }
0x19d: {  	s12 =	simm.s32 $0x1C880;
	s10 =	simm.s32 $0x1C780;
	[sflag:s16] =	ssyncadd.s32 $0xFFFFF000  }
.LBB2_32:
0x19e: {  	[hbm4b:s15+s3] =	stream.linear.scatter [tilespmem:s10], [sflag:$0x2], $0x80, $0x38;
	[tilespmem:$0x1E700] =	vst v63  }
0x19f: {  	s15 =	smov.u32 s11;
	s10 =	smov.u32 s12;
	p0 =	sne.s32 s11, $0xF80  }
.Ltmp15:
0x1a0: {  	s11 =	sadd.s32 $0x80, s11;
	(pc) =	sbr.rel @p0 .LBB2_32-.Ltmp15, $2  }
0x1a1: {  	_ =	sdelay $0x2  }
0x1a2: {  	s12 =	sadd.s32 $0x100, s12;
	s15 =	sadd.s32 s15, s13  }
0x1a3: {  	[hbm4b:s15+s3] =	stream.linear.scatter [tilespmem:s10], [sflag:$0x2], $0x80, $0x38;
	[tilespmem:$0x1E700] =	vst v63  }
0x1a4: {  	s16 =	rddreg [dreg:$0xb]  }
0x1a5: {  	s11 =	simm.s32 $0x80;
	s12 =	simm.s32 $0x400;
	s15 =	simm.s32 $0x3  }
0x1a6: {  	[tilespmem:s3], [sflag:$0x3] =	stream.strided.gather [hbm4b:s16+s11], $0x18700, s12, s11, $0x38;
	[tilespmem:$0x1E700] =	vst v63  }
0x1a7: {  	_ =	swait.ge [sflag:s15], $0x18700  }
0x1a8: {  	[sflag:s15] =	ssyncset.done $0x0  }
0x1a9: {  	s16 =	simm.s32 $0x18740;
	[sflag:s15] =	ssyncadd.s32 $0xFFFE7900  }
0x1aa: {  	v0 =	vld [tilespmem:s16+$0x30]  }
0x1ab: {  	v1 =	vld [tilespmem:s16+$0xFFFFFFD0]  }
0x1ac: {  	v2 =	vld [tilespmem:s16+$0xFFFFFFE0]  }
0x1ad: {  	v3 =	vld [tilespmem:s16+$0xFFFFFFF0]  }
0x1ae: {  	v4 =	vld [tilespmem:s16+$0x0]  }
0x1af: {  	v6 =	vld [tilespmem:s16+$0x10]  }
0x1b0: {  	v7 =	vld [tilespmem:s16+$0x20]  }
0x1b1: {  	v8 =	vld [tilespmem:s16+$0xFFFFFFC0]  }
0x1b2: {  	v9 =	vld.idx.msk [tilespmem:v0+s3+$0x0], $0xffff  }
0x1b3: {  	v10 =	vld.idx.msk [tilespmem:v1+s3+$0x0], $0xffff  }
0x1b4: {  	v5 =	vld.idx.msk [tilespmem:v2+s3+$0x0], $0xffff  }
0x1b5: {  	v3 =	vld.idx.msk [tilespmem:v3+s3+$0x0], $0xffff  }
0x1b6: {  	v0 =	vld.idx.msk [tilespmem:v4+s3+$0x0], $0xffff  }
0x1b7: {  	s10 =	simm.s32 $0x1C740;
	v1 =	vld.idx.msk [tilespmem:v6+s3+$0x0], $0xffff  }
0x1b8: {  	v2 =	vld.idx.msk [tilespmem:v7+s3+$0x0], $0xffff;
	[tilespmem:s10+$0x30] =	vst v9  }
0x1b9: {  	s11 =	simm.s32 $0x0;
	s12 =	simm.s32 $0x187C0;
	v4 =	vld.idx.msk [tilespmem:v8+s3+$0x0], $0xffff;
	[tilespmem:s10+$0xFFFFFFD0] =	vst v10  }
.LBB2_34:
0x1ba: {  	v6 =	vld [tilespmem:s12+$0x30];
	s11 =	sadd.s32 $0x8, s11;
	[tilespmem:s10+$0xFFFFFFE0] =	vst v5  }
0x1bb: {  	v5 =	vld [tilespmem:s12+$0xFFFFFFD0];
	p0 =	slt.u32 s11, $0xF8;
	[tilespmem:s10+$0xFFFFFFF0] =	vst v3  }
0x1bc: {  	v3 =	vld [tilespmem:s12+$0xFFFFFFE0];
	[tilespmem:s10+$0x0] =	vst v0  }
0x1bd: {  	v0 =	vld [tilespmem:s12+$0xFFFFFFF0];
	[tilespmem:s10+$0x10] =	vst v1  }
0x1be: {  	v1 =	vld [tilespmem:s12+$0x0];
	[tilespmem:s10+$0x20] =	vst v2  }
0x1bf: {  	v2 =	vld [tilespmem:s12+$0x10];
	[tilespmem:s10+$0xFFFFFFC0] =	vst v4  }
0x1c0: {  	v4 =	vld [tilespmem:s12+$0x20]  }
0x1c1: {  	v7 =	vld [tilespmem:s12+$0xFFFFFFC0]  }
0x1c2: {  	v6 =	vld.idx.msk [tilespmem:v6+s3+$0x0], $0xffff  }
0x1c3: {  	v8 =	vld.idx.msk [tilespmem:v5+s3+$0x0], $0xffff  }
0x1c4: {  	v5 =	vld.idx.msk [tilespmem:v3+s3+$0x0], $0xffff  }
.Ltmp16:
0x1c5: {  	v3 =	vld.idx.msk [tilespmem:v0+s3+$0x0], $0xffff;
	(pc) =	sbr.rel @p0 .LBB2_34-.Ltmp16, $4  }
0x1c6: {  	v0 =	vld.idx.msk [tilespmem:v1+s3+$0x0], $0xffff  }
0x1c7: {  	s10 =	sadd.s32 $0x100, s10;
	v1 =	vld.idx.msk [tilespmem:v2+s3+$0x0], $0xffff  }
0x1c8: {  	v2 =	vld.idx.msk [tilespmem:v4+s3+$0x0], $0xffff;
	[tilespmem:s10+$0x30] =	vst v6  }
0x1c9: {  	s12 =	sadd.s32 $0x80, s12;
	v4 =	vld.idx.msk [tilespmem:v7+s3+$0x0], $0xffff;
	[tilespmem:s10+$0xFFFFFFD0] =	vst v8  }
0x1ca: {  	[tilespmem:s10+$0xFFFFFFE0] =	vst v5  }
0x1cb: {  	[tilespmem:s10+$0xFFFFFFF0] =	vst v3  }
0x1cc: {  	[tilespmem:s10+$0x0] =	vst v0  }
0x1cd: {  	[tilespmem:s10+$0x10] =	vst v1  }
0x1ce: {  	[tilespmem:s10+$0x20] =	vst v2  }
0x1cf: {  	s16 =	simm.s32 $0x1;
	[tilespmem:s10+$0xFFFFFFC0] =	vst v4  }
0x1d0: {  	_ =	swait.ge [sflag:s16], $0x1000  }
0x1d1: {  	s11 =	simm.s32 $0x1C700;
	[sflag:s16] =	ssyncset.done $0x0  }
0x1d2: {  	s10 =	simm.s32 $0x0;
	s15 =	rddreg [dreg:$0xc];
	[sflag:s16] =	ssyncadd.s32 $0xFFFFF000  }
.LBB2_36:
0x1d3: {  	p0 =	sne.s32 s10, $0xF80  }
.Ltmp17:
0x1d4: {  	_ = 	snop;
	(pc) =	sbr.rel @p0 .LBB2_36-.Ltmp17, $4  }
0x1d5: {  	_ = 	snop  }
0x1d6: {  	s12 =	sadd.s32 s10, s15  }
0x1d7: {  	[hbm4b:s12+s3] =	stream.linear.scatter [tilespmem:s11], [sflag:$0x1], $0x80, $0x38;
	[tilespmem:$0x1E700] =	vst v63  }
0x1d8: {  	s10 =	sadd.s32 $0x80, s10;
	s11 =	sadd.s32 $0x100, s11  }
0x1d9: {  	s10 =	simm.s32 $0x19770  }
0x1da: {  	v0 =	vld [tilespmem:s10+$0x0]  }
0x1db: {  	v1 =	vld [tilespmem:s10+$0xFFFFFFA0]  }
0x1dc: {  	v2 =	vld [tilespmem:s10+$0xFFFFFFB0]  }
0x1dd: {  	v3 =	vld [tilespmem:s10+$0xFFFFFFC0]  }
0x1de: {  	v4 =	vld [tilespmem:s10+$0xFFFFFFD0]  }
0x1df: {  	v6 =	vld [tilespmem:s10+$0xFFFFFFE0]  }
0x1e0: {  	v7 =	vld [tilespmem:s10+$0xFFFFFFF0]  }
0x1e1: {  	v8 =	vld [tilespmem:s10+$0xFFFFFF90]  }
0x1e2: {  	v9 =	vld.idx.msk [tilespmem:v0+s3+$0x0], $0xffff  }
0x1e3: {  	v10 =	vld.idx.msk [tilespmem:v1+s3+$0x0], $0xffff  }
0x1e4: {  	v5 =	vld.idx.msk [tilespmem:v2+s3+$0x0], $0xffff  }
0x1e5: {  	v3 =	vld.idx.msk [tilespmem:v3+s3+$0x0], $0xffff  }
0x1e6: {  	v0 =	vld.idx.msk [tilespmem:v4+s3+$0x0], $0xffff  }
0x1e7: {  	s10 =	simm.s32 $0x1C7F0;
	v1 =	vld.idx.msk [tilespmem:v6+s3+$0x0], $0xffff  }
0x1e8: {  	v2 =	vld.idx.msk [tilespmem:v7+s3+$0x0], $0xffff;
	[tilespmem:s10+$0x0] =	vst v9  }
0x1e9: {  	s11 =	simm.s32 $0x0;
	s12 =	simm.s32 $0x197F0;
	v4 =	vld.idx.msk [tilespmem:v8+s3+$0x0], $0xffff;
	[tilespmem:s10+$0xFFFFFFA0] =	vst v10  }
.LBB2_38:
0x1ea: {  	v6 =	vld [tilespmem:s12+$0x0];
	s11 =	sadd.s32 $0x8, s11;
	[tilespmem:s10+$0xFFFFFFB0] =	vst v5  }
0x1eb: {  	v5 =	vld [tilespmem:s12+$0xFFFFFFA0];
	p0 =	slt.u32 s11, $0xF8;
	[tilespmem:s10+$0xFFFFFFC0] =	vst v3  }
0x1ec: {  	v3 =	vld [tilespmem:s12+$0xFFFFFFB0];
	[tilespmem:s10+$0xFFFFFFD0] =	vst v0  }
0x1ed: {  	v0 =	vld [tilespmem:s12+$0xFFFFFFC0];
	[tilespmem:s10+$0xFFFFFFE0] =	vst v1  }
0x1ee: {  	v1 =	vld [tilespmem:s12+$0xFFFFFFD0];
	[tilespmem:s10+$0xFFFFFFF0] =	vst v2  }
0x1ef: {  	v2 =	vld [tilespmem:s12+$0xFFFFFFE0];
	[tilespmem:s10+$0xFFFFFF90] =	vst v4  }
0x1f0: {  	v4 =	vld [tilespmem:s12+$0xFFFFFFF0]  }
0x1f1: {  	v7 =	vld [tilespmem:s12+$0xFFFFFF90]  }
0x1f2: {  	v6 =	vld.idx.msk [tilespmem:v6+s3+$0x0], $0xffff  }
0x1f3: {  	v8 =	vld.idx.msk [tilespmem:v5+s3+$0x0], $0xffff  }
0x1f4: {  	v5 =	vld.idx.msk [tilespmem:v3+s3+$0x0], $0xffff  }
.Ltmp18:
0x1f5: {  	v3 =	vld.idx.msk [tilespmem:v0+s3+$0x0], $0xffff;
	(pc) =	sbr.rel @p0 .LBB2_38-.Ltmp18, $4  }
0x1f6: {  	v0 =	vld.idx.msk [tilespmem:v1+s3+$0x0], $0xffff  }
0x1f7: {  	s10 =	sadd.s32 $0x100, s10;
	v1 =	vld.idx.msk [tilespmem:v2+s3+$0x0], $0xffff  }
0x1f8: {  	v2 =	vld.idx.msk [tilespmem:v4+s3+$0x0], $0xffff;
	[tilespmem:s10+$0x0] =	vst v6  }
0x1f9: {  	s12 =	sadd.s32 $0x80, s12;
	v4 =	vld.idx.msk [tilespmem:v7+s3+$0x0], $0xffff;
	[tilespmem:s10+$0xFFFFFFA0] =	vst v8  }
0x1fa: {  	[tilespmem:s10+$0xFFFFFFB0] =	vst v5  }
0x1fb: {  	[tilespmem:s10+$0xFFFFFFC0] =	vst v3  }
0x1fc: {  	[tilespmem:s10+$0xFFFFFFD0] =	vst v0  }
0x1fd: {  	[tilespmem:s10+$0xFFFFFFE0] =	vst v1  }
0x1fe: {  	[tilespmem:s10+$0xFFFFFFF0] =	vst v2  }
0x1ff: {  	s16 =	simm.s32 $0x2;
	[tilespmem:s10+$0xFFFFFF90] =	vst v4  }
0x200: {  	_ =	swait.ge [sflag:s16], $0x1000  }
0x201: {  	s11 =	simm.s32 $0x1C780;
	[sflag:s16] =	ssyncset.done $0x0  }
0x202: {  	s10 =	simm.s32 $0x0;
	s15 =	rddreg [dreg:$0xd];
	[sflag:s16] =	ssyncadd.s32 $0xFFFFF000  }
.LBB2_40:
0x203: {  	p0 =	sne.s32 s10, $0xF80  }
.Ltmp19:
0x204: {  	_ = 	snop;
	(pc) =	sbr.rel @p0 .LBB2_40-.Ltmp19, $4  }
0x205: {  	_ = 	snop  }
0x206: {  	s12 =	sadd.s32 s10, s15  }
0x207: {  	[hbm4b:s12+s3] =	stream.linear.scatter [tilespmem:s11], [sflag:$0x2], $0x80, $0x38;
	[tilespmem:$0x1E700] =	vst v63  }
0x208: {  	s10 =	sadd.s32 $0x80, s10;
	s11 =	sadd.s32 $0x100, s11  }
0x209: {  	s10 =	simm.s32 $0x1A770  }
0x20a: {  	v0 =	vld [tilespmem:s10+$0x0]  }
0x20b: {  	v1 =	vld [tilespmem:s10+$0xFFFFFFA0]  }
0x20c: {  	v2 =	vld [tilespmem:s10+$0xFFFFFFB0]  }
0x20d: {  	v3 =	vld [tilespmem:s10+$0xFFFFFFC0]  }
0x20e: {  	v4 =	vld [tilespmem:s10+$0xFFFFFFD0]  }
0x20f: {  	v6 =	vld [tilespmem:s10+$0xFFFFFFE0]  }
0x210: {  	v7 =	vld [tilespmem:s10+$0xFFFFFFF0]  }
0x211: {  	v8 =	vld [tilespmem:s10+$0xFFFFFF90]  }
0x212: {  	v9 =	vld.idx.msk [tilespmem:v0+s3+$0x0], $0xffff  }
0x213: {  	v10 =	vld.idx.msk [tilespmem:v1+s3+$0x0], $0xffff  }
0x214: {  	v5 =	vld.idx.msk [tilespmem:v2+s3+$0x0], $0xffff  }
0x215: {  	v3 =	vld.idx.msk [tilespmem:v3+s3+$0x0], $0xffff  }
0x216: {  	v0 =	vld.idx.msk [tilespmem:v4+s3+$0x0], $0xffff  }
0x217: {  	s10 =	simm.s32 $0x1C740;
	v1 =	vld.idx.msk [tilespmem:v6+s3+$0x0], $0xffff  }
0x218: {  	v2 =	vld.idx.msk [tilespmem:v7+s3+$0x0], $0xffff;
	[tilespmem:s10+$0x30] =	vst v9  }
0x219: {  	s11 =	simm.s32 $0x0;
	s12 =	simm.s32 $0x1A7F0;
	v4 =	vld.idx.msk [tilespmem:v8+s3+$0x0], $0xffff;
	[tilespmem:s10+$0xFFFFFFD0] =	vst v10  }
.LBB2_42:
0x21a: {  	v6 =	vld [tilespmem:s12+$0x0];
	s11 =	sadd.s32 $0x8, s11;
	[tilespmem:s10+$0xFFFFFFE0] =	vst v5  }
0x21b: {  	v5 =	vld [tilespmem:s12+$0xFFFFFFA0];
	p0 =	slt.u32 s11, $0xF8;
	[tilespmem:s10+$0xFFFFFFF0] =	vst v3  }
0x21c: {  	v3 =	vld [tilespmem:s12+$0xFFFFFFB0];
	[tilespmem:s10+$0x0] =	vst v0  }
0x21d: {  	v0 =	vld [tilespmem:s12+$0xFFFFFFC0];
	[tilespmem:s10+$0x10] =	vst v1  }
0x21e: {  	v1 =	vld [tilespmem:s12+$0xFFFFFFD0];
	[tilespmem:s10+$0x20] =	vst v2  }
0x21f: {  	v2 =	vld [tilespmem:s12+$0xFFFFFFE0];
	[tilespmem:s10+$0xFFFFFFC0] =	vst v4  }
0x220: {  	v4 =	vld [tilespmem:s12+$0xFFFFFFF0]  }
0x221: {  	v7 =	vld [tilespmem:s12+$0xFFFFFF90]  }
0x222: {  	v6 =	vld.idx.msk [tilespmem:v6+s3+$0x0], $0xffff  }
0x223: {  	v8 =	vld.idx.msk [tilespmem:v5+s3+$0x0], $0xffff  }
0x224: {  	v5 =	vld.idx.msk [tilespmem:v3+s3+$0x0], $0xffff  }
.Ltmp20:
0x225: {  	v3 =	vld.idx.msk [tilespmem:v0+s3+$0x0], $0xffff;
	(pc) =	sbr.rel @p0 .LBB2_42-.Ltmp20, $4  }
0x226: {  	v0 =	vld.idx.msk [tilespmem:v1+s3+$0x0], $0xffff  }
0x227: {  	s10 =	sadd.s32 $0x100, s10;
	v1 =	vld.idx.msk [tilespmem:v2+s3+$0x0], $0xffff  }
0x228: {  	v2 =	vld.idx.msk [tilespmem:v4+s3+$0x0], $0xffff;
	[tilespmem:s10+$0x30] =	vst v6  }
0x229: {  	s12 =	sadd.s32 $0x80, s12;
	v4 =	vld.idx.msk [tilespmem:v7+s3+$0x0], $0xffff;
	[tilespmem:s10+$0xFFFFFFD0] =	vst v8  }
0x22a: {  	[tilespmem:s10+$0xFFFFFFE0] =	vst v5  }
0x22b: {  	[tilespmem:s10+$0xFFFFFFF0] =	vst v3  }
0x22c: {  	[tilespmem:s10+$0x0] =	vst v0  }
0x22d: {  	[tilespmem:s10+$0x10] =	vst v1  }
0x22e: {  	[tilespmem:s10+$0x20] =	vst v2  }
0x22f: {  	s16 =	simm.s32 $0x1;
	[tilespmem:s10+$0xFFFFFFC0] =	vst v4  }
0x230: {  	_ =	swait.ge [sflag:s16], $0x1000  }
0x231: {  	[sflag:s16] =	ssyncset.done $0x0  }
0x232: {  	s11 =	simm.s32 $0x1C700;
	s10 =	simm.s32 $0x0;
	[sflag:s16] =	ssyncadd.s32 $0xFFFFF000  }
.LBB2_44:
0x233: {  	p0 =	sne.s32 s10, $0xF80  }
.Ltmp21:
0x234: {  	_ = 	snop;
	(pc) =	sbr.rel @p0 .LBB2_44-.Ltmp21, $4  }
0x235: {  	_ = 	snop  }
0x236: {  	s12 =	sadd.s32 s10, s17  }
0x237: {  	[hbm4b:s12+s3] =	stream.linear.scatter [tilespmem:s11], [sflag:$0x1], $0x80, $0x38;
	[tilespmem:$0x1E700] =	vst v63  }
0x238: {  	s10 =	sadd.s32 $0x80, s10;
	s11 =	sadd.s32 $0x100, s11  }
0x239: {  	s10 =	simm.s32 $0x1B770  }
0x23a: {  	v0 =	vld [tilespmem:s10+$0x0]  }
0x23b: {  	v1 =	vld [tilespmem:s10+$0xFFFFFFA0]  }
0x23c: {  	v2 =	vld [tilespmem:s10+$0xFFFFFFB0]  }
0x23d: {  	v3 =	vld [tilespmem:s10+$0xFFFFFFC0]  }
0x23e: {  	v4 =	vld [tilespmem:s10+$0xFFFFFFD0]  }
0x23f: {  	v6 =	vld [tilespmem:s10+$0xFFFFFFE0]  }
0x240: {  	v7 =	vld [tilespmem:s10+$0xFFFFFFF0]  }
0x241: {  	v8 =	vld [tilespmem:s10+$0xFFFFFF90]  }
0x242: {  	v9 =	vld.idx.msk [tilespmem:v0+s3+$0x0], $0xffff  }
0x243: {  	v10 =	vld.idx.msk [tilespmem:v1+s3+$0x0], $0xffff  }
0x244: {  	v5 =	vld.idx.msk [tilespmem:v2+s3+$0x0], $0xffff  }
0x245: {  	v3 =	vld.idx.msk [tilespmem:v3+s3+$0x0], $0xffff  }
0x246: {  	v0 =	vld.idx.msk [tilespmem:v4+s3+$0x0], $0xffff  }
0x247: {  	s10 =	simm.s32 $0x1C7F0;
	v1 =	vld.idx.msk [tilespmem:v6+s3+$0x0], $0xffff  }
0x248: {  	v2 =	vld.idx.msk [tilespmem:v7+s3+$0x0], $0xffff;
	[tilespmem:s10+$0x0] =	vst v9  }
0x249: {  	s11 =	simm.s32 $0x0;
	s12 =	simm.s32 $0x1B7F0;
	v4 =	vld.idx.msk [tilespmem:v8+s3+$0x0], $0xffff;
	[tilespmem:s10+$0xFFFFFFA0] =	vst v10  }
.LBB2_46:
0x24a: {  	v6 =	vld [tilespmem:s12+$0x0];
	s11 =	sadd.s32 $0x8, s11;
	[tilespmem:s10+$0xFFFFFFB0] =	vst v5  }
0x24b: {  	v5 =	vld [tilespmem:s12+$0xFFFFFFA0];
	p0 =	slt.u32 s11, $0xF8;
	[tilespmem:s10+$0xFFFFFFC0] =	vst v3  }
0x24c: {  	v3 =	vld [tilespmem:s12+$0xFFFFFFB0];
	[tilespmem:s10+$0xFFFFFFD0] =	vst v0  }
0x24d: {  	v0 =	vld [tilespmem:s12+$0xFFFFFFC0];
	[tilespmem:s10+$0xFFFFFFE0] =	vst v1  }
0x24e: {  	v1 =	vld [tilespmem:s12+$0xFFFFFFD0];
	[tilespmem:s10+$0xFFFFFFF0] =	vst v2  }
0x24f: {  	v2 =	vld [tilespmem:s12+$0xFFFFFFE0];
	[tilespmem:s10+$0xFFFFFF90] =	vst v4  }
0x250: {  	v4 =	vld [tilespmem:s12+$0xFFFFFFF0]  }
0x251: {  	v7 =	vld [tilespmem:s12+$0xFFFFFF90]  }
0x252: {  	v6 =	vld.idx.msk [tilespmem:v6+s3+$0x0], $0xffff  }
0x253: {  	v8 =	vld.idx.msk [tilespmem:v5+s3+$0x0], $0xffff  }
0x254: {  	v5 =	vld.idx.msk [tilespmem:v3+s3+$0x0], $0xffff  }
.Ltmp22:
0x255: {  	v3 =	vld.idx.msk [tilespmem:v0+s3+$0x0], $0xffff;
	(pc) =	sbr.rel @p0 .LBB2_46-.Ltmp22, $4  }
0x256: {  	v0 =	vld.idx.msk [tilespmem:v1+s3+$0x0], $0xffff  }
0x257: {  	s10 =	sadd.s32 $0x100, s10;
	v1 =	vld.idx.msk [tilespmem:v2+s3+$0x0], $0xffff  }
0x258: {  	v2 =	vld.idx.msk [tilespmem:v4+s3+$0x0], $0xffff;
	[tilespmem:s10+$0x0] =	vst v6  }
0x259: {  	s12 =	sadd.s32 $0x80, s12;
	v4 =	vld.idx.msk [tilespmem:v7+s3+$0x0], $0xffff;
	[tilespmem:s10+$0xFFFFFFA0] =	vst v8  }
0x25a: {  	[tilespmem:s10+$0xFFFFFFB0] =	vst v5  }
0x25b: {  	[tilespmem:s10+$0xFFFFFFC0] =	vst v3  }
0x25c: {  	[tilespmem:s10+$0xFFFFFFD0] =	vst v0  }
0x25d: {  	[tilespmem:s10+$0xFFFFFFE0] =	vst v1  }
0x25e: {  	[tilespmem:s10+$0xFFFFFFF0] =	vst v2  }
0x25f: {  	s16 =	simm.s32 $0x2;
	[tilespmem:s10+$0xFFFFFF90] =	vst v4  }
0x260: {  	_ =	swait.ge [sflag:s16], $0x1000  }
0x261: {  	s11 =	simm.s32 $0x80;
	s15 =	sadd.s32 $0x0, s18;
	[sflag:s16] =	ssyncset.done $0x0  }
0x262: {  	s12 =	simm.s32 $0x1C880;
	s10 =	simm.s32 $0x1C780;
	[sflag:s16] =	ssyncadd.s32 $0xFFFFF000  }
.LBB2_48:
0x263: {  	[hbm4b:s15+s3] =	stream.linear.scatter [tilespmem:s10], [sflag:$0x2], $0x80, $0x38;
	[tilespmem:$0x1E700] =	vst v63  }
0x264: {  	s15 =	smov.u32 s11;
	s10 =	smov.u32 s12;
	p0 =	sne.s32 s11, $0xF80  }
.Ltmp23:
0x265: {  	s11 =	sadd.s32 $0x80, s11;
	(pc) =	sbr.rel @p0 .LBB2_48-.Ltmp23, $2  }
0x266: {  	_ =	sdelay $0x2  }
0x267: {  	s12 =	sadd.s32 $0x100, s12;
	s15 =	sadd.s32 s15, s18  }
0x268: {  	[hbm4b:s15+s3] =	stream.linear.scatter [tilespmem:s10], [sflag:$0x2], $0x80, $0x38;
	[tilespmem:$0x1E700] =	vst v63  }
0x269: {  	s16 =	rddreg [dreg:$0xe]  }
0x26a: {  	s11 =	simm.s32 $0x80;
	s12 =	simm.s32 $0x400;
	s15 =	simm.s32 $0x4  }
0x26b: {  	[tilespmem:s3], [sflag:$0x4] =	stream.strided.gather [hbm4b:s16+s11], $0x18700, s12, s11, $0x38;
	[tilespmem:$0x1E700] =	vst v63  }
0x26c: {  	_ =	swait.ge [sflag:s15], $0x18700  }
0x26d: {  	[sflag:s15] =	ssyncset.done $0x0  }
0x26e: {  	s16 =	simm.s32 $0x18740;
	[sflag:s15] =	ssyncadd.s32 $0xFFFE7900  }
0x26f: {  	v0 =	vld [tilespmem:s16+$0x30]  }
0x270: {  	v1 =	vld [tilespmem:s16+$0xFFFFFFD0]  }
0x271: {  	v2 =	vld [tilespmem:s16+$0xFFFFFFE0]  }
0x272: {  	v3 =	vld [tilespmem:s16+$0xFFFFFFF0]  }
0x273: {  	v4 =	vld [tilespmem:s16+$0x0]  }
0x274: {  	v6 =	vld [tilespmem:s16+$0x10]  }
0x275: {  	v7 =	vld [tilespmem:s16+$0x20]  }
0x276: {  	v8 =	vld [tilespmem:s16+$0xFFFFFFC0]  }
0x277: {  	v9 =	vld.idx.msk [tilespmem:v0+s3+$0x0], $0xffff  }
0x278: {  	v10 =	vld.idx.msk [tilespmem:v1+s3+$0x0], $0xffff  }
0x279: {  	v5 =	vld.idx.msk [tilespmem:v2+s3+$0x0], $0xffff  }
0x27a: {  	v3 =	vld.idx.msk [tilespmem:v3+s3+$0x0], $0xffff  }
0x27b: {  	v0 =	vld.idx.msk [tilespmem:v4+s3+$0x0], $0xffff  }
0x27c: {  	s10 =	simm.s32 $0x1C740;
	v1 =	vld.idx.msk [tilespmem:v6+s3+$0x0], $0xffff  }
0x27d: {  	v2 =	vld.idx.msk [tilespmem:v7+s3+$0x0], $0xffff;
	[tilespmem:s10+$0x30] =	vst v9  }
0x27e: {  	s11 =	simm.s32 $0x0;
	s12 =	simm.s32 $0x187C0;
	v4 =	vld.idx.msk [tilespmem:v8+s3+$0x0], $0xffff;
	[tilespmem:s10+$0xFFFFFFD0] =	vst v10  }
.LBB2_50:
0x27f: {  	v6 =	vld [tilespmem:s12+$0x30];
	s11 =	sadd.s32 $0x8, s11;
	[tilespmem:s10+$0xFFFFFFE0] =	vst v5  }
0x280: {  	v5 =	vld [tilespmem:s12+$0xFFFFFFD0];
	p0 =	slt.u32 s11, $0xF8;
	[tilespmem:s10+$0xFFFFFFF0] =	vst v3  }
0x281: {  	v3 =	vld [tilespmem:s12+$0xFFFFFFE0];
	[tilespmem:s10+$0x0] =	vst v0  }
0x282: {  	v0 =	vld [tilespmem:s12+$0xFFFFFFF0];
	[tilespmem:s10+$0x10] =	vst v1  }
0x283: {  	v1 =	vld [tilespmem:s12+$0x0];
	[tilespmem:s10+$0x20] =	vst v2  }
0x284: {  	v2 =	vld [tilespmem:s12+$0x10];
	[tilespmem:s10+$0xFFFFFFC0] =	vst v4  }
0x285: {  	v4 =	vld [tilespmem:s12+$0x20]  }
0x286: {  	v7 =	vld [tilespmem:s12+$0xFFFFFFC0]  }
0x287: {  	v6 =	vld.idx.msk [tilespmem:v6+s3+$0x0], $0xffff  }
0x288: {  	v8 =	vld.idx.msk [tilespmem:v5+s3+$0x0], $0xffff  }
0x289: {  	v5 =	vld.idx.msk [tilespmem:v3+s3+$0x0], $0xffff  }
.Ltmp24:
0x28a: {  	v3 =	vld.idx.msk [tilespmem:v0+s3+$0x0], $0xffff;
	(pc) =	sbr.rel @p0 .LBB2_50-.Ltmp24, $4  }
0x28b: {  	v0 =	vld.idx.msk [tilespmem:v1+s3+$0x0], $0xffff  }
0x28c: {  	s10 =	sadd.s32 $0x100, s10;
	v1 =	vld.idx.msk [tilespmem:v2+s3+$0x0], $0xffff  }
0x28d: {  	v2 =	vld.idx.msk [tilespmem:v4+s3+$0x0], $0xffff;
	[tilespmem:s10+$0x30] =	vst v6  }
0x28e: {  	s12 =	sadd.s32 $0x80, s12;
	v4 =	vld.idx.msk [tilespmem:v7+s3+$0x0], $0xffff;
	[tilespmem:s10+$0xFFFFFFD0] =	vst v8  }
0x28f: {  	[tilespmem:s10+$0xFFFFFFE0] =	vst v5  }
0x290: {  	[tilespmem:s10+$0xFFFFFFF0] =	vst v3  }
0x291: {  	[tilespmem:s10+$0x0] =	vst v0  }
0x292: {  	[tilespmem:s10+$0x10] =	vst v1  }
0x293: {  	[tilespmem:s10+$0x20] =	vst v2  }
0x294: {  	s16 =	simm.s32 $0x1;
	[tilespmem:s10+$0xFFFFFFC0] =	vst v4  }
0x295: {  	_ =	swait.ge [sflag:s16], $0x1000  }
0x296: {  	[sflag:s16] =	ssyncset.done $0x0  }
0x297: {  	s11 =	simm.s32 $0x1C700;
	s10 =	simm.s32 $0x0;
	[sflag:s16] =	ssyncadd.s32 $0xFFFFF000  }
.LBB2_52:
0x298: {  	p0 =	sne.s32 s10, $0xF80  }
.Ltmp25:
0x299: {  	_ = 	snop;
	(pc) =	sbr.rel @p0 .LBB2_52-.Ltmp25, $4  }
0x29a: {  	_ = 	snop  }
0x29b: {  	s12 =	sadd.s32 s10, s20  }
0x29c: {  	[hbm4b:s12+s3] =	stream.linear.scatter [tilespmem:s11], [sflag:$0x1], $0x80, $0x38;
	[tilespmem:$0x1E700] =	vst v63  }
0x29d: {  	s10 =	sadd.s32 $0x80, s10;
	s11 =	sadd.s32 $0x100, s11  }
0x29e: {  	s10 =	simm.s32 $0x19770  }
0x29f: {  	v0 =	vld [tilespmem:s10+$0x0]  }
0x2a0: {  	v1 =	vld [tilespmem:s10+$0xFFFFFFA0]  }
0x2a1: {  	v2 =	vld [tilespmem:s10+$0xFFFFFFB0]  }
0x2a2: {  	v3 =	vld [tilespmem:s10+$0xFFFFFFC0]  }
0x2a3: {  	v4 =	vld [tilespmem:s10+$0xFFFFFFD0]  }
0x2a4: {  	v6 =	vld [tilespmem:s10+$0xFFFFFFE0]  }
0x2a5: {  	v7 =	vld [tilespmem:s10+$0xFFFFFFF0]  }
0x2a6: {  	v8 =	vld [tilespmem:s10+$0xFFFFFF90]  }
0x2a7: {  	v9 =	vld.idx.msk [tilespmem:v0+s3+$0x0], $0xffff  }
0x2a8: {  	v10 =	vld.idx.msk [tilespmem:v1+s3+$0x0], $0xffff  }
0x2a9: {  	v5 =	vld.idx.msk [tilespmem:v2+s3+$0x0], $0xffff  }
0x2aa: {  	v3 =	vld.idx.msk [tilespmem:v3+s3+$0x0], $0xffff  }
0x2ab: {  	v0 =	vld.idx.msk [tilespmem:v4+s3+$0x0], $0xffff  }
0x2ac: {  	s10 =	simm.s32 $0x1C7F0;
	v1 =	vld.idx.msk [tilespmem:v6+s3+$0x0], $0xffff  }
0x2ad: {  	v2 =	vld.idx.msk [tilespmem:v7+s3+$0x0], $0xffff;
	[tilespmem:s10+$0x0] =	vst v9  }
0x2ae: {  	s11 =	simm.s32 $0x0;
	s12 =	simm.s32 $0x197F0;
	v4 =	vld.idx.msk [tilespmem:v8+s3+$0x0], $0xffff;
	[tilespmem:s10+$0xFFFFFFA0] =	vst v10  }
.LBB2_54:
0x2af: {  	v6 =	vld [tilespmem:s12+$0x0];
	s11 =	sadd.s32 $0x8, s11;
	[tilespmem:s10+$0xFFFFFFB0] =	vst v5  }
0x2b0: {  	v5 =	vld [tilespmem:s12+$0xFFFFFFA0];
	p0 =	slt.u32 s11, $0xF8;
	[tilespmem:s10+$0xFFFFFFC0] =	vst v3  }
0x2b1: {  	v3 =	vld [tilespmem:s12+$0xFFFFFFB0];
	[tilespmem:s10+$0xFFFFFFD0] =	vst v0  }
0x2b2: {  	v0 =	vld [tilespmem:s12+$0xFFFFFFC0];
	[tilespmem:s10+$0xFFFFFFE0] =	vst v1  }
0x2b3: {  	v1 =	vld [tilespmem:s12+$0xFFFFFFD0];
	[tilespmem:s10+$0xFFFFFFF0] =	vst v2  }
0x2b4: {  	v2 =	vld [tilespmem:s12+$0xFFFFFFE0];
	[tilespmem:s10+$0xFFFFFF90] =	vst v4  }
0x2b5: {  	v4 =	vld [tilespmem:s12+$0xFFFFFFF0]  }
0x2b6: {  	v7 =	vld [tilespmem:s12+$0xFFFFFF90]  }
0x2b7: {  	v6 =	vld.idx.msk [tilespmem:v6+s3+$0x0], $0xffff  }
0x2b8: {  	v8 =	vld.idx.msk [tilespmem:v5+s3+$0x0], $0xffff  }
0x2b9: {  	v5 =	vld.idx.msk [tilespmem:v3+s3+$0x0], $0xffff  }
.Ltmp26:
0x2ba: {  	v3 =	vld.idx.msk [tilespmem:v0+s3+$0x0], $0xffff;
	(pc) =	sbr.rel @p0 .LBB2_54-.Ltmp26, $4  }
0x2bb: {  	v0 =	vld.idx.msk [tilespmem:v1+s3+$0x0], $0xffff  }
0x2bc: {  	s10 =	sadd.s32 $0x100, s10;
	v1 =	vld.idx.msk [tilespmem:v2+s3+$0x0], $0xffff  }
0x2bd: {  	v2 =	vld.idx.msk [tilespmem:v4+s3+$0x0], $0xffff;
	[tilespmem:s10+$0x0] =	vst v6  }
0x2be: {  	s12 =	sadd.s32 $0x80, s12;
	v4 =	vld.idx.msk [tilespmem:v7+s3+$0x0], $0xffff;
	[tilespmem:s10+$0xFFFFFFA0] =	vst v8  }
0x2bf: {  	[tilespmem:s10+$0xFFFFFFB0] =	vst v5  }
0x2c0: {  	[tilespmem:s10+$0xFFFFFFC0] =	vst v3  }
0x2c1: {  	[tilespmem:s10+$0xFFFFFFD0] =	vst v0  }
0x2c2: {  	[tilespmem:s10+$0xFFFFFFE0] =	vst v1  }
0x2c3: {  	[tilespmem:s10+$0xFFFFFFF0] =	vst v2  }
0x2c4: {  	s16 =	simm.s32 $0x2;
	[tilespmem:s10+$0xFFFFFF90] =	vst v4  }
0x2c5: {  	_ =	swait.ge [sflag:s16], $0x1000  }
0x2c6: {  	[sflag:s16] =	ssyncset.done $0x0  }
0x2c7: {  	s11 =	simm.s32 $0x1C780;
	s10 =	simm.s32 $0x0;
	[sflag:s16] =	ssyncadd.s32 $0xFFFFF000  }
.LBB2_56:
0x2c8: {  	p0 =	sne.s32 s10, $0xF80  }
.Ltmp27:
0x2c9: {  	_ = 	snop;
	(pc) =	sbr.rel @p0 .LBB2_56-.Ltmp27, $4  }
0x2ca: {  	_ = 	snop  }
0x2cb: {  	s12 =	sadd.s32 s10, s21  }
0x2cc: {  	[hbm4b:s12+s3] =	stream.linear.scatter [tilespmem:s11], [sflag:$0x2], $0x80, $0x38;
	[tilespmem:$0x1E700] =	vst v63  }
0x2cd: {  	s10 =	sadd.s32 $0x80, s10;
	s11 =	sadd.s32 $0x100, s11  }
0x2ce: {  	s10 =	simm.s32 $0x1A770  }
0x2cf: {  	v0 =	vld [tilespmem:s10+$0x0]  }
0x2d0: {  	v1 =	vld [tilespmem:s10+$0xFFFFFFA0]  }
0x2d1: {  	v2 =	vld [tilespmem:s10+$0xFFFFFFB0]  }
0x2d2: {  	v3 =	vld [tilespmem:s10+$0xFFFFFFC0]  }
0x2d3: {  	v4 =	vld [tilespmem:s10+$0xFFFFFFD0]  }
0x2d4: {  	v6 =	vld [tilespmem:s10+$0xFFFFFFE0]  }
0x2d5: {  	v7 =	vld [tilespmem:s10+$0xFFFFFFF0]  }
0x2d6: {  	v8 =	vld [tilespmem:s10+$0xFFFFFF90]  }
0x2d7: {  	v9 =	vld.idx.msk [tilespmem:v0+s3+$0x0], $0xffff  }
0x2d8: {  	v10 =	vld.idx.msk [tilespmem:v1+s3+$0x0], $0xffff  }
0x2d9: {  	v5 =	vld.idx.msk [tilespmem:v2+s3+$0x0], $0xffff  }
0x2da: {  	v3 =	vld.idx.msk [tilespmem:v3+s3+$0x0], $0xffff  }
0x2db: {  	v0 =	vld.idx.msk [tilespmem:v4+s3+$0x0], $0xffff  }
0x2dc: {  	s10 =	simm.s32 $0x1C740;
	v1 =	vld.idx.msk [tilespmem:v6+s3+$0x0], $0xffff  }
0x2dd: {  	v2 =	vld.idx.msk [tilespmem:v7+s3+$0x0], $0xffff;
	[tilespmem:s10+$0x30] =	vst v9  }
0x2de: {  	s11 =	simm.s32 $0x0;
	s12 =	simm.s32 $0x1A7F0;
	v4 =	vld.idx.msk [tilespmem:v8+s3+$0x0], $0xffff;
	[tilespmem:s10+$0xFFFFFFD0] =	vst v10  }
.LBB2_58:
0x2df: {  	v6 =	vld [tilespmem:s12+$0x0];
	s11 =	sadd.s32 $0x8, s11;
	[tilespmem:s10+$0xFFFFFFE0] =	vst v5  }
0x2e0: {  	v5 =	vld [tilespmem:s12+$0xFFFFFFA0];
	p0 =	slt.u32 s11, $0xF8;
	[tilespmem:s10+$0xFFFFFFF0] =	vst v3  }
0x2e1: {  	v3 =	vld [tilespmem:s12+$0xFFFFFFB0];
	[tilespmem:s10+$0x0] =	vst v0  }
0x2e2: {  	v0 =	vld [tilespmem:s12+$0xFFFFFFC0];
	[tilespmem:s10+$0x10] =	vst v1  }
0x2e3: {  	v1 =	vld [tilespmem:s12+$0xFFFFFFD0];
	[tilespmem:s10+$0x20] =	vst v2  }
0x2e4: {  	v2 =	vld [tilespmem:s12+$0xFFFFFFE0];
	[tilespmem:s10+$0xFFFFFFC0] =	vst v4  }
0x2e5: {  	v4 =	vld [tilespmem:s12+$0xFFFFFFF0]  }
0x2e6: {  	v7 =	vld [tilespmem:s12+$0xFFFFFF90]  }
0x2e7: {  	v6 =	vld.idx.msk [tilespmem:v6+s3+$0x0], $0xffff  }
0x2e8: {  	v8 =	vld.idx.msk [tilespmem:v5+s3+$0x0], $0xffff  }
0x2e9: {  	v5 =	vld.idx.msk [tilespmem:v3+s3+$0x0], $0xffff  }
.Ltmp28:
0x2ea: {  	v3 =	vld.idx.msk [tilespmem:v0+s3+$0x0], $0xffff;
	(pc) =	sbr.rel @p0 .LBB2_58-.Ltmp28, $4  }
0x2eb: {  	v0 =	vld.idx.msk [tilespmem:v1+s3+$0x0], $0xffff  }
0x2ec: {  	s10 =	sadd.s32 $0x100, s10;
	v1 =	vld.idx.msk [tilespmem:v2+s3+$0x0], $0xffff  }
0x2ed: {  	v2 =	vld.idx.msk [tilespmem:v4+s3+$0x0], $0xffff;
	[tilespmem:s10+$0x30] =	vst v6  }
0x2ee: {  	s12 =	sadd.s32 $0x80, s12;
	v4 =	vld.idx.msk [tilespmem:v7+s3+$0x0], $0xffff;
	[tilespmem:s10+$0xFFFFFFD0] =	vst v8  }
0x2ef: {  	[tilespmem:s10+$0xFFFFFFE0] =	vst v5  }
0x2f0: {  	[tilespmem:s10+$0xFFFFFFF0] =	vst v3  }
0x2f1: {  	[tilespmem:s10+$0x0] =	vst v0  }
0x2f2: {  	[tilespmem:s10+$0x10] =	vst v1  }
0x2f3: {  	[tilespmem:s10+$0x20] =	vst v2  }
0x2f4: {  	s16 =	simm.s32 $0x1;
	[tilespmem:s10+$0xFFFFFFC0] =	vst v4  }
0x2f5: {  	_ =	swait.ge [sflag:s16], $0x1000  }
0x2f6: {  	[sflag:s16] =	ssyncset.done $0x0  }
0x2f7: {  	s11 =	simm.s32 $0x1C700;
	s10 =	simm.s32 $0x0;
	[sflag:s16] =	ssyncadd.s32 $0xFFFFF000  }
.LBB2_60:
0x2f8: {  	p0 =	sne.s32 s10, $0xF80  }
.Ltmp29:
0x2f9: {  	_ = 	snop;
	(pc) =	sbr.rel @p0 .LBB2_60-.Ltmp29, $4  }
0x2fa: {  	_ = 	snop  }
0x2fb: {  	s12 =	sadd.s32 s10, s22  }
0x2fc: {  	[hbm4b:s12+s3] =	stream.linear.scatter [tilespmem:s11], [sflag:$0x1], $0x80, $0x38;
	[tilespmem:$0x1E700] =	vst v63  }
0x2fd: {  	s10 =	sadd.s32 $0x80, s10;
	s11 =	sadd.s32 $0x100, s11  }
0x2fe: {  	s10 =	simm.s32 $0x1B770  }
0x2ff: {  	v0 =	vld [tilespmem:s10+$0x0]  }
0x300: {  	v1 =	vld [tilespmem:s10+$0xFFFFFFA0]  }
0x301: {  	v2 =	vld [tilespmem:s10+$0xFFFFFFB0]  }
0x302: {  	v3 =	vld [tilespmem:s10+$0xFFFFFFC0]  }
0x303: {  	v4 =	vld [tilespmem:s10+$0xFFFFFFD0]  }
0x304: {  	v6 =	vld [tilespmem:s10+$0xFFFFFFE0]  }
0x305: {  	v7 =	vld [tilespmem:s10+$0xFFFFFFF0]  }
0x306: {  	v8 =	vld [tilespmem:s10+$0xFFFFFF90]  }
0x307: {  	v9 =	vld.idx.msk [tilespmem:v0+s3+$0x0], $0xffff  }
0x308: {  	v10 =	vld.idx.msk [tilespmem:v1+s3+$0x0], $0xffff  }
0x309: {  	v5 =	vld.idx.msk [tilespmem:v2+s3+$0x0], $0xffff  }
0x30a: {  	v3 =	vld.idx.msk [tilespmem:v3+s3+$0x0], $0xffff  }
0x30b: {  	v0 =	vld.idx.msk [tilespmem:v4+s3+$0x0], $0xffff  }
0x30c: {  	s10 =	simm.s32 $0x1C7F0;
	v1 =	vld.idx.msk [tilespmem:v6+s3+$0x0], $0xffff  }
0x30d: {  	v2 =	vld.idx.msk [tilespmem:v7+s3+$0x0], $0xffff;
	[tilespmem:s10+$0x0] =	vst v9  }
0x30e: {  	s11 =	simm.s32 $0x0;
	s12 =	simm.s32 $0x1B7F0;
	v4 =	vld.idx.msk [tilespmem:v8+s3+$0x0], $0xffff;
	[tilespmem:s10+$0xFFFFFFA0] =	vst v10  }
.LBB2_62:
0x30f: {  	v6 =	vld [tilespmem:s12+$0x0];
	s11 =	sadd.s32 $0x8, s11;
	[tilespmem:s10+$0xFFFFFFB0] =	vst v5  }
0x310: {  	v5 =	vld [tilespmem:s12+$0xFFFFFFA0];
	p0 =	slt.u32 s11, $0xF8;
	[tilespmem:s10+$0xFFFFFFC0] =	vst v3  }
0x311: {  	v3 =	vld [tilespmem:s12+$0xFFFFFFB0];
	[tilespmem:s10+$0xFFFFFFD0] =	vst v0  }
0x312: {  	v0 =	vld [tilespmem:s12+$0xFFFFFFC0];
	[tilespmem:s10+$0xFFFFFFE0] =	vst v1  }
0x313: {  	v1 =	vld [tilespmem:s12+$0xFFFFFFD0];
	[tilespmem:s10+$0xFFFFFFF0] =	vst v2  }
0x314: {  	v2 =	vld [tilespmem:s12+$0xFFFFFFE0];
	[tilespmem:s10+$0xFFFFFF90] =	vst v4  }
0x315: {  	v4 =	vld [tilespmem:s12+$0xFFFFFFF0]  }
0x316: {  	v7 =	vld [tilespmem:s12+$0xFFFFFF90]  }
0x317: {  	v6 =	vld.idx.msk [tilespmem:v6+s3+$0x0], $0xffff  }
0x318: {  	v8 =	vld.idx.msk [tilespmem:v5+s3+$0x0], $0xffff  }
0x319: {  	v5 =	vld.idx.msk [tilespmem:v3+s3+$0x0], $0xffff  }
.Ltmp30:
0x31a: {  	v3 =	vld.idx.msk [tilespmem:v0+s3+$0x0], $0xffff;
	(pc) =	sbr.rel @p0 .LBB2_62-.Ltmp30, $4  }
0x31b: {  	v0 =	vld.idx.msk [tilespmem:v1+s3+$0x0], $0xffff  }
0x31c: {  	s10 =	sadd.s32 $0x100, s10;
	v1 =	vld.idx.msk [tilespmem:v2+s3+$0x0], $0xffff  }
0x31d: {  	v2 =	vld.idx.msk [tilespmem:v4+s3+$0x0], $0xffff;
	[tilespmem:s10+$0x0] =	vst v6  }
0x31e: {  	s12 =	sadd.s32 $0x80, s12;
	v4 =	vld.idx.msk [tilespmem:v7+s3+$0x0], $0xffff;
	[tilespmem:s10+$0xFFFFFFA0] =	vst v8  }
0x31f: {  	[tilespmem:s10+$0xFFFFFFB0] =	vst v5  }
0x320: {  	[tilespmem:s10+$0xFFFFFFC0] =	vst v3  }
0x321: {  	[tilespmem:s10+$0xFFFFFFD0] =	vst v0  }
0x322: {  	[tilespmem:s10+$0xFFFFFFE0] =	vst v1  }
0x323: {  	[tilespmem:s10+$0xFFFFFFF0] =	vst v2  }
0x324: {  	s16 =	simm.s32 $0x2;
	[tilespmem:s10+$0xFFFFFF90] =	vst v4  }
0x325: {  	_ =	swait.ge [sflag:s16], $0x1000  }
0x326: {  	s11 =	simm.s32 $0x80;
	s15 =	sadd.s32 $0x0, s23;
	[sflag:s16] =	ssyncset.done $0x0  }
0x327: {  	s12 =	simm.s32 $0x1C880;
	s10 =	simm.s32 $0x1C780;
	[sflag:s16] =	ssyncadd.s32 $0xFFFFF000  }
.LBB2_64:
0x328: {  	[hbm4b:s15+s3] =	stream.linear.scatter [tilespmem:s10], [sflag:$0x2], $0x80, $0x38;
	[tilespmem:$0x1E700] =	vst v63  }
0x329: {  	s15 =	smov.u32 s11;
	s10 =	smov.u32 s12;
	p0 =	sne.s32 s11, $0xF80  }
.Ltmp31:
0x32a: {  	s11 =	sadd.s32 $0x80, s11;
	(pc) =	sbr.rel @p0 .LBB2_64-.Ltmp31, $2  }
0x32b: {  	_ =	sdelay $0x2  }
0x32c: {  	s12 =	sadd.s32 $0x100, s12;
	s15 =	sadd.s32 s15, s23  }
0x32d: {  	[hbm4b:s15+s3] =	stream.linear.scatter [tilespmem:s10], [sflag:$0x2], $0x80, $0x38;
	[tilespmem:$0x1E700] =	vst v63  }
0x32e: {  	s16 =	rddreg [dreg:$0xf]  }
0x32f: {  	s11 =	simm.s32 $0x80;
	s12 =	simm.s32 $0x400;
	s15 =	simm.s32 $0x3  }
0x330: {  	[tilespmem:s3], [sflag:$0x3] =	stream.strided.gather [hbm4b:s16+s11], $0x18700, s12, s11, $0x38;
	[tilespmem:$0x1E700] =	vst v63  }
0x331: {  	_ =	swait.ge [sflag:s15], $0x18700  }
0x332: {  	[sflag:s15] =	ssyncset.done $0x0  }
0x333: {  	s16 =	simm.s32 $0x18740;
	[sflag:s15] =	ssyncadd.s32 $0xFFFE7900  }
0x334: {  	v0 =	vld [tilespmem:s16+$0x30]  }
0x335: {  	v1 =	vld [tilespmem:s16+$0xFFFFFFD0]  }
0x336: {  	v2 =	vld [tilespmem:s16+$0xFFFFFFE0]  }
0x337: {  	v3 =	vld [tilespmem:s16+$0xFFFFFFF0]  }
0x338: {  	v4 =	vld [tilespmem:s16+$0x0]  }
0x339: {  	v6 =	vld [tilespmem:s16+$0x10]  }
0x33a: {  	v7 =	vld [tilespmem:s16+$0x20]  }
0x33b: {  	v8 =	vld [tilespmem:s16+$0xFFFFFFC0]  }
0x33c: {  	v9 =	vld.idx.msk [tilespmem:v0+s3+$0x0], $0xffff  }
0x33d: {  	v10 =	vld.idx.msk [tilespmem:v1+s3+$0x0], $0xffff  }
0x33e: {  	v5 =	vld.idx.msk [tilespmem:v2+s3+$0x0], $0xffff  }
0x33f: {  	v3 =	vld.idx.msk [tilespmem:v3+s3+$0x0], $0xffff  }
0x340: {  	v0 =	vld.idx.msk [tilespmem:v4+s3+$0x0], $0xffff  }
0x341: {  	s10 =	simm.s32 $0x1C740;
	v1 =	vld.idx.msk [tilespmem:v6+s3+$0x0], $0xffff  }
0x342: {  	v2 =	vld.idx.msk [tilespmem:v7+s3+$0x0], $0xffff;
	[tilespmem:s10+$0x30] =	vst v9  }
0x343: {  	s11 =	simm.s32 $0x0;
	s12 =	simm.s32 $0x187C0;
	v4 =	vld.idx.msk [tilespmem:v8+s3+$0x0], $0xffff;
	[tilespmem:s10+$0xFFFFFFD0] =	vst v10  }
.LBB2_66:
0x344: {  	v6 =	vld [tilespmem:s12+$0x30];
	s11 =	sadd.s32 $0x8, s11;
	[tilespmem:s10+$0xFFFFFFE0] =	vst v5  }
0x345: {  	v5 =	vld [tilespmem:s12+$0xFFFFFFD0];
	p0 =	slt.u32 s11, $0xF8;
	[tilespmem:s10+$0xFFFFFFF0] =	vst v3  }
0x346: {  	v3 =	vld [tilespmem:s12+$0xFFFFFFE0];
	[tilespmem:s10+$0x0] =	vst v0  }
0x347: {  	v0 =	vld [tilespmem:s12+$0xFFFFFFF0];
	[tilespmem:s10+$0x10] =	vst v1  }
0x348: {  	v1 =	vld [tilespmem:s12+$0x0];
	[tilespmem:s10+$0x20] =	vst v2  }
0x349: {  	v2 =	vld [tilespmem:s12+$0x10];
	[tilespmem:s10+$0xFFFFFFC0] =	vst v4  }
0x34a: {  	v4 =	vld [tilespmem:s12+$0x20]  }
0x34b: {  	v7 =	vld [tilespmem:s12+$0xFFFFFFC0]  }
0x34c: {  	v6 =	vld.idx.msk [tilespmem:v6+s3+$0x0], $0xffff  }
0x34d: {  	v8 =	vld.idx.msk [tilespmem:v5+s3+$0x0], $0xffff  }
0x34e: {  	v5 =	vld.idx.msk [tilespmem:v3+s3+$0x0], $0xffff  }
.Ltmp32:
0x34f: {  	v3 =	vld.idx.msk [tilespmem:v0+s3+$0x0], $0xffff;
	(pc) =	sbr.rel @p0 .LBB2_66-.Ltmp32, $4  }
0x350: {  	v0 =	vld.idx.msk [tilespmem:v1+s3+$0x0], $0xffff  }
0x351: {  	s10 =	sadd.s32 $0x100, s10;
	v1 =	vld.idx.msk [tilespmem:v2+s3+$0x0], $0xffff  }
0x352: {  	v2 =	vld.idx.msk [tilespmem:v4+s3+$0x0], $0xffff;
	[tilespmem:s10+$0x30] =	vst v6  }
0x353: {  	s12 =	sadd.s32 $0x80, s12;
	v4 =	vld.idx.msk [tilespmem:v7+s3+$0x0], $0xffff;
	[tilespmem:s10+$0xFFFFFFD0] =	vst v8  }
0x354: {  	[tilespmem:s10+$0xFFFFFFE0] =	vst v5  }
0x355: {  	[tilespmem:s10+$0xFFFFFFF0] =	vst v3  }
0x356: {  	[tilespmem:s10+$0x0] =	vst v0  }
0x357: {  	[tilespmem:s10+$0x10] =	vst v1  }
0x358: {  	[tilespmem:s10+$0x20] =	vst v2  }
0x359: {  	s16 =	simm.s32 $0x1;
	[tilespmem:s10+$0xFFFFFFC0] =	vst v4  }
0x35a: {  	_ =	swait.ge [sflag:s16], $0x1000  }
0x35b: {  	[sflag:s16] =	ssyncset.done $0x0  }
0x35c: {  	s11 =	simm.s32 $0x1C700;
	s10 =	simm.s32 $0x0;
	[sflag:s16] =	ssyncadd.s32 $0xFFFFF000  }
.LBB2_68:
0x35d: {  	p0 =	sne.s32 s10, $0xF80  }
.Ltmp33:
0x35e: {  	_ = 	snop;
	(pc) =	sbr.rel @p0 .LBB2_68-.Ltmp33, $4  }
0x35f: {  	_ = 	snop  }
0x360: {  	s12 =	sadd.s32 s10, s26  }
0x361: {  	[hbm4b:s12+s3] =	stream.linear.scatter [tilespmem:s11], [sflag:$0x1], $0x80, $0x38;
	[tilespmem:$0x1E700] =	vst v63  }
0x362: {  	s10 =	sadd.s32 $0x80, s10;
	s11 =	sadd.s32 $0x100, s11  }
0x363: {  	s10 =	simm.s32 $0x19770  }
0x364: {  	v0 =	vld [tilespmem:s10+$0x0]  }
0x365: {  	v1 =	vld [tilespmem:s10+$0xFFFFFFA0]  }
0x366: {  	v2 =	vld [tilespmem:s10+$0xFFFFFFB0]  }
0x367: {  	v3 =	vld [tilespmem:s10+$0xFFFFFFC0]  }
0x368: {  	v4 =	vld [tilespmem:s10+$0xFFFFFFD0]  }
0x369: {  	v6 =	vld [tilespmem:s10+$0xFFFFFFE0]  }
0x36a: {  	v7 =	vld [tilespmem:s10+$0xFFFFFFF0]  }
0x36b: {  	v8 =	vld [tilespmem:s10+$0xFFFFFF90]  }
0x36c: {  	v9 =	vld.idx.msk [tilespmem:v0+s3+$0x0], $0xffff  }
0x36d: {  	v10 =	vld.idx.msk [tilespmem:v1+s3+$0x0], $0xffff  }
0x36e: {  	v5 =	vld.idx.msk [tilespmem:v2+s3+$0x0], $0xffff  }
0x36f: {  	v3 =	vld.idx.msk [tilespmem:v3+s3+$0x0], $0xffff  }
0x370: {  	v0 =	vld.idx.msk [tilespmem:v4+s3+$0x0], $0xffff  }
0x371: {  	s10 =	simm.s32 $0x1C7F0;
	v1 =	vld.idx.msk [tilespmem:v6+s3+$0x0], $0xffff  }
0x372: {  	v2 =	vld.idx.msk [tilespmem:v7+s3+$0x0], $0xffff;
	[tilespmem:s10+$0x0] =	vst v9  }
0x373: {  	s11 =	simm.s32 $0x0;
	s12 =	simm.s32 $0x197F0;
	v4 =	vld.idx.msk [tilespmem:v8+s3+$0x0], $0xffff;
	[tilespmem:s10+$0xFFFFFFA0] =	vst v10  }
.LBB2_70:
0x374: {  	v6 =	vld [tilespmem:s12+$0x0];
	s11 =	sadd.s32 $0x8, s11;
	[tilespmem:s10+$0xFFFFFFB0] =	vst v5  }
0x375: {  	v5 =	vld [tilespmem:s12+$0xFFFFFFA0];
	p0 =	slt.u32 s11, $0xF8;
	[tilespmem:s10+$0xFFFFFFC0] =	vst v3  }
0x376: {  	v3 =	vld [tilespmem:s12+$0xFFFFFFB0];
	[tilespmem:s10+$0xFFFFFFD0] =	vst v0  }
0x377: {  	v0 =	vld [tilespmem:s12+$0xFFFFFFC0];
	[tilespmem:s10+$0xFFFFFFE0] =	vst v1  }
0x378: {  	v1 =	vld [tilespmem:s12+$0xFFFFFFD0];
	[tilespmem:s10+$0xFFFFFFF0] =	vst v2  }
0x379: {  	v2 =	vld [tilespmem:s12+$0xFFFFFFE0];
	[tilespmem:s10+$0xFFFFFF90] =	vst v4  }
0x37a: {  	v4 =	vld [tilespmem:s12+$0xFFFFFFF0]  }
0x37b: {  	v7 =	vld [tilespmem:s12+$0xFFFFFF90]  }
0x37c: {  	v6 =	vld.idx.msk [tilespmem:v6+s3+$0x0], $0xffff  }
0x37d: {  	v8 =	vld.idx.msk [tilespmem:v5+s3+$0x0], $0xffff  }
0x37e: {  	v5 =	vld.idx.msk [tilespmem:v3+s3+$0x0], $0xffff  }
.Ltmp34:
0x37f: {  	v3 =	vld.idx.msk [tilespmem:v0+s3+$0x0], $0xffff;
	(pc) =	sbr.rel @p0 .LBB2_70-.Ltmp34, $4  }
0x380: {  	v0 =	vld.idx.msk [tilespmem:v1+s3+$0x0], $0xffff  }
0x381: {  	s10 =	sadd.s32 $0x100, s10;
	v1 =	vld.idx.msk [tilespmem:v2+s3+$0x0], $0xffff  }
0x382: {  	v2 =	vld.idx.msk [tilespmem:v4+s3+$0x0], $0xffff;
	[tilespmem:s10+$0x0] =	vst v6  }
0x383: {  	s12 =	sadd.s32 $0x80, s12;
	v4 =	vld.idx.msk [tilespmem:v7+s3+$0x0], $0xffff;
	[tilespmem:s10+$0xFFFFFFA0] =	vst v8  }
0x384: {  	[tilespmem:s10+$0xFFFFFFB0] =	vst v5  }
0x385: {  	[tilespmem:s10+$0xFFFFFFC0] =	vst v3  }
0x386: {  	[tilespmem:s10+$0xFFFFFFD0] =	vst v0  }
0x387: {  	[tilespmem:s10+$0xFFFFFFE0] =	vst v1  }
0x388: {  	[tilespmem:s10+$0xFFFFFFF0] =	vst v2  }
0x389: {  	s16 =	simm.s32 $0x2;
	[tilespmem:s10+$0xFFFFFF90] =	vst v4  }
0x38a: {  	_ =	swait.ge [sflag:s16], $0x1000  }
0x38b: {  	[sflag:s16] =	ssyncset.done $0x0  }
0x38c: {  	s11 =	simm.s32 $0x1C780;
	s10 =	simm.s32 $0x0;
	[sflag:s16] =	ssyncadd.s32 $0xFFFFF000  }
.LBB2_72:
0x38d: {  	p0 =	sne.s32 s10, $0xF80  }
.Ltmp35:
0x38e: {  	_ = 	snop;
	(pc) =	sbr.rel @p0 .LBB2_72-.Ltmp35, $4  }
0x38f: {  	_ = 	snop  }
0x390: {  	s12 =	sadd.s32 s10, s28  }
0x391: {  	[hbm4b:s12+s3] =	stream.linear.scatter [tilespmem:s11], [sflag:$0x2], $0x80, $0x38;
	[tilespmem:$0x1E700] =	vst v63  }
0x392: {  	s10 =	sadd.s32 $0x80, s10;
	s11 =	sadd.s32 $0x100, s11  }
0x393: {  	s10 =	simm.s32 $0x1A770  }
0x394: {  	v0 =	vld [tilespmem:s10+$0x0]  }
0x395: {  	v1 =	vld [tilespmem:s10+$0xFFFFFFA0]  }
0x396: {  	v2 =	vld [tilespmem:s10+$0xFFFFFFB0]  }
0x397: {  	v3 =	vld [tilespmem:s10+$0xFFFFFFC0]  }
0x398: {  	v4 =	vld [tilespmem:s10+$0xFFFFFFD0]  }
0x399: {  	v6 =	vld [tilespmem:s10+$0xFFFFFFE0]  }
0x39a: {  	v7 =	vld [tilespmem:s10+$0xFFFFFFF0]  }
0x39b: {  	v8 =	vld [tilespmem:s10+$0xFFFFFF90]  }
0x39c: {  	v9 =	vld.idx.msk [tilespmem:v0+s3+$0x0], $0xffff  }
0x39d: {  	v10 =	vld.idx.msk [tilespmem:v1+s3+$0x0], $0xffff  }
0x39e: {  	v5 =	vld.idx.msk [tilespmem:v2+s3+$0x0], $0xffff  }
0x39f: {  	v3 =	vld.idx.msk [tilespmem:v3+s3+$0x0], $0xffff  }
0x3a0: {  	v0 =	vld.idx.msk [tilespmem:v4+s3+$0x0], $0xffff  }
0x3a1: {  	s10 =	simm.s32 $0x1C740;
	v1 =	vld.idx.msk [tilespmem:v6+s3+$0x0], $0xffff  }
0x3a2: {  	v2 =	vld.idx.msk [tilespmem:v7+s3+$0x0], $0xffff;
	[tilespmem:s10+$0x30] =	vst v9  }
0x3a3: {  	s11 =	simm.s32 $0x0;
	s12 =	simm.s32 $0x1A7F0;
	v4 =	vld.idx.msk [tilespmem:v8+s3+$0x0], $0xffff;
	[tilespmem:s10+$0xFFFFFFD0] =	vst v10  }
.LBB2_74:
0x3a4: {  	v6 =	vld [tilespmem:s12+$0x0];
	s11 =	sadd.s32 $0x8, s11;
	[tilespmem:s10+$0xFFFFFFE0] =	vst v5  }
0x3a5: {  	v5 =	vld [tilespmem:s12+$0xFFFFFFA0];
	p0 =	slt.u32 s11, $0xF8;
	[tilespmem:s10+$0xFFFFFFF0] =	vst v3  }
0x3a6: {  	v3 =	vld [tilespmem:s12+$0xFFFFFFB0];
	[tilespmem:s10+$0x0] =	vst v0  }
0x3a7: {  	v0 =	vld [tilespmem:s12+$0xFFFFFFC0];
	[tilespmem:s10+$0x10] =	vst v1  }
0x3a8: {  	v1 =	vld [tilespmem:s12+$0xFFFFFFD0];
	[tilespmem:s10+$0x20] =	vst v2  }
0x3a9: {  	v2 =	vld [tilespmem:s12+$0xFFFFFFE0];
	[tilespmem:s10+$0xFFFFFFC0] =	vst v4  }
0x3aa: {  	v4 =	vld [tilespmem:s12+$0xFFFFFFF0]  }
0x3ab: {  	v7 =	vld [tilespmem:s12+$0xFFFFFF90]  }
0x3ac: {  	v6 =	vld.idx.msk [tilespmem:v6+s3+$0x0], $0xffff  }
0x3ad: {  	v8 =	vld.idx.msk [tilespmem:v5+s3+$0x0], $0xffff  }
0x3ae: {  	v5 =	vld.idx.msk [tilespmem:v3+s3+$0x0], $0xffff  }
.Ltmp36:
0x3af: {  	v3 =	vld.idx.msk [tilespmem:v0+s3+$0x0], $0xffff;
	(pc) =	sbr.rel @p0 .LBB2_74-.Ltmp36, $4  }
0x3b0: {  	v0 =	vld.idx.msk [tilespmem:v1+s3+$0x0], $0xffff  }
0x3b1: {  	s10 =	sadd.s32 $0x100, s10;
	v1 =	vld.idx.msk [tilespmem:v2+s3+$0x0], $0xffff  }
0x3b2: {  	v2 =	vld.idx.msk [tilespmem:v4+s3+$0x0], $0xffff;
	[tilespmem:s10+$0x30] =	vst v6  }
0x3b3: {  	s12 =	sadd.s32 $0x80, s12;
	v4 =	vld.idx.msk [tilespmem:v7+s3+$0x0], $0xffff;
	[tilespmem:s10+$0xFFFFFFD0] =	vst v8  }
0x3b4: {  	[tilespmem:s10+$0xFFFFFFE0] =	vst v5  }
0x3b5: {  	[tilespmem:s10+$0xFFFFFFF0] =	vst v3  }
0x3b6: {  	[tilespmem:s10+$0x0] =	vst v0  }
0x3b7: {  	[tilespmem:s10+$0x10] =	vst v1  }
0x3b8: {  	[tilespmem:s10+$0x20] =	vst v2  }
0x3b9: {  	s16 =	simm.s32 $0x1;
	[tilespmem:s10+$0xFFFFFFC0] =	vst v4  }
0x3ba: {  	_ =	swait.ge [sflag:s16], $0x1000  }
0x3bb: {  	[sflag:s16] =	ssyncset.done $0x0  }
0x3bc: {  	s11 =	simm.s32 $0x1C700;
	s10 =	simm.s32 $0x0;
	[sflag:s16] =	ssyncadd.s32 $0xFFFFF000  }
.LBB2_76:
0x3bd: {  	p0 =	sne.s32 s10, $0xF80  }
.Ltmp37:
0x3be: {  	_ = 	snop;
	(pc) =	sbr.rel @p0 .LBB2_76-.Ltmp37, $4  }
0x3bf: {  	_ = 	snop  }
0x3c0: {  	s12 =	sadd.s32 s10, s29  }
0x3c1: {  	[hbm4b:s12+s3] =	stream.linear.scatter [tilespmem:s11], [sflag:$0x1], $0x80, $0x38;
	[tilespmem:$0x1E700] =	vst v63  }
0x3c2: {  	s10 =	sadd.s32 $0x80, s10;
	s11 =	sadd.s32 $0x100, s11  }
0x3c3: {  	s10 =	simm.s32 $0x1B770  }
0x3c4: {  	v0 =	vld [tilespmem:s10+$0x0]  }
0x3c5: {  	v1 =	vld [tilespmem:s10+$0xFFFFFFA0]  }
0x3c6: {  	v2 =	vld [tilespmem:s10+$0xFFFFFFB0]  }
0x3c7: {  	v3 =	vld [tilespmem:s10+$0xFFFFFFC0]  }
0x3c8: {  	v4 =	vld [tilespmem:s10+$0xFFFFFFD0]  }
0x3c9: {  	v6 =	vld [tilespmem:s10+$0xFFFFFFE0]  }
0x3ca: {  	v7 =	vld [tilespmem:s10+$0xFFFFFFF0]  }
0x3cb: {  	v8 =	vld [tilespmem:s10+$0xFFFFFF90]  }
0x3cc: {  	v9 =	vld.idx.msk [tilespmem:v0+s3+$0x0], $0xffff  }
0x3cd: {  	v10 =	vld.idx.msk [tilespmem:v1+s3+$0x0], $0xffff  }
0x3ce: {  	v5 =	vld.idx.msk [tilespmem:v2+s3+$0x0], $0xffff  }
0x3cf: {  	v3 =	vld.idx.msk [tilespmem:v3+s3+$0x0], $0xffff  }
0x3d0: {  	v0 =	vld.idx.msk [tilespmem:v4+s3+$0x0], $0xffff  }
0x3d1: {  	s10 =	simm.s32 $0x1C7F0;
	v1 =	vld.idx.msk [tilespmem:v6+s3+$0x0], $0xffff  }
0x3d2: {  	v2 =	vld.idx.msk [tilespmem:v7+s3+$0x0], $0xffff;
	[tilespmem:s10+$0x0] =	vst v9  }
0x3d3: {  	s11 =	simm.s32 $0x0;
	s12 =	simm.s32 $0x1B7F0;
	v4 =	vld.idx.msk [tilespmem:v8+s3+$0x0], $0xffff;
	[tilespmem:s10+$0xFFFFFFA0] =	vst v10  }
.LBB2_78:
0x3d4: {  	v6 =	vld [tilespmem:s12+$0x0];
	s11 =	sadd.s32 $0x8, s11;
	[tilespmem:s10+$0xFFFFFFB0] =	vst v5  }
0x3d5: {  	v5 =	vld [tilespmem:s12+$0xFFFFFFA0];
	p0 =	slt.u32 s11, $0xF8;
	[tilespmem:s10+$0xFFFFFFC0] =	vst v3  }
0x3d6: {  	v3 =	vld [tilespmem:s12+$0xFFFFFFB0];
	[tilespmem:s10+$0xFFFFFFD0] =	vst v0  }
0x3d7: {  	v0 =	vld [tilespmem:s12+$0xFFFFFFC0];
	[tilespmem:s10+$0xFFFFFFE0] =	vst v1  }
0x3d8: {  	v1 =	vld [tilespmem:s12+$0xFFFFFFD0];
	[tilespmem:s10+$0xFFFFFFF0] =	vst v2  }
0x3d9: {  	v2 =	vld [tilespmem:s12+$0xFFFFFFE0];
	[tilespmem:s10+$0xFFFFFF90] =	vst v4  }
0x3da: {  	v4 =	vld [tilespmem:s12+$0xFFFFFFF0]  }
0x3db: {  	v7 =	vld [tilespmem:s12+$0xFFFFFF90]  }
0x3dc: {  	v6 =	vld.idx.msk [tilespmem:v6+s3+$0x0], $0xffff  }
0x3dd: {  	v8 =	vld.idx.msk [tilespmem:v5+s3+$0x0], $0xffff  }
0x3de: {  	v5 =	vld.idx.msk [tilespmem:v3+s3+$0x0], $0xffff  }
.Ltmp38:
0x3df: {  	v3 =	vld.idx.msk [tilespmem:v0+s3+$0x0], $0xffff;
	(pc) =	sbr.rel @p0 .LBB2_78-.Ltmp38, $4  }
0x3e0: {  	v0 =	vld.idx.msk [tilespmem:v1+s3+$0x0], $0xffff  }
0x3e1: {  	s10 =	sadd.s32 $0x100, s10;
	v1 =	vld.idx.msk [tilespmem:v2+s3+$0x0], $0xffff  }
0x3e2: {  	v2 =	vld.idx.msk [tilespmem:v4+s3+$0x0], $0xffff;
	[tilespmem:s10+$0x0] =	vst v6  }
0x3e3: {  	s12 =	sadd.s32 $0x80, s12;
	v4 =	vld.idx.msk [tilespmem:v7+s3+$0x0], $0xffff;
	[tilespmem:s10+$0xFFFFFFA0] =	vst v8  }
0x3e4: {  	[tilespmem:s10+$0xFFFFFFB0] =	vst v5  }
0x3e5: {  	[tilespmem:s10+$0xFFFFFFC0] =	vst v3  }
0x3e6: {  	[tilespmem:s10+$0xFFFFFFD0] =	vst v0  }
0x3e7: {  	[tilespmem:s10+$0xFFFFFFE0] =	vst v1  }
0x3e8: {  	[tilespmem:s10+$0xFFFFFFF0] =	vst v2  }
0x3e9: {  	s16 =	simm.s32 $0x2;
	[tilespmem:s10+$0xFFFFFF90] =	vst v4  }
0x3ea: {  	_ =	swait.ge [sflag:s16], $0x1000  }
0x3eb: {  	s11 =	simm.s32 $0x80;
	s15 =	sadd.s32 $0x0, s30;
	[sflag:s16] =	ssyncset.done $0x0  }
0x3ec: {  	s12 =	simm.s32 $0x1C880;
	s10 =	simm.s32 $0x1C780;
	[sflag:s16] =	ssyncadd.s32 $0xFFFFF000  }
.LBB2_80:
0x3ed: {  	[hbm4b:s15+s3] =	stream.linear.scatter [tilespmem:s10], [sflag:$0x2], $0x80, $0x38;
	[tilespmem:$0x1E700] =	vst v63  }
0x3ee: {  	s15 =	smov.u32 s11;
	s10 =	smov.u32 s12;
	p0 =	sne.s32 s11, $0xF80  }
.Ltmp39:
0x3ef: {  	s11 =	sadd.s32 $0x80, s11;
	(pc) =	sbr.rel @p0 .LBB2_80-.Ltmp39, $2  }
0x3f0: {  	_ =	sdelay $0x2  }
0x3f1: {  	s12 =	sadd.s32 $0x100, s12;
	s15 =	sadd.s32 s15, s30  }
0x3f2: {  	[hbm4b:s15+s3] =	stream.linear.scatter [tilespmem:s10], [sflag:$0x2], $0x80, $0x38;
	[tilespmem:$0x1E700] =	vst v63  }
0x3f3: {  	s16 =	rddreg [dreg:$0x11]  }
0x3f4: {  	s11 =	simm.s32 $0x80;
	s12 =	simm.s32 $0x400;
	s15 =	simm.s32 $0x4  }
0x3f5: {  	[tilespmem:s3], [sflag:$0x4] =	stream.strided.gather [hbm4b:s16+s11], $0x18700, s12, s11, $0x38;
	[tilespmem:$0x1E700] =	vst v63  }
0x3f6: {  	_ =	swait.ge [sflag:s15], $0x18700  }
0x3f7: {  	[sflag:s15] =	ssyncset.done $0x0  }
0x3f8: {  	s16 =	simm.s32 $0x18740;
	[sflag:s15] =	ssyncadd.s32 $0xFFFE7900  }
0x3f9: {  	v0 =	vld [tilespmem:s16+$0x30]  }
0x3fa: {  	v1 =	vld [tilespmem:s16+$0xFFFFFFD0]  }
0x3fb: {  	v2 =	vld [tilespmem:s16+$0xFFFFFFE0]  }
0x3fc: {  	v3 =	vld [tilespmem:s16+$0xFFFFFFF0]  }
0x3fd: {  	v4 =	vld [tilespmem:s16+$0x0]  }
0x3fe: {  	v6 =	vld [tilespmem:s16+$0x10]  }
0x3ff: {  	v7 =	vld [tilespmem:s16+$0x20]  }
0x400: {  	v8 =	vld [tilespmem:s16+$0xFFFFFFC0]  }
0x401: {  	v9 =	vld.idx.msk [tilespmem:v0+s3+$0x0], $0xffff  }
0x402: {  	v10 =	vld.idx.msk [tilespmem:v1+s3+$0x0], $0xffff  }
0x403: {  	v5 =	vld.idx.msk [tilespmem:v2+s3+$0x0], $0xffff  }
0x404: {  	v3 =	vld.idx.msk [tilespmem:v3+s3+$0x0], $0xffff  }
0x405: {  	v0 =	vld.idx.msk [tilespmem:v4+s3+$0x0], $0xffff  }
0x406: {  	s10 =	simm.s32 $0x1C740;
	v1 =	vld.idx.msk [tilespmem:v6+s3+$0x0], $0xffff  }
0x407: {  	v2 =	vld.idx.msk [tilespmem:v7+s3+$0x0], $0xffff;
	[tilespmem:s10+$0x30] =	vst v9  }
0x408: {  	s11 =	simm.s32 $0x0;
	s12 =	simm.s32 $0x187C0;
	v4 =	vld.idx.msk [tilespmem:v8+s3+$0x0], $0xffff;
	[tilespmem:s10+$0xFFFFFFD0] =	vst v10  }
.LBB2_82:
0x409: {  	v6 =	vld [tilespmem:s12+$0x30];
	s11 =	sadd.s32 $0x8, s11;
	[tilespmem:s10+$0xFFFFFFE0] =	vst v5  }
0x40a: {  	v5 =	vld [tilespmem:s12+$0xFFFFFFD0];
	p0 =	slt.u32 s11, $0xF8;
	[tilespmem:s10+$0xFFFFFFF0] =	vst v3  }
0x40b: {  	v3 =	vld [tilespmem:s12+$0xFFFFFFE0];
	[tilespmem:s10+$0x0] =	vst v0  }
0x40c: {  	v0 =	vld [tilespmem:s12+$0xFFFFFFF0];
	[tilespmem:s10+$0x10] =	vst v1  }
0x40d: {  	v1 =	vld [tilespmem:s12+$0x0];
	[tilespmem:s10+$0x20] =	vst v2  }
0x40e: {  	v2 =	vld [tilespmem:s12+$0x10];
	[tilespmem:s10+$0xFFFFFFC0] =	vst v4  }
0x40f: {  	v4 =	vld [tilespmem:s12+$0x20]  }
0x410: {  	v7 =	vld [tilespmem:s12+$0xFFFFFFC0]  }
0x411: {  	v6 =	vld.idx.msk [tilespmem:v6+s3+$0x0], $0xffff  }
0x412: {  	v8 =	vld.idx.msk [tilespmem:v5+s3+$0x0], $0xffff  }
0x413: {  	v5 =	vld.idx.msk [tilespmem:v3+s3+$0x0], $0xffff  }
.Ltmp40:
0x414: {  	v3 =	vld.idx.msk [tilespmem:v0+s3+$0x0], $0xffff;
	(pc) =	sbr.rel @p0 .LBB2_82-.Ltmp40, $4  }
0x415: {  	v0 =	vld.idx.msk [tilespmem:v1+s3+$0x0], $0xffff  }
0x416: {  	s10 =	sadd.s32 $0x100, s10;
	v1 =	vld.idx.msk [tilespmem:v2+s3+$0x0], $0xffff  }
0x417: {  	v2 =	vld.idx.msk [tilespmem:v4+s3+$0x0], $0xffff;
	[tilespmem:s10+$0x30] =	vst v6  }
0x418: {  	s12 =	sadd.s32 $0x80, s12;
	v4 =	vld.idx.msk [tilespmem:v7+s3+$0x0], $0xffff;
	[tilespmem:s10+$0xFFFFFFD0] =	vst v8  }
0x419: {  	[tilespmem:s10+$0xFFFFFFE0] =	vst v5  }
0x41a: {  	[tilespmem:s10+$0xFFFFFFF0] =	vst v3  }
0x41b: {  	[tilespmem:s10+$0x0] =	vst v0  }
0x41c: {  	[tilespmem:s10+$0x10] =	vst v1  }
0x41d: {  	[tilespmem:s10+$0x20] =	vst v2  }
0x41e: {  	s16 =	simm.s32 $0x1;
	[tilespmem:s10+$0xFFFFFFC0] =	vst v4  }
0x41f: {  	_ =	swait.ge [sflag:s16], $0x1000  }
0x420: {  	[sflag:s16] =	ssyncset.done $0x0  }
0x421: {  	s11 =	simm.s32 $0x1C700;
	s10 =	simm.s32 $0x0;
	[sflag:s16] =	ssyncadd.s32 $0xFFFFF000  }
.LBB2_84:
0x422: {  	p0 =	sne.s32 s10, $0xF80  }
.Ltmp41:
0x423: {  	_ = 	snop;
	(pc) =	sbr.rel @p0 .LBB2_84-.Ltmp41, $4  }
0x424: {  	_ = 	snop  }
0x425: {  	s12 =	sadd.s32 s10, s1  }
0x426: {  	[hbm4b:s12+s3] =	stream.linear.scatter [tilespmem:s11], [sflag:$0x1], $0x80, $0x38;
	[tilespmem:$0x1E700] =	vst v63  }
0x427: {  	s10 =	sadd.s32 $0x80, s10;
	s11 =	sadd.s32 $0x100, s11  }
0x428: {  	s10 =	simm.s32 $0x19770  }
0x429: {  	v0 =	vld [tilespmem:s10+$0x0]  }
0x42a: {  	v1 =	vld [tilespmem:s10+$0xFFFFFFA0]  }
0x42b: {  	v2 =	vld [tilespmem:s10+$0xFFFFFFB0]  }
0x42c: {  	v3 =	vld [tilespmem:s10+$0xFFFFFFC0]  }
0x42d: {  	v4 =	vld [tilespmem:s10+$0xFFFFFFD0]  }
0x42e: {  	v6 =	vld [tilespmem:s10+$0xFFFFFFE0]  }
0x42f: {  	v7 =	vld [tilespmem:s10+$0xFFFFFFF0]  }
0x430: {  	v8 =	vld [tilespmem:s10+$0xFFFFFF90]  }
0x431: {  	v9 =	vld.idx.msk [tilespmem:v0+s3+$0x0], $0xffff  }
0x432: {  	v10 =	vld.idx.msk [tilespmem:v1+s3+$0x0], $0xffff  }
0x433: {  	v5 =	vld.idx.msk [tilespmem:v2+s3+$0x0], $0xffff  }
0x434: {  	v3 =	vld.idx.msk [tilespmem:v3+s3+$0x0], $0xffff  }
0x435: {  	v0 =	vld.idx.msk [tilespmem:v4+s3+$0x0], $0xffff  }
0x436: {  	s10 =	simm.s32 $0x1C7F0;
	v1 =	vld.idx.msk [tilespmem:v6+s3+$0x0], $0xffff  }
0x437: {  	v2 =	vld.idx.msk [tilespmem:v7+s3+$0x0], $0xffff;
	[tilespmem:s10+$0x0] =	vst v9  }
0x438: {  	s11 =	simm.s32 $0x0;
	s12 =	simm.s32 $0x197F0;
	v4 =	vld.idx.msk [tilespmem:v8+s3+$0x0], $0xffff;
	[tilespmem:s10+$0xFFFFFFA0] =	vst v10  }
.LBB2_86:
0x439: {  	v6 =	vld [tilespmem:s12+$0x0];
	s11 =	sadd.s32 $0x8, s11;
	[tilespmem:s10+$0xFFFFFFB0] =	vst v5  }
0x43a: {  	v5 =	vld [tilespmem:s12+$0xFFFFFFA0];
	p0 =	slt.u32 s11, $0xF8;
	[tilespmem:s10+$0xFFFFFFC0] =	vst v3  }
0x43b: {  	v3 =	vld [tilespmem:s12+$0xFFFFFFB0];
	[tilespmem:s10+$0xFFFFFFD0] =	vst v0  }
0x43c: {  	v0 =	vld [tilespmem:s12+$0xFFFFFFC0];
	[tilespmem:s10+$0xFFFFFFE0] =	vst v1  }
0x43d: {  	v1 =	vld [tilespmem:s12+$0xFFFFFFD0];
	[tilespmem:s10+$0xFFFFFFF0] =	vst v2  }
0x43e: {  	v2 =	vld [tilespmem:s12+$0xFFFFFFE0];
	[tilespmem:s10+$0xFFFFFF90] =	vst v4  }
0x43f: {  	v4 =	vld [tilespmem:s12+$0xFFFFFFF0]  }
0x440: {  	v7 =	vld [tilespmem:s12+$0xFFFFFF90]  }
0x441: {  	v6 =	vld.idx.msk [tilespmem:v6+s3+$0x0], $0xffff  }
0x442: {  	v8 =	vld.idx.msk [tilespmem:v5+s3+$0x0], $0xffff  }
0x443: {  	v5 =	vld.idx.msk [tilespmem:v3+s3+$0x0], $0xffff  }
.Ltmp42:
0x444: {  	v3 =	vld.idx.msk [tilespmem:v0+s3+$0x0], $0xffff;
	(pc) =	sbr.rel @p0 .LBB2_86-.Ltmp42, $4  }
0x445: {  	v0 =	vld.idx.msk [tilespmem:v1+s3+$0x0], $0xffff  }
0x446: {  	s10 =	sadd.s32 $0x100, s10;
	v1 =	vld.idx.msk [tilespmem:v2+s3+$0x0], $0xffff  }
0x447: {  	v2 =	vld.idx.msk [tilespmem:v4+s3+$0x0], $0xffff;
	[tilespmem:s10+$0x0] =	vst v6  }
0x448: {  	s12 =	sadd.s32 $0x80, s12;
	v4 =	vld.idx.msk [tilespmem:v7+s3+$0x0], $0xffff;
	[tilespmem:s10+$0xFFFFFFA0] =	vst v8  }
0x449: {  	[tilespmem:s10+$0xFFFFFFB0] =	vst v5  }
0x44a: {  	[tilespmem:s10+$0xFFFFFFC0] =	vst v3  }
0x44b: {  	[tilespmem:s10+$0xFFFFFFD0] =	vst v0  }
0x44c: {  	[tilespmem:s10+$0xFFFFFFE0] =	vst v1  }
0x44d: {  	[tilespmem:s10+$0xFFFFFFF0] =	vst v2  }
0x44e: {  	s16 =	simm.s32 $0x2;
	[tilespmem:s10+$0xFFFFFF90] =	vst v4  }
0x44f: {  	_ =	swait.ge [sflag:s16], $0x1000  }
0x450: {  	[sflag:s16] =	ssyncset.done $0x0  }
0x451: {  	s11 =	simm.s32 $0x1C780;
	s10 =	simm.s32 $0x0;
	[sflag:s16] =	ssyncadd.s32 $0xFFFFF000  }
.LBB2_88:
0x452: {  	p0 =	sne.s32 s10, $0xF80  }
.Ltmp43:
0x453: {  	_ = 	snop;
	(pc) =	sbr.rel @p0 .LBB2_88-.Ltmp43, $4  }
0x454: {  	_ = 	snop  }
0x455: {  	s12 =	sadd.s32 s10, s0  }
0x456: {  	[hbm4b:s12+s3] =	stream.linear.scatter [tilespmem:s11], [sflag:$0x2], $0x80, $0x38;
	[tilespmem:$0x1E700] =	vst v63  }
0x457: {  	s10 =	sadd.s32 $0x80, s10;
	s11 =	sadd.s32 $0x100, s11  }
0x458: {  	s10 =	simm.s32 $0x1A770  }
0x459: {  	v0 =	vld [tilespmem:s10+$0x0]  }
0x45a: {  	v1 =	vld [tilespmem:s10+$0xFFFFFFA0]  }
0x45b: {  	v2 =	vld [tilespmem:s10+$0xFFFFFFB0]  }
0x45c: {  	v3 =	vld [tilespmem:s10+$0xFFFFFFC0]  }
0x45d: {  	v4 =	vld [tilespmem:s10+$0xFFFFFFD0]  }
0x45e: {  	v6 =	vld [tilespmem:s10+$0xFFFFFFE0]  }
0x45f: {  	v7 =	vld [tilespmem:s10+$0xFFFFFFF0]  }
0x460: {  	v8 =	vld [tilespmem:s10+$0xFFFFFF90]  }
0x461: {  	v9 =	vld.idx.msk [tilespmem:v0+s3+$0x0], $0xffff  }
0x462: {  	v10 =	vld.idx.msk [tilespmem:v1+s3+$0x0], $0xffff  }
0x463: {  	v5 =	vld.idx.msk [tilespmem:v2+s3+$0x0], $0xffff  }
0x464: {  	v3 =	vld.idx.msk [tilespmem:v3+s3+$0x0], $0xffff  }
0x465: {  	v0 =	vld.idx.msk [tilespmem:v4+s3+$0x0], $0xffff  }
0x466: {  	s10 =	simm.s32 $0x1C740;
	v1 =	vld.idx.msk [tilespmem:v6+s3+$0x0], $0xffff  }
0x467: {  	v2 =	vld.idx.msk [tilespmem:v7+s3+$0x0], $0xffff;
	[tilespmem:s10+$0x30] =	vst v9  }
0x468: {  	s11 =	simm.s32 $0x0;
	s12 =	simm.s32 $0x1A7F0;
	v4 =	vld.idx.msk [tilespmem:v8+s3+$0x0], $0xffff;
	[tilespmem:s10+$0xFFFFFFD0] =	vst v10  }
.LBB2_90:
0x469: {  	v6 =	vld [tilespmem:s12+$0x0];
	s11 =	sadd.s32 $0x8, s11;
	[tilespmem:s10+$0xFFFFFFE0] =	vst v5  }
0x46a: {  	v5 =	vld [tilespmem:s12+$0xFFFFFFA0];
	p0 =	slt.u32 s11, $0xF8;
	[tilespmem:s10+$0xFFFFFFF0] =	vst v3  }
0x46b: {  	v3 =	vld [tilespmem:s12+$0xFFFFFFB0];
	[tilespmem:s10+$0x0] =	vst v0  }
0x46c: {  	v0 =	vld [tilespmem:s12+$0xFFFFFFC0];
	[tilespmem:s10+$0x10] =	vst v1  }
0x46d: {  	v1 =	vld [tilespmem:s12+$0xFFFFFFD0];
	[tilespmem:s10+$0x20] =	vst v2  }
0x46e: {  	v2 =	vld [tilespmem:s12+$0xFFFFFFE0];
	[tilespmem:s10+$0xFFFFFFC0] =	vst v4  }
0x46f: {  	v4 =	vld [tilespmem:s12+$0xFFFFFFF0]  }
0x470: {  	v7 =	vld [tilespmem:s12+$0xFFFFFF90]  }
0x471: {  	v6 =	vld.idx.msk [tilespmem:v6+s3+$0x0], $0xffff  }
0x472: {  	v8 =	vld.idx.msk [tilespmem:v5+s3+$0x0], $0xffff  }
0x473: {  	v5 =	vld.idx.msk [tilespmem:v3+s3+$0x0], $0xffff  }
.Ltmp44:
0x474: {  	v3 =	vld.idx.msk [tilespmem:v0+s3+$0x0], $0xffff;
	(pc) =	sbr.rel @p0 .LBB2_90-.Ltmp44, $4  }
0x475: {  	v0 =	vld.idx.msk [tilespmem:v1+s3+$0x0], $0xffff  }
0x476: {  	s10 =	sadd.s32 $0x100, s10;
	v1 =	vld.idx.msk [tilespmem:v2+s3+$0x0], $0xffff  }
0x477: {  	v2 =	vld.idx.msk [tilespmem:v4+s3+$0x0], $0xffff;
	[tilespmem:s10+$0x30] =	vst v6  }
0x478: {  	s12 =	sadd.s32 $0x80, s12;
	v4 =	vld.idx.msk [tilespmem:v7+s3+$0x0], $0xffff;
	[tilespmem:s10+$0xFFFFFFD0] =	vst v8  }
0x479: {  	[tilespmem:s10+$0xFFFFFFE0] =	vst v5  }
0x47a: {  	[tilespmem:s10+$0xFFFFFFF0] =	vst v3  }
0x47b: {  	[tilespmem:s10+$0x0] =	vst v0  }
0x47c: {  	[tilespmem:s10+$0x10] =	vst v1  }
0x47d: {  	[tilespmem:s10+$0x20] =	vst v2  }
0x47e: {  	s16 =	simm.s32 $0x1;
	[tilespmem:s10+$0xFFFFFFC0] =	vst v4  }
0x47f: {  	_ =	swait.ge [sflag:s16], $0x1000  }
0x480: {  	[sflag:s16] =	ssyncset.done $0x0  }
0x481: {  	s11 =	simm.s32 $0x1C700;
	s10 =	simm.s32 $0x0;
	[sflag:s16] =	ssyncadd.s32 $0xFFFFF000  }
.LBB2_92:
0x482: {  	p0 =	sne.s32 s10, $0xF80  }
.Ltmp45:
0x483: {  	_ = 	snop;
	(pc) =	sbr.rel @p0 .LBB2_92-.Ltmp45, $4  }
0x484: {  	_ = 	snop  }
0x485: {  	s12 =	sadd.s32 s10, s2  }
0x486: {  	[hbm4b:s12+s3] =	stream.linear.scatter [tilespmem:s11], [sflag:$0x1], $0x80, $0x38;
	[tilespmem:$0x1E700] =	vst v63  }
0x487: {  	s10 =	sadd.s32 $0x80, s10;
	s11 =	sadd.s32 $0x100, s11  }
0x488: {  	s10 =	simm.s32 $0x1B770  }
0x489: {  	v0 =	vld [tilespmem:s10+$0x0]  }
0x48a: {  	v1 =	vld [tilespmem:s10+$0xFFFFFFA0]  }
0x48b: {  	v2 =	vld [tilespmem:s10+$0xFFFFFFB0]  }
0x48c: {  	v3 =	vld [tilespmem:s10+$0xFFFFFFC0]  }
0x48d: {  	v4 =	vld [tilespmem:s10+$0xFFFFFFD0]  }
0x48e: {  	v6 =	vld [tilespmem:s10+$0xFFFFFFE0]  }
0x48f: {  	v7 =	vld [tilespmem:s10+$0xFFFFFFF0]  }
0x490: {  	v8 =	vld [tilespmem:s10+$0xFFFFFF90]  }
0x491: {  	v9 =	vld.idx.msk [tilespmem:v0+s3+$0x0], $0xffff  }
0x492: {  	v10 =	vld.idx.msk [tilespmem:v1+s3+$0x0], $0xffff  }
0x493: {  	v5 =	vld.idx.msk [tilespmem:v2+s3+$0x0], $0xffff  }
0x494: {  	v3 =	vld.idx.msk [tilespmem:v3+s3+$0x0], $0xffff  }
0x495: {  	v0 =	vld.idx.msk [tilespmem:v4+s3+$0x0], $0xffff  }
0x496: {  	s10 =	simm.s32 $0x1C7F0;
	v1 =	vld.idx.msk [tilespmem:v6+s3+$0x0], $0xffff  }
0x497: {  	v2 =	vld.idx.msk [tilespmem:v7+s3+$0x0], $0xffff;
	[tilespmem:s10+$0x0] =	vst v9  }
0x498: {  	s11 =	simm.s32 $0x0;
	s12 =	simm.s32 $0x1B7F0;
	v4 =	vld.idx.msk [tilespmem:v8+s3+$0x0], $0xffff;
	[tilespmem:s10+$0xFFFFFFA0] =	vst v10  }
.LBB2_94:
0x499: {  	v6 =	vld [tilespmem:s12+$0x0];
	s11 =	sadd.s32 $0x8, s11;
	[tilespmem:s10+$0xFFFFFFB0] =	vst v5  }
0x49a: {  	v5 =	vld [tilespmem:s12+$0xFFFFFFA0];
	p0 =	slt.u32 s11, $0xF8;
	[tilespmem:s10+$0xFFFFFFC0] =	vst v3  }
0x49b: {  	v3 =	vld [tilespmem:s12+$0xFFFFFFB0];
	[tilespmem:s10+$0xFFFFFFD0] =	vst v0  }
0x49c: {  	v0 =	vld [tilespmem:s12+$0xFFFFFFC0];
	[tilespmem:s10+$0xFFFFFFE0] =	vst v1  }
0x49d: {  	v1 =	vld [tilespmem:s12+$0xFFFFFFD0];
	[tilespmem:s10+$0xFFFFFFF0] =	vst v2  }
0x49e: {  	v2 =	vld [tilespmem:s12+$0xFFFFFFE0];
	[tilespmem:s10+$0xFFFFFF90] =	vst v4  }
0x49f: {  	v4 =	vld [tilespmem:s12+$0xFFFFFFF0]  }
0x4a0: {  	v7 =	vld [tilespmem:s12+$0xFFFFFF90]  }
0x4a1: {  	v6 =	vld.idx.msk [tilespmem:v6+s3+$0x0], $0xffff  }
0x4a2: {  	v8 =	vld.idx.msk [tilespmem:v5+s3+$0x0], $0xffff  }
0x4a3: {  	v5 =	vld.idx.msk [tilespmem:v3+s3+$0x0], $0xffff  }
.Ltmp46:
0x4a4: {  	v3 =	vld.idx.msk [tilespmem:v0+s3+$0x0], $0xffff;
	(pc) =	sbr.rel @p0 .LBB2_94-.Ltmp46, $4  }
0x4a5: {  	v0 =	vld.idx.msk [tilespmem:v1+s3+$0x0], $0xffff  }
0x4a6: {  	s10 =	sadd.s32 $0x100, s10;
	v1 =	vld.idx.msk [tilespmem:v2+s3+$0x0], $0xffff  }
0x4a7: {  	v2 =	vld.idx.msk [tilespmem:v4+s3+$0x0], $0xffff;
	[tilespmem:s10+$0x0] =	vst v6  }
0x4a8: {  	s12 =	sadd.s32 $0x80, s12;
	v4 =	vld.idx.msk [tilespmem:v7+s3+$0x0], $0xffff;
	[tilespmem:s10+$0xFFFFFFA0] =	vst v8  }
0x4a9: {  	[tilespmem:s10+$0xFFFFFFB0] =	vst v5  }
0x4aa: {  	[tilespmem:s10+$0xFFFFFFC0] =	vst v3  }
0x4ab: {  	[tilespmem:s10+$0xFFFFFFD0] =	vst v0  }
0x4ac: {  	[tilespmem:s10+$0xFFFFFFE0] =	vst v1  }
0x4ad: {  	[tilespmem:s10+$0xFFFFFFF0] =	vst v2  }
0x4ae: {  	s16 =	simm.s32 $0x2;
	[tilespmem:s10+$0xFFFFFF90] =	vst v4  }
0x4af: {  	_ =	swait.ge [sflag:s16], $0x1000  }
0x4b0: {  	s11 =	simm.s32 $0x80;
	s15 =	sadd.s32 $0x0, s9;
	[sflag:s16] =	ssyncset.done $0x0  }
0x4b1: {  	s12 =	simm.s32 $0x1C880;
	s10 =	simm.s32 $0x1C780;
	[sflag:s16] =	ssyncadd.s32 $0xFFFFF000  }
.LBB2_96:
0x4b2: {  	[hbm4b:s15+s3] =	stream.linear.scatter [tilespmem:s10], [sflag:$0x2], $0x80, $0x38;
	[tilespmem:$0x1E700] =	vst v63  }
0x4b3: {  	s15 =	smov.u32 s11;
	s10 =	smov.u32 s12;
	p0 =	sne.s32 s11, $0xF80  }
.Ltmp47:
0x4b4: {  	s11 =	sadd.s32 $0x80, s11;
	(pc) =	sbr.rel @p0 .LBB2_96-.Ltmp47, $2  }
0x4b5: {  	_ =	sdelay $0x2  }
0x4b6: {  	s12 =	sadd.s32 $0x100, s12;
	s15 =	sadd.s32 s15, s9  }
0x4b7: {  	[hbm4b:s15+s3] =	stream.linear.scatter [tilespmem:s10], [sflag:$0x2], $0x80, $0x38;
	[tilespmem:$0x1E700] =	vst v63  }
0x4b8: {  	s16 =	rddreg [dreg:$0x12]  }
0x4b9: {  	s11 =	simm.s32 $0x80;
	s12 =	simm.s32 $0x400;
	s15 =	simm.s32 $0x3  }
0x4ba: {  	[tilespmem:s3], [sflag:$0x3] =	stream.strided.gather [hbm4b:s16+s11], $0x18700, s12, s11, $0x38;
	[tilespmem:$0x1E700] =	vst v63  }
0x4bb: {  	_ =	swait.ge [sflag:s15], $0x18700  }
0x4bc: {  	[sflag:s15] =	ssyncset.done $0x0  }
0x4bd: {  	s16 =	simm.s32 $0x18740;
	[sflag:s15] =	ssyncadd.s32 $0xFFFE7900  }
0x4be: {  	v0 =	vld [tilespmem:s16+$0x30]  }
0x4bf: {  	v1 =	vld [tilespmem:s16+$0xFFFFFFD0]  }
0x4c0: {  	v2 =	vld [tilespmem:s16+$0xFFFFFFE0]  }
0x4c1: {  	v3 =	vld [tilespmem:s16+$0xFFFFFFF0]  }
0x4c2: {  	v4 =	vld [tilespmem:s16+$0x0]  }
0x4c3: {  	v6 =	vld [tilespmem:s16+$0x10]  }
0x4c4: {  	v7 =	vld [tilespmem:s16+$0x20]  }
0x4c5: {  	v8 =	vld [tilespmem:s16+$0xFFFFFFC0]  }
0x4c6: {  	v9 =	vld.idx.msk [tilespmem:v0+s3+$0x0], $0xffff  }
0x4c7: {  	v10 =	vld.idx.msk [tilespmem:v1+s3+$0x0], $0xffff  }
0x4c8: {  	v5 =	vld.idx.msk [tilespmem:v2+s3+$0x0], $0xffff  }
0x4c9: {  	v3 =	vld.idx.msk [tilespmem:v3+s3+$0x0], $0xffff  }
0x4ca: {  	v0 =	vld.idx.msk [tilespmem:v4+s3+$0x0], $0xffff  }
0x4cb: {  	s10 =	simm.s32 $0x1C740;
	v1 =	vld.idx.msk [tilespmem:v6+s3+$0x0], $0xffff  }
0x4cc: {  	v2 =	vld.idx.msk [tilespmem:v7+s3+$0x0], $0xffff;
	[tilespmem:s10+$0x30] =	vst v9  }
0x4cd: {  	s11 =	simm.s32 $0x0;
	s12 =	simm.s32 $0x187C0;
	v4 =	vld.idx.msk [tilespmem:v8+s3+$0x0], $0xffff;
	[tilespmem:s10+$0xFFFFFFD0] =	vst v10  }
.LBB2_98:
0x4ce: {  	v6 =	vld [tilespmem:s12+$0x30];
	s11 =	sadd.s32 $0x8, s11;
	[tilespmem:s10+$0xFFFFFFE0] =	vst v5  }
0x4cf: {  	v5 =	vld [tilespmem:s12+$0xFFFFFFD0];
	p0 =	slt.u32 s11, $0xF8;
	[tilespmem:s10+$0xFFFFFFF0] =	vst v3  }
0x4d0: {  	v3 =	vld [tilespmem:s12+$0xFFFFFFE0];
	[tilespmem:s10+$0x0] =	vst v0  }
0x4d1: {  	v0 =	vld [tilespmem:s12+$0xFFFFFFF0];
	[tilespmem:s10+$0x10] =	vst v1  }
0x4d2: {  	v1 =	vld [tilespmem:s12+$0x0];
	[tilespmem:s10+$0x20] =	vst v2  }
0x4d3: {  	v2 =	vld [tilespmem:s12+$0x10];
	[tilespmem:s10+$0xFFFFFFC0] =	vst v4  }
0x4d4: {  	v4 =	vld [tilespmem:s12+$0x20]  }
0x4d5: {  	v7 =	vld [tilespmem:s12+$0xFFFFFFC0]  }
0x4d6: {  	v6 =	vld.idx.msk [tilespmem:v6+s3+$0x0], $0xffff  }
0x4d7: {  	v8 =	vld.idx.msk [tilespmem:v5+s3+$0x0], $0xffff  }
0x4d8: {  	v5 =	vld.idx.msk [tilespmem:v3+s3+$0x0], $0xffff  }
.Ltmp48:
0x4d9: {  	v3 =	vld.idx.msk [tilespmem:v0+s3+$0x0], $0xffff;
	(pc) =	sbr.rel @p0 .LBB2_98-.Ltmp48, $4  }
0x4da: {  	v0 =	vld.idx.msk [tilespmem:v1+s3+$0x0], $0xffff  }
0x4db: {  	s10 =	sadd.s32 $0x100, s10;
	v1 =	vld.idx.msk [tilespmem:v2+s3+$0x0], $0xffff  }
0x4dc: {  	v2 =	vld.idx.msk [tilespmem:v4+s3+$0x0], $0xffff;
	[tilespmem:s10+$0x30] =	vst v6  }
0x4dd: {  	s12 =	sadd.s32 $0x80, s12;
	v4 =	vld.idx.msk [tilespmem:v7+s3+$0x0], $0xffff;
	[tilespmem:s10+$0xFFFFFFD0] =	vst v8  }
0x4de: {  	[tilespmem:s10+$0xFFFFFFE0] =	vst v5  }
0x4df: {  	[tilespmem:s10+$0xFFFFFFF0] =	vst v3  }
0x4e0: {  	[tilespmem:s10+$0x0] =	vst v0  }
0x4e1: {  	[tilespmem:s10+$0x10] =	vst v1  }
0x4e2: {  	[tilespmem:s10+$0x20] =	vst v2  }
0x4e3: {  	s16 =	simm.s32 $0x1;
	[tilespmem:s10+$0xFFFFFFC0] =	vst v4  }
0x4e4: {  	_ =	swait.ge [sflag:s16], $0x1000  }
0x4e5: {  	[sflag:s16] =	ssyncset.done $0x0  }
0x4e6: {  	s11 =	simm.s32 $0x1C700;
	s10 =	simm.s32 $0x0;
	[sflag:s16] =	ssyncadd.s32 $0xFFFFF000  }
.LBB2_100:
0x4e7: {  	p0 =	sne.s32 s10, $0xF80  }
.Ltmp49:
0x4e8: {  	_ = 	snop;
	(pc) =	sbr.rel @p0 .LBB2_100-.Ltmp49, $4  }
0x4e9: {  	_ = 	snop  }
0x4ea: {  	s12 =	sadd.s32 s10, s19  }
0x4eb: {  	[hbm4b:s12+s3] =	stream.linear.scatter [tilespmem:s11], [sflag:$0x1], $0x80, $0x38;
	[tilespmem:$0x1E700] =	vst v63  }
0x4ec: {  	s10 =	sadd.s32 $0x80, s10;
	s11 =	sadd.s32 $0x100, s11  }
0x4ed: {  	s10 =	simm.s32 $0x19770  }
0x4ee: {  	v0 =	vld [tilespmem:s10+$0x0]  }
0x4ef: {  	v1 =	vld [tilespmem:s10+$0xFFFFFFA0]  }
0x4f0: {  	v2 =	vld [tilespmem:s10+$0xFFFFFFB0]  }
0x4f1: {  	v3 =	vld [tilespmem:s10+$0xFFFFFFC0]  }
0x4f2: {  	v4 =	vld [tilespmem:s10+$0xFFFFFFD0]  }
0x4f3: {  	v6 =	vld [tilespmem:s10+$0xFFFFFFE0]  }
0x4f4: {  	v7 =	vld [tilespmem:s10+$0xFFFFFFF0]  }
0x4f5: {  	v8 =	vld [tilespmem:s10+$0xFFFFFF90]  }
0x4f6: {  	v9 =	vld.idx.msk [tilespmem:v0+s3+$0x0], $0xffff  }
0x4f7: {  	v10 =	vld.idx.msk [tilespmem:v1+s3+$0x0], $0xffff  }
0x4f8: {  	v5 =	vld.idx.msk [tilespmem:v2+s3+$0x0], $0xffff  }
0x4f9: {  	v3 =	vld.idx.msk [tilespmem:v3+s3+$0x0], $0xffff  }
0x4fa: {  	v0 =	vld.idx.msk [tilespmem:v4+s3+$0x0], $0xffff  }
0x4fb: {  	s10 =	simm.s32 $0x1C7F0;
	v1 =	vld.idx.msk [tilespmem:v6+s3+$0x0], $0xffff  }
0x4fc: {  	v2 =	vld.idx.msk [tilespmem:v7+s3+$0x0], $0xffff;
	[tilespmem:s10+$0x0] =	vst v9  }
0x4fd: {  	s11 =	simm.s32 $0x0;
	s12 =	simm.s32 $0x197F0;
	v4 =	vld.idx.msk [tilespmem:v8+s3+$0x0], $0xffff;
	[tilespmem:s10+$0xFFFFFFA0] =	vst v10  }
.LBB2_102:
0x4fe: {  	v6 =	vld [tilespmem:s12+$0x0];
	s11 =	sadd.s32 $0x8, s11;
	[tilespmem:s10+$0xFFFFFFB0] =	vst v5  }
0x4ff: {  	v5 =	vld [tilespmem:s12+$0xFFFFFFA0];
	p0 =	slt.u32 s11, $0xF8;
	[tilespmem:s10+$0xFFFFFFC0] =	vst v3  }
0x500: {  	v3 =	vld [tilespmem:s12+$0xFFFFFFB0];
	[tilespmem:s10+$0xFFFFFFD0] =	vst v0  }
0x501: {  	v0 =	vld [tilespmem:s12+$0xFFFFFFC0];
	[tilespmem:s10+$0xFFFFFFE0] =	vst v1  }
0x502: {  	v1 =	vld [tilespmem:s12+$0xFFFFFFD0];
	[tilespmem:s10+$0xFFFFFFF0] =	vst v2  }
0x503: {  	v2 =	vld [tilespmem:s12+$0xFFFFFFE0];
	[tilespmem:s10+$0xFFFFFF90] =	vst v4  }
0x504: {  	v4 =	vld [tilespmem:s12+$0xFFFFFFF0]  }
0x505: {  	v7 =	vld [tilespmem:s12+$0xFFFFFF90]  }
0x506: {  	v6 =	vld.idx.msk [tilespmem:v6+s3+$0x0], $0xffff  }
0x507: {  	v8 =	vld.idx.msk [tilespmem:v5+s3+$0x0], $0xffff  }
0x508: {  	v5 =	vld.idx.msk [tilespmem:v3+s3+$0x0], $0xffff  }
.Ltmp50:
0x509: {  	v3 =	vld.idx.msk [tilespmem:v0+s3+$0x0], $0xffff;
	(pc) =	sbr.rel @p0 .LBB2_102-.Ltmp50, $4  }
0x50a: {  	v0 =	vld.idx.msk [tilespmem:v1+s3+$0x0], $0xffff  }
0x50b: {  	s10 =	sadd.s32 $0x100, s10;
	v1 =	vld.idx.msk [tilespmem:v2+s3+$0x0], $0xffff  }
0x50c: {  	v2 =	vld.idx.msk [tilespmem:v4+s3+$0x0], $0xffff;
	[tilespmem:s10+$0x0] =	vst v6  }
0x50d: {  	s12 =	sadd.s32 $0x80, s12;
	v4 =	vld.idx.msk [tilespmem:v7+s3+$0x0], $0xffff;
	[tilespmem:s10+$0xFFFFFFA0] =	vst v8  }
0x50e: {  	[tilespmem:s10+$0xFFFFFFB0] =	vst v5  }
0x50f: {  	[tilespmem:s10+$0xFFFFFFC0] =	vst v3  }
0x510: {  	[tilespmem:s10+$0xFFFFFFD0] =	vst v0  }
0x511: {  	[tilespmem:s10+$0xFFFFFFE0] =	vst v1  }
0x512: {  	[tilespmem:s10+$0xFFFFFFF0] =	vst v2  }
0x513: {  	s16 =	simm.s32 $0x2;
	[tilespmem:s10+$0xFFFFFF90] =	vst v4  }
0x514: {  	_ =	swait.ge [sflag:s16], $0x1000  }
0x515: {  	[sflag:s16] =	ssyncset.done $0x0  }
0x516: {  	s11 =	simm.s32 $0x1C780;
	s10 =	simm.s32 $0x0;
	[sflag:s16] =	ssyncadd.s32 $0xFFFFF000  }
.LBB2_104:
0x517: {  	p0 =	sne.s32 s10, $0xF80  }
.Ltmp51:
0x518: {  	_ = 	snop;
	(pc) =	sbr.rel @p0 .LBB2_104-.Ltmp51, $4  }
0x519: {  	_ = 	snop  }
0x51a: {  	s12 =	sadd.s32 s10, s24  }
0x51b: {  	[hbm4b:s12+s3] =	stream.linear.scatter [tilespmem:s11], [sflag:$0x2], $0x80, $0x38;
	[tilespmem:$0x1E700] =	vst v63  }
0x51c: {  	s10 =	sadd.s32 $0x80, s10;
	s11 =	sadd.s32 $0x100, s11  }
0x51d: {  	s10 =	simm.s32 $0x1A770  }
0x51e: {  	v0 =	vld [tilespmem:s10+$0x0]  }
0x51f: {  	v1 =	vld [tilespmem:s10+$0xFFFFFFA0]  }
0x520: {  	v2 =	vld [tilespmem:s10+$0xFFFFFFB0]  }
0x521: {  	v3 =	vld [tilespmem:s10+$0xFFFFFFC0]  }
0x522: {  	v4 =	vld [tilespmem:s10+$0xFFFFFFD0]  }
0x523: {  	v6 =	vld [tilespmem:s10+$0xFFFFFFE0]  }
0x524: {  	v7 =	vld [tilespmem:s10+$0xFFFFFFF0]  }
0x525: {  	v8 =	vld [tilespmem:s10+$0xFFFFFF90]  }
0x526: {  	v9 =	vld.idx.msk [tilespmem:v0+s3+$0x0], $0xffff  }
0x527: {  	v10 =	vld.idx.msk [tilespmem:v1+s3+$0x0], $0xffff  }
0x528: {  	v5 =	vld.idx.msk [tilespmem:v2+s3+$0x0], $0xffff  }
0x529: {  	v3 =	vld.idx.msk [tilespmem:v3+s3+$0x0], $0xffff  }
0x52a: {  	v0 =	vld.idx.msk [tilespmem:v4+s3+$0x0], $0xffff  }
0x52b: {  	s10 =	simm.s32 $0x1C740;
	v1 =	vld.idx.msk [tilespmem:v6+s3+$0x0], $0xffff  }
0x52c: {  	v2 =	vld.idx.msk [tilespmem:v7+s3+$0x0], $0xffff;
	[tilespmem:s10+$0x30] =	vst v9  }
0x52d: {  	s11 =	simm.s32 $0x0;
	s12 =	simm.s32 $0x1A7F0;
	v4 =	vld.idx.msk [tilespmem:v8+s3+$0x0], $0xffff;
	[tilespmem:s10+$0xFFFFFFD0] =	vst v10  }
.LBB2_106:
0x52e: {  	v6 =	vld [tilespmem:s12+$0x0];
	s11 =	sadd.s32 $0x8, s11;
	[tilespmem:s10+$0xFFFFFFE0] =	vst v5  }
0x52f: {  	v5 =	vld [tilespmem:s12+$0xFFFFFFA0];
	p0 =	slt.u32 s11, $0xF8;
	[tilespmem:s10+$0xFFFFFFF0] =	vst v3  }
0x530: {  	v3 =	vld [tilespmem:s12+$0xFFFFFFB0];
	[tilespmem:s10+$0x0] =	vst v0  }
0x531: {  	v0 =	vld [tilespmem:s12+$0xFFFFFFC0];
	[tilespmem:s10+$0x10] =	vst v1  }
0x532: {  	v1 =	vld [tilespmem:s12+$0xFFFFFFD0];
	[tilespmem:s10+$0x20] =	vst v2  }
0x533: {  	v2 =	vld [tilespmem:s12+$0xFFFFFFE0];
	[tilespmem:s10+$0xFFFFFFC0] =	vst v4  }
0x534: {  	v4 =	vld [tilespmem:s12+$0xFFFFFFF0]  }
0x535: {  	v7 =	vld [tilespmem:s12+$0xFFFFFF90]  }
0x536: {  	v6 =	vld.idx.msk [tilespmem:v6+s3+$0x0], $0xffff  }
0x537: {  	v8 =	vld.idx.msk [tilespmem:v5+s3+$0x0], $0xffff  }
0x538: {  	v5 =	vld.idx.msk [tilespmem:v3+s3+$0x0], $0xffff  }
.Ltmp52:
0x539: {  	v3 =	vld.idx.msk [tilespmem:v0+s3+$0x0], $0xffff;
	(pc) =	sbr.rel @p0 .LBB2_106-.Ltmp52, $4  }
0x53a: {  	v0 =	vld.idx.msk [tilespmem:v1+s3+$0x0], $0xffff  }
0x53b: {  	s10 =	sadd.s32 $0x100, s10;
	v1 =	vld.idx.msk [tilespmem:v2+s3+$0x0], $0xffff  }
0x53c: {  	v2 =	vld.idx.msk [tilespmem:v4+s3+$0x0], $0xffff;
	[tilespmem:s10+$0x30] =	vst v6  }
0x53d: {  	s12 =	sadd.s32 $0x80, s12;
	v4 =	vld.idx.msk [tilespmem:v7+s3+$0x0], $0xffff;
	[tilespmem:s10+$0xFFFFFFD0] =	vst v8  }
0x53e: {  	[tilespmem:s10+$0xFFFFFFE0] =	vst v5  }
0x53f: {  	[tilespmem:s10+$0xFFFFFFF0] =	vst v3  }
0x540: {  	[tilespmem:s10+$0x0] =	vst v0  }
0x541: {  	[tilespmem:s10+$0x10] =	vst v1  }
0x542: {  	[tilespmem:s10+$0x20] =	vst v2  }
0x543: {  	s16 =	simm.s32 $0x1;
	[tilespmem:s10+$0xFFFFFFC0] =	vst v4  }
0x544: {  	_ =	swait.ge [sflag:s16], $0x1000  }
0x545: {  	[sflag:s16] =	ssyncset.done $0x0  }
0x546: {  	s11 =	simm.s32 $0x1C700;
	s10 =	simm.s32 $0x0;
	[sflag:s16] =	ssyncadd.s32 $0xFFFFF000  }
.LBB2_108:
0x547: {  	p0 =	sne.s32 s10, $0xF80  }
.Ltmp53:
0x548: {  	_ = 	snop;
	(pc) =	sbr.rel @p0 .LBB2_108-.Ltmp53, $4  }
0x549: {  	_ = 	snop  }
0x54a: {  	s12 =	sadd.s32 s10, s25  }
0x54b: {  	[hbm4b:s12+s3] =	stream.linear.scatter [tilespmem:s11], [sflag:$0x1], $0x80, $0x38;
	[tilespmem:$0x1E700] =	vst v63  }
0x54c: {  	s10 =	sadd.s32 $0x80, s10;
	s11 =	sadd.s32 $0x100, s11  }
0x54d: {  	s10 =	simm.s32 $0x1B770  }
0x54e: {  	v0 =	vld [tilespmem:s10+$0x0]  }
0x54f: {  	v1 =	vld [tilespmem:s10+$0xFFFFFFA0]  }
0x550: {  	v2 =	vld [tilespmem:s10+$0xFFFFFFB0]  }
0x551: {  	v3 =	vld [tilespmem:s10+$0xFFFFFFC0]  }
0x552: {  	v4 =	vld [tilespmem:s10+$0xFFFFFFD0]  }
0x553: {  	v6 =	vld [tilespmem:s10+$0xFFFFFFE0]  }
0x554: {  	v7 =	vld [tilespmem:s10+$0xFFFFFFF0]  }
0x555: {  	v8 =	vld [tilespmem:s10+$0xFFFFFF90]  }
0x556: {  	v9 =	vld.idx.msk [tilespmem:v0+s3+$0x0], $0xffff  }
0x557: {  	v10 =	vld.idx.msk [tilespmem:v1+s3+$0x0], $0xffff  }
0x558: {  	v5 =	vld.idx.msk [tilespmem:v2+s3+$0x0], $0xffff  }
0x559: {  	v3 =	vld.idx.msk [tilespmem:v3+s3+$0x0], $0xffff  }
0x55a: {  	v0 =	vld.idx.msk [tilespmem:v4+s3+$0x0], $0xffff  }
0x55b: {  	s10 =	simm.s32 $0x1C7F0;
	v1 =	vld.idx.msk [tilespmem:v6+s3+$0x0], $0xffff  }
0x55c: {  	v2 =	vld.idx.msk [tilespmem:v7+s3+$0x0], $0xffff;
	[tilespmem:s10+$0x0] =	vst v9  }
0x55d: {  	s11 =	simm.s32 $0x0;
	s12 =	simm.s32 $0x1B7F0;
	v4 =	vld.idx.msk [tilespmem:v8+s3+$0x0], $0xffff;
	[tilespmem:s10+$0xFFFFFFA0] =	vst v10  }
.LBB2_110:
0x55e: {  	v6 =	vld [tilespmem:s12+$0x0];
	s11 =	sadd.s32 $0x8, s11;
	[tilespmem:s10+$0xFFFFFFB0] =	vst v5  }
0x55f: {  	v5 =	vld [tilespmem:s12+$0xFFFFFFA0];
	p0 =	slt.u32 s11, $0xF8;
	[tilespmem:s10+$0xFFFFFFC0] =	vst v3  }
0x560: {  	v3 =	vld [tilespmem:s12+$0xFFFFFFB0];
	[tilespmem:s10+$0xFFFFFFD0] =	vst v0  }
0x561: {  	v0 =	vld [tilespmem:s12+$0xFFFFFFC0];
	[tilespmem:s10+$0xFFFFFFE0] =	vst v1  }
0x562: {  	v1 =	vld [tilespmem:s12+$0xFFFFFFD0];
	[tilespmem:s10+$0xFFFFFFF0] =	vst v2  }
0x563: {  	v2 =	vld [tilespmem:s12+$0xFFFFFFE0];
	[tilespmem:s10+$0xFFFFFF90] =	vst v4  }
0x564: {  	v4 =	vld [tilespmem:s12+$0xFFFFFFF0]  }
0x565: {  	v7 =	vld [tilespmem:s12+$0xFFFFFF90]  }
0x566: {  	v6 =	vld.idx.msk [tilespmem:v6+s3+$0x0], $0xffff  }
0x567: {  	v8 =	vld.idx.msk [tilespmem:v5+s3+$0x0], $0xffff  }
0x568: {  	v5 =	vld.idx.msk [tilespmem:v3+s3+$0x0], $0xffff  }
.Ltmp54:
0x569: {  	v3 =	vld.idx.msk [tilespmem:v0+s3+$0x0], $0xffff;
	(pc) =	sbr.rel @p0 .LBB2_110-.Ltmp54, $4  }
0x56a: {  	v0 =	vld.idx.msk [tilespmem:v1+s3+$0x0], $0xffff  }
0x56b: {  	s10 =	sadd.s32 $0x100, s10;
	v1 =	vld.idx.msk [tilespmem:v2+s3+$0x0], $0xffff  }
0x56c: {  	v2 =	vld.idx.msk [tilespmem:v4+s3+$0x0], $0xffff;
	[tilespmem:s10+$0x0] =	vst v6  }
0x56d: {  	s12 =	sadd.s32 $0x80, s12;
	v4 =	vld.idx.msk [tilespmem:v7+s3+$0x0], $0xffff;
	[tilespmem:s10+$0xFFFFFFA0] =	vst v8  }
0x56e: {  	[tilespmem:s10+$0xFFFFFFB0] =	vst v5  }
0x56f: {  	[tilespmem:s10+$0xFFFFFFC0] =	vst v3  }
0x570: {  	[tilespmem:s10+$0xFFFFFFD0] =	vst v0  }
0x571: {  	[tilespmem:s10+$0xFFFFFFE0] =	vst v1  }
0x572: {  	[tilespmem:s10+$0xFFFFFFF0] =	vst v2  }
0x573: {  	s16 =	simm.s32 $0x2;
	[tilespmem:s10+$0xFFFFFF90] =	vst v4  }
0x574: {  	_ =	swait.ge [sflag:s16], $0x1000  }
0x575: {  	s11 =	simm.s32 $0x80;
	s15 =	sadd.s32 $0x0, s31;
	[sflag:s16] =	ssyncset.done $0x0  }
0x576: {  	s12 =	simm.s32 $0x1C880;
	s10 =	simm.s32 $0x1C780;
	[sflag:s16] =	ssyncadd.s32 $0xFFFFF000  }
.LBB2_112:
0x577: {  	[hbm4b:s15+s3] =	stream.linear.scatter [tilespmem:s10], [sflag:$0x2], $0x80, $0x38;
	[tilespmem:$0x1E700] =	vst v63  }
0x578: {  	s15 =	smov.u32 s11;
	s10 =	smov.u32 s12;
	p0 =	sne.s32 s11, $0xF80  }
.Ltmp55:
0x579: {  	s11 =	sadd.s32 $0x80, s11;
	(pc) =	sbr.rel @p0 .LBB2_112-.Ltmp55, $2  }
0x57a: {  	_ =	sdelay $0x2  }
0x57b: {  	s12 =	sadd.s32 $0x100, s12;
	s15 =	sadd.s32 s15, s31  }
0x57c: {  	[hbm4b:s15+s3] =	stream.linear.scatter [tilespmem:s10], [sflag:$0x2], $0x80, $0x38;
	[tilespmem:$0x1E700] =	vst v63  }
0x57d: {  	s16 =	rddreg [dreg:$0x13]  }
0x57e: {  	s11 =	simm.s32 $0x80;
	s12 =	simm.s32 $0x400;
	s15 =	simm.s32 $0x4  }
0x57f: {  	[tilespmem:s3], [sflag:$0x4] =	stream.strided.gather [hbm4b:s16+s11], $0x18700, s12, s11, $0x38;
	[tilespmem:$0x1E700] =	vst v63  }
0x580: {  	_ =	swait.ge [sflag:s15], $0x18700  }
0x581: {  	[sflag:s15] =	ssyncset.done $0x0  }
0x582: {  	s16 =	simm.s32 $0x18740;
	[sflag:s15] =	ssyncadd.s32 $0xFFFE7900  }
0x583: {  	v0 =	vld [tilespmem:s16+$0x30]  }
0x584: {  	v1 =	vld [tilespmem:s16+$0xFFFFFFD0]  }
0x585: {  	v2 =	vld [tilespmem:s16+$0xFFFFFFE0]  }
0x586: {  	v3 =	vld [tilespmem:s16+$0xFFFFFFF0]  }
0x587: {  	v4 =	vld [tilespmem:s16+$0x0]  }
0x588: {  	v6 =	vld [tilespmem:s16+$0x10]  }
0x589: {  	v7 =	vld [tilespmem:s16+$0x20]  }
0x58a: {  	v8 =	vld [tilespmem:s16+$0xFFFFFFC0]  }
0x58b: {  	v9 =	vld.idx.msk [tilespmem:v0+s3+$0x0], $0xffff  }
0x58c: {  	v10 =	vld.idx.msk [tilespmem:v1+s3+$0x0], $0xffff  }
0x58d: {  	v5 =	vld.idx.msk [tilespmem:v2+s3+$0x0], $0xffff  }
0x58e: {  	v3 =	vld.idx.msk [tilespmem:v3+s3+$0x0], $0xffff  }
0x58f: {  	v0 =	vld.idx.msk [tilespmem:v4+s3+$0x0], $0xffff  }
0x590: {  	s10 =	simm.s32 $0x1C740;
	v1 =	vld.idx.msk [tilespmem:v6+s3+$0x0], $0xffff  }
0x591: {  	v2 =	vld.idx.msk [tilespmem:v7+s3+$0x0], $0xffff;
	[tilespmem:s10+$0x30] =	vst v9  }
0x592: {  	s11 =	simm.s32 $0x0;
	s12 =	simm.s32 $0x187C0;
	v4 =	vld.idx.msk [tilespmem:v8+s3+$0x0], $0xffff;
	[tilespmem:s10+$0xFFFFFFD0] =	vst v10  }
.LBB2_114:
0x593: {  	v6 =	vld [tilespmem:s12+$0x30];
	s11 =	sadd.s32 $0x8, s11;
	[tilespmem:s10+$0xFFFFFFE0] =	vst v5  }
0x594: {  	v5 =	vld [tilespmem:s12+$0xFFFFFFD0];
	p0 =	slt.u32 s11, $0xF8;
	[tilespmem:s10+$0xFFFFFFF0] =	vst v3  }
0x595: {  	v3 =	vld [tilespmem:s12+$0xFFFFFFE0];
	[tilespmem:s10+$0x0] =	vst v0  }
0x596: {  	v0 =	vld [tilespmem:s12+$0xFFFFFFF0];
	[tilespmem:s10+$0x10] =	vst v1  }
0x597: {  	v1 =	vld [tilespmem:s12+$0x0];
	[tilespmem:s10+$0x20] =	vst v2  }
0x598: {  	v2 =	vld [tilespmem:s12+$0x10];
	[tilespmem:s10+$0xFFFFFFC0] =	vst v4  }
0x599: {  	v4 =	vld [tilespmem:s12+$0x20]  }
0x59a: {  	v7 =	vld [tilespmem:s12+$0xFFFFFFC0]  }
0x59b: {  	v6 =	vld.idx.msk [tilespmem:v6+s3+$0x0], $0xffff  }
0x59c: {  	v8 =	vld.idx.msk [tilespmem:v5+s3+$0x0], $0xffff  }
0x59d: {  	v5 =	vld.idx.msk [tilespmem:v3+s3+$0x0], $0xffff  }
.Ltmp56:
0x59e: {  	v3 =	vld.idx.msk [tilespmem:v0+s3+$0x0], $0xffff;
	(pc) =	sbr.rel @p0 .LBB2_114-.Ltmp56, $4  }
0x59f: {  	v0 =	vld.idx.msk [tilespmem:v1+s3+$0x0], $0xffff  }
0x5a0: {  	s10 =	sadd.s32 $0x100, s10;
	v1 =	vld.idx.msk [tilespmem:v2+s3+$0x0], $0xffff  }
0x5a1: {  	v2 =	vld.idx.msk [tilespmem:v4+s3+$0x0], $0xffff;
	[tilespmem:s10+$0x30] =	vst v6  }
0x5a2: {  	s12 =	sadd.s32 $0x80, s12;
	v4 =	vld.idx.msk [tilespmem:v7+s3+$0x0], $0xffff;
	[tilespmem:s10+$0xFFFFFFD0] =	vst v8  }
0x5a3: {  	[tilespmem:s10+$0xFFFFFFE0] =	vst v5  }
0x5a4: {  	[tilespmem:s10+$0xFFFFFFF0] =	vst v3  }
0x5a5: {  	[tilespmem:s10+$0x0] =	vst v0  }
0x5a6: {  	[tilespmem:s10+$0x10] =	vst v1  }
0x5a7: {  	[tilespmem:s10+$0x20] =	vst v2  }
0x5a8: {  	s16 =	simm.s32 $0x1;
	[tilespmem:s10+$0xFFFFFFC0] =	vst v4  }
0x5a9: {  	_ =	swait.ge [sflag:s16], $0x1000  }
0x5aa: {  	[sflag:s16] =	ssyncset.done $0x0  }
0x5ab: {  	s11 =	simm.s32 $0x1C700;
	s10 =	simm.s32 $0x0;
	[sflag:s16] =	ssyncadd.s32 $0xFFFFF000  }
.LBB2_116:
0x5ac: {  	p0 =	sne.s32 s10, $0xF80  }
.Ltmp57:
0x5ad: {  	_ = 	snop;
	(pc) =	sbr.rel @p0 .LBB2_116-.Ltmp57, $4  }
0x5ae: {  	_ = 	snop  }
0x5af: {  	s12 =	sadd.s32 s10, s14  }
0x5b0: {  	[hbm4b:s12+s3] =	stream.linear.scatter [tilespmem:s11], [sflag:$0x1], $0x80, $0x38;
	[tilespmem:$0x1E700] =	vst v63  }
0x5b1: {  	s10 =	sadd.s32 $0x80, s10;
	s11 =	sadd.s32 $0x100, s11  }
0x5b2: {  	s10 =	simm.s32 $0x19770  }
0x5b3: {  	v0 =	vld [tilespmem:s10+$0x0]  }
0x5b4: {  	v1 =	vld [tilespmem:s10+$0xFFFFFFA0]  }
0x5b5: {  	v2 =	vld [tilespmem:s10+$0xFFFFFFB0]  }
0x5b6: {  	v3 =	vld [tilespmem:s10+$0xFFFFFFC0]  }
0x5b7: {  	v4 =	vld [tilespmem:s10+$0xFFFFFFD0]  }
0x5b8: {  	v6 =	vld [tilespmem:s10+$0xFFFFFFE0]  }
0x5b9: {  	v7 =	vld [tilespmem:s10+$0xFFFFFFF0]  }
0x5ba: {  	v8 =	vld [tilespmem:s10+$0xFFFFFF90]  }
0x5bb: {  	v9 =	vld.idx.msk [tilespmem:v0+s3+$0x0], $0xffff  }
0x5bc: {  	v10 =	vld.idx.msk [tilespmem:v1+s3+$0x0], $0xffff  }
0x5bd: {  	v5 =	vld.idx.msk [tilespmem:v2+s3+$0x0], $0xffff  }
0x5be: {  	v3 =	vld.idx.msk [tilespmem:v3+s3+$0x0], $0xffff  }
0x5bf: {  	v0 =	vld.idx.msk [tilespmem:v4+s3+$0x0], $0xffff  }
0x5c0: {  	s10 =	simm.s32 $0x1C7F0;
	v1 =	vld.idx.msk [tilespmem:v6+s3+$0x0], $0xffff  }
0x5c1: {  	v2 =	vld.idx.msk [tilespmem:v7+s3+$0x0], $0xffff;
	[tilespmem:s10+$0x0] =	vst v9  }
0x5c2: {  	s11 =	simm.s32 $0x0;
	s12 =	simm.s32 $0x197F0;
	v4 =	vld.idx.msk [tilespmem:v8+s3+$0x0], $0xffff;
	[tilespmem:s10+$0xFFFFFFA0] =	vst v10  }
.LBB2_118:
0x5c3: {  	v6 =	vld [tilespmem:s12+$0x0];
	s11 =	sadd.s32 $0x8, s11;
	[tilespmem:s10+$0xFFFFFFB0] =	vst v5  }
0x5c4: {  	v5 =	vld [tilespmem:s12+$0xFFFFFFA0];
	p0 =	slt.u32 s11, $0xF8;
	[tilespmem:s10+$0xFFFFFFC0] =	vst v3  }
0x5c5: {  	v3 =	vld [tilespmem:s12+$0xFFFFFFB0];
	[tilespmem:s10+$0xFFFFFFD0] =	vst v0  }
0x5c6: {  	v0 =	vld [tilespmem:s12+$0xFFFFFFC0];
	[tilespmem:s10+$0xFFFFFFE0] =	vst v1  }
0x5c7: {  	v1 =	vld [tilespmem:s12+$0xFFFFFFD0];
	[tilespmem:s10+$0xFFFFFFF0] =	vst v2  }
0x5c8: {  	v2 =	vld [tilespmem:s12+$0xFFFFFFE0];
	[tilespmem:s10+$0xFFFFFF90] =	vst v4  }
0x5c9: {  	v4 =	vld [tilespmem:s12+$0xFFFFFFF0]  }
0x5ca: {  	v7 =	vld [tilespmem:s12+$0xFFFFFF90]  }
0x5cb: {  	v6 =	vld.idx.msk [tilespmem:v6+s3+$0x0], $0xffff  }
0x5cc: {  	v8 =	vld.idx.msk [tilespmem:v5+s3+$0x0], $0xffff  }
0x5cd: {  	v5 =	vld.idx.msk [tilespmem:v3+s3+$0x0], $0xffff  }
.Ltmp58:
0x5ce: {  	v3 =	vld.idx.msk [tilespmem:v0+s3+$0x0], $0xffff;
	(pc) =	sbr.rel @p0 .LBB2_118-.Ltmp58, $4  }
0x5cf: {  	v0 =	vld.idx.msk [tilespmem:v1+s3+$0x0], $0xffff  }
0x5d0: {  	s10 =	sadd.s32 $0x100, s10;
	v1 =	vld.idx.msk [tilespmem:v2+s3+$0x0], $0xffff  }
0x5d1: {  	v2 =	vld.idx.msk [tilespmem:v4+s3+$0x0], $0xffff;
	[tilespmem:s10+$0x0] =	vst v6  }
0x5d2: {  	s12 =	sadd.s32 $0x80, s12;
	v4 =	vld.idx.msk [tilespmem:v7+s3+$0x0], $0xffff;
	[tilespmem:s10+$0xFFFFFFA0] =	vst v8  }
0x5d3: {  	[tilespmem:s10+$0xFFFFFFB0] =	vst v5  }
0x5d4: {  	[tilespmem:s10+$0xFFFFFFC0] =	vst v3  }
0x5d5: {  	[tilespmem:s10+$0xFFFFFFD0] =	vst v0  }
0x5d6: {  	[tilespmem:s10+$0xFFFFFFE0] =	vst v1  }
0x5d7: {  	[tilespmem:s10+$0xFFFFFFF0] =	vst v2  }
0x5d8: {  	s16 =	simm.s32 $0x2;
	[tilespmem:s10+$0xFFFFFF90] =	vst v4  }
0x5d9: {  	_ =	swait.ge [sflag:s16], $0x1000  }
0x5da: {  	[sflag:s16] =	ssyncset.done $0x0  }
0x5db: {  	s11 =	simm.s32 $0x1C780;
	s10 =	simm.s32 $0x0;
	[sflag:s16] =	ssyncadd.s32 $0xFFFFF000  }
.LBB2_120:
0x5dc: {  	p0 =	sne.s32 s10, $0xF80  }
.Ltmp59:
0x5dd: {  	_ = 	snop;
	(pc) =	sbr.rel @p0 .LBB2_120-.Ltmp59, $4  }
0x5de: {  	_ = 	snop  }
0x5df: {  	s12 =	sadd.s32 s10, s4  }
0x5e0: {  	[hbm4b:s12+s3] =	stream.linear.scatter [tilespmem:s11], [sflag:$0x2], $0x80, $0x38;
	[tilespmem:$0x1E700] =	vst v63  }
0x5e1: {  	s10 =	sadd.s32 $0x80, s10;
	s11 =	sadd.s32 $0x100, s11  }
0x5e2: {  	s10 =	simm.s32 $0x1A770  }
0x5e3: {  	v0 =	vld [tilespmem:s10+$0x0]  }
0x5e4: {  	v1 =	vld [tilespmem:s10+$0xFFFFFFA0]  }
0x5e5: {  	v2 =	vld [tilespmem:s10+$0xFFFFFFB0]  }
0x5e6: {  	v3 =	vld [tilespmem:s10+$0xFFFFFFC0]  }
0x5e7: {  	v4 =	vld [tilespmem:s10+$0xFFFFFFD0]  }
0x5e8: {  	v6 =	vld [tilespmem:s10+$0xFFFFFFE0]  }
0x5e9: {  	v7 =	vld [tilespmem:s10+$0xFFFFFFF0]  }
0x5ea: {  	v8 =	vld [tilespmem:s10+$0xFFFFFF90]  }
0x5eb: {  	v9 =	vld.idx.msk [tilespmem:v0+s3+$0x0], $0xffff  }
0x5ec: {  	v10 =	vld.idx.msk [tilespmem:v1+s3+$0x0], $0xffff  }
0x5ed: {  	v5 =	vld.idx.msk [tilespmem:v2+s3+$0x0], $0xffff  }
0x5ee: {  	v3 =	vld.idx.msk [tilespmem:v3+s3+$0x0], $0xffff  }
0x5ef: {  	v0 =	vld.idx.msk [tilespmem:v4+s3+$0x0], $0xffff  }
0x5f0: {  	s10 =	simm.s32 $0x1C740;
	v1 =	vld.idx.msk [tilespmem:v6+s3+$0x0], $0xffff  }
0x5f1: {  	v2 =	vld.idx.msk [tilespmem:v7+s3+$0x0], $0xffff;
	[tilespmem:s10+$0x30] =	vst v9  }
0x5f2: {  	s11 =	simm.s32 $0x0;
	s12 =	simm.s32 $0x1A7F0;
	v4 =	vld.idx.msk [tilespmem:v8+s3+$0x0], $0xffff;
	[tilespmem:s10+$0xFFFFFFD0] =	vst v10  }
.LBB2_122:
0x5f3: {  	v6 =	vld [tilespmem:s12+$0x0];
	s11 =	sadd.s32 $0x8, s11;
	[tilespmem:s10+$0xFFFFFFE0] =	vst v5  }
0x5f4: {  	v5 =	vld [tilespmem:s12+$0xFFFFFFA0];
	p0 =	slt.u32 s11, $0xF8;
	[tilespmem:s10+$0xFFFFFFF0] =	vst v3  }
0x5f5: {  	v3 =	vld [tilespmem:s12+$0xFFFFFFB0];
	[tilespmem:s10+$0x0] =	vst v0  }
0x5f6: {  	v0 =	vld [tilespmem:s12+$0xFFFFFFC0];
	[tilespmem:s10+$0x10] =	vst v1  }
0x5f7: {  	v1 =	vld [tilespmem:s12+$0xFFFFFFD0];
	[tilespmem:s10+$0x20] =	vst v2  }
0x5f8: {  	v2 =	vld [tilespmem:s12+$0xFFFFFFE0];
	[tilespmem:s10+$0xFFFFFFC0] =	vst v4  }
0x5f9: {  	v4 =	vld [tilespmem:s12+$0xFFFFFFF0]  }
0x5fa: {  	v7 =	vld [tilespmem:s12+$0xFFFFFF90]  }
0x5fb: {  	v6 =	vld.idx.msk [tilespmem:v6+s3+$0x0], $0xffff  }
0x5fc: {  	v8 =	vld.idx.msk [tilespmem:v5+s3+$0x0], $0xffff  }
0x5fd: {  	v5 =	vld.idx.msk [tilespmem:v3+s3+$0x0], $0xffff  }
.Ltmp60:
0x5fe: {  	v3 =	vld.idx.msk [tilespmem:v0+s3+$0x0], $0xffff;
	(pc) =	sbr.rel @p0 .LBB2_122-.Ltmp60, $4  }
0x5ff: {  	v0 =	vld.idx.msk [tilespmem:v1+s3+$0x0], $0xffff  }
0x600: {  	s10 =	sadd.s32 $0x100, s10;
	v1 =	vld.idx.msk [tilespmem:v2+s3+$0x0], $0xffff  }
0x601: {  	v2 =	vld.idx.msk [tilespmem:v4+s3+$0x0], $0xffff;
	[tilespmem:s10+$0x30] =	vst v6  }
0x602: {  	s12 =	sadd.s32 $0x80, s12;
	v4 =	vld.idx.msk [tilespmem:v7+s3+$0x0], $0xffff;
	[tilespmem:s10+$0xFFFFFFD0] =	vst v8  }
0x603: {  	[tilespmem:s10+$0xFFFFFFE0] =	vst v5  }
0x604: {  	[tilespmem:s10+$0xFFFFFFF0] =	vst v3  }
0x605: {  	[tilespmem:s10+$0x0] =	vst v0  }
0x606: {  	[tilespmem:s10+$0x10] =	vst v1  }
0x607: {  	[tilespmem:s10+$0x20] =	vst v2  }
0x608: {  	s16 =	simm.s32 $0x1;
	[tilespmem:s10+$0xFFFFFFC0] =	vst v4  }
0x609: {  	_ =	swait.ge [sflag:s16], $0x1000  }
0x60a: {  	[sflag:s16] =	ssyncset.done $0x0  }
0x60b: {  	s11 =	simm.s32 $0x1C700;
	s10 =	simm.s32 $0x0;
	[sflag:s16] =	ssyncadd.s32 $0xFFFFF000  }
.LBB2_124:
0x60c: {  	p0 =	sne.s32 s10, $0xF80  }
.Ltmp61:
0x60d: {  	_ = 	snop;
	(pc) =	sbr.rel @p0 .LBB2_124-.Ltmp61, $4  }
0x60e: {  	_ = 	snop  }
0x60f: {  	s12 =	sadd.s32 s10, s6  }
0x610: {  	[hbm4b:s12+s3] =	stream.linear.scatter [tilespmem:s11], [sflag:$0x1], $0x80, $0x38;
	[tilespmem:$0x1E700] =	vst v63  }
0x611: {  	s10 =	sadd.s32 $0x80, s10;
	s11 =	sadd.s32 $0x100, s11  }
0x612: {  	s10 =	simm.s32 $0x1B770  }
0x613: {  	v0 =	vld [tilespmem:s10+$0x0]  }
0x614: {  	v1 =	vld [tilespmem:s10+$0xFFFFFFA0]  }
0x615: {  	v2 =	vld [tilespmem:s10+$0xFFFFFFB0]  }
0x616: {  	v3 =	vld [tilespmem:s10+$0xFFFFFFC0]  }
0x617: {  	v4 =	vld [tilespmem:s10+$0xFFFFFFD0]  }
0x618: {  	v6 =	vld [tilespmem:s10+$0xFFFFFFE0]  }
0x619: {  	v7 =	vld [tilespmem:s10+$0xFFFFFFF0]  }
0x61a: {  	v8 =	vld [tilespmem:s10+$0xFFFFFF90]  }
0x61b: {  	v9 =	vld.idx.msk [tilespmem:v0+s3+$0x0], $0xffff  }
0x61c: {  	v10 =	vld.idx.msk [tilespmem:v1+s3+$0x0], $0xffff  }
0x61d: {  	v5 =	vld.idx.msk [tilespmem:v2+s3+$0x0], $0xffff  }
0x61e: {  	v3 =	vld.idx.msk [tilespmem:v3+s3+$0x0], $0xffff  }
0x61f: {  	v0 =	vld.idx.msk [tilespmem:v4+s3+$0x0], $0xffff  }
0x620: {  	s10 =	simm.s32 $0x1C7F0;
	v1 =	vld.idx.msk [tilespmem:v6+s3+$0x0], $0xffff  }
0x621: {  	v2 =	vld.idx.msk [tilespmem:v7+s3+$0x0], $0xffff;
	[tilespmem:s10+$0x0] =	vst v9  }
0x622: {  	s11 =	simm.s32 $0x0;
	s12 =	simm.s32 $0x1B7F0;
	v4 =	vld.idx.msk [tilespmem:v8+s3+$0x0], $0xffff;
	[tilespmem:s10+$0xFFFFFFA0] =	vst v10  }
.LBB2_126:
0x623: {  	v6 =	vld [tilespmem:s12+$0x0];
	s11 =	sadd.s32 $0x8, s11;
	[tilespmem:s10+$0xFFFFFFB0] =	vst v5  }
0x624: {  	v5 =	vld [tilespmem:s12+$0xFFFFFFA0];
	p0 =	slt.u32 s11, $0xF8;
	[tilespmem:s10+$0xFFFFFFC0] =	vst v3  }
0x625: {  	v3 =	vld [tilespmem:s12+$0xFFFFFFB0];
	[tilespmem:s10+$0xFFFFFFD0] =	vst v0  }
0x626: {  	v0 =	vld [tilespmem:s12+$0xFFFFFFC0];
	[tilespmem:s10+$0xFFFFFFE0] =	vst v1  }
0x627: {  	v1 =	vld [tilespmem:s12+$0xFFFFFFD0];
	[tilespmem:s10+$0xFFFFFFF0] =	vst v2  }
0x628: {  	v2 =	vld [tilespmem:s12+$0xFFFFFFE0];
	[tilespmem:s10+$0xFFFFFF90] =	vst v4  }
0x629: {  	v4 =	vld [tilespmem:s12+$0xFFFFFFF0]  }
0x62a: {  	v7 =	vld [tilespmem:s12+$0xFFFFFF90]  }
0x62b: {  	v6 =	vld.idx.msk [tilespmem:v6+s3+$0x0], $0xffff  }
0x62c: {  	v8 =	vld.idx.msk [tilespmem:v5+s3+$0x0], $0xffff  }
0x62d: {  	v5 =	vld.idx.msk [tilespmem:v3+s3+$0x0], $0xffff  }
.Ltmp62:
0x62e: {  	v3 =	vld.idx.msk [tilespmem:v0+s3+$0x0], $0xffff;
	(pc) =	sbr.rel @p0 .LBB2_126-.Ltmp62, $4  }
0x62f: {  	v0 =	vld.idx.msk [tilespmem:v1+s3+$0x0], $0xffff  }
0x630: {  	s10 =	sadd.s32 $0x100, s10;
	v1 =	vld.idx.msk [tilespmem:v2+s3+$0x0], $0xffff  }
0x631: {  	v2 =	vld.idx.msk [tilespmem:v4+s3+$0x0], $0xffff;
	[tilespmem:s10+$0x0] =	vst v6  }
0x632: {  	s12 =	sadd.s32 $0x80, s12;
	v4 =	vld.idx.msk [tilespmem:v7+s3+$0x0], $0xffff;
	[tilespmem:s10+$0xFFFFFFA0] =	vst v8  }
0x633: {  	[tilespmem:s10+$0xFFFFFFB0] =	vst v5  }
0x634: {  	[tilespmem:s10+$0xFFFFFFC0] =	vst v3  }
0x635: {  	[tilespmem:s10+$0xFFFFFFD0] =	vst v0  }
0x636: {  	[tilespmem:s10+$0xFFFFFFE0] =	vst v1  }
0x637: {  	[tilespmem:s10+$0xFFFFFFF0] =	vst v2  }
0x638: {  	s16 =	simm.s32 $0x2;
	[tilespmem:s10+$0xFFFFFF90] =	vst v4  }
0x639: {  	_ =	swait.ge [sflag:s16], $0x1000  }
0x63a: {  	s11 =	simm.s32 $0x80;
	s15 =	sadd.s32 $0x0, s7;
	[sflag:s16] =	ssyncset.done $0x0  }
0x63b: {  	s12 =	simm.s32 $0x1C880;
	s10 =	simm.s32 $0x1C780;
	[sflag:s16] =	ssyncadd.s32 $0xFFFFF000  }
.LBB2_128:
0x63c: {  	[hbm4b:s15+s3] =	stream.linear.scatter [tilespmem:s10], [sflag:$0x2], $0x80, $0x38;
	[tilespmem:$0x1E700] =	vst v63  }
0x63d: {  	s15 =	smov.u32 s11;
	s10 =	smov.u32 s12;
	p0 =	sne.s32 s11, $0xF80  }
.Ltmp63:
0x63e: {  	s11 =	sadd.s32 $0x80, s11;
	(pc) =	sbr.rel @p0 .LBB2_128-.Ltmp63, $2  }
0x63f: {  	_ =	sdelay $0x2  }
0x640: {  	s12 =	sadd.s32 $0x100, s12;
	s15 =	sadd.s32 s15, s7  }
0x641: {  	[hbm4b:s15+s3] =	stream.linear.scatter [tilespmem:s10], [sflag:$0x2], $0x80, $0x38;
	[tilespmem:$0x1E700] =	vst v63  }
0x642: {  	s15 =	simm.s32 $0x1  }
0x643: {  	_ =	swait.ge [sflag:s15], $0x1000  }
0x644: {  	[sflag:s15] =	ssyncset.done $0x0  }
0x645: {  	s11 =	simm.s32 $0x2;
	[sflag:s15] =	ssyncadd.s32 $0xFFFFF000  }
0x646: {  	_ =	swait.ge [sflag:s11], $0x1000  }
0x647: {  	s12 =	rddreg [dreg:$0x14]  }
0x648: {  	s16 =	rddreg [dreg:$0x10];
	s12 =	sadd.s32 $0x1, s12  }
0x649: {  	p0 =	sne.s32 s12, s16  }
.Ltmp64:
0x64a: {  	_ = 	snop;
	(pc) =	sbr.rel @p0 .LBB2_1-.Ltmp64, $3  }
0x64b: {  	_ =	sdelay $0x1  }
0x64c: {  	[sflag:s11] =	ssyncset.done $0x0  }
0x64d: {  	s15 =	rddreg [dreg:$0x5];
	[sflag:s11] =	ssyncadd.s32 $0xFFFFF000  }
0x64e: {  	_ =	sfence.sel $0x180000  }
0x64f: {  	[bflag:$0x0] =	sbarrier.arrive $0xFFFF  }
0x650: {  	_ =	strace $0x90000047  }
0x651: {  	s0 =	stileid.u32;
	[bflag:$0x2] =	sbarrier.arrive $0xFFFF  }
0x652: {  	p0 =	sne.s32 s0, $0x0;
	s0 =	rddreg [dreg:$0x3]  }
0x653: {  	s0 =	sadd.s32 @!p0 $0x100000, s0  }
0x654: {  	[sflag:s0] =	ssyncadd.tile.s32 @!p0 $0x1;
	_ =	shalt  }
.Lfunc_end2:
_tile_overlayer_lowered:
.L_overlay_start_2:
0x655: {  	(tag) =	ssettag $0x2  }
0x656: {  	s0 =	rddreg [dreg:$0x0];
	s2 =	stileid.u32  }
0x657: {  	s1 =	rddreg [dreg:$0x1];
	p0 =	sne.s32 s2, $0x0  }
0x658: {  	s3 =	rddreg [dreg:$0x2];
	[bflag:$0x3] =	sbarrier.arrive $0xFFFF;
	s2 =	simm.s32 @!p0 $0x1C05  }
0x659: {  	[timem:s3], [sflag:s2] =	dma.local @!p0 [hbm:s0], s1  }
0x65a: {  	s0 =	simm.s32 @!p0 $0x5  }
0x65b: {  	_ =	swait.ge @!p0 [sflag:s0], s1  }
0x65c: {  	s1 =	ssub.s32 @!p0 $0x0, s1;
	[sflag:s0] =	ssyncset.done @!p0 $0x0  }
0x65d: {  	[sflag:s0] =	ssyncadd.s32 @!p0 s1  }
0x65e: {  	[bflag:$0x3] =	sbarrier.arrive $0xFFFF  }
0x65f: {  	_ =	shalt  }

</sc_bundles>
